<compile_context>
chip_gen: v7x
topology: tpu7x:2x2x1
jax: 0.10.2.dev20260603
libtpu: 0.0.44.dev20260713+nightly
codegen_flags: <defaults>
</compile_context>

<pallas_src>
import jax
import jax.numpy as jnp
from jax import lax
from jax.experimental import pallas as pl
from jax.experimental.pallas import tpu as pltpu
from jax.experimental.pallas import tpu_sc as plsc
from jax.scipy.linalg import block_diag

NC = 2
NS = 16
NW = NC * NS
CK = 128

f32 = jnp.float32
bf16 = jnp.bfloat16
i32 = jnp.int32



def _sc_gather(nodes, edges_pad, edge_len, src, dst, epn, e0, e1,
               row0, n_out):
    n_nodes, node_len = nodes.shape
    n_edges = n_out
    ec = edge_len
    nchunk = n_edges // CK
    iters = pl.cdiv(nchunk, NW)
    mesh = plsc.VectorSubcoreMesh(core_axis_name="c", subcore_axis_name="s")

    def body(nodes_h, edges_h, src_h, dst_h, epn_h, e0_h, e1_h,
             srcN_h, dstN_h, epnN_h, e0E_h, e1E_h,
             isrc, idst, iepn, ie0, ie1,
             rsrc, rdst, repn, re0, re1, ce0, ce1, sem):
        wid = lax.axis_index("s") * NC + lax.axis_index("c")

        def step(j, carry):
            c = j * NW + wid

            @pl.when(c < nchunk)
            def _():
                base = c * CK
                ib = row0 + base
                cps = [pltpu.async_copy(src_h.at[pl.ds(ib, CK)], isrc, sem),
                       pltpu.async_copy(dst_h.at[pl.ds(ib, CK)], idst, sem),
                       pltpu.async_copy(epn_h.at[pl.ds(ib, CK)], iepn, sem),
                       pltpu.async_copy(e0_h.at[pl.ds(ib, CK)], ie0, sem),
                       pltpu.async_copy(e1_h.at[pl.ds(ib, CK)], ie1, sem)]
                for cp in cps:
                    cp.wait()
                cps = [pltpu.async_copy(nodes_h.at[isrc], rsrc, sem),
                       pltpu.async_copy(nodes_h.at[idst], rdst, sem),
                       pltpu.async_copy(nodes_h.at[iepn], repn, sem),
                       pltpu.async_copy(edges_h.at[ie0], re0, sem),
                       pltpu.async_copy(edges_h.at[ie1], re1, sem)]
                for cp in cps:
                    cp.wait()

                def compact(r, carry2):
                    ce0[r, :] = re0[r, pl.ds(0, ec)]
                    ce1[r, :] = re1[r, pl.ds(0, ec)]
                    return carry2

                lax.fori_loop(0, CK, compact, None)
                cps = [pltpu.async_copy(rsrc, srcN_h.at[pl.ds(base, CK)], sem),
                       pltpu.async_copy(rdst, dstN_h.at[pl.ds(base, CK)], sem),
                       pltpu.async_copy(repn, epnN_h.at[pl.ds(base, CK)], sem),
                       pltpu.async_copy(ce0, e0E_h.at[pl.ds(base, CK)], sem),
                       pltpu.async_copy(ce1, e1E_h.at[pl.ds(base, CK)], sem)]
                for cp in cps:
                    cp.wait()

            return carry

        lax.fori_loop(0, iters, step, None)

    out_type = (jax.ShapeDtypeStruct((n_edges, node_len), f32),
                jax.ShapeDtypeStruct((n_edges, node_len), f32),
                jax.ShapeDtypeStruct((n_edges, node_len), f32),
                jax.ShapeDtypeStruct((n_edges, ec), f32),
                jax.ShapeDtypeStruct((n_edges, ec), f32))
    scratch = [pltpu.VMEM((CK,), i32)] * 5 + \
              [pltpu.VMEM((CK, node_len), f32)] * 5 + \
              [pltpu.VMEM((CK, ec), f32)] * 2 + \
              [pltpu.SemaphoreType.DMA]
    return pl.kernel(body, out_type=out_type, mesh=mesh,
                     scratch_types=scratch)(nodes, edges_pad, src, dst,
                                            epn, e0, e1)



def _sc_scatter_node(vec, dst_full, row0, n_nodes, nb=1):
    n_edges, d = vec.shape
    nchunk = n_edges // CK
    iters = pl.cdiv(nchunk, NW * nb)
    zone = ((n_nodes + NS * 8 - 1) // (NS * 8)) * 8
    n_pad = zone * NS
    zeros = jnp.zeros((zone, d), f32)
    mesh = plsc.VectorSubcoreMesh(core_axis_name="c", subcore_axis_name="s")

    def body(vec_h, dst_h, z_h, out_h, *scr):
        idx_vs, vec_vs = scr[:nb], scr[nb:2 * nb]
        buf, sem = scr[2 * nb], scr[2 * nb + 1]
        cid = lax.axis_index("c")
        sid = lax.axis_index("s")
        wid = sid * NC + cid
        pltpu.sync_copy(z_h, buf.at[pl.ds(sid * zone, zone)])
        plsc.subcore_barrier()

        def step(j, carry):
            c = j * NW + wid

            @pl.when(c < nchunk)
            def _():
                base = c * CK
                cp1 = pltpu.async_copy(
                    dst_h.at[pl.ds(row0 + base, CK)], idx_vs[0], sem)
                cp2 = pltpu.async_copy(
                    vec_h.at[pl.ds(base, CK)], vec_vs[0], sem)
                cp1.wait()
                cp2.wait()
                pltpu.sync_copy(vec_vs[0], buf.at[idx_vs[0]], add=True)

            return carry

        lax.fori_loop(0, iters, step, None)
        plsc.subcore_barrier()
        pltpu.sync_copy(buf.at[pl.ds(sid * zone, zone)],
                        out_h.at[cid, pl.ds(sid * zone, zone)])

    out_type = jax.ShapeDtypeStruct((NC, n_pad, d), f32)
    scratch = [pltpu.VMEM((CK,), i32)] * nb + \
              [pltpu.VMEM((CK, d), f32)] * nb + \
              [pltpu.VMEM_SHARED((n_pad, d), f32),
               pltpu.SemaphoreType.DMA]
    return pl.kernel(body, out_type=out_type, mesh=mesh,
                     scratch_types=scratch)(vec, dst_full, zeros)


def _sc_scatter_edge(vec_placed, e0_full, row0, total_edges,
                     n_ranges=4, nb=1):
    n_edges, dp = vec_placed.shape
    nchunk = n_edges // CK
    iters = pl.cdiv(nchunk, NS * nb)
    rng_rows = total_edges // 4 // n_ranges
    per_sc = n_ranges // NC
    zone = ((rng_rows + 8 + NS * 8 - 1) // (NS * 8)) * 8
    rng_pad = zone * NS
    zeros = jnp.zeros((zone, dp), f32)
    mesh = plsc.VectorSubcoreMesh(core_axis_name="c", subcore_axis_name="s")

    def body(vec_h, e0_h, z_h, out_h, *scr):
        idx_vs, adj_vs = scr[:nb], scr[nb:2 * nb]
        vec_vs = scr[2 * nb:3 * nb]
        buf, sem = scr[3 * nb], scr[3 * nb + 1]
        cid = lax.axis_index("c")
        sid = lax.axis_index("s")

        for r in range(per_sc):
            rng = cid * per_sc + r
            base_row = rng * rng_rows
            pltpu.sync_copy(z_h, buf.at[pl.ds(sid * zone, zone)])
            plsc.subcore_barrier()

            def step(j, carry2, base_row=base_row):
                c = j * NS + sid

                @pl.when(c < nchunk)
                def _():
                    base = c * CK
                    cp1 = pltpu.async_copy(
                        e0_h.at[pl.ds(row0 + base, CK)], idx_vs[0], sem)
                    cp2 = pltpu.async_copy(
                        vec_h.at[pl.ds(base, CK)], vec_vs[0], sem)
                    cp1.wait()
                    cp2.wait()
                    for q in range(CK // 16):
                        v = lax.shift_right_logical(
                            idx_vs[0][pl.ds(q * 16, 16)], 2) - base_row
                        oob = (v < 0) | (v >= rng_rows)
                        adj_vs[0][pl.ds(q * 16, 16)] = jnp.where(
                            oob, rng_rows + (q % 8), v)
                    pltpu.sync_copy(vec_vs[0], buf.at[adj_vs[0]], add=True)

                return carry2

            lax.fori_loop(0, iters, step, None)
            plsc.subcore_barrier()
            pltpu.sync_copy(buf.at[pl.ds(sid * zone, zone)],
                            out_h.at[rng, pl.ds(sid * zone, zone)])
            plsc.subcore_barrier()

    out_type = jax.ShapeDtypeStruct((n_ranges, rng_pad, dp), f32)
    scratch = [pltpu.VMEM((CK,), i32)] * (2 * nb) + \
              [pltpu.VMEM((CK, dp), f32)] * nb + \
              [pltpu.VMEM_SHARED((rng_pad, dp), f32),
               pltpu.SemaphoreType.DMA]
    return pl.kernel(body, out_type=out_type, mesh=mesh,
                     scratch_types=scratch)(vec_placed, e0_full, zeros)



def _relu_b(x):
    return jnp.maximum(x, 0.0).astype(bf16)


def _tail(h, refs, out_f32=True):
    n = len(refs)
    for i, (w, b) in enumerate(refs):
        h = jnp.dot(h, w[:], preferred_element_type=f32) + b[:]
        if i < n - 1:
            h = _relu_b(h)
    return h


def _wspec(w):
    return pl.BlockSpec(w.shape, lambda i: (0, 0))


def _flat(params):
    specs, flat = [], []
    for (w, b) in params:
        wb, b2 = w.astype(bf16), b.reshape(1, -1)
        specs += [_wspec(wb), _wspec(b2)]
        flat += [wb, b2]
    return specs, flat


def _tc_edge_mlps(srcN, dstN, edges_b, e0E, e1E, epnN, e0, p1, p2, blk=3200):
    n_edges, node_len = srcN.shape
    ec = e0E.shape[1]
    edge_len = edges_b.shape[1]
    grid = n_edges // blk
    e0_3d = e0.reshape(grid, 1, blk)

    def body(srcN_r, dstN_r, eE_r, e0_r, e1_r, epn_r, ei_r,
             w11, b11, w12, b12, w13, b13, w14, b14, w15, b15,
             w21e0, w21e1, w21n, b21, w22, b22, w23, b23, w24, b24, w25, b25,
             outN_r, outE_r):
        h = (jnp.dot(srcN_r[:].astype(bf16), w11[pl.ds(0, node_len), :],
                     preferred_element_type=f32)
             + jnp.dot(dstN_r[:].astype(bf16), w11[pl.ds(node_len, node_len), :],
                       preferred_element_type=f32)
             + jnp.dot(eE_r[:].astype(bf16), w11[pl.ds(2 * node_len, edge_len), :],
                       preferred_element_type=f32)
             + b11[:])
        h = _relu_b(h)
        outN_r[:] = _tail(h, [(w12, b12), (w13, b13), (w14, b14), (w15, b15)])

        g = (jnp.dot(e0_r[:].astype(bf16), w21e0[:],
                     preferred_element_type=f32)
             + jnp.dot(e1_r[:].astype(bf16), w21e1[:],
                       preferred_element_type=f32)
             + jnp.dot(epn_r[:].astype(bf16), w21n[:],
                       preferred_element_type=f32)
             + b21[:])
        g = _relu_b(g)
        g = _tail(g, [(w22, b22), (w23, b23), (w24, b24), (w25, b25)])
        m = (ei_r[0, 0, :] % 4)[:, None]
        grp = lax.broadcasted_iota(i32, (blk, 128), 1) // 32
        g4 = jnp.concatenate([g, g, g, g], axis=1)
        outE_r[:] = jnp.where(grp == m, g4, 0.0)

    def rowspec(d):
        return pl.BlockSpec((blk, d), lambda i: (i, 0))

    specs1, flat1 = _flat(p1)
    w21 = p2[0][0].astype(bf16)
    el = edge_len
    w21e0 = w21[:el]
    w21e1 = w21[el:2 * el]
    w21n = w21[2 * el:]
    b21 = p2[0][1].reshape(1, -1)
    specs2, flat2 = _flat(p2[1:])
    wb = specs1 + [_wspec(w21e0), _wspec(w21e1), _wspec(w21n), _wspec(b21)] \
        + specs2
    flat_params = flat1 + [w21e0, w21e1, w21n, b21] + flat2

    d1 = p1[-1][0].shape[1]
    out_shape = (jax.ShapeDtypeStruct((n_edges, d1), f32),
                 jax.ShapeDtypeStruct((n_edges, 128), f32))
    return pl.pallas_call(
        body,
        grid=(grid,),
        in_specs=[rowspec(node_len), rowspec(node_len), rowspec(edge_len),
                  rowspec(ec), rowspec(ec), rowspec(node_len),
                  pl.BlockSpec((1, 1, blk), lambda i: (i, 0, 0))] + wb,
        out_specs=(rowspec(d1), rowspec(128)),
        out_shape=out_shape,
    )(srcN, dstN, edges_b, e0E, e1E, epnN, e0_3d, *flat_params)


def _tc_node_update(nodes, latPs, params, blk=1000):
    n_nodes, node_len = nodes.shape
    lat_len = latPs[0].shape[2]
    grid = n_nodes // blk
    nl = len(latPs)

    def body(*refs):
        nodes_r = refs[0]
        lat_rs = refs[1:1 + nl]
        (w1, b1, w2, b2, w3, b3, w4, b4, w5, b5) = refs[1 + nl:-1]
        out_r = refs[-1]
        lat = lat_rs[0][0] + lat_rs[0][1]
        for lr in lat_rs[1:]:
            lat = lat + lr[0] + lr[1]
        h = (jnp.dot(nodes_r[:].astype(bf16), w1[pl.ds(0, node_len), :],
                     preferred_element_type=f32)
             + jnp.dot(lat.astype(bf16), w1[pl.ds(node_len, lat_len), :],
                       preferred_element_type=f32)
             + b1[:])
        h = _relu_b(h)
        out_r[:] = _tail(h, [(w2, b2), (w3, b3), (w4, b4), (w5, b5)])

    wb, flat_params = _flat(params)
    latspec = [pl.BlockSpec((NC, blk, lat_len), lambda i: (0, i, 0))] * nl
    return pl.pallas_call(
        body,
        grid=(grid,),
        in_specs=[pl.BlockSpec((blk, node_len), lambda i: (i, 0))] + latspec
        + wb,
        out_specs=pl.BlockSpec((blk, node_len), lambda i: (i, 0)),
        out_shape=jax.ShapeDtypeStruct((n_nodes, params[-1][0].shape[1]), f32),
    )(nodes, *latPs, *flat_params)


def _tc_edge_update_packed(edges4_b, latPads, params, n_ranges=4, blk_p=2000):
    p_rows = edges4_b.shape[0]
    per_rng = p_rows // n_ranges
    grid = p_rows // blk_p
    blocks_per_rng = per_rng // blk_p
    nl = len(latPads)

    def body(*refs):
        e_r = refs[0]
        lat_rs = refs[1:1 + nl]
        (w1e, w1l, b1, w2, b2, w3, b3, w4, b4, w5, b5) = refs[1 + nl:-1]
        out_r = refs[-1]
        lat = lat_rs[0][0]
        for lr in lat_rs[1:]:
            lat = lat + lr[0]
        h = (jnp.dot(e_r[:], w1e[:], preferred_element_type=f32)
             + jnp.dot(lat.astype(bf16), w1l[:],
                       preferred_element_type=f32)
             + b1[:])
        h = _relu_b(h)
        out_r[:] = _tail(h, [(w2, b2), (w3, b3), (w4, b4), (w5, b5)])

    el, ll = 16, 32
    w1 = params[0][0]
    w1e = block_diag(*([w1[:el]] * 4)).astype(bf16)
    w1l = block_diag(*([w1[el:el + ll]] * 4)).astype(bf16)
    b1 = jnp.tile(params[0][1], 4).reshape(1, -1)
    wb = [_wspec(w1e), _wspec(w1l), _wspec(b1)]
    flat_params = [w1e, w1l, b1]
    for (w, b) in params[1:]:
        wbd = block_diag(*([w] * 4)).astype(bf16)
        b4x = jnp.tile(b, 4).reshape(1, -1)
        wb += [_wspec(wbd), _wspec(b4x)]
        flat_params += [wbd, b4x]

    d_out = 4 * params[-1][0].shape[1]
    latspec = [pl.BlockSpec((1, blk_p, 128),
                            lambda i: (i // blocks_per_rng,
                                       i % blocks_per_rng, 0))] * nl
    return pl.pallas_call(
        body,
        grid=(grid,),
        in_specs=[pl.BlockSpec((blk_p, edges4_b.shape[1]), lambda i: (i, 0))]
        + latspec + wb,
        out_specs=pl.BlockSpec((blk_p, d_out), lambda i: (i, 0)),
        out_shape=jax.ShapeDtypeStruct((p_rows, d_out), f32),
    )(edges4_b, *latPads, *flat_params)



def kernel(nodes, edges, edge_index, edge_pair_index, edge_pair_node,
           nodeInt_params, edgeInt_params, nodeUpdate_params,
           edgeUpdate_params):
    n_nodes, node_len = nodes.shape
    n_edges, edge_len = edges.shape
    src, dst = edge_index[0], edge_index[1]
    e0, e1 = edge_pair_index[0], edge_pair_index[1]

    edges_pad = jnp.pad(edges, ((0, 0), (0, node_len - edge_len)))

    H = 2
    eh = n_edges // H
    gathered, mlps = [], []
    for h in range(H):
        gathered.append(_sc_gather(nodes, edges_pad, edge_len, src,
                                   dst, edge_pair_node, e0, e1,
                                   row0=h * eh, n_out=eh))
    for h in range(H):
        sl = slice(h * eh, (h + 1) * eh)
        srcN, dstN, epnN, e0E, e1E = gathered[h]
        mlps.append(_tc_edge_mlps(srcN, dstN, edges[sl], e0E, e1E, epnN,
                                  e0[sl], nodeInt_params, edgeInt_params))

    nodeLatPs, edgeLatPads = [], []
    for h in range(H):
        nodeIntVec, edgeVecPlaced = mlps[h]
        nodeLatPs.append(_sc_scatter_node(nodeIntVec, dst, h * eh, n_nodes))
        edgeLatPads.append(_sc_scatter_edge(edgeVecPlaced, e0, h * eh,
                                            n_edges))

    nodesOut = _tc_node_update(nodes, nodeLatPs, nodeUpdate_params)
    edges4_b = edges.astype(bf16).reshape(n_edges // 4, 4 * edge_len)
    edgesOut4 = _tc_edge_update_packed(edges4_b, edgeLatPads,
                                       edgeUpdate_params)
    edgesOut = edgesOut4.reshape(n_edges, edge_len)
    return (nodesOut, edgesOut)

# --- scband reference (transcript-rebuilt; emitter-appended) ---
"""Pipeline reference for scband-gnblock-39075612459442 (READ-ONLY COPY).

The authoritative reference and input builder live on the scoring server;
editing this copy changes nothing except your own understanding.
"""

import jax, jax.numpy as jnp
import numpy as np

N_NODES = 10000
N_EDGES = 160000
NODE_LEN = 128
EDGE_LEN = 16
NODE_INT_VEC_LEN = 128
EDGE_INT_VEC_LEN = 32
OVERRIDE = 32  # lastLen override for all four MLPs


def _mlp_dims(in_len, out_len, last_len):
    # getMLP: Linear(in, L*8) ReLU Linear(L*8, L*4) ReLU Linear(L*4, L*2) ReLU Linear(L*2, L) ReLU Linear(L, out)
    return [in_len, last_len * 8, last_len * 4, last_len * 2, last_len, out_len]


def _make_mlp(key, in_len, out_len, last_len):
    dims = _mlp_dims(in_len, out_len, last_len)
    params = []
    for i in range(5):
        key, k1 = jax.random.split(key)
        # initWeights: weight ~ N(0, 0.02), bias = 0
        W = 0.02 * jax.random.normal(k1, (dims[i], dims[i + 1]), dtype=jnp.float32)
        b = jnp.zeros((dims[i + 1],), dtype=jnp.float32)
        params.append((W, b))
    return params


def _mlp_apply(params, x):
    n = len(params)
    for i, (W, b) in enumerate(params):
        x = x @ W + b
        if i < n - 1:
            x = jax.nn.relu(x)
    return x


def setup_inputs(seed: int = 0):
    key = jax.random.key(seed)
    ks = jax.random.split(key, 10)
    nodes = jax.random.normal(ks[0], (N_NODES, NODE_LEN), dtype=jnp.float32)
    edges = jax.random.normal(ks[1], (N_EDGES, EDGE_LEN), dtype=jnp.float32)
    edge_index = jax.random.randint(ks[2], (2, N_EDGES), 0, N_NODES, dtype=jnp.int32)
    edge_pair_index = jax.random.randint(ks[3], (2, N_EDGES), 0, N_EDGES, dtype=jnp.int32)
    edge_pair_node = jax.random.randint(ks[4], (N_EDGES,), 0, N_NODES, dtype=jnp.int32)
    nodeInt_params = _make_mlp(ks[5], 2 * NODE_LEN + EDGE_LEN, NODE_INT_VEC_LEN, OVERRIDE)
    edgeInt_params = _make_mlp(ks[6], 2 * EDGE_LEN + NODE_LEN, EDGE_INT_VEC_LEN, OVERRIDE)
    nodeUpdate_params = _make_mlp(ks[7], NODE_LEN + NODE_INT_VEC_LEN, NODE_LEN, OVERRIDE)
    edgeUpdate_params = _make_mlp(ks[8], EDGE_LEN + EDGE_INT_VEC_LEN, EDGE_LEN, OVERRIDE)
    return {
        'nodes': nodes,
        'edges': edges,
        'edge_index': edge_index,
        'edge_pair_index': edge_pair_index,
        'edge_pair_node': edge_pair_node,
        'nodeInt_params': nodeInt_params,
        'edgeInt_params': edgeInt_params,
        'nodeUpdate_params': nodeUpdate_params,
        'edgeUpdate_params': edgeUpdate_params,
    }


def reference(nodes, edges, edge_index, edge_pair_index, edge_pair_node,
              nodeInt_params, edgeInt_params, nodeUpdate_params, edgeUpdate_params):
    # --- node interaction: per-edge pairs (getIntPairs mode 'n') ---
    src = edge_index[0]
    dst = edge_index[1]
    # norm.normNodeInt -> identity (scale=1, normed lens == raw lens); PROP_DISLOCATION=False
    nodeIntCat = jnp.concatenate([jnp.take(nodes, src, axis=0),
                                  jnp.take(nodes, dst, axis=0),
                                  edges], axis=-1)
    nodeIntVec = _mlp_apply(nodeInt_params, nodeIntCat)
    # convolveIntVec: zeros container + index_put_(accumulate=True)
    nodeIntLat = jnp.zeros((nodes.shape[0], nodeIntVec.shape[-1]), dtype=nodeIntVec.dtype).at[dst].add(nodeIntVec)

    # --- edge interaction: edge-edge pairs sharing a node (getIntPairs mode 'e', transposed adjacency) ---
    e0 = edge_pair_index[0]
    e1 = edge_pair_index[1]
    edgeIntCat = jnp.concatenate([jnp.take(edges, e0, axis=0),
                                  jnp.take(edges, e1, axis=0),
                                  jnp.take(nodes, edge_pair_node, axis=0)], axis=-1)
    edgeIntVec = _mlp_apply(edgeInt_params, edgeIntCat)
    edgeIntLat = jnp.zeros((edges.shape[0], edgeIntVec.shape[-1]), dtype=edgeIntVec.dtype).at[e0].add(edgeIntVec)

    # --- updates (norm.normNode / normEdge treated as identity for scale=1) ---
    nodesOut = _mlp_apply(nodeUpdate_params, jnp.concatenate([nodes, nodeIntLat], axis=-1))
    edgesOut = _mlp_apply(edgeUpdate_params, jnp.concatenate([edges, edgeIntLat], axis=-1))
    return (nodesOut, edgesOut)

if __name__ == "__main__":
    import jax
    _d = setup_inputs()
    print(jax.jit(kernel)(*tuple(_d.values())))

</pallas_src>

<mosaic_0001>
#map = affine_map<(d0, d1) -> (0, 0)>
#map1 = affine_map<(d0, d1) -> (0)>
module attributes {stable_mosaic.version = 14 : i64} {
  func.func @body(%arg0: i32, %arg1: i32, %arg2: memref<10000x128xf32, #tpu.memory_space<hbm>>, %arg3: memref<160000x128xf32, #tpu.memory_space<hbm>>, %arg4: memref<160000xi32, #tpu.memory_space<hbm>>, %arg5: memref<160000xi32, #tpu.memory_space<hbm>>, %arg6: memref<160000xi32, #tpu.memory_space<hbm>>, %arg7: memref<160000xi32, #tpu.memory_space<hbm>>, %arg8: memref<160000xi32, #tpu.memory_space<hbm>>, %arg9: memref<80000x128xf32, #tpu.memory_space<hbm>>, %arg10: memref<80000x128xf32, #tpu.memory_space<hbm>>, %arg11: memref<80000x128xf32, #tpu.memory_space<hbm>>, %arg12: memref<80000x16xf32, #tpu.memory_space<hbm>>, %arg13: memref<80000x16xf32, #tpu.memory_space<hbm>>, %arg14: memref<128xi32, #tpu.memory_space<vmem>>, %arg15: memref<128xi32, #tpu.memory_space<vmem>>, %arg16: memref<128xi32, #tpu.memory_space<vmem>>, %arg17: memref<128xi32, #tpu.memory_space<vmem>>, %arg18: memref<128xi32, #tpu.memory_space<vmem>>, %arg19: memref<128x128xf32, #tpu.memory_space<vmem>>, %arg20: memref<128x128xf32, #tpu.memory_space<vmem>>, %arg21: memref<128x128xf32, #tpu.memory_space<vmem>>, %arg22: memref<128x128xf32, #tpu.memory_space<vmem>>, %arg23: memref<128x128xf32, #tpu.memory_space<vmem>>, %arg24: memref<128x16xf32, #tpu.memory_space<vmem>>, %arg25: memref<128x16xf32, #tpu.memory_space<vmem>>, %arg26: memref<!tpu.dma_semaphore, #tpu.memory_space<semaphore_mem>>) attributes {dimension_semantics = [#tpu.dimension_semantics<core_parallel>, #tpu.dimension_semantics<subcore_parallel>], iteration_bounds = array<i64: 2, 16>, scalar_prefetch = 0 : i64, scratch_operands = 13 : i64, tpu.core_type = #tpu.core_type<sc_vector_subcore>, window_params = [{transform_indices = #map}, {transform_indices = #map}, {transform_indices = #map1}, {transform_indices = #map1}, {transform_indices = #map1}, {transform_indices = #map1}, {transform_indices = #map1}, {transform_indices = #map}, {transform_indices = #map}, {transform_indices = #map}, {transform_indices = #map}, {transform_indices = #map}]} {
    %mul3A = arith.constant 2 : i32
    %mul3A_0 = arith.muli %arg1, %mul3A : i32
    %add3A = arith.addi %mul3A_0, %arg0 : i32
    %scan3A = arith.constant 0 : i32
    %scan3A_1 = arith.constant 20 : i32
    %scan3A_2 = arith.addi %scan3A, %scan3A_1 : i32
    %scan3A_3 = arith.constant 1 : i32
    scf.for %scan3A_5 = %scan3A to %scan3A_2 step %scan3A_3  : i32 {
      %mul3A_6 = arith.constant 32 : i32
      %mul3A_7 = arith.muli %scan3A_5, %mul3A_6 : i32
      %add3A_8 = arith.addi %mul3A_7, %add3A : i32
      %lt3A = arith.constant 625 : i32
      %lt3A_9 = arith.cmpi slt, %add3A_8, %lt3A : i32
      %convert_element_type3A = arith.extui %lt3A_9 : i1 to i32
      %cond3A = arith.constant 0 : i32
      %cond3A_10 = arith.cmpi ne, %convert_element_type3A, %cond3A : i32
      scf.if %cond3A_10 {
        %mul3A_11 = arith.constant 128 : i32
        %mul3A_12 = arith.muli %add3A_8, %mul3A_11 : i32
        %add3A_13 = arith.constant 0 : i32
        %add3A_14 = arith.addi %add3A_13, %mul3A_12 : i32
        %dma_start3A = tpu.memref_slice %arg4[%add3A_14] : memref<160000xi32, #tpu.memory_space<hbm>> -> memref<128xi32, #tpu.memory_space<hbm>>
        %dma_start3A_15 = tpu.memref_slice %arg4[%add3A_14] : memref<160000xi32, #tpu.memory_space<hbm>> -> memref<128xi32, #tpu.memory_space<hbm>>
        tpu.enqueue_dma source(%dma_start3A_15 : memref<128xi32, #tpu.memory_space<hbm>>) target(%arg14 : memref<128xi32, #tpu.memory_space<vmem>>) target_semaphore(%arg26 : memref<!tpu.dma_semaphore, #tpu.memory_space<semaphore_mem>>)
        %dma_start3A_16 = tpu.memref_slice %arg5[%add3A_14] : memref<160000xi32, #tpu.memory_space<hbm>> -> memref<128xi32, #tpu.memory_space<hbm>>
        %dma_start3A_17 = tpu.memref_slice %arg5[%add3A_14] : memref<160000xi32, #tpu.memory_space<hbm>> -> memref<128xi32, #tpu.memory_space<hbm>>
        tpu.enqueue_dma source(%dma_start3A_17 : memref<128xi32, #tpu.memory_space<hbm>>) target(%arg15 : memref<128xi32, #tpu.memory_space<vmem>>) target_semaphore(%arg26 : memref<!tpu.dma_semaphore, #tpu.memory_space<semaphore_mem>>)
        %dma_start3A_18 = tpu.memref_slice %arg6[%add3A_14] : memref<160000xi32, #tpu.memory_space<hbm>> -> memref<128xi32, #tpu.memory_space<hbm>>
        %dma_start3A_19 = tpu.memref_slice %arg6[%add3A_14] : memref<160000xi32, #tpu.memory_space<hbm>> -> memref<128xi32, #tpu.memory_space<hbm>>
        tpu.enqueue_dma source(%dma_start3A_19 : memref<128xi32, #tpu.memory_space<hbm>>) target(%arg16 : memref<128xi32, #tpu.memory_space<vmem>>) target_semaphore(%arg26 : memref<!tpu.dma_semaphore, #tpu.memory_space<semaphore_mem>>)
        %dma_start3A_20 = tpu.memref_slice %arg7[%add3A_14] : memref<160000xi32, #tpu.memory_space<hbm>> -> memref<128xi32, #tpu.memory_space<hbm>>
        %dma_start3A_21 = tpu.memref_slice %arg7[%add3A_14] : memref<160000xi32, #tpu.memory_space<hbm>> -> memref<128xi32, #tpu.memory_space<hbm>>
        tpu.enqueue_dma source(%dma_start3A_21 : memref<128xi32, #tpu.memory_space<hbm>>) target(%arg17 : memref<128xi32, #tpu.memory_space<vmem>>) target_semaphore(%arg26 : memref<!tpu.dma_semaphore, #tpu.memory_space<semaphore_mem>>)
        %dma_start3A_22 = tpu.memref_slice %arg8[%add3A_14] : memref<160000xi32, #tpu.memory_space<hbm>> -> memref<128xi32, #tpu.memory_space<hbm>>
        %dma_start3A_23 = tpu.memref_slice %arg8[%add3A_14] : memref<160000xi32, #tpu.memory_space<hbm>> -> memref<128xi32, #tpu.memory_space<hbm>>
        tpu.enqueue_dma source(%dma_start3A_23 : memref<128xi32, #tpu.memory_space<hbm>>) target(%arg18 : memref<128xi32, #tpu.memory_space<vmem>>) target_semaphore(%arg26 : memref<!tpu.dma_semaphore, #tpu.memory_space<semaphore_mem>>)
        %dma_wait3A = tpu.memref_slice %arg4[%add3A_14] : memref<160000xi32, #tpu.memory_space<hbm>> -> memref<128xi32, #tpu.memory_space<hbm>>
        %dma_wait3A_24 = tpu.memref_slice %arg4[%add3A_14] : memref<160000xi32, #tpu.memory_space<hbm>> -> memref<128xi32, #tpu.memory_space<hbm>>
        tpu.wait_dma2 semaphore(%arg26 : memref<!tpu.dma_semaphore, #tpu.memory_space<semaphore_mem>>) src(%dma_wait3A_24 : memref<128xi32, #tpu.memory_space<hbm>>) dst(%arg14 : memref<128xi32, #tpu.memory_space<vmem>>)
        %dma_wait3A_25 = tpu.memref_slice %arg5[%add3A_14] : memref<160000xi32, #tpu.memory_space<hbm>> -> memref<128xi32, #tpu.memory_space<hbm>>
        %dma_wait3A_26 = tpu.memref_slice %arg5[%add3A_14] : memref<160000xi32, #tpu.memory_space<hbm>> -> memref<128xi32, #tpu.memory_space<hbm>>
        tpu.wait_dma2 semaphore(%arg26 : memref<!tpu.dma_semaphore, #tpu.memory_space<semaphore_mem>>) src(%dma_wait3A_26 : memref<128xi32, #tpu.memory_space<hbm>>) dst(%arg15 : memref<128xi32, #tpu.memory_space<vmem>>)
        %dma_wait3A_27 = tpu.memref_slice %arg6[%add3A_14] : memref<160000xi32, #tpu.memory_space<hbm>> -> memref<128xi32, #tpu.memory_space<hbm>>
        %dma_wait3A_28 = tpu.memref_slice %arg6[%add3A_14] : memref<160000xi32, #tpu.memory_space<hbm>> -> memref<128xi32, #tpu.memory_space<hbm>>
        tpu.wait_dma2 semaphore(%arg26 : memref<!tpu.dma_semaphore, #tpu.memory_space<semaphore_mem>>) src(%dma_wait3A_28 : memref<128xi32, #tpu.memory_space<hbm>>) dst(%arg16 : memref<128xi32, #tpu.memory_space<vmem>>)
        %dma_wait3A_29 = tpu.memref_slice %arg7[%add3A_14] : memref<160000xi32, #tpu.memory_space<hbm>> -> memref<128xi32, #tpu.memory_space<hbm>>
        %dma_wait3A_30 = tpu.memref_slice %arg7[%add3A_14] : memref<160000xi32, #tpu.memory_space<hbm>> -> memref<128xi32, #tpu.memory_space<hbm>>
        tpu.wait_dma2 semaphore(%arg26 : memref<!tpu.dma_semaphore, #tpu.memory_space<semaphore_mem>>) src(%dma_wait3A_30 : memref<128xi32, #tpu.memory_space<hbm>>) dst(%arg17 : memref<128xi32, #tpu.memory_space<vmem>>)
        %dma_wait3A_31 = tpu.memref_slice %arg8[%add3A_14] : memref<160000xi32, #tpu.memory_space<hbm>> -> memref<128xi32, #tpu.memory_space<hbm>>
        %dma_wait3A_32 = tpu.memref_slice %arg8[%add3A_14] : memref<160000xi32, #tpu.memory_space<hbm>> -> memref<128xi32, #tpu.memory_space<hbm>>
        tpu.wait_dma2 semaphore(%arg26 : memref<!tpu.dma_semaphore, #tpu.memory_space<semaphore_mem>>) src(%dma_wait3A_32 : memref<128xi32, #tpu.memory_space<hbm>>) dst(%arg18 : memref<128xi32, #tpu.memory_space<vmem>>)
        %dma_start3A_33 = arith.constant 0 : i32
        %dma_start3A_34 = arith.constant 0 : i32
        %dma_start3A_35 = tpu.memref_slice %arg2[%dma_start3A_33, %dma_start3A_34] : memref<10000x128xf32, #tpu.memory_space<hbm>> -> memref<10000x128xf32, #tpu.memory_space<hbm>>
        tpu.enqueue_indirect_dma source(%dma_start3A_35 : memref<10000x128xf32, #tpu.memory_space<hbm>>) target(%arg19 : memref<128x128xf32, #tpu.memory_space<vmem>>) offsets(%arg14 : memref<128xi32, #tpu.memory_space<vmem>>) semaphore(%arg26 : memref<!tpu.dma_semaphore, #tpu.memory_space<semaphore_mem>>)
        %dma_start3A_36 = arith.constant 0 : i32
        %dma_start3A_37 = arith.constant 0 : i32
        %dma_start3A_38 = tpu.memref_slice %arg2[%dma_start3A_36, %dma_start3A_37] : memref<10000x128xf32, #tpu.memory_space<hbm>> -> memref<10000x128xf32, #tpu.memory_space<hbm>>
        tpu.enqueue_indirect_dma source(%dma_start3A_38 : memref<10000x128xf32, #tpu.memory_space<hbm>>) target(%arg20 : memref<128x128xf32, #tpu.memory_space<vmem>>) offsets(%arg15 : memref<128xi32, #tpu.memory_space<vmem>>) semaphore(%arg26 : memref<!tpu.dma_semaphore, #tpu.memory_space<semaphore_mem>>)
        %dma_start3A_39 = arith.constant 0 : i32
        %dma_start3A_40 = arith.constant 0 : i32
        %dma_start3A_41 = tpu.memref_slice %arg2[%dma_start3A_39, %dma_start3A_40] : memref<10000x128xf32, #tpu.memory_space<hbm>> -> memref<10000x128xf32, #tpu.memory_space<hbm>>
        tpu.enqueue_indirect_dma source(%dma_start3A_41 : memref<10000x128xf32, #tpu.memory_space<hbm>>) target(%arg21 : memref<128x128xf32, #tpu.memory_space<vmem>>) offsets(%arg16 : memref<128xi32, #tpu.memory_space<vmem>>) semaphore(%arg26 : memref<!tpu.dma_semaphore, #tpu.memory_space<semaphore_mem>>)
        %dma_start3A_42 = arith.constant 0 : i32
        %dma_start3A_43 = arith.constant 0 : i32
        %dma_start3A_44 = tpu.memref_slice %arg3[%dma_start3A_42, %dma_start3A_43] : memref<160000x128xf32, #tpu.memory_space<hbm>> -> memref<160000x128xf32, #tpu.memory_space<hbm>>
        tpu.enqueue_indirect_dma source(%dma_start3A_44 : memref<160000x128xf32, #tpu.memory_space<hbm>>) target(%arg22 : memref<128x128xf32, #tpu.memory_space<vmem>>) offsets(%arg17 : memref<128xi32, #tpu.memory_space<vmem>>) semaphore(%arg26 : memref<!tpu.dma_semaphore, #tpu.memory_space<semaphore_mem>>)
        %dma_start3A_45 = arith.constant 0 : i32
        %dma_start3A_46 = arith.constant 0 : i32
        %dma_start3A_47 = tpu.memref_slice %arg3[%dma_start3A_45, %dma_start3A_46] : memref<160000x128xf32, #tpu.memory_space<hbm>> -> memref<160000x128xf32, #tpu.memory_space<hbm>>
        tpu.enqueue_indirect_dma source(%dma_start3A_47 : memref<160000x128xf32, #tpu.memory_space<hbm>>) target(%arg23 : memref<128x128xf32, #tpu.memory_space<vmem>>) offsets(%arg18 : memref<128xi32, #tpu.memory_space<vmem>>) semaphore(%arg26 : memref<!tpu.dma_semaphore, #tpu.memory_space<semaphore_mem>>)
        %dma_wait3A_48 = arith.constant 0 : i32
        %dma_wait3A_49 = arith.constant 0 : i32
        %dma_wait3A_50 = tpu.memref_slice %arg2[%dma_wait3A_48, %dma_wait3A_49] : memref<10000x128xf32, #tpu.memory_space<hbm>> -> memref<10000x128xf32, #tpu.memory_space<hbm>>
        tpu.wait_indirect_dma semaphore(%arg26 : memref<!tpu.dma_semaphore, #tpu.memory_space<semaphore_mem>>) src(%dma_wait3A_50 : memref<10000x128xf32, #tpu.memory_space<hbm>>) dst(%arg19 : memref<128x128xf32, #tpu.memory_space<vmem>>)
        %dma_wait3A_51 = arith.constant 0 : i32
        %dma_wait3A_52 = arith.constant 0 : i32
        %dma_wait3A_53 = tpu.memref_slice %arg2[%dma_wait3A_51, %dma_wait3A_52] : memref<10000x128xf32, #tpu.memory_space<hbm>> -> memref<10000x128xf32, #tpu.memory_space<hbm>>
        tpu.wait_indirect_dma semaphore(%arg26 : memref<!tpu.dma_semaphore, #tpu.memory_space<semaphore_mem>>) src(%dma_wait3A_53 : memref<10000x128xf32, #tpu.memory_space<hbm>>) dst(%arg20 : memref<128x128xf32, #tpu.memory_space<vmem>>)
        %dma_wait3A_54 = arith.constant 0 : i32
        %dma_wait3A_55 = arith.constant 0 : i32
        %dma_wait3A_56 = tpu.memref_slice %arg2[%dma_wait3A_54, %dma_wait3A_55] : memref<10000x128xf32, #tpu.memory_space<hbm>> -> memref<10000x128xf32, #tpu.memory_space<hbm>>
        tpu.wait_indirect_dma semaphore(%arg26 : memref<!tpu.dma_semaphore, #tpu.memory_space<semaphore_mem>>) src(%dma_wait3A_56 : memref<10000x128xf32, #tpu.memory_space<hbm>>) dst(%arg21 : memref<128x128xf32, #tpu.memory_space<vmem>>)
        %dma_wait3A_57 = arith.constant 0 : i32
        %dma_wait3A_58 = arith.constant 0 : i32
        %dma_wait3A_59 = tpu.memref_slice %arg3[%dma_wait3A_57, %dma_wait3A_58] : memref<160000x128xf32, #tpu.memory_space<hbm>> -> memref<160000x128xf32, #tpu.memory_space<hbm>>
        tpu.wait_indirect_dma semaphore(%arg26 : memref<!tpu.dma_semaphore, #tpu.memory_space<semaphore_mem>>) src(%dma_wait3A_59 : memref<160000x128xf32, #tpu.memory_space<hbm>>) dst(%arg22 : memref<128x128xf32, #tpu.memory_space<vmem>>)
        %dma_wait3A_60 = arith.constant 0 : i32
        %dma_wait3A_61 = arith.constant 0 : i32
        %dma_wait3A_62 = tpu.memref_slice %arg3[%dma_wait3A_60, %dma_wait3A_61] : memref<160000x128xf32, #tpu.memory_space<hbm>> -> memref<160000x128xf32, #tpu.memory_space<hbm>>
        tpu.wait_indirect_dma semaphore(%arg26 : memref<!tpu.dma_semaphore, #tpu.memory_space<semaphore_mem>>) src(%dma_wait3A_62 : memref<160000x128xf32, #tpu.memory_space<hbm>>) dst(%arg23 : memref<128x128xf32, #tpu.memory_space<vmem>>)
        %scan3A_63 = arith.constant 0 : i32
        %scan3A_64 = arith.constant 128 : i32
        %scan3A_65 = arith.addi %scan3A_63, %scan3A_64 : i32
        %scan3A_66 = arith.constant 1 : i32
        scf.for %scan3A_108 = %scan3A_63 to %scan3A_65 step %scan3A_66  : i32 {
          %get3A = arith.index_cast %scan3A_108 : i32 to index
          %get3A_109 = arith.constant 0 : index
          %get3A_110 = tpu.vector_load %arg22[%get3A, %get3A_109] {strides = array<i32>} : memref<128x128xf32, #tpu.memory_space<vmem>>, vector<1x16xf32>,
          %get3A_111 = vector.shape_cast %get3A_110 : vector<1x16xf32> to vector<16xf32>
          %swap3A = arith.index_cast %scan3A_108 : i32 to index
          %swap3A_112 = arith.constant 0 : index
          %swap3A_113 = tpu.vector_load %arg24[%swap3A, %swap3A_112] {strides = array<i32>} : memref<128x16xf32, #tpu.memory_space<vmem>>, vector<1x16xf32>,
          %swap3A_114 = vector.shape_cast %swap3A_113 : vector<1x16xf32> to vector<16xf32>
          %swap3A_115 = vector.shape_cast %get3A_111 : vector<16xf32> to vector<1x16xf32>
          tpu.vector_store %arg24[%swap3A, %swap3A_112], %swap3A_115 {strides = array<i32>} : memref<128x16xf32, #tpu.memory_space<vmem>>, vector<1x16xf32>,
          %get3A_116 = arith.index_cast %scan3A_108 : i32 to index
          %get3A_117 = arith.constant 0 : index
          %get3A_118 = tpu.vector_load %arg23[%get3A_116, %get3A_117] {strides = array<i32>} : memref<128x128xf32, #tpu.memory_space<vmem>>, vector<1x16xf32>,
          %get3A_119 = vector.shape_cast %get3A_118 : vector<1x16xf32> to vector<16xf32>
          %swap3A_120 = arith.index_cast %scan3A_108 : i32 to index
          %swap3A_121 = arith.constant 0 : index
          %swap3A_122 = tpu.vector_load %arg25[%swap3A_120, %swap3A_121] {strides = array<i32>} : memref<128x16xf32, #tpu.memory_space<vmem>>, vector<1x16xf32>,
          %swap3A_123 = vector.shape_cast %swap3A_122 : vector<1x16xf32> to vector<16xf32>
          %swap3A_124 = vector.shape_cast %get3A_119 : vector<16xf32> to vector<1x16xf32>
          tpu.vector_store %arg25[%swap3A_120, %swap3A_121], %swap3A_124 {strides = array<i32>} : memref<128x16xf32, #tpu.memory_space<vmem>>, vector<1x16xf32>,
        }
        %scan3A_67 = arith.constant 128 : i32
        %dma_start3A_68 = arith.constant 0 : i32
        %dma_start3A_69 = tpu.memref_slice %arg9[%mul3A_12, %dma_start3A_68] : memref<80000x128xf32, #tpu.memory_space<hbm>> -> memref<128x128xf32, #tpu.memory_space<hbm>>
        %dma_start3A_70 = arith.constant 0 : i32
        %dma_start3A_71 = tpu.memref_slice %arg9[%mul3A_12, %dma_start3A_70] : memref<80000x128xf32, #tpu.memory_space<hbm>> -> memref<128x128xf32, #tpu.memory_space<hbm>>
        tpu.enqueue_dma source(%arg19 : memref<128x128xf32, #tpu.memory_space<vmem>>) target(%dma_start3A_71 : memref<128x128xf32, #tpu.memory_space<hbm>>) target_semaphore(%arg26 : memref<!tpu.dma_semaphore, #tpu.memory_space<semaphore_mem>>)
        %dma_start3A_72 = arith.constant 0 : i32
        %dma_start3A_73 = tpu.memref_slice %arg10[%mul3A_12, %dma_start3A_72] : memref<80000x128xf32, #tpu.memory_space<hbm>> -> memref<128x128xf32, #tpu.memory_space<hbm>>
        %dma_start3A_74 = arith.constant 0 : i32
        %dma_start3A_75 = tpu.memref_slice %arg10[%mul3A_12, %dma_start3A_74] : memref<80000x128xf32, #tpu.memory_space<hbm>> -> memref<128x128xf32, #tpu.memory_space<hbm>>
        tpu.enqueue_dma source(%arg20 : memref<128x128xf32, #tpu.memory_space<vmem>>) target(%dma_start3A_75 : memref<128x128xf32, #tpu.memory_space<hbm>>) target_semaphore(%arg26 : memref<!tpu.dma_semaphore, #tpu.memory_space<semaphore_mem>>)
        %dma_start3A_76 = arith.constant 0 : i32
        %dma_start3A_77 = tpu.memref_slice %arg11[%mul3A_12, %dma_start3A_76] : memref<80000x128xf32, #tpu.memory_space<hbm>> -> memref<128x128xf32, #tpu.memory_space<hbm>>
        %dma_start3A_78 = arith.constant 0 : i32
        %dma_start3A_79 = tpu.memref_slice %arg11[%mul3A_12, %dma_start3A_78] : memref<80000x128xf32, #tpu.memory_space<hbm>> -> memref<128x128xf32, #tpu.memory_space<hbm>>
        tpu.enqueue_dma source(%arg21 : memref<128x128xf32, #tpu.memory_space<vmem>>) target(%dma_start3A_79 : memref<128x128xf32, #tpu.memory_space<hbm>>) target_semaphore(%arg26 : memref<!tpu.dma_semaphore, #tpu.memory_space<semaphore_mem>>)
        %dma_start3A_80 = arith.constant 0 : i32
        %dma_start3A_81 = tpu.memref_slice %arg12[%mul3A_12, %dma_start3A_80] : memref<80000x16xf32, #tpu.memory_space<hbm>> -> memref<128x16xf32, #tpu.memory_space<hbm>>
        %dma_start3A_82 = arith.constant 0 : i32
        %dma_start3A_83 = tpu.memref_slice %arg12[%mul3A_12, %dma_start3A_82] : memref<80000x16xf32, #tpu.memory_space<hbm>> -> memref<128x16xf32, #tpu.memory_space<hbm>>
        tpu.enqueue_dma source(%arg24 : memref<128x16xf32, #tpu.memory_space<vmem>>) target(%dma_start3A_83 : memref<128x16xf32, #tpu.memory_space<hbm>>) target_semaphore(%arg26 : memref<!tpu.dma_semaphore, #tpu.memory_space<semaphore_mem>>)
        %dma_start3A_84 = arith.constant 0 : i32
        %dma_start3A_85 = tpu.memref_slice %arg13[%mul3A_12, %dma_start3A_84] : memref<80000x16xf32, #tpu.memory_space<hbm>> -> memref<128x16xf32, #tpu.memory_space<hbm>>
        %dma_start3A_86 = arith.constant 0 : i32
        %dma_start3A_87 = tpu.memref_slice %arg13[%mul3A_12, %dma_start3A_86] : memref<80000x16xf32, #tpu.memory_space<hbm>> -> memref<128x16xf32, #tpu.memory_space<hbm>>
        tpu.enqueue_dma source(%arg25 : memref<128x16xf32, #tpu.memory_space<vmem>>) target(%dma_start3A_87 : memref<128x16xf32, #tpu.memory_space<hbm>>) target_semaphore(%arg26 : memref<!tpu.dma_semaphore, #tpu.memory_space<semaphore_mem>>)
        %dma_wait3A_88 = arith.constant 0 : i32
        %dma_wait3A_89 = tpu.memref_slice %arg9[%mul3A_12, %dma_wait3A_88] : memref<80000x128xf32, #tpu.memory_space<hbm>> -> memref<128x128xf32, #tpu.memory_space<hbm>>
        %dma_wait3A_90 = arith.constant 0 : i32
        %dma_wait3A_91 = tpu.memref_slice %arg9[%mul3A_12, %dma_wait3A_90] : memref<80000x128xf32, #tpu.memory_space<hbm>> -> memref<128x128xf32, #tpu.memory_space<hbm>>
        tpu.wait_dma2 semaphore(%arg26 : memref<!tpu.dma_semaphore, #tpu.memory_space<semaphore_mem>>) src(%arg19 : memref<128x128xf32, #tpu.memory_space<vmem>>) dst(%dma_wait3A_91 : memref<128x128xf32, #tpu.memory_space<hbm>>)
        %dma_wait3A_92 = arith.constant 0 : i32
        %dma_wait3A_93 = tpu.memref_slice %arg10[%mul3A_12, %dma_wait3A_92] : memref<80000x128xf32, #tpu.memory_space<hbm>> -> memref<128x128xf32, #tpu.memory_space<hbm>>
        %dma_wait3A_94 = arith.constant 0 : i32
        %dma_wait3A_95 = tpu.memref_slice %arg10[%mul3A_12, %dma_wait3A_94] : memref<80000x128xf32, #tpu.memory_space<hbm>> -> memref<128x128xf32, #tpu.memory_space<hbm>>
        tpu.wait_dma2 semaphore(%arg26 : memref<!tpu.dma_semaphore, #tpu.memory_space<semaphore_mem>>) src(%arg20 : memref<128x128xf32, #tpu.memory_space<vmem>>) dst(%dma_wait3A_95 : memref<128x128xf32, #tpu.memory_space<hbm>>)
        %dma_wait3A_96 = arith.constant 0 : i32
        %dma_wait3A_97 = tpu.memref_slice %arg11[%mul3A_12, %dma_wait3A_96] : memref<80000x128xf32, #tpu.memory_space<hbm>> -> memref<128x128xf32, #tpu.memory_space<hbm>>
        %dma_wait3A_98 = arith.constant 0 : i32
        %dma_wait3A_99 = tpu.memref_slice %arg11[%mul3A_12, %dma_wait3A_98] : memref<80000x128xf32, #tpu.memory_space<hbm>> -> memref<128x128xf32, #tpu.memory_space<hbm>>
        tpu.wait_dma2 semaphore(%arg26 : memref<!tpu.dma_semaphore, #tpu.memory_space<semaphore_mem>>) src(%arg21 : memref<128x128xf32, #tpu.memory_space<vmem>>) dst(%dma_wait3A_99 : memref<128x128xf32, #tpu.memory_space<hbm>>)
        %dma_wait3A_100 = arith.constant 0 : i32
        %dma_wait3A_101 = tpu.memref_slice %arg12[%mul3A_12, %dma_wait3A_100] : memref<80000x16xf32, #tpu.memory_space<hbm>> -> memref<128x16xf32, #tpu.memory_space<hbm>>
        %dma_wait3A_102 = arith.constant 0 : i32
        %dma_wait3A_103 = tpu.memref_slice %arg12[%mul3A_12, %dma_wait3A_102] : memref<80000x16xf32, #tpu.memory_space<hbm>> -> memref<128x16xf32, #tpu.memory_space<hbm>>
        tpu.wait_dma2 semaphore(%arg26 : memref<!tpu.dma_semaphore, #tpu.memory_space<semaphore_mem>>) src(%arg24 : memref<128x16xf32, #tpu.memory_space<vmem>>) dst(%dma_wait3A_103 : memref<128x16xf32, #tpu.memory_space<hbm>>)
        %dma_wait3A_104 = arith.constant 0 : i32
        %dma_wait3A_105 = tpu.memref_slice %arg13[%mul3A_12, %dma_wait3A_104] : memref<80000x16xf32, #tpu.memory_space<hbm>> -> memref<128x16xf32, #tpu.memory_space<hbm>>
        %dma_wait3A_106 = arith.constant 0 : i32
        %dma_wait3A_107 = tpu.memref_slice %arg13[%mul3A_12, %dma_wait3A_106] : memref<80000x16xf32, #tpu.memory_space<hbm>> -> memref<128x16xf32, #tpu.memory_space<hbm>>
        tpu.wait_dma2 semaphore(%arg26 : memref<!tpu.dma_semaphore, #tpu.memory_space<semaphore_mem>>) src(%arg25 : memref<128x16xf32, #tpu.memory_space<vmem>>) dst(%dma_wait3A_107 : memref<128x16xf32, #tpu.memory_space<hbm>>)
      } else {
      }
    }
    %scan3A_4 = arith.constant 20 : i32
    return
  }
}

#map = affine_map<(d0, d1) -> (0, 0)>
#map1 = affine_map<(d0, d1) -> (0)>
module attributes {stable_mosaic.version = 14 : i64} {
  func.func @body(%arg0: i32, %arg1: i32, %arg2: memref<10000x128xf32, #tpu.memory_space<hbm>>, %arg3: memref<160000x128xf32, #tpu.memory_space<hbm>>, %arg4: memref<160000xi32, #tpu.memory_space<hbm>>, %arg5: memref<160000xi32, #tpu.memory_space<hbm>>, %arg6: memref<160000xi32, #tpu.memory_space<hbm>>, %arg7: memref<160000xi32, #tpu.memory_space<hbm>>, %arg8: memref<160000xi32, #tpu.memory_space<hbm>>, %arg9: memref<80000x128xf32, #tpu.memory_space<hbm>>, %arg10: memref<80000x128xf32, #tpu.memory_space<hbm>>, %arg11: memref<80000x128xf32, #tpu.memory_space<hbm>>, %arg12: memref<80000x16xf32, #tpu.memory_space<hbm>>, %arg13: memref<80000x16xf32, #tpu.memory_space<hbm>>, %arg14: memref<128xi32, #tpu.memory_space<vmem>>, %arg15: memref<128xi32, #tpu.memory_space<vmem>>, %arg16: memref<128xi32, #tpu.memory_space<vmem>>, %arg17: memref<128xi32, #tpu.memory_space<vmem>>, %arg18: memref<128xi32, #tpu.memory_space<vmem>>, %arg19: memref<128x128xf32, #tpu.memory_space<vmem>>, %arg20: memref<128x128xf32, #tpu.memory_space<vmem>>, %arg21: memref<128x128xf32, #tpu.memory_space<vmem>>, %arg22: memref<128x128xf32, #tpu.memory_space<vmem>>, %arg23: memref<128x128xf32, #tpu.memory_space<vmem>>, %arg24: memref<128x16xf32, #tpu.memory_space<vmem>>, %arg25: memref<128x16xf32, #tpu.memory_space<vmem>>, %arg26: memref<!tpu.dma_semaphore, #tpu.memory_space<semaphore_mem>>) attributes {dimension_semantics = [#tpu.dimension_semantics<core_parallel>, #tpu.dimension_semantics<subcore_parallel>], iteration_bounds = array<i64: 2, 16>, scalar_prefetch = 0 : i64, scratch_operands = 13 : i64, tpu.core_type = #tpu.core_type<sc_vector_subcore>, window_params = [{transform_indices = #map}, {transform_indices = #map}, {transform_indices = #map1}, {transform_indices = #map1}, {transform_indices = #map1}, {transform_indices = #map1}, {transform_indices = #map1}, {transform_indices = #map}, {transform_indices = #map}, {transform_indices = #map}, {transform_indices = #map}, {transform_indices = #map}]} {
    %mul3A = arith.constant 2 : i32
    %mul3A_0 = arith.muli %arg1, %mul3A : i32
    %add3A = arith.addi %mul3A_0, %arg0 : i32
    %scan3A = arith.constant 0 : i32
    %scan3A_1 = arith.constant 20 : i32
    %scan3A_2 = arith.addi %scan3A, %scan3A_1 : i32
    %scan3A_3 = arith.constant 1 : i32
    scf.for %scan3A_5 = %scan3A to %scan3A_2 step %scan3A_3  : i32 {
      %mul3A_6 = arith.constant 32 : i32
      %mul3A_7 = arith.muli %scan3A_5, %mul3A_6 : i32
      %add3A_8 = arith.addi %mul3A_7, %add3A : i32
      %lt3A = arith.constant 625 : i32
      %lt3A_9 = arith.cmpi slt, %add3A_8, %lt3A : i32
      %convert_element_type3A = arith.extui %lt3A_9 : i1 to i32
      %cond3A = arith.constant 0 : i32
      %cond3A_10 = arith.cmpi ne, %convert_element_type3A, %cond3A : i32
      scf.if %cond3A_10 {
        %mul3A_11 = arith.constant 128 : i32
        %mul3A_12 = arith.muli %add3A_8, %mul3A_11 : i32
        %add3A_13 = arith.constant 80000 : i32
        %add3A_14 = arith.addi %add3A_13, %mul3A_12 : i32
        %dma_start3A = tpu.memref_slice %arg4[%add3A_14] : memref<160000xi32, #tpu.memory_space<hbm>> -> memref<128xi32, #tpu.memory_space<hbm>>
        %dma_start3A_15 = tpu.memref_slice %arg4[%add3A_14] : memref<160000xi32, #tpu.memory_space<hbm>> -> memref<128xi32, #tpu.memory_space<hbm>>
        tpu.enqueue_dma source(%dma_start3A_15 : memref<128xi32, #tpu.memory_space<hbm>>) target(%arg14 : memref<128xi32, #tpu.memory_space<vmem>>) target_semaphore(%arg26 : memref<!tpu.dma_semaphore, #tpu.memory_space<semaphore_mem>>)
        %dma_start3A_16 = tpu.memref_slice %arg5[%add3A_14] : memref<160000xi32, #tpu.memory_space<hbm>> -> memref<128xi32, #tpu.memory_space<hbm>>
        %dma_start3A_17 = tpu.memref_slice %arg5[%add3A_14] : memref<160000xi32, #tpu.memory_space<hbm>> -> memref<128xi32, #tpu.memory_space<hbm>>
        tpu.enqueue_dma source(%dma_start3A_17 : memref<128xi32, #tpu.memory_space<hbm>>) target(%arg15 : memref<128xi32, #tpu.memory_space<vmem>>) target_semaphore(%arg26 : memref<!tpu.dma_semaphore, #tpu.memory_space<semaphore_mem>>)
        %dma_start3A_18 = tpu.memref_slice %arg6[%add3A_14] : memref<160000xi32, #tpu.memory_space<hbm>> -> memref<128xi32, #tpu.memory_space<hbm>>
        %dma_start3A_19 = tpu.memref_slice %arg6[%add3A_14] : memref<160000xi32, #tpu.memory_space<hbm>> -> memref<128xi32, #tpu.memory_space<hbm>>
        tpu.enqueue_dma source(%dma_start3A_19 : memref<128xi32, #tpu.memory_space<hbm>>) target(%arg16 : memref<128xi32, #tpu.memory_space<vmem>>) target_semaphore(%arg26 : memref<!tpu.dma_semaphore, #tpu.memory_space<semaphore_mem>>)
        %dma_start3A_20 = tpu.memref_slice %arg7[%add3A_14] : memref<160000xi32, #tpu.memory_space<hbm>> -> memref<128xi32, #tpu.memory_space<hbm>>
        %dma_start3A_21 = tpu.memref_slice %arg7[%add3A_14] : memref<160000xi32, #tpu.memory_space<hbm>> -> memref<128xi32, #tpu.memory_space<hbm>>
        tpu.enqueue_dma source(%dma_start3A_21 : memref<128xi32, #tpu.memory_space<hbm>>) target(%arg17 : memref<128xi32, #tpu.memory_space<vmem>>) target_semaphore(%arg26 : memref<!tpu.dma_semaphore, #tpu.memory_space<semaphore_mem>>)
        %dma_start3A_22 = tpu.memref_slice %arg8[%add3A_14] : memref<160000xi32, #tpu.memory_space<hbm>> -> memref<128xi32, #tpu.memory_space<hbm>>
        %dma_start3A_23 = tpu.memref_slice %arg8[%add3A_14] : memref<160000xi32, #tpu.memory_space<hbm>> -> memref<128xi32, #tpu.memory_space<hbm>>
        tpu.enqueue_dma source(%dma_start3A_23 : memref<128xi32, #tpu.memory_space<hbm>>) target(%arg18 : memref<128xi32, #tpu.memory_space<vmem>>) target_semaphore(%arg26 : memref<!tpu.dma_semaphore, #tpu.memory_space<semaphore_mem>>)
        %dma_wait3A = tpu.memref_slice %arg4[%add3A_14] : memref<160000xi32, #tpu.memory_space<hbm>> -> memref<128xi32, #tpu.memory_space<hbm>>
        %dma_wait3A_24 = tpu.memref_slice %arg4[%add3A_14] : memref<160000xi32, #tpu.memory_space<hbm>> -> memref<128xi32, #tpu.memory_space<hbm>>
        tpu.wait_dma2 semaphore(%arg26 : memref<!tpu.dma_semaphore, #tpu.memory_space<semaphore_mem>>) src(%dma_wait3A_24 : memref<128xi32, #tpu.memory_space<hbm>>) dst(%arg14 : memref<128xi32, #tpu.memory_space<vmem>>)
        %dma_wait3A_25 = tpu.memref_slice %arg5[%add3A_14] : memref<160000xi32, #tpu.memory_space<hbm>> -> memref<128xi32, #tpu.memory_space<hbm>>
        %dma_wait3A_26 = tpu.memref_slice %arg5[%add3A_14] : memref<160000xi32, #tpu.memory_space<hbm>> -> memref<128xi32, #tpu.memory_space<hbm>>
        tpu.wait_dma2 semaphore(%arg26 : memref<!tpu.dma_semaphore, #tpu.memory_space<semaphore_mem>>) src(%dma_wait3A_26 : memref<128xi32, #tpu.memory_space<hbm>>) dst(%arg15 : memref<128xi32, #tpu.memory_space<vmem>>)
        %dma_wait3A_27 = tpu.memref_slice %arg6[%add3A_14] : memref<160000xi32, #tpu.memory_space<hbm>> -> memref<128xi32, #tpu.memory_space<hbm>>
        %dma_wait3A_28 = tpu.memref_slice %arg6[%add3A_14] : memref<160000xi32, #tpu.memory_space<hbm>> -> memref<128xi32, #tpu.memory_space<hbm>>
        tpu.wait_dma2 semaphore(%arg26 : memref<!tpu.dma_semaphore, #tpu.memory_space<semaphore_mem>>) src(%dma_wait3A_28 : memref<128xi32, #tpu.memory_space<hbm>>) dst(%arg16 : memref<128xi32, #tpu.memory_space<vmem>>)
        %dma_wait3A_29 = tpu.memref_slice %arg7[%add3A_14] : memref<160000xi32, #tpu.memory_space<hbm>> -> memref<128xi32, #tpu.memory_space<hbm>>
        %dma_wait3A_30 = tpu.memref_slice %arg7[%add3A_14] : memref<160000xi32, #tpu.memory_space<hbm>> -> memref<128xi32, #tpu.memory_space<hbm>>
        tpu.wait_dma2 semaphore(%arg26 : memref<!tpu.dma_semaphore, #tpu.memory_space<semaphore_mem>>) src(%dma_wait3A_30 : memref<128xi32, #tpu.memory_space<hbm>>) dst(%arg17 : memref<128xi32, #tpu.memory_space<vmem>>)
        %dma_wait3A_31 = tpu.memref_slice %arg8[%add3A_14] : memref<160000xi32, #tpu.memory_space<hbm>> -> memref<128xi32, #tpu.memory_space<hbm>>
        %dma_wait3A_32 = tpu.memref_slice %arg8[%add3A_14] : memref<160000xi32, #tpu.memory_space<hbm>> -> memref<128xi32, #tpu.memory_space<hbm>>
        tpu.wait_dma2 semaphore(%arg26 : memref<!tpu.dma_semaphore, #tpu.memory_space<semaphore_mem>>) src(%dma_wait3A_32 : memref<128xi32, #tpu.memory_space<hbm>>) dst(%arg18 : memref<128xi32, #tpu.memory_space<vmem>>)
        %dma_start3A_33 = arith.constant 0 : i32
        %dma_start3A_34 = arith.constant 0 : i32
        %dma_start3A_35 = tpu.memref_slice %arg2[%dma_start3A_33, %dma_start3A_34] : memref<10000x128xf32, #tpu.memory_space<hbm>> -> memref<10000x128xf32, #tpu.memory_space<hbm>>
        tpu.enqueue_indirect_dma source(%dma_start3A_35 : memref<10000x128xf32, #tpu.memory_space<hbm>>) target(%arg19 : memref<128x128xf32, #tpu.memory_space<vmem>>) offsets(%arg14 : memref<128xi32, #tpu.memory_space<vmem>>) semaphore(%arg26 : memref<!tpu.dma_semaphore, #tpu.memory_space<semaphore_mem>>)
        %dma_start3A_36 = arith.constant 0 : i32
        %dma_start3A_37 = arith.constant 0 : i32
        %dma_start3A_38 = tpu.memref_slice %arg2[%dma_start3A_36, %dma_start3A_37] : memref<10000x128xf32, #tpu.memory_space<hbm>> -> memref<10000x128xf32, #tpu.memory_space<hbm>>
        tpu.enqueue_indirect_dma source(%dma_start3A_38 : memref<10000x128xf32, #tpu.memory_space<hbm>>) target(%arg20 : memref<128x128xf32, #tpu.memory_space<vmem>>) offsets(%arg15 : memref<128xi32, #tpu.memory_space<vmem>>) semaphore(%arg26 : memref<!tpu.dma_semaphore, #tpu.memory_space<semaphore_mem>>)
        %dma_start3A_39 = arith.constant 0 : i32
        %dma_start3A_40 = arith.constant 0 : i32
        %dma_start3A_41 = tpu.memref_slice %arg2[%dma_start3A_39, %dma_start3A_40] : memref<10000x128xf32, #tpu.memory_space<hbm>> -> memref<10000x128xf32, #tpu.memory_space<hbm>>
        tpu.enqueue_indirect_dma source(%dma_start3A_41 : memref<10000x128xf32, #tpu.memory_space<hbm>>) target(%arg21 : memref<128x128xf32, #tpu.memory_space<vmem>>) offsets(%arg16 : memref<128xi32, #tpu.memory_space<vmem>>) semaphore(%arg26 : memref<!tpu.dma_semaphore, #tpu.memory_space<semaphore_mem>>)
        %dma_start3A_42 = arith.constant 0 : i32
        %dma_start3A_43 = arith.constant 0 : i32
        %dma_start3A_44 = tpu.memref_slice %arg3[%dma_start3A_42, %dma_start3A_43] : memref<160000x128xf32, #tpu.memory_space<hbm>> -> memref<160000x128xf32, #tpu.memory_space<hbm>>
        tpu.enqueue_indirect_dma source(%dma_start3A_44 : memref<160000x128xf32, #tpu.memory_space<hbm>>) target(%arg22 : memref<128x128xf32, #tpu.memory_space<vmem>>) offsets(%arg17 : memref<128xi32, #tpu.memory_space<vmem>>) semaphore(%arg26 : memref<!tpu.dma_semaphore, #tpu.memory_space<semaphore_mem>>)
        %dma_start3A_45 = arith.constant 0 : i32
        %dma_start3A_46 = arith.constant 0 : i32
        %dma_start3A_47 = tpu.memref_slice %arg3[%dma_start3A_45, %dma_start3A_46] : memref<160000x128xf32, #tpu.memory_space<hbm>> -> memref<160000x128xf32, #tpu.memory_space<hbm>>
        tpu.enqueue_indirect_dma source(%dma_start3A_47 : memref<160000x128xf32, #tpu.memory_space<hbm>>) target(%arg23 : memref<128x128xf32, #tpu.memory_space<vmem>>) offsets(%arg18 : memref<128xi32, #tpu.memory_space<vmem>>) semaphore(%arg26 : memref<!tpu.dma_semaphore, #tpu.memory_space<semaphore_mem>>)
        %dma_wait3A_48 = arith.constant 0 : i32
        %dma_wait3A_49 = arith.constant 0 : i32
        %dma_wait3A_50 = tpu.memref_slice %arg2[%dma_wait3A_48, %dma_wait3A_49] : memref<10000x128xf32, #tpu.memory_space<hbm>> -> memref<10000x128xf32, #tpu.memory_space<hbm>>
        tpu.wait_indirect_dma semaphore(%arg26 : memref<!tpu.dma_semaphore, #tpu.memory_space<semaphore_mem>>) src(%dma_wait3A_50 : memref<10000x128xf32, #tpu.memory_space<hbm>>) dst(%arg19 : memref<128x128xf32, #tpu.memory_space<vmem>>)
        %dma_wait3A_51 = arith.constant 0 : i32
        %dma_wait3A_52 = arith.constant 0 : i32
        %dma_wait3A_53 = tpu.memref_slice %arg2[%dma_wait3A_51, %dma_wait3A_52] : memref<10000x128xf32, #tpu.memory_space<hbm>> -> memref<10000x128xf32, #tpu.memory_space<hbm>>
        tpu.wait_indirect_dma semaphore(%arg26 : memref<!tpu.dma_semaphore, #tpu.memory_space<semaphore_mem>>) src(%dma_wait3A_53 : memref<10000x128xf32, #tpu.memory_space<hbm>>) dst(%arg20 : memref<128x128xf32, #tpu.memory_space<vmem>>)
        %dma_wait3A_54 = arith.constant 0 : i32
        %dma_wait3A_55 = arith.constant 0 : i32
        %dma_wait3A_56 = tpu.memref_slice %arg2[%dma_wait3A_54, %dma_wait3A_55] : memref<10000x128xf32, #tpu.memory_space<hbm>> -> memref<10000x128xf32, #tpu.memory_space<hbm>>
        tpu.wait_indirect_dma semaphore(%arg26 : memref<!tpu.dma_semaphore, #tpu.memory_space<semaphore_mem>>) src(%dma_wait3A_56 : memref<10000x128xf32, #tpu.memory_space<hbm>>) dst(%arg21 : memref<128x128xf32, #tpu.memory_space<vmem>>)
        %dma_wait3A_57 = arith.constant 0 : i32
        %dma_wait3A_58 = arith.constant 0 : i32
        %dma_wait3A_59 = tpu.memref_slice %arg3[%dma_wait3A_57, %dma_wait3A_58] : memref<160000x128xf32, #tpu.memory_space<hbm>> -> memref<160000x128xf32, #tpu.memory_space<hbm>>
        tpu.wait_indirect_dma semaphore(%arg26 : memref<!tpu.dma_semaphore, #tpu.memory_space<semaphore_mem>>) src(%dma_wait3A_59 : memref<160000x128xf32, #tpu.memory_space<hbm>>) dst(%arg22 : memref<128x128xf32, #tpu.memory_space<vmem>>)
        %dma_wait3A_60 = arith.constant 0 : i32
        %dma_wait3A_61 = arith.constant 0 : i32
        %dma_wait3A_62 = tpu.memref_slice %arg3[%dma_wait3A_60, %dma_wait3A_61] : memref<160000x128xf32, #tpu.memory_space<hbm>> -> memref<160000x128xf32, #tpu.memory_space<hbm>>
        tpu.wait_indirect_dma semaphore(%arg26 : memref<!tpu.dma_semaphore, #tpu.memory_space<semaphore_mem>>) src(%dma_wait3A_62 : memref<160000x128xf32, #tpu.memory_space<hbm>>) dst(%arg23 : memref<128x128xf32, #tpu.memory_space<vmem>>)
        %scan3A_63 = arith.constant 0 : i32
        %scan3A_64 = arith.constant 128 : i32
        %scan3A_65 = arith.addi %scan3A_63, %scan3A_64 : i32
        %scan3A_66 = arith.constant 1 : i32
        scf.for %scan3A_108 = %scan3A_63 to %scan3A_65 step %scan3A_66  : i32 {
          %get3A = arith.index_cast %scan3A_108 : i32 to index
          %get3A_109 = arith.constant 0 : index
          %get3A_110 = tpu.vector_load %arg22[%get3A, %get3A_109] {strides = array<i32>} : memref<128x128xf32, #tpu.memory_space<vmem>>, vector<1x16xf32>,
          %get3A_111 = vector.shape_cast %get3A_110 : vector<1x16xf32> to vector<16xf32>
          %swap3A = arith.index_cast %scan3A_108 : i32 to index
          %swap3A_112 = arith.constant 0 : index
          %swap3A_113 = tpu.vector_load %arg24[%swap3A, %swap3A_112] {strides = array<i32>} : memref<128x16xf32, #tpu.memory_space<vmem>>, vector<1x16xf32>,
          %swap3A_114 = vector.shape_cast %swap3A_113 : vector<1x16xf32> to vector<16xf32>
          %swap3A_115 = vector.shape_cast %get3A_111 : vector<16xf32> to vector<1x16xf32>
          tpu.vector_store %arg24[%swap3A, %swap3A_112], %swap3A_115 {strides = array<i32>} : memref<128x16xf32, #tpu.memory_space<vmem>>, vector<1x16xf32>,
          %get3A_116 = arith.index_cast %scan3A_108 : i32 to index
          %get3A_117 = arith.constant 0 : index
          %get3A_118 = tpu.vector_load %arg23[%get3A_116, %get3A_117] {strides = array<i32>} : memref<128x128xf32, #tpu.memory_space<vmem>>, vector<1x16xf32>,
          %get3A_119 = vector.shape_cast %get3A_118 : vector<1x16xf32> to vector<16xf32>
          %swap3A_120 = arith.index_cast %scan3A_108 : i32 to index
          %swap3A_121 = arith.constant 0 : index
          %swap3A_122 = tpu.vector_load %arg25[%swap3A_120, %swap3A_121] {strides = array<i32>} : memref<128x16xf32, #tpu.memory_space<vmem>>, vector<1x16xf32>,
          %swap3A_123 = vector.shape_cast %swap3A_122 : vector<1x16xf32> to vector<16xf32>
          %swap3A_124 = vector.shape_cast %get3A_119 : vector<16xf32> to vector<1x16xf32>
          tpu.vector_store %arg25[%swap3A_120, %swap3A_121], %swap3A_124 {strides = array<i32>} : memref<128x16xf32, #tpu.memory_space<vmem>>, vector<1x16xf32>,
        }
        %scan3A_67 = arith.constant 128 : i32
        %dma_start3A_68 = arith.constant 0 : i32
        %dma_start3A_69 = tpu.memref_slice %arg9[%mul3A_12, %dma_start3A_68] : memref<80000x128xf32, #tpu.memory_space<hbm>> -> memref<128x128xf32, #tpu.memory_space<hbm>>
        %dma_start3A_70 = arith.constant 0 : i32
        %dma_start3A_71 = tpu.memref_slice %arg9[%mul3A_12, %dma_start3A_70] : memref<80000x128xf32, #tpu.memory_space<hbm>> -> memref<128x128xf32, #tpu.memory_space<hbm>>
        tpu.enqueue_dma source(%arg19 : memref<128x128xf32, #tpu.memory_space<vmem>>) target(%dma_start3A_71 : memref<128x128xf32, #tpu.memory_space<hbm>>) target_semaphore(%arg26 : memref<!tpu.dma_semaphore, #tpu.memory_space<semaphore_mem>>)
        %dma_start3A_72 = arith.constant 0 : i32
        %dma_start3A_73 = tpu.memref_slice %arg10[%mul3A_12, %dma_start3A_72] : memref<80000x128xf32, #tpu.memory_space<hbm>> -> memref<128x128xf32, #tpu.memory_space<hbm>>
        %dma_start3A_74 = arith.constant 0 : i32
        %dma_start3A_75 = tpu.memref_slice %arg10[%mul3A_12, %dma_start3A_74] : memref<80000x128xf32, #tpu.memory_space<hbm>> -> memref<128x128xf32, #tpu.memory_space<hbm>>
        tpu.enqueue_dma source(%arg20 : memref<128x128xf32, #tpu.memory_space<vmem>>) target(%dma_start3A_75 : memref<128x128xf32, #tpu.memory_space<hbm>>) target_semaphore(%arg26 : memref<!tpu.dma_semaphore, #tpu.memory_space<semaphore_mem>>)
        %dma_start3A_76 = arith.constant 0 : i32
        %dma_start3A_77 = tpu.memref_slice %arg11[%mul3A_12, %dma_start3A_76] : memref<80000x128xf32, #tpu.memory_space<hbm>> -> memref<128x128xf32, #tpu.memory_space<hbm>>
        %dma_start3A_78 = arith.constant 0 : i32
        %dma_start3A_79 = tpu.memref_slice %arg11[%mul3A_12, %dma_start3A_78] : memref<80000x128xf32, #tpu.memory_space<hbm>> -> memref<128x128xf32, #tpu.memory_space<hbm>>
        tpu.enqueue_dma source(%arg21 : memref<128x128xf32, #tpu.memory_space<vmem>>) target(%dma_start3A_79 : memref<128x128xf32, #tpu.memory_space<hbm>>) target_semaphore(%arg26 : memref<!tpu.dma_semaphore, #tpu.memory_space<semaphore_mem>>)
        %dma_start3A_80 = arith.constant 0 : i32
        %dma_start3A_81 = tpu.memref_slice %arg12[%mul3A_12, %dma_start3A_80] : memref<80000x16xf32, #tpu.memory_space<hbm>> -> memref<128x16xf32, #tpu.memory_space<hbm>>
        %dma_start3A_82 = arith.constant 0 : i32
        %dma_start3A_83 = tpu.memref_slice %arg12[%mul3A_12, %dma_start3A_82] : memref<80000x16xf32, #tpu.memory_space<hbm>> -> memref<128x16xf32, #tpu.memory_space<hbm>>
        tpu.enqueue_dma source(%arg24 : memref<128x16xf32, #tpu.memory_space<vmem>>) target(%dma_start3A_83 : memref<128x16xf32, #tpu.memory_space<hbm>>) target_semaphore(%arg26 : memref<!tpu.dma_semaphore, #tpu.memory_space<semaphore_mem>>)
        %dma_start3A_84 = arith.constant 0 : i32
        %dma_start3A_85 = tpu.memref_slice %arg13[%mul3A_12, %dma_start3A_84] : memref<80000x16xf32, #tpu.memory_space<hbm>> -> memref<128x16xf32, #tpu.memory_space<hbm>>
        %dma_start3A_86 = arith.constant 0 : i32
        %dma_start3A_87 = tpu.memref_slice %arg13[%mul3A_12, %dma_start3A_86] : memref<80000x16xf32, #tpu.memory_space<hbm>> -> memref<128x16xf32, #tpu.memory_space<hbm>>
        tpu.enqueue_dma source(%arg25 : memref<128x16xf32, #tpu.memory_space<vmem>>) target(%dma_start3A_87 : memref<128x16xf32, #tpu.memory_space<hbm>>) target_semaphore(%arg26 : memref<!tpu.dma_semaphore, #tpu.memory_space<semaphore_mem>>)
        %dma_wait3A_88 = arith.constant 0 : i32
        %dma_wait3A_89 = tpu.memref_slice %arg9[%mul3A_12, %dma_wait3A_88] : memref<80000x128xf32, #tpu.memory_space<hbm>> -> memref<128x128xf32, #tpu.memory_space<hbm>>
        %dma_wait3A_90 = arith.constant 0 : i32
        %dma_wait3A_91 = tpu.memref_slice %arg9[%mul3A_12, %dma_wait3A_90] : memref<80000x128xf32, #tpu.memory_space<hbm>> -> memref<128x128xf32, #tpu.memory_space<hbm>>
        tpu.wait_dma2 semaphore(%arg26 : memref<!tpu.dma_semaphore, #tpu.memory_space<semaphore_mem>>) src(%arg19 : memref<128x128xf32, #tpu.memory_space<vmem>>) dst(%dma_wait3A_91 : memref<128x128xf32, #tpu.memory_space<hbm>>)
        %dma_wait3A_92 = arith.constant 0 : i32
        %dma_wait3A_93 = tpu.memref_slice %arg10[%mul3A_12, %dma_wait3A_92] : memref<80000x128xf32, #tpu.memory_space<hbm>> -> memref<128x128xf32, #tpu.memory_space<hbm>>
        %dma_wait3A_94 = arith.constant 0 : i32
        %dma_wait3A_95 = tpu.memref_slice %arg10[%mul3A_12, %dma_wait3A_94] : memref<80000x128xf32, #tpu.memory_space<hbm>> -> memref<128x128xf32, #tpu.memory_space<hbm>>
        tpu.wait_dma2 semaphore(%arg26 : memref<!tpu.dma_semaphore, #tpu.memory_space<semaphore_mem>>) src(%arg20 : memref<128x128xf32, #tpu.memory_space<vmem>>) dst(%dma_wait3A_95 : memref<128x128xf32, #tpu.memory_space<hbm>>)
        %dma_wait3A_96 = arith.constant 0 : i32
        %dma_wait3A_97 = tpu.memref_slice %arg11[%mul3A_12, %dma_wait3A_96] : memref<80000x128xf32, #tpu.memory_space<hbm>> -> memref<128x128xf32, #tpu.memory_space<hbm>>
        %dma_wait3A_98 = arith.constant 0 : i32
        %dma_wait3A_99 = tpu.memref_slice %arg11[%mul3A_12, %dma_wait3A_98] : memref<80000x128xf32, #tpu.memory_space<hbm>> -> memref<128x128xf32, #tpu.memory_space<hbm>>
        tpu.wait_dma2 semaphore(%arg26 : memref<!tpu.dma_semaphore, #tpu.memory_space<semaphore_mem>>) src(%arg21 : memref<128x128xf32, #tpu.memory_space<vmem>>) dst(%dma_wait3A_99 : memref<128x128xf32, #tpu.memory_space<hbm>>)
        %dma_wait3A_100 = arith.constant 0 : i32
        %dma_wait3A_101 = tpu.memref_slice %arg12[%mul3A_12, %dma_wait3A_100] : memref<80000x16xf32, #tpu.memory_space<hbm>> -> memref<128x16xf32, #tpu.memory_space<hbm>>
        %dma_wait3A_102 = arith.constant 0 : i32
        %dma_wait3A_103 = tpu.memref_slice %arg12[%mul3A_12, %dma_wait3A_102] : memref<80000x16xf32, #tpu.memory_space<hbm>> -> memref<128x16xf32, #tpu.memory_space<hbm>>
        tpu.wait_dma2 semaphore(%arg26 : memref<!tpu.dma_semaphore, #tpu.memory_space<semaphore_mem>>) src(%arg24 : memref<128x16xf32, #tpu.memory_space<vmem>>) dst(%dma_wait3A_103 : memref<128x16xf32, #tpu.memory_space<hbm>>)
        %dma_wait3A_104 = arith.constant 0 : i32
        %dma_wait3A_105 = tpu.memref_slice %arg13[%mul3A_12, %dma_wait3A_104] : memref<80000x16xf32, #tpu.memory_space<hbm>> -> memref<128x16xf32, #tpu.memory_space<hbm>>
        %dma_wait3A_106 = arith.constant 0 : i32
        %dma_wait3A_107 = tpu.memref_slice %arg13[%mul3A_12, %dma_wait3A_106] : memref<80000x16xf32, #tpu.memory_space<hbm>> -> memref<128x16xf32, #tpu.memory_space<hbm>>
        tpu.wait_dma2 semaphore(%arg26 : memref<!tpu.dma_semaphore, #tpu.memory_space<semaphore_mem>>) src(%arg25 : memref<128x16xf32, #tpu.memory_space<vmem>>) dst(%dma_wait3A_107 : memref<128x16xf32, #tpu.memory_space<hbm>>)
      } else {
      }
    }
    %scan3A_4 = arith.constant 20 : i32
    return
  }
}

#map = affine_map<(d0, d1) -> (0, 0)>
#map1 = affine_map<(d0, d1) -> (0)>
#map2 = affine_map<(d0, d1) -> (0, 0, 0)>
module attributes {stable_mosaic.version = 14 : i64} {
  func.func @body(%arg0: i32, %arg1: i32, %arg2: memref<80000x128xf32, #tpu.memory_space<hbm>>, %arg3: memref<160000xi32, #tpu.memory_space<hbm>>, %arg4: memref<632x128xf32, #tpu.memory_space<hbm>>, %arg5: memref<4x10112x128xf32, #tpu.memory_space<hbm>>, %arg6: memref<128xi32, #tpu.memory_space<vmem>>, %arg7: memref<128xi32, #tpu.memory_space<vmem>>, %arg8: memref<128x128xf32, #tpu.memory_space<vmem>>, %arg9: memref<10112x128xf32, #tpu.memory_space<vmem_shared>>, %arg10: memref<!tpu.dma_semaphore, #tpu.memory_space<semaphore_mem>>) attributes {dimension_semantics = [#tpu.dimension_semantics<core_parallel>, #tpu.dimension_semantics<subcore_parallel>], iteration_bounds = array<i64: 2, 16>, scalar_prefetch = 0 : i64, scratch_operands = 5 : i64, tpu.core_type = #tpu.core_type<sc_vector_subcore>, window_params = [{transform_indices = #map}, {transform_indices = #map1}, {transform_indices = #map}, {transform_indices = #map2}]} {
    %mul3A = arith.constant 2 : i32
    %mul3A_0 = arith.muli %arg0, %mul3A : i32
    %add3A = arith.constant 0 : i32
    %add3A_1 = arith.addi %mul3A_0, %add3A : i32
    %mul3A_2 = arith.constant 10000 : i32
    %mul3A_3 = arith.muli %add3A_1, %mul3A_2 : i32
    %mul3A_4 = arith.constant 632 : i32
    %mul3A_5 = arith.muli %arg1, %mul3A_4 : i32
    "tpu.region"() ({
      %run_scoped3A = tpu.sem_alloc : memref<!tpu.dma_semaphore, #tpu.memory_space<semaphore_mem>>
      %dma_start3A = arith.constant 0 : i32
      %dma_start3A_36 = tpu.memref_slice %arg9[%mul3A_5, %dma_start3A] : memref<10112x128xf32, #tpu.memory_space<vmem_shared>> -> memref<632x128xf32, #tpu.memory_space<vmem_shared>>
      tpu.enqueue_dma source(%arg4 : memref<632x128xf32, #tpu.memory_space<hbm>>) target(%dma_start3A_36 : memref<632x128xf32, #tpu.memory_space<vmem_shared>>) target_semaphore(%run_scoped3A : memref<!tpu.dma_semaphore, #tpu.memory_space<semaphore_mem>>)
      %dma_wait3A = arith.constant 0 : i32
      %dma_wait3A_37 = tpu.memref_slice %arg9[%mul3A_5, %dma_wait3A] : memref<10112x128xf32, #tpu.memory_space<vmem_shared>> -> memref<632x128xf32, #tpu.memory_space<vmem_shared>>
      tpu.wait_dma2 semaphore(%run_scoped3A : memref<!tpu.dma_semaphore, #tpu.memory_space<semaphore_mem>>) src(%arg4 : memref<632x128xf32, #tpu.memory_space<hbm>>) dst(%dma_wait3A_37 : memref<632x128xf32, #tpu.memory_space<vmem_shared>>)
      tpu.yield
    }) : () -> ()
    %barrier3A = arith.constant 0 : index
    tpu.barrier barrier_id(%barrier3A)
    %scan3A = arith.constant 0 : i32
    %scan3A_6 = arith.constant 40 : i32
    %scan3A_7 = arith.addi %scan3A, %scan3A_6 : i32
    %scan3A_8 = arith.constant 1 : i32
    scf.for %scan3A_36 = %scan3A to %scan3A_7 step %scan3A_8  : i32 {
      %mul3A_37 = arith.constant 16 : i32
      %mul3A_38 = arith.muli %scan3A_36, %mul3A_37 : i32
      %add3A_39 = arith.addi %mul3A_38, %arg1 : i32
      %lt3A = arith.constant 625 : i32
      %lt3A_40 = arith.cmpi slt, %add3A_39, %lt3A : i32
      %convert_element_type3A = arith.extui %lt3A_40 : i1 to i32
      %cond3A = arith.constant 0 : i32
      %cond3A_41 = arith.cmpi ne, %convert_element_type3A, %cond3A : i32
      scf.if %cond3A_41 {
        %mul3A_42 = arith.constant 128 : i32
        %mul3A_43 = arith.muli %add3A_39, %mul3A_42 : i32
        %add3A_44 = arith.constant 0 : i32
        %add3A_45 = arith.addi %add3A_44, %mul3A_43 : i32
        %dma_start3A = tpu.memref_slice %arg3[%add3A_45] : memref<160000xi32, #tpu.memory_space<hbm>> -> memref<128xi32, #tpu.memory_space<hbm>>
        %dma_start3A_46 = tpu.memref_slice %arg3[%add3A_45] : memref<160000xi32, #tpu.memory_space<hbm>> -> memref<128xi32, #tpu.memory_space<hbm>>
        tpu.enqueue_dma source(%dma_start3A_46 : memref<128xi32, #tpu.memory_space<hbm>>) target(%arg6 : memref<128xi32, #tpu.memory_space<vmem>>) target_semaphore(%arg10 : memref<!tpu.dma_semaphore, #tpu.memory_space<semaphore_mem>>)
        %dma_start3A_47 = arith.constant 0 : i32
        %dma_start3A_48 = tpu.memref_slice %arg2[%mul3A_43, %dma_start3A_47] : memref<80000x128xf32, #tpu.memory_space<hbm>> -> memref<128x128xf32, #tpu.memory_space<hbm>>
        %dma_start3A_49 = arith.constant 0 : i32
        %dma_start3A_50 = tpu.memref_slice %arg2[%mul3A_43, %dma_start3A_49] : memref<80000x128xf32, #tpu.memory_space<hbm>> -> memref<128x128xf32, #tpu.memory_space<hbm>>
        tpu.enqueue_dma source(%dma_start3A_50 : memref<128x128xf32, #tpu.memory_space<hbm>>) target(%arg8 : memref<128x128xf32, #tpu.memory_space<vmem>>) target_semaphore(%arg10 : memref<!tpu.dma_semaphore, #tpu.memory_space<semaphore_mem>>)
        %dma_wait3A = tpu.memref_slice %arg3[%add3A_45] : memref<160000xi32, #tpu.memory_space<hbm>> -> memref<128xi32, #tpu.memory_space<hbm>>
        %dma_wait3A_51 = tpu.memref_slice %arg3[%add3A_45] : memref<160000xi32, #tpu.memory_space<hbm>> -> memref<128xi32, #tpu.memory_space<hbm>>
        tpu.wait_dma2 semaphore(%arg10 : memref<!tpu.dma_semaphore, #tpu.memory_space<semaphore_mem>>) src(%dma_wait3A_51 : memref<128xi32, #tpu.memory_space<hbm>>) dst(%arg6 : memref<128xi32, #tpu.memory_space<vmem>>)
        %dma_wait3A_52 = arith.constant 0 : i32
        %dma_wait3A_53 = tpu.memref_slice %arg2[%mul3A_43, %dma_wait3A_52] : memref<80000x128xf32, #tpu.memory_space<hbm>> -> memref<128x128xf32, #tpu.memory_space<hbm>>
        %dma_wait3A_54 = arith.constant 0 : i32
        %dma_wait3A_55 = tpu.memref_slice %arg2[%mul3A_43, %dma_wait3A_54] : memref<80000x128xf32, #tpu.memory_space<hbm>> -> memref<128x128xf32, #tpu.memory_space<hbm>>
        tpu.wait_dma2 semaphore(%arg10 : memref<!tpu.dma_semaphore, #tpu.memory_space<semaphore_mem>>) src(%dma_wait3A_55 : memref<128x128xf32, #tpu.memory_space<hbm>>) dst(%arg8 : memref<128x128xf32, #tpu.memory_space<vmem>>)
        %get3A = arith.constant 0 : index
        %get3A_56 = tpu.vector_load %arg6[%get3A] {strides = array<i32>} : memref<128xi32, #tpu.memory_space<vmem>>, vector<16xi32>,
        %get3A_57 = vector.shape_cast %get3A_56 : vector<16xi32> to vector<16xi32>
        %shift_right_logical3A = arith.constant 2 : i32
        %shift_right_logical3A_58 = vector.broadcast %shift_right_logical3A : i32 to vector<16xi32>
        %shift_right_logical3A_59 = arith.shrui %get3A_57, %shift_right_logical3A_58 : vector<16xi32>
        %sub3A = vector.broadcast %mul3A_3 : i32 to vector<16xi32>
        %sub3A_60 = arith.subi %shift_right_logical3A_59, %sub3A : vector<16xi32>
        %lt3A_61 = arith.constant 0 : i32
        %lt3A_62 = vector.broadcast %lt3A_61 : i32 to vector<16xi32>
        %lt3A_63 = arith.cmpi slt, %sub3A_60, %lt3A_62 : vector<16xi32>
        %ge3A = arith.constant 10000 : i32
        %ge3A_64 = vector.broadcast %ge3A : i32 to vector<16xi32>
        %ge3A_65 = arith.cmpi sge, %sub3A_60, %ge3A_64 : vector<16xi32>
        %or3A = arith.ori %lt3A_63, %ge3A_65 : vector<16xi1>
        %jit3A = arith.constant 10000 : i32
        %broadcast_in_dim3A = vector.broadcast %jit3A : i32 to vector<16xi32>
        %select_n3A = arith.select %or3A, %broadcast_in_dim3A, %sub3A_60 : vector<16xi1>, vector<16xi32>
        %swap3A = arith.constant 0 : index
        %swap3A_66 = tpu.vector_load %arg7[%swap3A] {strides = array<i32>} : memref<128xi32, #tpu.memory_space<vmem>>, vector<16xi32>,
        %swap3A_67 = vector.shape_cast %swap3A_66 : vector<16xi32> to vector<16xi32>
        %swap3A_68 = vector.shape_cast %select_n3A : vector<16xi32> to vector<16xi32>
        tpu.vector_store %arg7[%swap3A], %swap3A_68 {strides = array<i32>} : memref<128xi32, #tpu.memory_space<vmem>>, vector<16xi32>,
        %get3A_69 = arith.constant 16 : index
        %get3A_70 = tpu.vector_load %arg6[%get3A_69] {strides = array<i32>} : memref<128xi32, #tpu.memory_space<vmem>>, vector<16xi32>,
        %get3A_71 = vector.shape_cast %get3A_70 : vector<16xi32> to vector<16xi32>
        %shift_right_logical3A_72 = arith.constant 2 : i32
        %shift_right_logical3A_73 = vector.broadcast %shift_right_logical3A_72 : i32 to vector<16xi32>
        %shift_right_logical3A_74 = arith.shrui %get3A_71, %shift_right_logical3A_73 : vector<16xi32>
        %sub3A_75 = vector.broadcast %mul3A_3 : i32 to vector<16xi32>
        %sub3A_76 = arith.subi %shift_right_logical3A_74, %sub3A_75 : vector<16xi32>
        %lt3A_77 = arith.constant 0 : i32
        %lt3A_78 = vector.broadcast %lt3A_77 : i32 to vector<16xi32>
        %lt3A_79 = arith.cmpi slt, %sub3A_76, %lt3A_78 : vector<16xi32>
        %ge3A_80 = arith.constant 10000 : i32
        %ge3A_81 = vector.broadcast %ge3A_80 : i32 to vector<16xi32>
        %ge3A_82 = arith.cmpi sge, %sub3A_76, %ge3A_81 : vector<16xi32>
        %or3A_83 = arith.ori %lt3A_79, %ge3A_82 : vector<16xi1>
        %jit3A_84 = arith.constant 10001 : i32
        %broadcast_in_dim3A_85 = vector.broadcast %jit3A_84 : i32 to vector<16xi32>
        %select_n3A_86 = arith.select %or3A_83, %broadcast_in_dim3A_85, %sub3A_76 : vector<16xi1>, vector<16xi32>
        %swap3A_87 = arith.constant 16 : index
        %swap3A_88 = tpu.vector_load %arg7[%swap3A_87] {strides = array<i32>} : memref<128xi32, #tpu.memory_space<vmem>>, vector<16xi32>,
        %swap3A_89 = vector.shape_cast %swap3A_88 : vector<16xi32> to vector<16xi32>
        %swap3A_90 = vector.shape_cast %select_n3A_86 : vector<16xi32> to vector<16xi32>
        tpu.vector_store %arg7[%swap3A_87], %swap3A_90 {strides = array<i32>} : memref<128xi32, #tpu.memory_space<vmem>>, vector<16xi32>,
        %get3A_91 = arith.constant 32 : index
        %get3A_92 = tpu.vector_load %arg6[%get3A_91] {strides = array<i32>} : memref<128xi32, #tpu.memory_space<vmem>>, vector<16xi32>,
        %get3A_93 = vector.shape_cast %get3A_92 : vector<16xi32> to vector<16xi32>
        %shift_right_logical3A_94 = arith.constant 2 : i32
        %shift_right_logical3A_95 = vector.broadcast %shift_right_logical3A_94 : i32 to vector<16xi32>
        %shift_right_logical3A_96 = arith.shrui %get3A_93, %shift_right_logical3A_95 : vector<16xi32>
        %sub3A_97 = vector.broadcast %mul3A_3 : i32 to vector<16xi32>
        %sub3A_98 = arith.subi %shift_right_logical3A_96, %sub3A_97 : vector<16xi32>
        %lt3A_99 = arith.constant 0 : i32
        %lt3A_100 = vector.broadcast %lt3A_99 : i32 to vector<16xi32>
        %lt3A_101 = arith.cmpi slt, %sub3A_98, %lt3A_100 : vector<16xi32>
        %ge3A_102 = arith.constant 10000 : i32
        %ge3A_103 = vector.broadcast %ge3A_102 : i32 to vector<16xi32>
        %ge3A_104 = arith.cmpi sge, %sub3A_98, %ge3A_103 : vector<16xi32>
        %or3A_105 = arith.ori %lt3A_101, %ge3A_104 : vector<16xi1>
        %jit3A_106 = arith.constant 10002 : i32
        %broadcast_in_dim3A_107 = vector.broadcast %jit3A_106 : i32 to vector<16xi32>
        %select_n3A_108 = arith.select %or3A_105, %broadcast_in_dim3A_107, %sub3A_98 : vector<16xi1>, vector<16xi32>
        %swap3A_109 = arith.constant 32 : index
        %swap3A_110 = tpu.vector_load %arg7[%swap3A_109] {strides = array<i32>} : memref<128xi32, #tpu.memory_space<vmem>>, vector<16xi32>,
        %swap3A_111 = vector.shape_cast %swap3A_110 : vector<16xi32> to vector<16xi32>
        %swap3A_112 = vector.shape_cast %select_n3A_108 : vector<16xi32> to vector<16xi32>
        tpu.vector_store %arg7[%swap3A_109], %swap3A_112 {strides = array<i32>} : memref<128xi32, #tpu.memory_space<vmem>>, vector<16xi32>,
        %get3A_113 = arith.constant 48 : index
        %get3A_114 = tpu.vector_load %arg6[%get3A_113] {strides = array<i32>} : memref<128xi32, #tpu.memory_space<vmem>>, vector<16xi32>,
        %get3A_115 = vector.shape_cast %get3A_114 : vector<16xi32> to vector<16xi32>
        %shift_right_logical3A_116 = arith.constant 2 : i32
        %shift_right_logical3A_117 = vector.broadcast %shift_right_logical3A_116 : i32 to vector<16xi32>
        %shift_right_logical3A_118 = arith.shrui %get3A_115, %shift_right_logical3A_117 : vector<16xi32>
        %sub3A_119 = vector.broadcast %mul3A_3 : i32 to vector<16xi32>
        %sub3A_120 = arith.subi %shift_right_logical3A_118, %sub3A_119 : vector<16xi32>
        %lt3A_121 = arith.constant 0 : i32
        %lt3A_122 = vector.broadcast %lt3A_121 : i32 to vector<16xi32>
        %lt3A_123 = arith.cmpi slt, %sub3A_120, %lt3A_122 : vector<16xi32>
        %ge3A_124 = arith.constant 10000 : i32
        %ge3A_125 = vector.broadcast %ge3A_124 : i32 to vector<16xi32>
        %ge3A_126 = arith.cmpi sge, %sub3A_120, %ge3A_125 : vector<16xi32>
        %or3A_127 = arith.ori %lt3A_123, %ge3A_126 : vector<16xi1>
        %jit3A_128 = arith.constant 10003 : i32
        %broadcast_in_dim3A_129 = vector.broadcast %jit3A_128 : i32 to vector<16xi32>
        %select_n3A_130 = arith.select %or3A_127, %broadcast_in_dim3A_129, %sub3A_120 : vector<16xi1>, vector<16xi32>
        %swap3A_131 = arith.constant 48 : index
        %swap3A_132 = tpu.vector_load %arg7[%swap3A_131] {strides = array<i32>} : memref<128xi32, #tpu.memory_space<vmem>>, vector<16xi32>,
        %swap3A_133 = vector.shape_cast %swap3A_132 : vector<16xi32> to vector<16xi32>
        %swap3A_134 = vector.shape_cast %select_n3A_130 : vector<16xi32> to vector<16xi32>
        tpu.vector_store %arg7[%swap3A_131], %swap3A_134 {strides = array<i32>} : memref<128xi32, #tpu.memory_space<vmem>>, vector<16xi32>,
        %get3A_135 = arith.constant 64 : index
        %get3A_136 = tpu.vector_load %arg6[%get3A_135] {strides = array<i32>} : memref<128xi32, #tpu.memory_space<vmem>>, vector<16xi32>,
        %get3A_137 = vector.shape_cast %get3A_136 : vector<16xi32> to vector<16xi32>
        %shift_right_logical3A_138 = arith.constant 2 : i32
        %shift_right_logical3A_139 = vector.broadcast %shift_right_logical3A_138 : i32 to vector<16xi32>
        %shift_right_logical3A_140 = arith.shrui %get3A_137, %shift_right_logical3A_139 : vector<16xi32>
        %sub3A_141 = vector.broadcast %mul3A_3 : i32 to vector<16xi32>
        %sub3A_142 = arith.subi %shift_right_logical3A_140, %sub3A_141 : vector<16xi32>
        %lt3A_143 = arith.constant 0 : i32
        %lt3A_144 = vector.broadcast %lt3A_143 : i32 to vector<16xi32>
        %lt3A_145 = arith.cmpi slt, %sub3A_142, %lt3A_144 : vector<16xi32>
        %ge3A_146 = arith.constant 10000 : i32
        %ge3A_147 = vector.broadcast %ge3A_146 : i32 to vector<16xi32>
        %ge3A_148 = arith.cmpi sge, %sub3A_142, %ge3A_147 : vector<16xi32>
        %or3A_149 = arith.ori %lt3A_145, %ge3A_148 : vector<16xi1>
        %jit3A_150 = arith.constant 10004 : i32
        %broadcast_in_dim3A_151 = vector.broadcast %jit3A_150 : i32 to vector<16xi32>
        %select_n3A_152 = arith.select %or3A_149, %broadcast_in_dim3A_151, %sub3A_142 : vector<16xi1>, vector<16xi32>
        %swap3A_153 = arith.constant 64 : index
        %swap3A_154 = tpu.vector_load %arg7[%swap3A_153] {strides = array<i32>} : memref<128xi32, #tpu.memory_space<vmem>>, vector<16xi32>,
        %swap3A_155 = vector.shape_cast %swap3A_154 : vector<16xi32> to vector<16xi32>
        %swap3A_156 = vector.shape_cast %select_n3A_152 : vector<16xi32> to vector<16xi32>
        tpu.vector_store %arg7[%swap3A_153], %swap3A_156 {strides = array<i32>} : memref<128xi32, #tpu.memory_space<vmem>>, vector<16xi32>,
        %get3A_157 = arith.constant 80 : index
        %get3A_158 = tpu.vector_load %arg6[%get3A_157] {strides = array<i32>} : memref<128xi32, #tpu.memory_space<vmem>>, vector<16xi32>,
        %get3A_159 = vector.shape_cast %get3A_158 : vector<16xi32> to vector<16xi32>
        %shift_right_logical3A_160 = arith.constant 2 : i32
        %shift_right_logical3A_161 = vector.broadcast %shift_right_logical3A_160 : i32 to vector<16xi32>
        %shift_right_logical3A_162 = arith.shrui %get3A_159, %shift_right_logical3A_161 : vector<16xi32>
        %sub3A_163 = vector.broadcast %mul3A_3 : i32 to vector<16xi32>
        %sub3A_164 = arith.subi %shift_right_logical3A_162, %sub3A_163 : vector<16xi32>
        %lt3A_165 = arith.constant 0 : i32
        %lt3A_166 = vector.broadcast %lt3A_165 : i32 to vector<16xi32>
        %lt3A_167 = arith.cmpi slt, %sub3A_164, %lt3A_166 : vector<16xi32>
        %ge3A_168 = arith.constant 10000 : i32
        %ge3A_169 = vector.broadcast %ge3A_168 : i32 to vector<16xi32>
        %ge3A_170 = arith.cmpi sge, %sub3A_164, %ge3A_169 : vector<16xi32>
        %or3A_171 = arith.ori %lt3A_167, %ge3A_170 : vector<16xi1>
        %jit3A_172 = arith.constant 10005 : i32
        %broadcast_in_dim3A_173 = vector.broadcast %jit3A_172 : i32 to vector<16xi32>
        %select_n3A_174 = arith.select %or3A_171, %broadcast_in_dim3A_173, %sub3A_164 : vector<16xi1>, vector<16xi32>
        %swap3A_175 = arith.constant 80 : index
        %swap3A_176 = tpu.vector_load %arg7[%swap3A_175] {strides = array<i32>} : memref<128xi32, #tpu.memory_space<vmem>>, vector<16xi32>,
        %swap3A_177 = vector.shape_cast %swap3A_176 : vector<16xi32> to vector<16xi32>
        %swap3A_178 = vector.shape_cast %select_n3A_174 : vector<16xi32> to vector<16xi32>
        tpu.vector_store %arg7[%swap3A_175], %swap3A_178 {strides = array<i32>} : memref<128xi32, #tpu.memory_space<vmem>>, vector<16xi32>,
        %get3A_179 = arith.constant 96 : index
        %get3A_180 = tpu.vector_load %arg6[%get3A_179] {strides = array<i32>} : memref<128xi32, #tpu.memory_space<vmem>>, vector<16xi32>,
        %get3A_181 = vector.shape_cast %get3A_180 : vector<16xi32> to vector<16xi32>
        %shift_right_logical3A_182 = arith.constant 2 : i32
        %shift_right_logical3A_183 = vector.broadcast %shift_right_logical3A_182 : i32 to vector<16xi32>
        %shift_right_logical3A_184 = arith.shrui %get3A_181, %shift_right_logical3A_183 : vector<16xi32>
        %sub3A_185 = vector.broadcast %mul3A_3 : i32 to vector<16xi32>
        %sub3A_186 = arith.subi %shift_right_logical3A_184, %sub3A_185 : vector<16xi32>
        %lt3A_187 = arith.constant 0 : i32
        %lt3A_188 = vector.broadcast %lt3A_187 : i32 to vector<16xi32>
        %lt3A_189 = arith.cmpi slt, %sub3A_186, %lt3A_188 : vector<16xi32>
        %ge3A_190 = arith.constant 10000 : i32
        %ge3A_191 = vector.broadcast %ge3A_190 : i32 to vector<16xi32>
        %ge3A_192 = arith.cmpi sge, %sub3A_186, %ge3A_191 : vector<16xi32>
        %or3A_193 = arith.ori %lt3A_189, %ge3A_192 : vector<16xi1>
        %jit3A_194 = arith.constant 10006 : i32
        %broadcast_in_dim3A_195 = vector.broadcast %jit3A_194 : i32 to vector<16xi32>
        %select_n3A_196 = arith.select %or3A_193, %broadcast_in_dim3A_195, %sub3A_186 : vector<16xi1>, vector<16xi32>
        %swap3A_197 = arith.constant 96 : index
        %swap3A_198 = tpu.vector_load %arg7[%swap3A_197] {strides = array<i32>} : memref<128xi32, #tpu.memory_space<vmem>>, vector<16xi32>,
        %swap3A_199 = vector.shape_cast %swap3A_198 : vector<16xi32> to vector<16xi32>
        %swap3A_200 = vector.shape_cast %select_n3A_196 : vector<16xi32> to vector<16xi32>
        tpu.vector_store %arg7[%swap3A_197], %swap3A_200 {strides = array<i32>} : memref<128xi32, #tpu.memory_space<vmem>>, vector<16xi32>,
        %get3A_201 = arith.constant 112 : index
        %get3A_202 = tpu.vector_load %arg6[%get3A_201] {strides = array<i32>} : memref<128xi32, #tpu.memory_space<vmem>>, vector<16xi32>,
        %get3A_203 = vector.shape_cast %get3A_202 : vector<16xi32> to vector<16xi32>
        %shift_right_logical3A_204 = arith.constant 2 : i32
        %shift_right_logical3A_205 = vector.broadcast %shift_right_logical3A_204 : i32 to vector<16xi32>
        %shift_right_logical3A_206 = arith.shrui %get3A_203, %shift_right_logical3A_205 : vector<16xi32>
        %sub3A_207 = vector.broadcast %mul3A_3 : i32 to vector<16xi32>
        %sub3A_208 = arith.subi %shift_right_logical3A_206, %sub3A_207 : vector<16xi32>
        %lt3A_209 = arith.constant 0 : i32
        %lt3A_210 = vector.broadcast %lt3A_209 : i32 to vector<16xi32>
        %lt3A_211 = arith.cmpi slt, %sub3A_208, %lt3A_210 : vector<16xi32>
        %ge3A_212 = arith.constant 10000 : i32
        %ge3A_213 = vector.broadcast %ge3A_212 : i32 to vector<16xi32>
        %ge3A_214 = arith.cmpi sge, %sub3A_208, %ge3A_213 : vector<16xi32>
        %or3A_215 = arith.ori %lt3A_211, %ge3A_214 : vector<16xi1>
        %jit3A_216 = arith.constant 10007 : i32
        %broadcast_in_dim3A_217 = vector.broadcast %jit3A_216 : i32 to vector<16xi32>
        %select_n3A_218 = arith.select %or3A_215, %broadcast_in_dim3A_217, %sub3A_208 : vector<16xi1>, vector<16xi32>
        %swap3A_219 = arith.constant 112 : index
        %swap3A_220 = tpu.vector_load %arg7[%swap3A_219] {strides = array<i32>} : memref<128xi32, #tpu.memory_space<vmem>>, vector<16xi32>,
        %swap3A_221 = vector.shape_cast %swap3A_220 : vector<16xi32> to vector<16xi32>
        %swap3A_222 = vector.shape_cast %select_n3A_218 : vector<16xi32> to vector<16xi32>
        tpu.vector_store %arg7[%swap3A_219], %swap3A_222 {strides = array<i32>} : memref<128xi32, #tpu.memory_space<vmem>>, vector<16xi32>,
        "tpu.region"() ({
          %run_scoped3A = tpu.sem_alloc : memref<!tpu.dma_semaphore, #tpu.memory_space<semaphore_mem>>
          %dma_start3A_223 = arith.constant 0 : i32
          %dma_start3A_224 = arith.constant 0 : i32
          %dma_start3A_225 = tpu.memref_slice %arg9[%dma_start3A_223, %dma_start3A_224] : memref<10112x128xf32, #tpu.memory_space<vmem_shared>> -> memref<10112x128xf32, #tpu.memory_space<vmem_shared>>
          tpu.enqueue_indirect_dma source(%arg8 : memref<128x128xf32, #tpu.memory_space<vmem>>) target(%dma_start3A_225 : memref<10112x128xf32, #tpu.memory_space<vmem_shared>>) offsets(%arg7 : memref<128xi32, #tpu.memory_space<vmem>>) semaphore(%run_scoped3A : memref<!tpu.dma_semaphore, #tpu.memory_space<semaphore_mem>>) {add = true}
          %dma_wait3A_226 = arith.constant 0 : i32
          %dma_wait3A_227 = arith.constant 0 : i32
          %dma_wait3A_228 = tpu.memref_slice %arg9[%dma_wait3A_226, %dma_wait3A_227] : memref<10112x128xf32, #tpu.memory_space<vmem_shared>> -> memref<10112x128xf32, #tpu.memory_space<vmem_shared>>
          tpu.wait_indirect_dma semaphore(%run_scoped3A : memref<!tpu.dma_semaphore, #tpu.memory_space<semaphore_mem>>) src(%arg8 : memref<128x128xf32, #tpu.memory_space<vmem>>) dst(%dma_wait3A_228 : memref<10112x128xf32, #tpu.memory_space<vmem_shared>>)
          tpu.yield
        }) : () -> ()
      } else {
      }
    }
    %scan3A_9 = arith.constant 40 : i32
    %barrier3A_10 = arith.constant 0 : index
    tpu.barrier barrier_id(%barrier3A_10)
    %mul3A_11 = arith.constant 632 : i32
    %mul3A_12 = arith.muli %arg1, %mul3A_11 : i32
    %mul3A_13 = arith.constant 632 : i32
    %mul3A_14 = arith.muli %arg1, %mul3A_13 : i32
    "tpu.region"() ({
      %run_scoped3A = tpu.sem_alloc : memref<!tpu.dma_semaphore, #tpu.memory_space<semaphore_mem>>
      %dma_start3A = arith.constant 0 : i32
      %dma_start3A_36 = tpu.memref_slice %arg5[%add3A_1, %mul3A_14, %dma_start3A] : memref<4x10112x128xf32, #tpu.memory_space<hbm>> -> memref<1x632x128xf32, #tpu.memory_space<hbm>>
      %dma_start3A_37 = tpu.memref_squeeze %dma_start3A_36 : memref<1x632x128xf32, #tpu.memory_space<hbm>> -> memref<632x128xf32, #tpu.memory_space<hbm>>
      %dma_start3A_38 = arith.constant 0 : i32
      %dma_start3A_39 = tpu.memref_slice %arg9[%mul3A_12, %dma_start3A_38] : memref<10112x128xf32, #tpu.memory_space<vmem_shared>> -> memref<632x128xf32, #tpu.memory_space<vmem_shared>>
      tpu.enqueue_dma source(%dma_start3A_39 : memref<632x128xf32, #tpu.memory_space<vmem_shared>>) target(%dma_start3A_37 : memref<632x128xf32, #tpu.memory_space<hbm>>) target_semaphore(%run_scoped3A : memref<!tpu.dma_semaphore, #tpu.memory_space<semaphore_mem>>)
      %dma_wait3A = arith.constant 0 : i32
      %dma_wait3A_40 = tpu.memref_slice %arg5[%add3A_1, %mul3A_14, %dma_wait3A] : memref<4x10112x128xf32, #tpu.memory_space<hbm>> -> memref<1x632x128xf32, #tpu.memory_space<hbm>>
      %dma_wait3A_41 = tpu.memref_squeeze %dma_wait3A_40 : memref<1x632x128xf32, #tpu.memory_space<hbm>> -> memref<632x128xf32, #tpu.memory_space<hbm>>
      %dma_wait3A_42 = arith.constant 0 : i32
      %dma_wait3A_43 = tpu.memref_slice %arg9[%mul3A_12, %dma_wait3A_42] : memref<10112x128xf32, #tpu.memory_space<vmem_shared>> -> memref<632x128xf32, #tpu.memory_space<vmem_shared>>
      tpu.wait_dma2 semaphore(%run_scoped3A : memref<!tpu.dma_semaphore, #tpu.memory_space<semaphore_mem>>) src(%dma_wait3A_43 : memref<632x128xf32, #tpu.memory_space<vmem_shared>>) dst(%dma_wait3A_41 : memref<632x128xf32, #tpu.memory_space<hbm>>)
      tpu.yield
    }) : () -> ()
    %barrier3A_15 = arith.constant 0 : index
    tpu.barrier barrier_id(%barrier3A_15)
    %mul3A_16 = arith.constant 2 : i32
    %mul3A_17 = arith.muli %arg0, %mul3A_16 : i32
    %add3A_18 = arith.constant 1 : i32
    %add3A_19 = arith.addi %mul3A_17, %add3A_18 : i32
    %mul3A_20 = arith.constant 10000 : i32
    %mul3A_21 = arith.muli %add3A_19, %mul3A_20 : i32
    %mul3A_22 = arith.constant 632 : i32
    %mul3A_23 = arith.muli %arg1, %mul3A_22 : i32
    "tpu.region"() ({
      %run_scoped3A = tpu.sem_alloc : memref<!tpu.dma_semaphore, #tpu.memory_space<semaphore_mem>>
      %dma_start3A = arith.constant 0 : i32
      %dma_start3A_36 = tpu.memref_slice %arg9[%mul3A_23, %dma_start3A] : memref<10112x128xf32, #tpu.memory_space<vmem_shared>> -> memref<632x128xf32, #tpu.memory_space<vmem_shared>>
      tpu.enqueue_dma source(%arg4 : memref<632x128xf32, #tpu.memory_space<hbm>>) target(%dma_start3A_36 : memref<632x128xf32, #tpu.memory_space<vmem_shared>>) target_semaphore(%run_scoped3A : memref<!tpu.dma_semaphore, #tpu.memory_space<semaphore_mem>>)
      %dma_wait3A = arith.constant 0 : i32
      %dma_wait3A_37 = tpu.memref_slice %arg9[%mul3A_23, %dma_wait3A] : memref<10112x128xf32, #tpu.memory_space<vmem_shared>> -> memref<632x128xf32, #tpu.memory_space<vmem_shared>>
      tpu.wait_dma2 semaphore(%run_scoped3A : memref<!tpu.dma_semaphore, #tpu.memory_space<semaphore_mem>>) src(%arg4 : memref<632x128xf32, #tpu.memory_space<hbm>>) dst(%dma_wait3A_37 : memref<632x128xf32, #tpu.memory_space<vmem_shared>>)
      tpu.yield
    }) : () -> ()
    %barrier3A_24 = arith.constant 0 : index
    tpu.barrier barrier_id(%barrier3A_24)
    %scan3A_25 = arith.constant 0 : i32
    %scan3A_26 = arith.constant 40 : i32
    %scan3A_27 = arith.addi %scan3A_25, %scan3A_26 : i32
    %scan3A_28 = arith.constant 1 : i32
    scf.for %scan3A_36 = %scan3A_25 to %scan3A_27 step %scan3A_28  : i32 {
      %mul3A_37 = arith.constant 16 : i32
      %mul3A_38 = arith.muli %scan3A_36, %mul3A_37 : i32
      %add3A_39 = arith.addi %mul3A_38, %arg1 : i32
      %lt3A = arith.constant 625 : i32
      %lt3A_40 = arith.cmpi slt, %add3A_39, %lt3A : i32
      %convert_element_type3A = arith.extui %lt3A_40 : i1 to i32
      %cond3A = arith.constant 0 : i32
      %cond3A_41 = arith.cmpi ne, %convert_element_type3A, %cond3A : i32
      scf.if %cond3A_41 {
        %mul3A_42 = arith.constant 128 : i32
        %mul3A_43 = arith.muli %add3A_39, %mul3A_42 : i32
        %add3A_44 = arith.constant 0 : i32
        %add3A_45 = arith.addi %add3A_44, %mul3A_43 : i32
        %dma_start3A = tpu.memref_slice %arg3[%add3A_45] : memref<160000xi32, #tpu.memory_space<hbm>> -> memref<128xi32, #tpu.memory_space<hbm>>
        %dma_start3A_46 = tpu.memref_slice %arg3[%add3A_45] : memref<160000xi32, #tpu.memory_space<hbm>> -> memref<128xi32, #tpu.memory_space<hbm>>
        tpu.enqueue_dma source(%dma_start3A_46 : memref<128xi32, #tpu.memory_space<hbm>>) target(%arg6 : memref<128xi32, #tpu.memory_space<vmem>>) target_semaphore(%arg10 : memref<!tpu.dma_semaphore, #tpu.memory_space<semaphore_mem>>)
        %dma_start3A_47 = arith.constant 0 : i32
        %dma_start3A_48 = tpu.memref_slice %arg2[%mul3A_43, %dma_start3A_47] : memref<80000x128xf32, #tpu.memory_space<hbm>> -> memref<128x128xf32, #tpu.memory_space<hbm>>
        %dma_start3A_49 = arith.constant 0 : i32
        %dma_start3A_50 = tpu.memref_slice %arg2[%mul3A_43, %dma_start3A_49] : memref<80000x128xf32, #tpu.memory_space<hbm>> -> memref<128x128xf32, #tpu.memory_space<hbm>>
        tpu.enqueue_dma source(%dma_start3A_50 : memref<128x128xf32, #tpu.memory_space<hbm>>) target(%arg8 : memref<128x128xf32, #tpu.memory_space<vmem>>) target_semaphore(%arg10 : memref<!tpu.dma_semaphore, #tpu.memory_space<semaphore_mem>>)
        %dma_wait3A = tpu.memref_slice %arg3[%add3A_45] : memref<160000xi32, #tpu.memory_space<hbm>> -> memref<128xi32, #tpu.memory_space<hbm>>
        %dma_wait3A_51 = tpu.memref_slice %arg3[%add3A_45] : memref<160000xi32, #tpu.memory_space<hbm>> -> memref<128xi32, #tpu.memory_space<hbm>>
        tpu.wait_dma2 semaphore(%arg10 : memref<!tpu.dma_semaphore, #tpu.memory_space<semaphore_mem>>) src(%dma_wait3A_51 : memref<128xi32, #tpu.memory_space<hbm>>) dst(%arg6 : memref<128xi32, #tpu.memory_space<vmem>>)
        %dma_wait3A_52 = arith.constant 0 : i32
        %dma_wait3A_53 = tpu.memref_slice %arg2[%mul3A_43, %dma_wait3A_52] : memref<80000x128xf32, #tpu.memory_space<hbm>> -> memref<128x128xf32, #tpu.memory_space<hbm>>
        %dma_wait3A_54 = arith.constant 0 : i32
        %dma_wait3A_55 = tpu.memref_slice %arg2[%mul3A_43, %dma_wait3A_54] : memref<80000x128xf32, #tpu.memory_space<hbm>> -> memref<128x128xf32, #tpu.memory_space<hbm>>
        tpu.wait_dma2 semaphore(%arg10 : memref<!tpu.dma_semaphore, #tpu.memory_space<semaphore_mem>>) src(%dma_wait3A_55 : memref<128x128xf32, #tpu.memory_space<hbm>>) dst(%arg8 : memref<128x128xf32, #tpu.memory_space<vmem>>)
        %get3A = arith.constant 0 : index
        %get3A_56 = tpu.vector_load %arg6[%get3A] {strides = array<i32>} : memref<128xi32, #tpu.memory_space<vmem>>, vector<16xi32>,
        %get3A_57 = vector.shape_cast %get3A_56 : vector<16xi32> to vector<16xi32>
        %shift_right_logical3A = arith.constant 2 : i32
        %shift_right_logical3A_58 = vector.broadcast %shift_right_logical3A : i32 to vector<16xi32>
        %shift_right_logical3A_59 = arith.shrui %get3A_57, %shift_right_logical3A_58 : vector<16xi32>
        %sub3A = vector.broadcast %mul3A_21 : i32 to vector<16xi32>
        %sub3A_60 = arith.subi %shift_right_logical3A_59, %sub3A : vector<16xi32>
        %lt3A_61 = arith.constant 0 : i32
        %lt3A_62 = vector.broadcast %lt3A_61 : i32 to vector<16xi32>
        %lt3A_63 = arith.cmpi slt, %sub3A_60, %lt3A_62 : vector<16xi32>
        %ge3A = arith.constant 10000 : i32
        %ge3A_64 = vector.broadcast %ge3A : i32 to vector<16xi32>
        %ge3A_65 = arith.cmpi sge, %sub3A_60, %ge3A_64 : vector<16xi32>
        %or3A = arith.ori %lt3A_63, %ge3A_65 : vector<16xi1>
        %jit3A = arith.constant 10000 : i32
        %broadcast_in_dim3A = vector.broadcast %jit3A : i32 to vector<16xi32>
        %select_n3A = arith.select %or3A, %broadcast_in_dim3A, %sub3A_60 : vector<16xi1>, vector<16xi32>
        %swap3A = arith.constant 0 : index
        %swap3A_66 = tpu.vector_load %arg7[%swap3A] {strides = array<i32>} : memref<128xi32, #tpu.memory_space<vmem>>, vector<16xi32>,
        %swap3A_67 = vector.shape_cast %swap3A_66 : vector<16xi32> to vector<16xi32>
        %swap3A_68 = vector.shape_cast %select_n3A : vector<16xi32> to vector<16xi32>
        tpu.vector_store %arg7[%swap3A], %swap3A_68 {strides = array<i32>} : memref<128xi32, #tpu.memory_space<vmem>>, vector<16xi32>,
        %get3A_69 = arith.constant 16 : index
        %get3A_70 = tpu.vector_load %arg6[%get3A_69] {strides = array<i32>} : memref<128xi32, #tpu.memory_space<vmem>>, vector<16xi32>,
        %get3A_71 = vector.shape_cast %get3A_70 : vector<16xi32> to vector<16xi32>
        %shift_right_logical3A_72 = arith.constant 2 : i32
        %shift_right_logical3A_73 = vector.broadcast %shift_right_logical3A_72 : i32 to vector<16xi32>
        %shift_right_logical3A_74 = arith.shrui %get3A_71, %shift_right_logical3A_73 : vector<16xi32>
        %sub3A_75 = vector.broadcast %mul3A_21 : i32 to vector<16xi32>
        %sub3A_76 = arith.subi %shift_right_logical3A_74, %sub3A_75 : vector<16xi32>
        %lt3A_77 = arith.constant 0 : i32
        %lt3A_78 = vector.broadcast %lt3A_77 : i32 to vector<16xi32>
        %lt3A_79 = arith.cmpi slt, %sub3A_76, %lt3A_78 : vector<16xi32>
        %ge3A_80 = arith.constant 10000 : i32
        %ge3A_81 = vector.broadcast %ge3A_80 : i32 to vector<16xi32>
        %ge3A_82 = arith.cmpi sge, %sub3A_76, %ge3A_81 : vector<16xi32>
        %or3A_83 = arith.ori %lt3A_79, %ge3A_82 : vector<16xi1>
        %jit3A_84 = arith.constant 10001 : i32
        %broadcast_in_dim3A_85 = vector.broadcast %jit3A_84 : i32 to vector<16xi32>
        %select_n3A_86 = arith.select %or3A_83, %broadcast_in_dim3A_85, %sub3A_76 : vector<16xi1>, vector<16xi32>
        %swap3A_87 = arith.constant 16 : index
        %swap3A_88 = tpu.vector_load %arg7[%swap3A_87] {strides = array<i32>} : memref<128xi32, #tpu.memory_space<vmem>>, vector<16xi32>,
        %swap3A_89 = vector.shape_cast %swap3A_88 : vector<16xi32> to vector<16xi32>
        %swap3A_90 = vector.shape_cast %select_n3A_86 : vector<16xi32> to vector<16xi32>
        tpu.vector_store %arg7[%swap3A_87], %swap3A_90 {strides = array<i32>} : memref<128xi32, #tpu.memory_space<vmem>>, vector<16xi32>,
        %get3A_91 = arith.constant 32 : index
        %get3A_92 = tpu.vector_load %arg6[%get3A_91] {strides = array<i32>} : memref<128xi32, #tpu.memory_space<vmem>>, vector<16xi32>,
        %get3A_93 = vector.shape_cast %get3A_92 : vector<16xi32> to vector<16xi32>
        %shift_right_logical3A_94 = arith.constant 2 : i32
        %shift_right_logical3A_95 = vector.broadcast %shift_right_logical3A_94 : i32 to vector<16xi32>
        %shift_right_logical3A_96 = arith.shrui %get3A_93, %shift_right_logical3A_95 : vector<16xi32>
        %sub3A_97 = vector.broadcast %mul3A_21 : i32 to vector<16xi32>
        %sub3A_98 = arith.subi %shift_right_logical3A_96, %sub3A_97 : vector<16xi32>
        %lt3A_99 = arith.constant 0 : i32
        %lt3A_100 = vector.broadcast %lt3A_99 : i32 to vector<16xi32>
        %lt3A_101 = arith.cmpi slt, %sub3A_98, %lt3A_100 : vector<16xi32>
        %ge3A_102 = arith.constant 10000 : i32
        %ge3A_103 = vector.broadcast %ge3A_102 : i32 to vector<16xi32>
        %ge3A_104 = arith.cmpi sge, %sub3A_98, %ge3A_103 : vector<16xi32>
        %or3A_105 = arith.ori %lt3A_101, %ge3A_104 : vector<16xi1>
        %jit3A_106 = arith.constant 10002 : i32
        %broadcast_in_dim3A_107 = vector.broadcast %jit3A_106 : i32 to vector<16xi32>
        %select_n3A_108 = arith.select %or3A_105, %broadcast_in_dim3A_107, %sub3A_98 : vector<16xi1>, vector<16xi32>
        %swap3A_109 = arith.constant 32 : index
        %swap3A_110 = tpu.vector_load %arg7[%swap3A_109] {strides = array<i32>} : memref<128xi32, #tpu.memory_space<vmem>>, vector<16xi32>,
        %swap3A_111 = vector.shape_cast %swap3A_110 : vector<16xi32> to vector<16xi32>
        %swap3A_112 = vector.shape_cast %select_n3A_108 : vector<16xi32> to vector<16xi32>
        tpu.vector_store %arg7[%swap3A_109], %swap3A_112 {strides = array<i32>} : memref<128xi32, #tpu.memory_space<vmem>>, vector<16xi32>,
        %get3A_113 = arith.constant 48 : index
        %get3A_114 = tpu.vector_load %arg6[%get3A_113] {strides = array<i32>} : memref<128xi32, #tpu.memory_space<vmem>>, vector<16xi32>,
        %get3A_115 = vector.shape_cast %get3A_114 : vector<16xi32> to vector<16xi32>
        %shift_right_logical3A_116 = arith.constant 2 : i32
        %shift_right_logical3A_117 = vector.broadcast %shift_right_logical3A_116 : i32 to vector<16xi32>
        %shift_right_logical3A_118 = arith.shrui %get3A_115, %shift_right_logical3A_117 : vector<16xi32>
        %sub3A_119 = vector.broadcast %mul3A_21 : i32 to vector<16xi32>
        %sub3A_120 = arith.subi %shift_right_logical3A_118, %sub3A_119 : vector<16xi32>
        %lt3A_121 = arith.constant 0 : i32
        %lt3A_122 = vector.broadcast %lt3A_121 : i32 to vector<16xi32>
        %lt3A_123 = arith.cmpi slt, %sub3A_120, %lt3A_122 : vector<16xi32>
        %ge3A_124 = arith.constant 10000 : i32
        %ge3A_125 = vector.broadcast %ge3A_124 : i32 to vector<16xi32>
        %ge3A_126 = arith.cmpi sge, %sub3A_120, %ge3A_125 : vector<16xi32>
        %or3A_127 = arith.ori %lt3A_123, %ge3A_126 : vector<16xi1>
        %jit3A_128 = arith.constant 10003 : i32
        %broadcast_in_dim3A_129 = vector.broadcast %jit3A_128 : i32 to vector<16xi32>
        %select_n3A_130 = arith.select %or3A_127, %broadcast_in_dim3A_129, %sub3A_120 : vector<16xi1>, vector<16xi32>
        %swap3A_131 = arith.constant 48 : index
        %swap3A_132 = tpu.vector_load %arg7[%swap3A_131] {strides = array<i32>} : memref<128xi32, #tpu.memory_space<vmem>>, vector<16xi32>,
        %swap3A_133 = vector.shape_cast %swap3A_132 : vector<16xi32> to vector<16xi32>
        %swap3A_134 = vector.shape_cast %select_n3A_130 : vector<16xi32> to vector<16xi32>
        tpu.vector_store %arg7[%swap3A_131], %swap3A_134 {strides = array<i32>} : memref<128xi32, #tpu.memory_space<vmem>>, vector<16xi32>,
        %get3A_135 = arith.constant 64 : index
        %get3A_136 = tpu.vector_load %arg6[%get3A_135] {strides = array<i32>} : memref<128xi32, #tpu.memory_space<vmem>>, vector<16xi32>,
        %get3A_137 = vector.shape_cast %get3A_136 : vector<16xi32> to vector<16xi32>
        %shift_right_logical3A_138 = arith.constant 2 : i32
        %shift_right_logical3A_139 = vector.broadcast %shift_right_logical3A_138 : i32 to vector<16xi32>
        %shift_right_logical3A_140 = arith.shrui %get3A_137, %shift_right_logical3A_139 : vector<16xi32>
        %sub3A_141 = vector.broadcast %mul3A_21 : i32 to vector<16xi32>
        %sub3A_142 = arith.subi %shift_right_logical3A_140, %sub3A_141 : vector<16xi32>
        %lt3A_143 = arith.constant 0 : i32
        %lt3A_144 = vector.broadcast %lt3A_143 : i32 to vector<16xi32>
        %lt3A_145 = arith.cmpi slt, %sub3A_142, %lt3A_144 : vector<16xi32>
        %ge3A_146 = arith.constant 10000 : i32
        %ge3A_147 = vector.broadcast %ge3A_146 : i32 to vector<16xi32>
        %ge3A_148 = arith.cmpi sge, %sub3A_142, %ge3A_147 : vector<16xi32>
        %or3A_149 = arith.ori %lt3A_145, %ge3A_148 : vector<16xi1>
        %jit3A_150 = arith.constant 10004 : i32
        %broadcast_in_dim3A_151 = vector.broadcast %jit3A_150 : i32 to vector<16xi32>
        %select_n3A_152 = arith.select %or3A_149, %broadcast_in_dim3A_151, %sub3A_142 : vector<16xi1>, vector<16xi32>
        %swap3A_153 = arith.constant 64 : index
        %swap3A_154 = tpu.vector_load %arg7[%swap3A_153] {strides = array<i32>} : memref<128xi32, #tpu.memory_space<vmem>>, vector<16xi32>,
        %swap3A_155 = vector.shape_cast %swap3A_154 : vector<16xi32> to vector<16xi32>
        %swap3A_156 = vector.shape_cast %select_n3A_152 : vector<16xi32> to vector<16xi32>
        tpu.vector_store %arg7[%swap3A_153], %swap3A_156 {strides = array<i32>} : memref<128xi32, #tpu.memory_space<vmem>>, vector<16xi32>,
        %get3A_157 = arith.constant 80 : index
        %get3A_158 = tpu.vector_load %arg6[%get3A_157] {strides = array<i32>} : memref<128xi32, #tpu.memory_space<vmem>>, vector<16xi32>,
        %get3A_159 = vector.shape_cast %get3A_158 : vector<16xi32> to vector<16xi32>
        %shift_right_logical3A_160 = arith.constant 2 : i32
        %shift_right_logical3A_161 = vector.broadcast %shift_right_logical3A_160 : i32 to vector<16xi32>
        %shift_right_logical3A_162 = arith.shrui %get3A_159, %shift_right_logical3A_161 : vector<16xi32>
        %sub3A_163 = vector.broadcast %mul3A_21 : i32 to vector<16xi32>
        %sub3A_164 = arith.subi %shift_right_logical3A_162, %sub3A_163 : vector<16xi32>
        %lt3A_165 = arith.constant 0 : i32
        %lt3A_166 = vector.broadcast %lt3A_165 : i32 to vector<16xi32>
        %lt3A_167 = arith.cmpi slt, %sub3A_164, %lt3A_166 : vector<16xi32>
        %ge3A_168 = arith.constant 10000 : i32
        %ge3A_169 = vector.broadcast %ge3A_168 : i32 to vector<16xi32>
        %ge3A_170 = arith.cmpi sge, %sub3A_164, %ge3A_169 : vector<16xi32>
        %or3A_171 = arith.ori %lt3A_167, %ge3A_170 : vector<16xi1>
        %jit3A_172 = arith.constant 10005 : i32
        %broadcast_in_dim3A_173 = vector.broadcast %jit3A_172 : i32 to vector<16xi32>
        %select_n3A_174 = arith.select %or3A_171, %broadcast_in_dim3A_173, %sub3A_164 : vector<16xi1>, vector<16xi32>
        %swap3A_175 = arith.constant 80 : index
        %swap3A_176 = tpu.vector_load %arg7[%swap3A_175] {strides = array<i32>} : memref<128xi32, #tpu.memory_space<vmem>>, vector<16xi32>,
        %swap3A_177 = vector.shape_cast %swap3A_176 : vector<16xi32> to vector<16xi32>
        %swap3A_178 = vector.shape_cast %select_n3A_174 : vector<16xi32> to vector<16xi32>
        tpu.vector_store %arg7[%swap3A_175], %swap3A_178 {strides = array<i32>} : memref<128xi32, #tpu.memory_space<vmem>>, vector<16xi32>,
        %get3A_179 = arith.constant 96 : index
        %get3A_180 = tpu.vector_load %arg6[%get3A_179] {strides = array<i32>} : memref<128xi32, #tpu.memory_space<vmem>>, vector<16xi32>,
        %get3A_181 = vector.shape_cast %get3A_180 : vector<16xi32> to vector<16xi32>
        %shift_right_logical3A_182 = arith.constant 2 : i32
        %shift_right_logical3A_183 = vector.broadcast %shift_right_logical3A_182 : i32 to vector<16xi32>
        %shift_right_logical3A_184 = arith.shrui %get3A_181, %shift_right_logical3A_183 : vector<16xi32>
        %sub3A_185 = vector.broadcast %mul3A_21 : i32 to vector<16xi32>
        %sub3A_186 = arith.subi %shift_right_logical3A_184, %sub3A_185 : vector<16xi32>
        %lt3A_187 = arith.constant 0 : i32
        %lt3A_188 = vector.broadcast %lt3A_187 : i32 to vector<16xi32>
        %lt3A_189 = arith.cmpi slt, %sub3A_186, %lt3A_188 : vector<16xi32>
        %ge3A_190 = arith.constant 10000 : i32
        %ge3A_191 = vector.broadcast %ge3A_190 : i32 to vector<16xi32>
        %ge3A_192 = arith.cmpi sge, %sub3A_186, %ge3A_191 : vector<16xi32>
        %or3A_193 = arith.ori %lt3A_189, %ge3A_192 : vector<16xi1>
        %jit3A_194 = arith.constant 10006 : i32
        %broadcast_in_dim3A_195 = vector.broadcast %jit3A_194 : i32 to vector<16xi32>
        %select_n3A_196 = arith.select %or3A_193, %broadcast_in_dim3A_195, %sub3A_186 : vector<16xi1>, vector<16xi32>
        %swap3A_197 = arith.constant 96 : index
        %swap3A_198 = tpu.vector_load %arg7[%swap3A_197] {strides = array<i32>} : memref<128xi32, #tpu.memory_space<vmem>>, vector<16xi32>,
        %swap3A_199 = vector.shape_cast %swap3A_198 : vector<16xi32> to vector<16xi32>
        %swap3A_200 = vector.shape_cast %select_n3A_196 : vector<16xi32> to vector<16xi32>
        tpu.vector_store %arg7[%swap3A_197], %swap3A_200 {strides = array<i32>} : memref<128xi32, #tpu.memory_space<vmem>>, vector<16xi32>,
        %get3A_201 = arith.constant 112 : index
        %get3A_202 = tpu.vector_load %arg6[%get3A_201] {strides = array<i32>} : memref<128xi32, #tpu.memory_space<vmem>>, vector<16xi32>,
        %get3A_203 = vector.shape_cast %get3A_202 : vector<16xi32> to vector<16xi32>
        %shift_right_logical3A_204 = arith.constant 2 : i32
        %shift_right_logical3A_205 = vector.broadcast %shift_right_logical3A_204 : i32 to vector<16xi32>
        %shift_right_logical3A_206 = arith.shrui %get3A_203, %shift_right_logical3A_205 : vector<16xi32>
        %sub3A_207 = vector.broadcast %mul3A_21 : i32 to vector<16xi32>
        %sub3A_208 = arith.subi %shift_right_logical3A_206, %sub3A_207 : vector<16xi32>
        %lt3A_209 = arith.constant 0 : i32
        %lt3A_210 = vector.broadcast %lt3A_209 : i32 to vector<16xi32>
        %lt3A_211 = arith.cmpi slt, %sub3A_208, %lt3A_210 : vector<16xi32>
        %ge3A_212 = arith.constant 10000 : i32
        %ge3A_213 = vector.broadcast %ge3A_212 : i32 to vector<16xi32>
        %ge3A_214 = arith.cmpi sge, %sub3A_208, %ge3A_213 : vector<16xi32>
        %or3A_215 = arith.ori %lt3A_211, %ge3A_214 : vector<16xi1>
        %jit3A_216 = arith.constant 10007 : i32
        %broadcast_in_dim3A_217 = vector.broadcast %jit3A_216 : i32 to vector<16xi32>
        %select_n3A_218 = arith.select %or3A_215, %broadcast_in_dim3A_217, %sub3A_208 : vector<16xi1>, vector<16xi32>
        %swap3A_219 = arith.constant 112 : index
        %swap3A_220 = tpu.vector_load %arg7[%swap3A_219] {strides = array<i32>} : memref<128xi32, #tpu.memory_space<vmem>>, vector<16xi32>,
        %swap3A_221 = vector.shape_cast %swap3A_220 : vector<16xi32> to vector<16xi32>
        %swap3A_222 = vector.shape_cast %select_n3A_218 : vector<16xi32> to vector<16xi32>
        tpu.vector_store %arg7[%swap3A_219], %swap3A_222 {strides = array<i32>} : memref<128xi32, #tpu.memory_space<vmem>>, vector<16xi32>,
        "tpu.region"() ({
          %run_scoped3A = tpu.sem_alloc : memref<!tpu.dma_semaphore, #tpu.memory_space<semaphore_mem>>
          %dma_start3A_223 = arith.constant 0 : i32
          %dma_start3A_224 = arith.constant 0 : i32
          %dma_start3A_225 = tpu.memref_slice %arg9[%dma_start3A_223, %dma_start3A_224] : memref<10112x128xf32, #tpu.memory_space<vmem_shared>> -> memref<10112x128xf32, #tpu.memory_space<vmem_shared>>
          tpu.enqueue_indirect_dma source(%arg8 : memref<128x128xf32, #tpu.memory_space<vmem>>) target(%dma_start3A_225 : memref<10112x128xf32, #tpu.memory_space<vmem_shared>>) offsets(%arg7 : memref<128xi32, #tpu.memory_space<vmem>>) semaphore(%run_scoped3A : memref<!tpu.dma_semaphore, #tpu.memory_space<semaphore_mem>>) {add = true}
          %dma_wait3A_226 = arith.constant 0 : i32
          %dma_wait3A_227 = arith.constant 0 : i32
          %dma_wait3A_228 = tpu.memref_slice %arg9[%dma_wait3A_226, %dma_wait3A_227] : memref<10112x128xf32, #tpu.memory_space<vmem_shared>> -> memref<10112x128xf32, #tpu.memory_space<vmem_shared>>
          tpu.wait_indirect_dma semaphore(%run_scoped3A : memref<!tpu.dma_semaphore, #tpu.memory_space<semaphore_mem>>) src(%arg8 : memref<128x128xf32, #tpu.memory_space<vmem>>) dst(%dma_wait3A_228 : memref<10112x128xf32, #tpu.memory_space<vmem_shared>>)
          tpu.yield
        }) : () -> ()
      } else {
      }
    }
    %scan3A_29 = arith.constant 40 : i32
    %barrier3A_30 = arith.constant 0 : index
    tpu.barrier barrier_id(%barrier3A_30)
    %mul3A_31 = arith.constant 632 : i32
    %mul3A_32 = arith.muli %arg1, %mul3A_31 : i32
    %mul3A_33 = arith.constant 632 : i32
    %mul3A_34 = arith.muli %arg1, %mul3A_33 : i32
    "tpu.region"() ({
      %run_scoped3A = tpu.sem_alloc : memref<!tpu.dma_semaphore, #tpu.memory_space<semaphore_mem>>
      %dma_start3A = arith.constant 0 : i32
      %dma_start3A_36 = tpu.memref_slice %arg5[%add3A_19, %mul3A_34, %dma_start3A] : memref<4x10112x128xf32, #tpu.memory_space<hbm>> -> memref<1x632x128xf32, #tpu.memory_space<hbm>>
      %dma_start3A_37 = tpu.memref_squeeze %dma_start3A_36 : memref<1x632x128xf32, #tpu.memory_space<hbm>> -> memref<632x128xf32, #tpu.memory_space<hbm>>
      %dma_start3A_38 = arith.constant 0 : i32
      %dma_start3A_39 = tpu.memref_slice %arg9[%mul3A_32, %dma_start3A_38] : memref<10112x128xf32, #tpu.memory_space<vmem_shared>> -> memref<632x128xf32, #tpu.memory_space<vmem_shared>>
      tpu.enqueue_dma source(%dma_start3A_39 : memref<632x128xf32, #tpu.memory_space<vmem_shared>>) target(%dma_start3A_37 : memref<632x128xf32, #tpu.memory_space<hbm>>) target_semaphore(%run_scoped3A : memref<!tpu.dma_semaphore, #tpu.memory_space<semaphore_mem>>)
      %dma_wait3A = arith.constant 0 : i32
      %dma_wait3A_40 = tpu.memref_slice %arg5[%add3A_19, %mul3A_34, %dma_wait3A] : memref<4x10112x128xf32, #tpu.memory_space<hbm>> -> memref<1x632x128xf32, #tpu.memory_space<hbm>>
      %dma_wait3A_41 = tpu.memref_squeeze %dma_wait3A_40 : memref<1x632x128xf32, #tpu.memory_space<hbm>> -> memref<632x128xf32, #tpu.memory_space<hbm>>
      %dma_wait3A_42 = arith.constant 0 : i32
      %dma_wait3A_43 = tpu.memref_slice %arg9[%mul3A_32, %dma_wait3A_42] : memref<10112x128xf32, #tpu.memory_space<vmem_shared>> -> memref<632x128xf32, #tpu.memory_space<vmem_shared>>
      tpu.wait_dma2 semaphore(%run_scoped3A : memref<!tpu.dma_semaphore, #tpu.memory_space<semaphore_mem>>) src(%dma_wait3A_43 : memref<632x128xf32, #tpu.memory_space<vmem_shared>>) dst(%dma_wait3A_41 : memref<632x128xf32, #tpu.memory_space<hbm>>)
      tpu.yield
    }) : () -> ()
    %barrier3A_35 = arith.constant 0 : index
    tpu.barrier barrier_id(%barrier3A_35)
    return
  }
}

#map = affine_map<(d0, d1) -> (0, 0)>
#map1 = affine_map<(d0, d1) -> (0)>
#map2 = affine_map<(d0, d1) -> (0, 0, 0)>
module attributes {stable_mosaic.version = 14 : i64} {
  func.func @body(%arg0: i32, %arg1: i32, %arg2: memref<80000x128xf32, #tpu.memory_space<hbm>>, %arg3: memref<160000xi32, #tpu.memory_space<hbm>>, %arg4: memref<632x128xf32, #tpu.memory_space<hbm>>, %arg5: memref<4x10112x128xf32, #tpu.memory_space<hbm>>, %arg6: memref<128xi32, #tpu.memory_space<vmem>>, %arg7: memref<128xi32, #tpu.memory_space<vmem>>, %arg8: memref<128x128xf32, #tpu.memory_space<vmem>>, %arg9: memref<10112x128xf32, #tpu.memory_space<vmem_shared>>, %arg10: memref<!tpu.dma_semaphore, #tpu.memory_space<semaphore_mem>>) attributes {dimension_semantics = [#tpu.dimension_semantics<core_parallel>, #tpu.dimension_semantics<subcore_parallel>], iteration_bounds = array<i64: 2, 16>, scalar_prefetch = 0 : i64, scratch_operands = 5 : i64, tpu.core_type = #tpu.core_type<sc_vector_subcore>, window_params = [{transform_indices = #map}, {transform_indices = #map1}, {transform_indices = #map}, {transform_indices = #map2}]} {
    %mul3A = arith.constant 2 : i32
    %mul3A_0 = arith.muli %arg0, %mul3A : i32
    %add3A = arith.constant 0 : i32
    %add3A_1 = arith.addi %mul3A_0, %add3A : i32
    %mul3A_2 = arith.constant 10000 : i32
    %mul3A_3 = arith.muli %add3A_1, %mul3A_2 : i32
    %mul3A_4 = arith.constant 632 : i32
    %mul3A_5 = arith.muli %arg1, %mul3A_4 : i32
    "tpu.region"() ({
      %run_scoped3A = tpu.sem_alloc : memref<!tpu.dma_semaphore, #tpu.memory_space<semaphore_mem>>
      %dma_start3A = arith.constant 0 : i32
      %dma_start3A_36 = tpu.memref_slice %arg9[%mul3A_5, %dma_start3A] : memref<10112x128xf32, #tpu.memory_space<vmem_shared>> -> memref<632x128xf32, #tpu.memory_space<vmem_shared>>
      tpu.enqueue_dma source(%arg4 : memref<632x128xf32, #tpu.memory_space<hbm>>) target(%dma_start3A_36 : memref<632x128xf32, #tpu.memory_space<vmem_shared>>) target_semaphore(%run_scoped3A : memref<!tpu.dma_semaphore, #tpu.memory_space<semaphore_mem>>)
      %dma_wait3A = arith.constant 0 : i32
      %dma_wait3A_37 = tpu.memref_slice %arg9[%mul3A_5, %dma_wait3A] : memref<10112x128xf32, #tpu.memory_space<vmem_shared>> -> memref<632x128xf32, #tpu.memory_space<vmem_shared>>
      tpu.wait_dma2 semaphore(%run_scoped3A : memref<!tpu.dma_semaphore, #tpu.memory_space<semaphore_mem>>) src(%arg4 : memref<632x128xf32, #tpu.memory_space<hbm>>) dst(%dma_wait3A_37 : memref<632x128xf32, #tpu.memory_space<vmem_shared>>)
      tpu.yield
    }) : () -> ()
    %barrier3A = arith.constant 0 : index
    tpu.barrier barrier_id(%barrier3A)
    %scan3A = arith.constant 0 : i32
    %scan3A_6 = arith.constant 40 : i32
    %scan3A_7 = arith.addi %scan3A, %scan3A_6 : i32
    %scan3A_8 = arith.constant 1 : i32
    scf.for %scan3A_36 = %scan3A to %scan3A_7 step %scan3A_8  : i32 {
      %mul3A_37 = arith.constant 16 : i32
      %mul3A_38 = arith.muli %scan3A_36, %mul3A_37 : i32
      %add3A_39 = arith.addi %mul3A_38, %arg1 : i32
      %lt3A = arith.constant 625 : i32
      %lt3A_40 = arith.cmpi slt, %add3A_39, %lt3A : i32
      %convert_element_type3A = arith.extui %lt3A_40 : i1 to i32
      %cond3A = arith.constant 0 : i32
      %cond3A_41 = arith.cmpi ne, %convert_element_type3A, %cond3A : i32
      scf.if %cond3A_41 {
        %mul3A_42 = arith.constant 128 : i32
        %mul3A_43 = arith.muli %add3A_39, %mul3A_42 : i32
        %add3A_44 = arith.constant 80000 : i32
        %add3A_45 = arith.addi %add3A_44, %mul3A_43 : i32
        %dma_start3A = tpu.memref_slice %arg3[%add3A_45] : memref<160000xi32, #tpu.memory_space<hbm>> -> memref<128xi32, #tpu.memory_space<hbm>>
        %dma_start3A_46 = tpu.memref_slice %arg3[%add3A_45] : memref<160000xi32, #tpu.memory_space<hbm>> -> memref<128xi32, #tpu.memory_space<hbm>>
        tpu.enqueue_dma source(%dma_start3A_46 : memref<128xi32, #tpu.memory_space<hbm>>) target(%arg6 : memref<128xi32, #tpu.memory_space<vmem>>) target_semaphore(%arg10 : memref<!tpu.dma_semaphore, #tpu.memory_space<semaphore_mem>>)
        %dma_start3A_47 = arith.constant 0 : i32
        %dma_start3A_48 = tpu.memref_slice %arg2[%mul3A_43, %dma_start3A_47] : memref<80000x128xf32, #tpu.memory_space<hbm>> -> memref<128x128xf32, #tpu.memory_space<hbm>>
        %dma_start3A_49 = arith.constant 0 : i32
        %dma_start3A_50 = tpu.memref_slice %arg2[%mul3A_43, %dma_start3A_49] : memref<80000x128xf32, #tpu.memory_space<hbm>> -> memref<128x128xf32, #tpu.memory_space<hbm>>
        tpu.enqueue_dma source(%dma_start3A_50 : memref<128x128xf32, #tpu.memory_space<hbm>>) target(%arg8 : memref<128x128xf32, #tpu.memory_space<vmem>>) target_semaphore(%arg10 : memref<!tpu.dma_semaphore, #tpu.memory_space<semaphore_mem>>)
        %dma_wait3A = tpu.memref_slice %arg3[%add3A_45] : memref<160000xi32, #tpu.memory_space<hbm>> -> memref<128xi32, #tpu.memory_space<hbm>>
        %dma_wait3A_51 = tpu.memref_slice %arg3[%add3A_45] : memref<160000xi32, #tpu.memory_space<hbm>> -> memref<128xi32, #tpu.memory_space<hbm>>
        tpu.wait_dma2 semaphore(%arg10 : memref<!tpu.dma_semaphore, #tpu.memory_space<semaphore_mem>>) src(%dma_wait3A_51 : memref<128xi32, #tpu.memory_space<hbm>>) dst(%arg6 : memref<128xi32, #tpu.memory_space<vmem>>)
        %dma_wait3A_52 = arith.constant 0 : i32
        %dma_wait3A_53 = tpu.memref_slice %arg2[%mul3A_43, %dma_wait3A_52] : memref<80000x128xf32, #tpu.memory_space<hbm>> -> memref<128x128xf32, #tpu.memory_space<hbm>>
        %dma_wait3A_54 = arith.constant 0 : i32
        %dma_wait3A_55 = tpu.memref_slice %arg2[%mul3A_43, %dma_wait3A_54] : memref<80000x128xf32, #tpu.memory_space<hbm>> -> memref<128x128xf32, #tpu.memory_space<hbm>>
        tpu.wait_dma2 semaphore(%arg10 : memref<!tpu.dma_semaphore, #tpu.memory_space<semaphore_mem>>) src(%dma_wait3A_55 : memref<128x128xf32, #tpu.memory_space<hbm>>) dst(%arg8 : memref<128x128xf32, #tpu.memory_space<vmem>>)
        %get3A = arith.constant 0 : index
        %get3A_56 = tpu.vector_load %arg6[%get3A] {strides = array<i32>} : memref<128xi32, #tpu.memory_space<vmem>>, vector<16xi32>,
        %get3A_57 = vector.shape_cast %get3A_56 : vector<16xi32> to vector<16xi32>
        %shift_right_logical3A = arith.constant 2 : i32
        %shift_right_logical3A_58 = vector.broadcast %shift_right_logical3A : i32 to vector<16xi32>
        %shift_right_logical3A_59 = arith.shrui %get3A_57, %shift_right_logical3A_58 : vector<16xi32>
        %sub3A = vector.broadcast %mul3A_3 : i32 to vector<16xi32>
        %sub3A_60 = arith.subi %shift_right_logical3A_59, %sub3A : vector<16xi32>
        %lt3A_61 = arith.constant 0 : i32
        %lt3A_62 = vector.broadcast %lt3A_61 : i32 to vector<16xi32>
        %lt3A_63 = arith.cmpi slt, %sub3A_60, %lt3A_62 : vector<16xi32>
        %ge3A = arith.constant 10000 : i32
        %ge3A_64 = vector.broadcast %ge3A : i32 to vector<16xi32>
        %ge3A_65 = arith.cmpi sge, %sub3A_60, %ge3A_64 : vector<16xi32>
        %or3A = arith.ori %lt3A_63, %ge3A_65 : vector<16xi1>
        %jit3A = arith.constant 10000 : i32
        %broadcast_in_dim3A = vector.broadcast %jit3A : i32 to vector<16xi32>
        %select_n3A = arith.select %or3A, %broadcast_in_dim3A, %sub3A_60 : vector<16xi1>, vector<16xi32>
        %swap3A = arith.constant 0 : index
        %swap3A_66 = tpu.vector_load %arg7[%swap3A] {strides = array<i32>} : memref<128xi32, #tpu.memory_space<vmem>>, vector<16xi32>,
        %swap3A_67 = vector.shape_cast %swap3A_66 : vector<16xi32> to vector<16xi32>
        %swap3A_68 = vector.shape_cast %select_n3A : vector<16xi32> to vector<16xi32>
        tpu.vector_store %arg7[%swap3A], %swap3A_68 {strides = array<i32>} : memref<128xi32, #tpu.memory_space<vmem>>, vector<16xi32>,
        %get3A_69 = arith.constant 16 : index
        %get3A_70 = tpu.vector_load %arg6[%get3A_69] {strides = array<i32>} : memref<128xi32, #tpu.memory_space<vmem>>, vector<16xi32>,
        %get3A_71 = vector.shape_cast %get3A_70 : vector<16xi32> to vector<16xi32>
        %shift_right_logical3A_72 = arith.constant 2 : i32
        %shift_right_logical3A_73 = vector.broadcast %shift_right_logical3A_72 : i32 to vector<16xi32>
        %shift_right_logical3A_74 = arith.shrui %get3A_71, %shift_right_logical3A_73 : vector<16xi32>
        %sub3A_75 = vector.broadcast %mul3A_3 : i32 to vector<16xi32>
        %sub3A_76 = arith.subi %shift_right_logical3A_74, %sub3A_75 : vector<16xi32>
        %lt3A_77 = arith.constant 0 : i32
        %lt3A_78 = vector.broadcast %lt3A_77 : i32 to vector<16xi32>
        %lt3A_79 = arith.cmpi slt, %sub3A_76, %lt3A_78 : vector<16xi32>
        %ge3A_80 = arith.constant 10000 : i32
        %ge3A_81 = vector.broadcast %ge3A_80 : i32 to vector<16xi32>
        %ge3A_82 = arith.cmpi sge, %sub3A_76, %ge3A_81 : vector<16xi32>
        %or3A_83 = arith.ori %lt3A_79, %ge3A_82 : vector<16xi1>
        %jit3A_84 = arith.constant 10001 : i32
        %broadcast_in_dim3A_85 = vector.broadcast %jit3A_84 : i32 to vector<16xi32>
        %select_n3A_86 = arith.select %or3A_83, %broadcast_in_dim3A_85, %sub3A_76 : vector<16xi1>, vector<16xi32>
        %swap3A_87 = arith.constant 16 : index
        %swap3A_88 = tpu.vector_load %arg7[%swap3A_87] {strides = array<i32>} : memref<128xi32, #tpu.memory_space<vmem>>, vector<16xi32>,
        %swap3A_89 = vector.shape_cast %swap3A_88 : vector<16xi32> to vector<16xi32>
        %swap3A_90 = vector.shape_cast %select_n3A_86 : vector<16xi32> to vector<16xi32>
        tpu.vector_store %arg7[%swap3A_87], %swap3A_90 {strides = array<i32>} : memref<128xi32, #tpu.memory_space<vmem>>, vector<16xi32>,
        %get3A_91 = arith.constant 32 : index
        %get3A_92 = tpu.vector_load %arg6[%get3A_91] {strides = array<i32>} : memref<128xi32, #tpu.memory_space<vmem>>, vector<16xi32>,
        %get3A_93 = vector.shape_cast %get3A_92 : vector<16xi32> to vector<16xi32>
        %shift_right_logical3A_94 = arith.constant 2 : i32
        %shift_right_logical3A_95 = vector.broadcast %shift_right_logical3A_94 : i32 to vector<16xi32>
        %shift_right_logical3A_96 = arith.shrui %get3A_93, %shift_right_logical3A_95 : vector<16xi32>
        %sub3A_97 = vector.broadcast %mul3A_3 : i32 to vector<16xi32>
        %sub3A_98 = arith.subi %shift_right_logical3A_96, %sub3A_97 : vector<16xi32>
        %lt3A_99 = arith.constant 0 : i32
        %lt3A_100 = vector.broadcast %lt3A_99 : i32 to vector<16xi32>
        %lt3A_101 = arith.cmpi slt, %sub3A_98, %lt3A_100 : vector<16xi32>
        %ge3A_102 = arith.constant 10000 : i32
        %ge3A_103 = vector.broadcast %ge3A_102 : i32 to vector<16xi32>
        %ge3A_104 = arith.cmpi sge, %sub3A_98, %ge3A_103 : vector<16xi32>
        %or3A_105 = arith.ori %lt3A_101, %ge3A_104 : vector<16xi1>
        %jit3A_106 = arith.constant 10002 : i32
        %broadcast_in_dim3A_107 = vector.broadcast %jit3A_106 : i32 to vector<16xi32>
        %select_n3A_108 = arith.select %or3A_105, %broadcast_in_dim3A_107, %sub3A_98 : vector<16xi1>, vector<16xi32>
        %swap3A_109 = arith.constant 32 : index
        %swap3A_110 = tpu.vector_load %arg7[%swap3A_109] {strides = array<i32>} : memref<128xi32, #tpu.memory_space<vmem>>, vector<16xi32>,
        %swap3A_111 = vector.shape_cast %swap3A_110 : vector<16xi32> to vector<16xi32>
        %swap3A_112 = vector.shape_cast %select_n3A_108 : vector<16xi32> to vector<16xi32>
        tpu.vector_store %arg7[%swap3A_109], %swap3A_112 {strides = array<i32>} : memref<128xi32, #tpu.memory_space<vmem>>, vector<16xi32>,
        %get3A_113 = arith.constant 48 : index
        %get3A_114 = tpu.vector_load %arg6[%get3A_113] {strides = array<i32>} : memref<128xi32, #tpu.memory_space<vmem>>, vector<16xi32>,
        %get3A_115 = vector.shape_cast %get3A_114 : vector<16xi32> to vector<16xi32>
        %shift_right_logical3A_116 = arith.constant 2 : i32
        %shift_right_logical3A_117 = vector.broadcast %shift_right_logical3A_116 : i32 to vector<16xi32>
        %shift_right_logical3A_118 = arith.shrui %get3A_115, %shift_right_logical3A_117 : vector<16xi32>
        %sub3A_119 = vector.broadcast %mul3A_3 : i32 to vector<16xi32>
        %sub3A_120 = arith.subi %shift_right_logical3A_118, %sub3A_119 : vector<16xi32>
        %lt3A_121 = arith.constant 0 : i32
        %lt3A_122 = vector.broadcast %lt3A_121 : i32 to vector<16xi32>
        %lt3A_123 = arith.cmpi slt, %sub3A_120, %lt3A_122 : vector<16xi32>
        %ge3A_124 = arith.constant 10000 : i32
        %ge3A_125 = vector.broadcast %ge3A_124 : i32 to vector<16xi32>
        %ge3A_126 = arith.cmpi sge, %sub3A_120, %ge3A_125 : vector<16xi32>
        %or3A_127 = arith.ori %lt3A_123, %ge3A_126 : vector<16xi1>
        %jit3A_128 = arith.constant 10003 : i32
        %broadcast_in_dim3A_129 = vector.broadcast %jit3A_128 : i32 to vector<16xi32>
        %select_n3A_130 = arith.select %or3A_127, %broadcast_in_dim3A_129, %sub3A_120 : vector<16xi1>, vector<16xi32>
        %swap3A_131 = arith.constant 48 : index
        %swap3A_132 = tpu.vector_load %arg7[%swap3A_131] {strides = array<i32>} : memref<128xi32, #tpu.memory_space<vmem>>, vector<16xi32>,
        %swap3A_133 = vector.shape_cast %swap3A_132 : vector<16xi32> to vector<16xi32>
        %swap3A_134 = vector.shape_cast %select_n3A_130 : vector<16xi32> to vector<16xi32>
        tpu.vector_store %arg7[%swap3A_131], %swap3A_134 {strides = array<i32>} : memref<128xi32, #tpu.memory_space<vmem>>, vector<16xi32>,
        %get3A_135 = arith.constant 64 : index
        %get3A_136 = tpu.vector_load %arg6[%get3A_135] {strides = array<i32>} : memref<128xi32, #tpu.memory_space<vmem>>, vector<16xi32>,
        %get3A_137 = vector.shape_cast %get3A_136 : vector<16xi32> to vector<16xi32>
        %shift_right_logical3A_138 = arith.constant 2 : i32
        %shift_right_logical3A_139 = vector.broadcast %shift_right_logical3A_138 : i32 to vector<16xi32>
        %shift_right_logical3A_140 = arith.shrui %get3A_137, %shift_right_logical3A_139 : vector<16xi32>
        %sub3A_141 = vector.broadcast %mul3A_3 : i32 to vector<16xi32>
        %sub3A_142 = arith.subi %shift_right_logical3A_140, %sub3A_141 : vector<16xi32>
        %lt3A_143 = arith.constant 0 : i32
        %lt3A_144 = vector.broadcast %lt3A_143 : i32 to vector<16xi32>
        %lt3A_145 = arith.cmpi slt, %sub3A_142, %lt3A_144 : vector<16xi32>
        %ge3A_146 = arith.constant 10000 : i32
        %ge3A_147 = vector.broadcast %ge3A_146 : i32 to vector<16xi32>
        %ge3A_148 = arith.cmpi sge, %sub3A_142, %ge3A_147 : vector<16xi32>
        %or3A_149 = arith.ori %lt3A_145, %ge3A_148 : vector<16xi1>
        %jit3A_150 = arith.constant 10004 : i32
        %broadcast_in_dim3A_151 = vector.broadcast %jit3A_150 : i32 to vector<16xi32>
        %select_n3A_152 = arith.select %or3A_149, %broadcast_in_dim3A_151, %sub3A_142 : vector<16xi1>, vector<16xi32>
        %swap3A_153 = arith.constant 64 : index
        %swap3A_154 = tpu.vector_load %arg7[%swap3A_153] {strides = array<i32>} : memref<128xi32, #tpu.memory_space<vmem>>, vector<16xi32>,
        %swap3A_155 = vector.shape_cast %swap3A_154 : vector<16xi32> to vector<16xi32>
        %swap3A_156 = vector.shape_cast %select_n3A_152 : vector<16xi32> to vector<16xi32>
        tpu.vector_store %arg7[%swap3A_153], %swap3A_156 {strides = array<i32>} : memref<128xi32, #tpu.memory_space<vmem>>, vector<16xi32>,
        %get3A_157 = arith.constant 80 : index
        %get3A_158 = tpu.vector_load %arg6[%get3A_157] {strides = array<i32>} : memref<128xi32, #tpu.memory_space<vmem>>, vector<16xi32>,
        %get3A_159 = vector.shape_cast %get3A_158 : vector<16xi32> to vector<16xi32>
        %shift_right_logical3A_160 = arith.constant 2 : i32
        %shift_right_logical3A_161 = vector.broadcast %shift_right_logical3A_160 : i32 to vector<16xi32>
        %shift_right_logical3A_162 = arith.shrui %get3A_159, %shift_right_logical3A_161 : vector<16xi32>
        %sub3A_163 = vector.broadcast %mul3A_3 : i32 to vector<16xi32>
        %sub3A_164 = arith.subi %shift_right_logical3A_162, %sub3A_163 : vector<16xi32>
        %lt3A_165 = arith.constant 0 : i32
        %lt3A_166 = vector.broadcast %lt3A_165 : i32 to vector<16xi32>
        %lt3A_167 = arith.cmpi slt, %sub3A_164, %lt3A_166 : vector<16xi32>
        %ge3A_168 = arith.constant 10000 : i32
        %ge3A_169 = vector.broadcast %ge3A_168 : i32 to vector<16xi32>
        %ge3A_170 = arith.cmpi sge, %sub3A_164, %ge3A_169 : vector<16xi32>
        %or3A_171 = arith.ori %lt3A_167, %ge3A_170 : vector<16xi1>
        %jit3A_172 = arith.constant 10005 : i32
        %broadcast_in_dim3A_173 = vector.broadcast %jit3A_172 : i32 to vector<16xi32>
        %select_n3A_174 = arith.select %or3A_171, %broadcast_in_dim3A_173, %sub3A_164 : vector<16xi1>, vector<16xi32>
        %swap3A_175 = arith.constant 80 : index
        %swap3A_176 = tpu.vector_load %arg7[%swap3A_175] {strides = array<i32>} : memref<128xi32, #tpu.memory_space<vmem>>, vector<16xi32>,
        %swap3A_177 = vector.shape_cast %swap3A_176 : vector<16xi32> to vector<16xi32>
        %swap3A_178 = vector.shape_cast %select_n3A_174 : vector<16xi32> to vector<16xi32>
        tpu.vector_store %arg7[%swap3A_175], %swap3A_178 {strides = array<i32>} : memref<128xi32, #tpu.memory_space<vmem>>, vector<16xi32>,
        %get3A_179 = arith.constant 96 : index
        %get3A_180 = tpu.vector_load %arg6[%get3A_179] {strides = array<i32>} : memref<128xi32, #tpu.memory_space<vmem>>, vector<16xi32>,
        %get3A_181 = vector.shape_cast %get3A_180 : vector<16xi32> to vector<16xi32>
        %shift_right_logical3A_182 = arith.constant 2 : i32
        %shift_right_logical3A_183 = vector.broadcast %shift_right_logical3A_182 : i32 to vector<16xi32>
        %shift_right_logical3A_184 = arith.shrui %get3A_181, %shift_right_logical3A_183 : vector<16xi32>
        %sub3A_185 = vector.broadcast %mul3A_3 : i32 to vector<16xi32>
        %sub3A_186 = arith.subi %shift_right_logical3A_184, %sub3A_185 : vector<16xi32>
        %lt3A_187 = arith.constant 0 : i32
        %lt3A_188 = vector.broadcast %lt3A_187 : i32 to vector<16xi32>
        %lt3A_189 = arith.cmpi slt, %sub3A_186, %lt3A_188 : vector<16xi32>
        %ge3A_190 = arith.constant 10000 : i32
        %ge3A_191 = vector.broadcast %ge3A_190 : i32 to vector<16xi32>
        %ge3A_192 = arith.cmpi sge, %sub3A_186, %ge3A_191 : vector<16xi32>
        %or3A_193 = arith.ori %lt3A_189, %ge3A_192 : vector<16xi1>
        %jit3A_194 = arith.constant 10006 : i32
        %broadcast_in_dim3A_195 = vector.broadcast %jit3A_194 : i32 to vector<16xi32>
        %select_n3A_196 = arith.select %or3A_193, %broadcast_in_dim3A_195, %sub3A_186 : vector<16xi1>, vector<16xi32>
        %swap3A_197 = arith.constant 96 : index
        %swap3A_198 = tpu.vector_load %arg7[%swap3A_197] {strides = array<i32>} : memref<128xi32, #tpu.memory_space<vmem>>, vector<16xi32>,
        %swap3A_199 = vector.shape_cast %swap3A_198 : vector<16xi32> to vector<16xi32>
        %swap3A_200 = vector.shape_cast %select_n3A_196 : vector<16xi32> to vector<16xi32>
        tpu.vector_store %arg7[%swap3A_197], %swap3A_200 {strides = array<i32>} : memref<128xi32, #tpu.memory_space<vmem>>, vector<16xi32>,
        %get3A_201 = arith.constant 112 : index
        %get3A_202 = tpu.vector_load %arg6[%get3A_201] {strides = array<i32>} : memref<128xi32, #tpu.memory_space<vmem>>, vector<16xi32>,
        %get3A_203 = vector.shape_cast %get3A_202 : vector<16xi32> to vector<16xi32>
        %shift_right_logical3A_204 = arith.constant 2 : i32
        %shift_right_logical3A_205 = vector.broadcast %shift_right_logical3A_204 : i32 to vector<16xi32>
        %shift_right_logical3A_206 = arith.shrui %get3A_203, %shift_right_logical3A_205 : vector<16xi32>
        %sub3A_207 = vector.broadcast %mul3A_3 : i32 to vector<16xi32>
        %sub3A_208 = arith.subi %shift_right_logical3A_206, %sub3A_207 : vector<16xi32>
        %lt3A_209 = arith.constant 0 : i32
        %lt3A_210 = vector.broadcast %lt3A_209 : i32 to vector<16xi32>
        %lt3A_211 = arith.cmpi slt, %sub3A_208, %lt3A_210 : vector<16xi32>
        %ge3A_212 = arith.constant 10000 : i32
        %ge3A_213 = vector.broadcast %ge3A_212 : i32 to vector<16xi32>
        %ge3A_214 = arith.cmpi sge, %sub3A_208, %ge3A_213 : vector<16xi32>
        %or3A_215 = arith.ori %lt3A_211, %ge3A_214 : vector<16xi1>
        %jit3A_216 = arith.constant 10007 : i32
        %broadcast_in_dim3A_217 = vector.broadcast %jit3A_216 : i32 to vector<16xi32>
        %select_n3A_218 = arith.select %or3A_215, %broadcast_in_dim3A_217, %sub3A_208 : vector<16xi1>, vector<16xi32>
        %swap3A_219 = arith.constant 112 : index
        %swap3A_220 = tpu.vector_load %arg7[%swap3A_219] {strides = array<i32>} : memref<128xi32, #tpu.memory_space<vmem>>, vector<16xi32>,
        %swap3A_221 = vector.shape_cast %swap3A_220 : vector<16xi32> to vector<16xi32>
        %swap3A_222 = vector.shape_cast %select_n3A_218 : vector<16xi32> to vector<16xi32>
        tpu.vector_store %arg7[%swap3A_219], %swap3A_222 {strides = array<i32>} : memref<128xi32, #tpu.memory_space<vmem>>, vector<16xi32>,
        "tpu.region"() ({
          %run_scoped3A = tpu.sem_alloc : memref<!tpu.dma_semaphore, #tpu.memory_space<semaphore_mem>>
          %dma_start3A_223 = arith.constant 0 : i32
          %dma_start3A_224 = arith.constant 0 : i32
          %dma_start3A_225 = tpu.memref_slice %arg9[%dma_start3A_223, %dma_start3A_224] : memref<10112x128xf32, #tpu.memory_space<vmem_shared>> -> memref<10112x128xf32, #tpu.memory_space<vmem_shared>>
          tpu.enqueue_indirect_dma source(%arg8 : memref<128x128xf32, #tpu.memory_space<vmem>>) target(%dma_start3A_225 : memref<10112x128xf32, #tpu.memory_space<vmem_shared>>) offsets(%arg7 : memref<128xi32, #tpu.memory_space<vmem>>) semaphore(%run_scoped3A : memref<!tpu.dma_semaphore, #tpu.memory_space<semaphore_mem>>) {add = true}
          %dma_wait3A_226 = arith.constant 0 : i32
          %dma_wait3A_227 = arith.constant 0 : i32
          %dma_wait3A_228 = tpu.memref_slice %arg9[%dma_wait3A_226, %dma_wait3A_227] : memref<10112x128xf32, #tpu.memory_space<vmem_shared>> -> memref<10112x128xf32, #tpu.memory_space<vmem_shared>>
          tpu.wait_indirect_dma semaphore(%run_scoped3A : memref<!tpu.dma_semaphore, #tpu.memory_space<semaphore_mem>>) src(%arg8 : memref<128x128xf32, #tpu.memory_space<vmem>>) dst(%dma_wait3A_228 : memref<10112x128xf32, #tpu.memory_space<vmem_shared>>)
          tpu.yield
        }) : () -> ()
      } else {
      }
    }
    %scan3A_9 = arith.constant 40 : i32
    %barrier3A_10 = arith.constant 0 : index
    tpu.barrier barrier_id(%barrier3A_10)
    %mul3A_11 = arith.constant 632 : i32
    %mul3A_12 = arith.muli %arg1, %mul3A_11 : i32
    %mul3A_13 = arith.constant 632 : i32
    %mul3A_14 = arith.muli %arg1, %mul3A_13 : i32
    "tpu.region"() ({
      %run_scoped3A = tpu.sem_alloc : memref<!tpu.dma_semaphore, #tpu.memory_space<semaphore_mem>>
      %dma_start3A = arith.constant 0 : i32
      %dma_start3A_36 = tpu.memref_slice %arg5[%add3A_1, %mul3A_14, %dma_start3A] : memref<4x10112x128xf32, #tpu.memory_space<hbm>> -> memref<1x632x128xf32, #tpu.memory_space<hbm>>
      %dma_start3A_37 = tpu.memref_squeeze %dma_start3A_36 : memref<1x632x128xf32, #tpu.memory_space<hbm>> -> memref<632x128xf32, #tpu.memory_space<hbm>>
      %dma_start3A_38 = arith.constant 0 : i32
      %dma_start3A_39 = tpu.memref_slice %arg9[%mul3A_12, %dma_start3A_38] : memref<10112x128xf32, #tpu.memory_space<vmem_shared>> -> memref<632x128xf32, #tpu.memory_space<vmem_shared>>
      tpu.enqueue_dma source(%dma_start3A_39 : memref<632x128xf32, #tpu.memory_space<vmem_shared>>) target(%dma_start3A_37 : memref<632x128xf32, #tpu.memory_space<hbm>>) target_semaphore(%run_scoped3A : memref<!tpu.dma_semaphore, #tpu.memory_space<semaphore_mem>>)
      %dma_wait3A = arith.constant 0 : i32
      %dma_wait3A_40 = tpu.memref_slice %arg5[%add3A_1, %mul3A_14, %dma_wait3A] : memref<4x10112x128xf32, #tpu.memory_space<hbm>> -> memref<1x632x128xf32, #tpu.memory_space<hbm>>
      %dma_wait3A_41 = tpu.memref_squeeze %dma_wait3A_40 : memref<1x632x128xf32, #tpu.memory_space<hbm>> -> memref<632x128xf32, #tpu.memory_space<hbm>>
      %dma_wait3A_42 = arith.constant 0 : i32
      %dma_wait3A_43 = tpu.memref_slice %arg9[%mul3A_12, %dma_wait3A_42] : memref<10112x128xf32, #tpu.memory_space<vmem_shared>> -> memref<632x128xf32, #tpu.memory_space<vmem_shared>>
      tpu.wait_dma2 semaphore(%run_scoped3A : memref<!tpu.dma_semaphore, #tpu.memory_space<semaphore_mem>>) src(%dma_wait3A_43 : memref<632x128xf32, #tpu.memory_space<vmem_shared>>) dst(%dma_wait3A_41 : memref<632x128xf32, #tpu.memory_space<hbm>>)
      tpu.yield
    }) : () -> ()
    %barrier3A_15 = arith.constant 0 : index
    tpu.barrier barrier_id(%barrier3A_15)
    %mul3A_16 = arith.constant 2 : i32
    %mul3A_17 = arith.muli %arg0, %mul3A_16 : i32
    %add3A_18 = arith.constant 1 : i32
    %add3A_19 = arith.addi %mul3A_17, %add3A_18 : i32
    %mul3A_20 = arith.constant 10000 : i32
    %mul3A_21 = arith.muli %add3A_19, %mul3A_20 : i32
    %mul3A_22 = arith.constant 632 : i32
    %mul3A_23 = arith.muli %arg1, %mul3A_22 : i32
    "tpu.region"() ({
      %run_scoped3A = tpu.sem_alloc : memref<!tpu.dma_semaphore, #tpu.memory_space<semaphore_mem>>
      %dma_start3A = arith.constant 0 : i32
      %dma_start3A_36 = tpu.memref_slice %arg9[%mul3A_23, %dma_start3A] : memref<10112x128xf32, #tpu.memory_space<vmem_shared>> -> memref<632x128xf32, #tpu.memory_space<vmem_shared>>
      tpu.enqueue_dma source(%arg4 : memref<632x128xf32, #tpu.memory_space<hbm>>) target(%dma_start3A_36 : memref<632x128xf32, #tpu.memory_space<vmem_shared>>) target_semaphore(%run_scoped3A : memref<!tpu.dma_semaphore, #tpu.memory_space<semaphore_mem>>)
      %dma_wait3A = arith.constant 0 : i32
      %dma_wait3A_37 = tpu.memref_slice %arg9[%mul3A_23, %dma_wait3A] : memref<10112x128xf32, #tpu.memory_space<vmem_shared>> -> memref<632x128xf32, #tpu.memory_space<vmem_shared>>
      tpu.wait_dma2 semaphore(%run_scoped3A : memref<!tpu.dma_semaphore, #tpu.memory_space<semaphore_mem>>) src(%arg4 : memref<632x128xf32, #tpu.memory_space<hbm>>) dst(%dma_wait3A_37 : memref<632x128xf32, #tpu.memory_space<vmem_shared>>)
      tpu.yield
    }) : () -> ()
    %barrier3A_24 = arith.constant 0 : index
    tpu.barrier barrier_id(%barrier3A_24)
    %scan3A_25 = arith.constant 0 : i32
    %scan3A_26 = arith.constant 40 : i32
    %scan3A_27 = arith.addi %scan3A_25, %scan3A_26 : i32
    %scan3A_28 = arith.constant 1 : i32
    scf.for %scan3A_36 = %scan3A_25 to %scan3A_27 step %scan3A_28  : i32 {
      %mul3A_37 = arith.constant 16 : i32
      %mul3A_38 = arith.muli %scan3A_36, %mul3A_37 : i32
      %add3A_39 = arith.addi %mul3A_38, %arg1 : i32
      %lt3A = arith.constant 625 : i32
      %lt3A_40 = arith.cmpi slt, %add3A_39, %lt3A : i32
      %convert_element_type3A = arith.extui %lt3A_40 : i1 to i32
      %cond3A = arith.constant 0 : i32
      %cond3A_41 = arith.cmpi ne, %convert_element_type3A, %cond3A : i32
      scf.if %cond3A_41 {
        %mul3A_42 = arith.constant 128 : i32
        %mul3A_43 = arith.muli %add3A_39, %mul3A_42 : i32
        %add3A_44 = arith.constant 80000 : i32
        %add3A_45 = arith.addi %add3A_44, %mul3A_43 : i32
        %dma_start3A = tpu.memref_slice %arg3[%add3A_45] : memref<160000xi32, #tpu.memory_space<hbm>> -> memref<128xi32, #tpu.memory_space<hbm>>
        %dma_start3A_46 = tpu.memref_slice %arg3[%add3A_45] : memref<160000xi32, #tpu.memory_space<hbm>> -> memref<128xi32, #tpu.memory_space<hbm>>
        tpu.enqueue_dma source(%dma_start3A_46 : memref<128xi32, #tpu.memory_space<hbm>>) target(%arg6 : memref<128xi32, #tpu.memory_space<vmem>>) target_semaphore(%arg10 : memref<!tpu.dma_semaphore, #tpu.memory_space<semaphore_mem>>)
        %dma_start3A_47 = arith.constant 0 : i32
        %dma_start3A_48 = tpu.memref_slice %arg2[%mul3A_43, %dma_start3A_47] : memref<80000x128xf32, #tpu.memory_space<hbm>> -> memref<128x128xf32, #tpu.memory_space<hbm>>
        %dma_start3A_49 = arith.constant 0 : i32
        %dma_start3A_50 = tpu.memref_slice %arg2[%mul3A_43, %dma_start3A_49] : memref<80000x128xf32, #tpu.memory_space<hbm>> -> memref<128x128xf32, #tpu.memory_space<hbm>>
        tpu.enqueue_dma source(%dma_start3A_50 : memref<128x128xf32, #tpu.memory_space<hbm>>) target(%arg8 : memref<128x128xf32, #tpu.memory_space<vmem>>) target_semaphore(%arg10 : memref<!tpu.dma_semaphore, #tpu.memory_space<semaphore_mem>>)
        %dma_wait3A = tpu.memref_slice %arg3[%add3A_45] : memref<160000xi32, #tpu.memory_space<hbm>> -> memref<128xi32, #tpu.memory_space<hbm>>
        %dma_wait3A_51 = tpu.memref_slice %arg3[%add3A_45] : memref<160000xi32, #tpu.memory_space<hbm>> -> memref<128xi32, #tpu.memory_space<hbm>>
        tpu.wait_dma2 semaphore(%arg10 : memref<!tpu.dma_semaphore, #tpu.memory_space<semaphore_mem>>) src(%dma_wait3A_51 : memref<128xi32, #tpu.memory_space<hbm>>) dst(%arg6 : memref<128xi32, #tpu.memory_space<vmem>>)
        %dma_wait3A_52 = arith.constant 0 : i32
        %dma_wait3A_53 = tpu.memref_slice %arg2[%mul3A_43, %dma_wait3A_52] : memref<80000x128xf32, #tpu.memory_space<hbm>> -> memref<128x128xf32, #tpu.memory_space<hbm>>
        %dma_wait3A_54 = arith.constant 0 : i32
        %dma_wait3A_55 = tpu.memref_slice %arg2[%mul3A_43, %dma_wait3A_54] : memref<80000x128xf32, #tpu.memory_space<hbm>> -> memref<128x128xf32, #tpu.memory_space<hbm>>
        tpu.wait_dma2 semaphore(%arg10 : memref<!tpu.dma_semaphore, #tpu.memory_space<semaphore_mem>>) src(%dma_wait3A_55 : memref<128x128xf32, #tpu.memory_space<hbm>>) dst(%arg8 : memref<128x128xf32, #tpu.memory_space<vmem>>)
        %get3A = arith.constant 0 : index
        %get3A_56 = tpu.vector_load %arg6[%get3A] {strides = array<i32>} : memref<128xi32, #tpu.memory_space<vmem>>, vector<16xi32>,
        %get3A_57 = vector.shape_cast %get3A_56 : vector<16xi32> to vector<16xi32>
        %shift_right_logical3A = arith.constant 2 : i32
        %shift_right_logical3A_58 = vector.broadcast %shift_right_logical3A : i32 to vector<16xi32>
        %shift_right_logical3A_59 = arith.shrui %get3A_57, %shift_right_logical3A_58 : vector<16xi32>
        %sub3A = vector.broadcast %mul3A_21 : i32 to vector<16xi32>
        %sub3A_60 = arith.subi %shift_right_logical3A_59, %sub3A : vector<16xi32>
        %lt3A_61 = arith.constant 0 : i32
        %lt3A_62 = vector.broadcast %lt3A_61 : i32 to vector<16xi32>
        %lt3A_63 = arith.cmpi slt, %sub3A_60, %lt3A_62 : vector<16xi32>
        %ge3A = arith.constant 10000 : i32
        %ge3A_64 = vector.broadcast %ge3A : i32 to vector<16xi32>
        %ge3A_65 = arith.cmpi sge, %sub3A_60, %ge3A_64 : vector<16xi32>
        %or3A = arith.ori %lt3A_63, %ge3A_65 : vector<16xi1>
        %jit3A = arith.constant 10000 : i32
        %broadcast_in_dim3A = vector.broadcast %jit3A : i32 to vector<16xi32>
        %select_n3A = arith.select %or3A, %broadcast_in_dim3A, %sub3A_60 : vector<16xi1>, vector<16xi32>
        %swap3A = arith.constant 0 : index
        %swap3A_66 = tpu.vector_load %arg7[%swap3A] {strides = array<i32>} : memref<128xi32, #tpu.memory_space<vmem>>, vector<16xi32>,
        %swap3A_67 = vector.shape_cast %swap3A_66 : vector<16xi32> to vector<16xi32>
        %swap3A_68 = vector.shape_cast %select_n3A : vector<16xi32> to vector<16xi32>
        tpu.vector_store %arg7[%swap3A], %swap3A_68 {strides = array<i32>} : memref<128xi32, #tpu.memory_space<vmem>>, vector<16xi32>,
        %get3A_69 = arith.constant 16 : index
        %get3A_70 = tpu.vector_load %arg6[%get3A_69] {strides = array<i32>} : memref<128xi32, #tpu.memory_space<vmem>>, vector<16xi32>,
        %get3A_71 = vector.shape_cast %get3A_70 : vector<16xi32> to vector<16xi32>
        %shift_right_logical3A_72 = arith.constant 2 : i32
        %shift_right_logical3A_73 = vector.broadcast %shift_right_logical3A_72 : i32 to vector<16xi32>
        %shift_right_logical3A_74 = arith.shrui %get3A_71, %shift_right_logical3A_73 : vector<16xi32>
        %sub3A_75 = vector.broadcast %mul3A_21 : i32 to vector<16xi32>
        %sub3A_76 = arith.subi %shift_right_logical3A_74, %sub3A_75 : vector<16xi32>
        %lt3A_77 = arith.constant 0 : i32
        %lt3A_78 = vector.broadcast %lt3A_77 : i32 to vector<16xi32>
        %lt3A_79 = arith.cmpi slt, %sub3A_76, %lt3A_78 : vector<16xi32>
        %ge3A_80 = arith.constant 10000 : i32
        %ge3A_81 = vector.broadcast %ge3A_80 : i32 to vector<16xi32>
        %ge3A_82 = arith.cmpi sge, %sub3A_76, %ge3A_81 : vector<16xi32>
        %or3A_83 = arith.ori %lt3A_79, %ge3A_82 : vector<16xi1>
        %jit3A_84 = arith.constant 10001 : i32
        %broadcast_in_dim3A_85 = vector.broadcast %jit3A_84 : i32 to vector<16xi32>
        %select_n3A_86 = arith.select %or3A_83, %broadcast_in_dim3A_85, %sub3A_76 : vector<16xi1>, vector<16xi32>
        %swap3A_87 = arith.constant 16 : index
        %swap3A_88 = tpu.vector_load %arg7[%swap3A_87] {strides = array<i32>} : memref<128xi32, #tpu.memory_space<vmem>>, vector<16xi32>,
        %swap3A_89 = vector.shape_cast %swap3A_88 : vector<16xi32> to vector<16xi32>
        %swap3A_90 = vector.shape_cast %select_n3A_86 : vector<16xi32> to vector<16xi32>
        tpu.vector_store %arg7[%swap3A_87], %swap3A_90 {strides = array<i32>} : memref<128xi32, #tpu.memory_space<vmem>>, vector<16xi32>,
        %get3A_91 = arith.constant 32 : index
        %get3A_92 = tpu.vector_load %arg6[%get3A_91] {strides = array<i32>} : memref<128xi32, #tpu.memory_space<vmem>>, vector<16xi32>,
        %get3A_93 = vector.shape_cast %get3A_92 : vector<16xi32> to vector<16xi32>
        %shift_right_logical3A_94 = arith.constant 2 : i32
        %shift_right_logical3A_95 = vector.broadcast %shift_right_logical3A_94 : i32 to vector<16xi32>
        %shift_right_logical3A_96 = arith.shrui %get3A_93, %shift_right_logical3A_95 : vector<16xi32>
        %sub3A_97 = vector.broadcast %mul3A_21 : i32 to vector<16xi32>
        %sub3A_98 = arith.subi %shift_right_logical3A_96, %sub3A_97 : vector<16xi32>
        %lt3A_99 = arith.constant 0 : i32
        %lt3A_100 = vector.broadcast %lt3A_99 : i32 to vector<16xi32>
        %lt3A_101 = arith.cmpi slt, %sub3A_98, %lt3A_100 : vector<16xi32>
        %ge3A_102 = arith.constant 10000 : i32
        %ge3A_103 = vector.broadcast %ge3A_102 : i32 to vector<16xi32>
        %ge3A_104 = arith.cmpi sge, %sub3A_98, %ge3A_103 : vector<16xi32>
        %or3A_105 = arith.ori %lt3A_101, %ge3A_104 : vector<16xi1>
        %jit3A_106 = arith.constant 10002 : i32
        %broadcast_in_dim3A_107 = vector.broadcast %jit3A_106 : i32 to vector<16xi32>
        %select_n3A_108 = arith.select %or3A_105, %broadcast_in_dim3A_107, %sub3A_98 : vector<16xi1>, vector<16xi32>
        %swap3A_109 = arith.constant 32 : index
        %swap3A_110 = tpu.vector_load %arg7[%swap3A_109] {strides = array<i32>} : memref<128xi32, #tpu.memory_space<vmem>>, vector<16xi32>,
        %swap3A_111 = vector.shape_cast %swap3A_110 : vector<16xi32> to vector<16xi32>
        %swap3A_112 = vector.shape_cast %select_n3A_108 : vector<16xi32> to vector<16xi32>
        tpu.vector_store %arg7[%swap3A_109], %swap3A_112 {strides = array<i32>} : memref<128xi32, #tpu.memory_space<vmem>>, vector<16xi32>,
        %get3A_113 = arith.constant 48 : index
        %get3A_114 = tpu.vector_load %arg6[%get3A_113] {strides = array<i32>} : memref<128xi32, #tpu.memory_space<vmem>>, vector<16xi32>,
        %get3A_115 = vector.shape_cast %get3A_114 : vector<16xi32> to vector<16xi32>
        %shift_right_logical3A_116 = arith.constant 2 : i32
        %shift_right_logical3A_117 = vector.broadcast %shift_right_logical3A_116 : i32 to vector<16xi32>
        %shift_right_logical3A_118 = arith.shrui %get3A_115, %shift_right_logical3A_117 : vector<16xi32>
        %sub3A_119 = vector.broadcast %mul3A_21 : i32 to vector<16xi32>
        %sub3A_120 = arith.subi %shift_right_logical3A_118, %sub3A_119 : vector<16xi32>
        %lt3A_121 = arith.constant 0 : i32
        %lt3A_122 = vector.broadcast %lt3A_121 : i32 to vector<16xi32>
        %lt3A_123 = arith.cmpi slt, %sub3A_120, %lt3A_122 : vector<16xi32>
        %ge3A_124 = arith.constant 10000 : i32
        %ge3A_125 = vector.broadcast %ge3A_124 : i32 to vector<16xi32>
        %ge3A_126 = arith.cmpi sge, %sub3A_120, %ge3A_125 : vector<16xi32>
        %or3A_127 = arith.ori %lt3A_123, %ge3A_126 : vector<16xi1>
        %jit3A_128 = arith.constant 10003 : i32
        %broadcast_in_dim3A_129 = vector.broadcast %jit3A_128 : i32 to vector<16xi32>
        %select_n3A_130 = arith.select %or3A_127, %broadcast_in_dim3A_129, %sub3A_120 : vector<16xi1>, vector<16xi32>
        %swap3A_131 = arith.constant 48 : index
        %swap3A_132 = tpu.vector_load %arg7[%swap3A_131] {strides = array<i32>} : memref<128xi32, #tpu.memory_space<vmem>>, vector<16xi32>,
        %swap3A_133 = vector.shape_cast %swap3A_132 : vector<16xi32> to vector<16xi32>
        %swap3A_134 = vector.shape_cast %select_n3A_130 : vector<16xi32> to vector<16xi32>
        tpu.vector_store %arg7[%swap3A_131], %swap3A_134 {strides = array<i32>} : memref<128xi32, #tpu.memory_space<vmem>>, vector<16xi32>,
        %get3A_135 = arith.constant 64 : index
        %get3A_136 = tpu.vector_load %arg6[%get3A_135] {strides = array<i32>} : memref<128xi32, #tpu.memory_space<vmem>>, vector<16xi32>,
        %get3A_137 = vector.shape_cast %get3A_136 : vector<16xi32> to vector<16xi32>
        %shift_right_logical3A_138 = arith.constant 2 : i32
        %shift_right_logical3A_139 = vector.broadcast %shift_right_logical3A_138 : i32 to vector<16xi32>
        %shift_right_logical3A_140 = arith.shrui %get3A_137, %shift_right_logical3A_139 : vector<16xi32>
        %sub3A_141 = vector.broadcast %mul3A_21 : i32 to vector<16xi32>
        %sub3A_142 = arith.subi %shift_right_logical3A_140, %sub3A_141 : vector<16xi32>
        %lt3A_143 = arith.constant 0 : i32
        %lt3A_144 = vector.broadcast %lt3A_143 : i32 to vector<16xi32>
        %lt3A_145 = arith.cmpi slt, %sub3A_142, %lt3A_144 : vector<16xi32>
        %ge3A_146 = arith.constant 10000 : i32
        %ge3A_147 = vector.broadcast %ge3A_146 : i32 to vector<16xi32>
        %ge3A_148 = arith.cmpi sge, %sub3A_142, %ge3A_147 : vector<16xi32>
        %or3A_149 = arith.ori %lt3A_145, %ge3A_148 : vector<16xi1>
        %jit3A_150 = arith.constant 10004 : i32
        %broadcast_in_dim3A_151 = vector.broadcast %jit3A_150 : i32 to vector<16xi32>
        %select_n3A_152 = arith.select %or3A_149, %broadcast_in_dim3A_151, %sub3A_142 : vector<16xi1>, vector<16xi32>
        %swap3A_153 = arith.constant 64 : index
        %swap3A_154 = tpu.vector_load %arg7[%swap3A_153] {strides = array<i32>} : memref<128xi32, #tpu.memory_space<vmem>>, vector<16xi32>,
        %swap3A_155 = vector.shape_cast %swap3A_154 : vector<16xi32> to vector<16xi32>
        %swap3A_156 = vector.shape_cast %select_n3A_152 : vector<16xi32> to vector<16xi32>
        tpu.vector_store %arg7[%swap3A_153], %swap3A_156 {strides = array<i32>} : memref<128xi32, #tpu.memory_space<vmem>>, vector<16xi32>,
        %get3A_157 = arith.constant 80 : index
        %get3A_158 = tpu.vector_load %arg6[%get3A_157] {strides = array<i32>} : memref<128xi32, #tpu.memory_space<vmem>>, vector<16xi32>,
        %get3A_159 = vector.shape_cast %get3A_158 : vector<16xi32> to vector<16xi32>
        %shift_right_logical3A_160 = arith.constant 2 : i32
        %shift_right_logical3A_161 = vector.broadcast %shift_right_logical3A_160 : i32 to vector<16xi32>
        %shift_right_logical3A_162 = arith.shrui %get3A_159, %shift_right_logical3A_161 : vector<16xi32>
        %sub3A_163 = vector.broadcast %mul3A_21 : i32 to vector<16xi32>
        %sub3A_164 = arith.subi %shift_right_logical3A_162, %sub3A_163 : vector<16xi32>
        %lt3A_165 = arith.constant 0 : i32
        %lt3A_166 = vector.broadcast %lt3A_165 : i32 to vector<16xi32>
        %lt3A_167 = arith.cmpi slt, %sub3A_164, %lt3A_166 : vector<16xi32>
        %ge3A_168 = arith.constant 10000 : i32
        %ge3A_169 = vector.broadcast %ge3A_168 : i32 to vector<16xi32>
        %ge3A_170 = arith.cmpi sge, %sub3A_164, %ge3A_169 : vector<16xi32>
        %or3A_171 = arith.ori %lt3A_167, %ge3A_170 : vector<16xi1>
        %jit3A_172 = arith.constant 10005 : i32
        %broadcast_in_dim3A_173 = vector.broadcast %jit3A_172 : i32 to vector<16xi32>
        %select_n3A_174 = arith.select %or3A_171, %broadcast_in_dim3A_173, %sub3A_164 : vector<16xi1>, vector<16xi32>
        %swap3A_175 = arith.constant 80 : index
        %swap3A_176 = tpu.vector_load %arg7[%swap3A_175] {strides = array<i32>} : memref<128xi32, #tpu.memory_space<vmem>>, vector<16xi32>,
        %swap3A_177 = vector.shape_cast %swap3A_176 : vector<16xi32> to vector<16xi32>
        %swap3A_178 = vector.shape_cast %select_n3A_174 : vector<16xi32> to vector<16xi32>
        tpu.vector_store %arg7[%swap3A_175], %swap3A_178 {strides = array<i32>} : memref<128xi32, #tpu.memory_space<vmem>>, vector<16xi32>,
        %get3A_179 = arith.constant 96 : index
        %get3A_180 = tpu.vector_load %arg6[%get3A_179] {strides = array<i32>} : memref<128xi32, #tpu.memory_space<vmem>>, vector<16xi32>,
        %get3A_181 = vector.shape_cast %get3A_180 : vector<16xi32> to vector<16xi32>
        %shift_right_logical3A_182 = arith.constant 2 : i32
        %shift_right_logical3A_183 = vector.broadcast %shift_right_logical3A_182 : i32 to vector<16xi32>
        %shift_right_logical3A_184 = arith.shrui %get3A_181, %shift_right_logical3A_183 : vector<16xi32>
        %sub3A_185 = vector.broadcast %mul3A_21 : i32 to vector<16xi32>
        %sub3A_186 = arith.subi %shift_right_logical3A_184, %sub3A_185 : vector<16xi32>
        %lt3A_187 = arith.constant 0 : i32
        %lt3A_188 = vector.broadcast %lt3A_187 : i32 to vector<16xi32>
        %lt3A_189 = arith.cmpi slt, %sub3A_186, %lt3A_188 : vector<16xi32>
        %ge3A_190 = arith.constant 10000 : i32
        %ge3A_191 = vector.broadcast %ge3A_190 : i32 to vector<16xi32>
        %ge3A_192 = arith.cmpi sge, %sub3A_186, %ge3A_191 : vector<16xi32>
        %or3A_193 = arith.ori %lt3A_189, %ge3A_192 : vector<16xi1>
        %jit3A_194 = arith.constant 10006 : i32
        %broadcast_in_dim3A_195 = vector.broadcast %jit3A_194 : i32 to vector<16xi32>
        %select_n3A_196 = arith.select %or3A_193, %broadcast_in_dim3A_195, %sub3A_186 : vector<16xi1>, vector<16xi32>
        %swap3A_197 = arith.constant 96 : index
        %swap3A_198 = tpu.vector_load %arg7[%swap3A_197] {strides = array<i32>} : memref<128xi32, #tpu.memory_space<vmem>>, vector<16xi32>,
        %swap3A_199 = vector.shape_cast %swap3A_198 : vector<16xi32> to vector<16xi32>
        %swap3A_200 = vector.shape_cast %select_n3A_196 : vector<16xi32> to vector<16xi32>
        tpu.vector_store %arg7[%swap3A_197], %swap3A_200 {strides = array<i32>} : memref<128xi32, #tpu.memory_space<vmem>>, vector<16xi32>,
        %get3A_201 = arith.constant 112 : index
        %get3A_202 = tpu.vector_load %arg6[%get3A_201] {strides = array<i32>} : memref<128xi32, #tpu.memory_space<vmem>>, vector<16xi32>,
        %get3A_203 = vector.shape_cast %get3A_202 : vector<16xi32> to vector<16xi32>
        %shift_right_logical3A_204 = arith.constant 2 : i32
        %shift_right_logical3A_205 = vector.broadcast %shift_right_logical3A_204 : i32 to vector<16xi32>
        %shift_right_logical3A_206 = arith.shrui %get3A_203, %shift_right_logical3A_205 : vector<16xi32>
        %sub3A_207 = vector.broadcast %mul3A_21 : i32 to vector<16xi32>
        %sub3A_208 = arith.subi %shift_right_logical3A_206, %sub3A_207 : vector<16xi32>
        %lt3A_209 = arith.constant 0 : i32
        %lt3A_210 = vector.broadcast %lt3A_209 : i32 to vector<16xi32>
        %lt3A_211 = arith.cmpi slt, %sub3A_208, %lt3A_210 : vector<16xi32>
        %ge3A_212 = arith.constant 10000 : i32
        %ge3A_213 = vector.broadcast %ge3A_212 : i32 to vector<16xi32>
        %ge3A_214 = arith.cmpi sge, %sub3A_208, %ge3A_213 : vector<16xi32>
        %or3A_215 = arith.ori %lt3A_211, %ge3A_214 : vector<16xi1>
        %jit3A_216 = arith.constant 10007 : i32
        %broadcast_in_dim3A_217 = vector.broadcast %jit3A_216 : i32 to vector<16xi32>
        %select_n3A_218 = arith.select %or3A_215, %broadcast_in_dim3A_217, %sub3A_208 : vector<16xi1>, vector<16xi32>
        %swap3A_219 = arith.constant 112 : index
        %swap3A_220 = tpu.vector_load %arg7[%swap3A_219] {strides = array<i32>} : memref<128xi32, #tpu.memory_space<vmem>>, vector<16xi32>,
        %swap3A_221 = vector.shape_cast %swap3A_220 : vector<16xi32> to vector<16xi32>
        %swap3A_222 = vector.shape_cast %select_n3A_218 : vector<16xi32> to vector<16xi32>
        tpu.vector_store %arg7[%swap3A_219], %swap3A_222 {strides = array<i32>} : memref<128xi32, #tpu.memory_space<vmem>>, vector<16xi32>,
        "tpu.region"() ({
          %run_scoped3A = tpu.sem_alloc : memref<!tpu.dma_semaphore, #tpu.memory_space<semaphore_mem>>
          %dma_start3A_223 = arith.constant 0 : i32
          %dma_start3A_224 = arith.constant 0 : i32
          %dma_start3A_225 = tpu.memref_slice %arg9[%dma_start3A_223, %dma_start3A_224] : memref<10112x128xf32, #tpu.memory_space<vmem_shared>> -> memref<10112x128xf32, #tpu.memory_space<vmem_shared>>
          tpu.enqueue_indirect_dma source(%arg8 : memref<128x128xf32, #tpu.memory_space<vmem>>) target(%dma_start3A_225 : memref<10112x128xf32, #tpu.memory_space<vmem_shared>>) offsets(%arg7 : memref<128xi32, #tpu.memory_space<vmem>>) semaphore(%run_scoped3A : memref<!tpu.dma_semaphore, #tpu.memory_space<semaphore_mem>>) {add = true}
          %dma_wait3A_226 = arith.constant 0 : i32
          %dma_wait3A_227 = arith.constant 0 : i32
          %dma_wait3A_228 = tpu.memref_slice %arg9[%dma_wait3A_226, %dma_wait3A_227] : memref<10112x128xf32, #tpu.memory_space<vmem_shared>> -> memref<10112x128xf32, #tpu.memory_space<vmem_shared>>
          tpu.wait_indirect_dma semaphore(%run_scoped3A : memref<!tpu.dma_semaphore, #tpu.memory_space<semaphore_mem>>) src(%arg8 : memref<128x128xf32, #tpu.memory_space<vmem>>) dst(%dma_wait3A_228 : memref<10112x128xf32, #tpu.memory_space<vmem_shared>>)
          tpu.yield
        }) : () -> ()
      } else {
      }
    }
    %scan3A_29 = arith.constant 40 : i32
    %barrier3A_30 = arith.constant 0 : index
    tpu.barrier barrier_id(%barrier3A_30)
    %mul3A_31 = arith.constant 632 : i32
    %mul3A_32 = arith.muli %arg1, %mul3A_31 : i32
    %mul3A_33 = arith.constant 632 : i32
    %mul3A_34 = arith.muli %arg1, %mul3A_33 : i32
    "tpu.region"() ({
      %run_scoped3A = tpu.sem_alloc : memref<!tpu.dma_semaphore, #tpu.memory_space<semaphore_mem>>
      %dma_start3A = arith.constant 0 : i32
      %dma_start3A_36 = tpu.memref_slice %arg5[%add3A_19, %mul3A_34, %dma_start3A] : memref<4x10112x128xf32, #tpu.memory_space<hbm>> -> memref<1x632x128xf32, #tpu.memory_space<hbm>>
      %dma_start3A_37 = tpu.memref_squeeze %dma_start3A_36 : memref<1x632x128xf32, #tpu.memory_space<hbm>> -> memref<632x128xf32, #tpu.memory_space<hbm>>
      %dma_start3A_38 = arith.constant 0 : i32
      %dma_start3A_39 = tpu.memref_slice %arg9[%mul3A_32, %dma_start3A_38] : memref<10112x128xf32, #tpu.memory_space<vmem_shared>> -> memref<632x128xf32, #tpu.memory_space<vmem_shared>>
      tpu.enqueue_dma source(%dma_start3A_39 : memref<632x128xf32, #tpu.memory_space<vmem_shared>>) target(%dma_start3A_37 : memref<632x128xf32, #tpu.memory_space<hbm>>) target_semaphore(%run_scoped3A : memref<!tpu.dma_semaphore, #tpu.memory_space<semaphore_mem>>)
      %dma_wait3A = arith.constant 0 : i32
      %dma_wait3A_40 = tpu.memref_slice %arg5[%add3A_19, %mul3A_34, %dma_wait3A] : memref<4x10112x128xf32, #tpu.memory_space<hbm>> -> memref<1x632x128xf32, #tpu.memory_space<hbm>>
      %dma_wait3A_41 = tpu.memref_squeeze %dma_wait3A_40 : memref<1x632x128xf32, #tpu.memory_space<hbm>> -> memref<632x128xf32, #tpu.memory_space<hbm>>
      %dma_wait3A_42 = arith.constant 0 : i32
      %dma_wait3A_43 = tpu.memref_slice %arg9[%mul3A_32, %dma_wait3A_42] : memref<10112x128xf32, #tpu.memory_space<vmem_shared>> -> memref<632x128xf32, #tpu.memory_space<vmem_shared>>
      tpu.wait_dma2 semaphore(%run_scoped3A : memref<!tpu.dma_semaphore, #tpu.memory_space<semaphore_mem>>) src(%dma_wait3A_43 : memref<632x128xf32, #tpu.memory_space<vmem_shared>>) dst(%dma_wait3A_41 : memref<632x128xf32, #tpu.memory_space<hbm>>)
      tpu.yield
    }) : () -> ()
    %barrier3A_35 = arith.constant 0 : index
    tpu.barrier barrier_id(%barrier3A_35)
    return
  }
}

#map = affine_map<(d0, d1) -> (0, 0)>
#map1 = affine_map<(d0, d1) -> (0)>
#map2 = affine_map<(d0, d1) -> (0, 0, 0)>
module attributes {stable_mosaic.version = 14 : i64} {
  func.func @body(%arg0: i32, %arg1: i32, %arg2: memref<80000x128xf32, #tpu.memory_space<hbm>>, %arg3: memref<160000xi32, #tpu.memory_space<hbm>>, %arg4: memref<632x128xf32, #tpu.memory_space<hbm>>, %arg5: memref<2x10112x128xf32, #tpu.memory_space<hbm>>, %arg6: memref<128xi32, #tpu.memory_space<vmem>>, %arg7: memref<128x128xf32, #tpu.memory_space<vmem>>, %arg8: memref<10112x128xf32, #tpu.memory_space<vmem_shared>>, %arg9: memref<!tpu.dma_semaphore, #tpu.memory_space<semaphore_mem>>) attributes {dimension_semantics = [#tpu.dimension_semantics<core_parallel>, #tpu.dimension_semantics<subcore_parallel>], iteration_bounds = array<i64: 2, 16>, scalar_prefetch = 0 : i64, scratch_operands = 4 : i64, tpu.core_type = #tpu.core_type<sc_vector_subcore>, window_params = [{transform_indices = #map}, {transform_indices = #map1}, {transform_indices = #map}, {transform_indices = #map2}]} {
    %mul3A = arith.constant 2 : i32
    %mul3A_0 = arith.muli %arg1, %mul3A : i32
    %add3A = arith.addi %mul3A_0, %arg0 : i32
    %mul3A_1 = arith.constant 632 : i32
    %mul3A_2 = arith.muli %arg1, %mul3A_1 : i32
    "tpu.region"() ({
      %run_scoped3A = tpu.sem_alloc : memref<!tpu.dma_semaphore, #tpu.memory_space<semaphore_mem>>
      %dma_start3A = arith.constant 0 : i32
      %dma_start3A_12 = tpu.memref_slice %arg8[%mul3A_2, %dma_start3A] : memref<10112x128xf32, #tpu.memory_space<vmem_shared>> -> memref<632x128xf32, #tpu.memory_space<vmem_shared>>
      tpu.enqueue_dma source(%arg4 : memref<632x128xf32, #tpu.memory_space<hbm>>) target(%dma_start3A_12 : memref<632x128xf32, #tpu.memory_space<vmem_shared>>) target_semaphore(%run_scoped3A : memref<!tpu.dma_semaphore, #tpu.memory_space<semaphore_mem>>)
      %dma_wait3A = arith.constant 0 : i32
      %dma_wait3A_13 = tpu.memref_slice %arg8[%mul3A_2, %dma_wait3A] : memref<10112x128xf32, #tpu.memory_space<vmem_shared>> -> memref<632x128xf32, #tpu.memory_space<vmem_shared>>
      tpu.wait_dma2 semaphore(%run_scoped3A : memref<!tpu.dma_semaphore, #tpu.memory_space<semaphore_mem>>) src(%arg4 : memref<632x128xf32, #tpu.memory_space<hbm>>) dst(%dma_wait3A_13 : memref<632x128xf32, #tpu.memory_space<vmem_shared>>)
      tpu.yield
    }) : () -> ()
    %barrier3A = arith.constant 0 : index
    tpu.barrier barrier_id(%barrier3A)
    %scan3A = arith.constant 0 : i32
    %scan3A_3 = arith.constant 20 : i32
    %scan3A_4 = arith.addi %scan3A, %scan3A_3 : i32
    %scan3A_5 = arith.constant 1 : i32
    scf.for %scan3A_12 = %scan3A to %scan3A_4 step %scan3A_5  : i32 {
      %mul3A_13 = arith.constant 32 : i32
      %mul3A_14 = arith.muli %scan3A_12, %mul3A_13 : i32
      %add3A_15 = arith.addi %mul3A_14, %add3A : i32
      %lt3A = arith.constant 625 : i32
      %lt3A_16 = arith.cmpi slt, %add3A_15, %lt3A : i32
      %convert_element_type3A = arith.extui %lt3A_16 : i1 to i32
      %cond3A = arith.constant 0 : i32
      %cond3A_17 = arith.cmpi ne, %convert_element_type3A, %cond3A : i32
      scf.if %cond3A_17 {
        %mul3A_18 = arith.constant 128 : i32
        %mul3A_19 = arith.muli %add3A_15, %mul3A_18 : i32
        %add3A_20 = arith.constant 80000 : i32
        %add3A_21 = arith.addi %add3A_20, %mul3A_19 : i32
        %dma_start3A = tpu.memref_slice %arg3[%add3A_21] : memref<160000xi32, #tpu.memory_space<hbm>> -> memref<128xi32, #tpu.memory_space<hbm>>
        %dma_start3A_22 = tpu.memref_slice %arg3[%add3A_21] : memref<160000xi32, #tpu.memory_space<hbm>> -> memref<128xi32, #tpu.memory_space<hbm>>
        tpu.enqueue_dma source(%dma_start3A_22 : memref<128xi32, #tpu.memory_space<hbm>>) target(%arg6 : memref<128xi32, #tpu.memory_space<vmem>>) target_semaphore(%arg9 : memref<!tpu.dma_semaphore, #tpu.memory_space<semaphore_mem>>)
        %dma_start3A_23 = arith.constant 0 : i32
        %dma_start3A_24 = tpu.memref_slice %arg2[%mul3A_19, %dma_start3A_23] : memref<80000x128xf32, #tpu.memory_space<hbm>> -> memref<128x128xf32, #tpu.memory_space<hbm>>
        %dma_start3A_25 = arith.constant 0 : i32
        %dma_start3A_26 = tpu.memref_slice %arg2[%mul3A_19, %dma_start3A_25] : memref<80000x128xf32, #tpu.memory_space<hbm>> -> memref<128x128xf32, #tpu.memory_space<hbm>>
        tpu.enqueue_dma source(%dma_start3A_26 : memref<128x128xf32, #tpu.memory_space<hbm>>) target(%arg7 : memref<128x128xf32, #tpu.memory_space<vmem>>) target_semaphore(%arg9 : memref<!tpu.dma_semaphore, #tpu.memory_space<semaphore_mem>>)
        %dma_wait3A = tpu.memref_slice %arg3[%add3A_21] : memref<160000xi32, #tpu.memory_space<hbm>> -> memref<128xi32, #tpu.memory_space<hbm>>
        %dma_wait3A_27 = tpu.memref_slice %arg3[%add3A_21] : memref<160000xi32, #tpu.memory_space<hbm>> -> memref<128xi32, #tpu.memory_space<hbm>>
        tpu.wait_dma2 semaphore(%arg9 : memref<!tpu.dma_semaphore, #tpu.memory_space<semaphore_mem>>) src(%dma_wait3A_27 : memref<128xi32, #tpu.memory_space<hbm>>) dst(%arg6 : memref<128xi32, #tpu.memory_space<vmem>>)
        %dma_wait3A_28 = arith.constant 0 : i32
        %dma_wait3A_29 = tpu.memref_slice %arg2[%mul3A_19, %dma_wait3A_28] : memref<80000x128xf32, #tpu.memory_space<hbm>> -> memref<128x128xf32, #tpu.memory_space<hbm>>
        %dma_wait3A_30 = arith.constant 0 : i32
        %dma_wait3A_31 = tpu.memref_slice %arg2[%mul3A_19, %dma_wait3A_30] : memref<80000x128xf32, #tpu.memory_space<hbm>> -> memref<128x128xf32, #tpu.memory_space<hbm>>
        tpu.wait_dma2 semaphore(%arg9 : memref<!tpu.dma_semaphore, #tpu.memory_space<semaphore_mem>>) src(%dma_wait3A_31 : memref<128x128xf32, #tpu.memory_space<hbm>>) dst(%arg7 : memref<128x128xf32, #tpu.memory_space<vmem>>)
        "tpu.region"() ({
          %run_scoped3A = tpu.sem_alloc : memref<!tpu.dma_semaphore, #tpu.memory_space<semaphore_mem>>
          %dma_start3A_32 = arith.constant 0 : i32
          %dma_start3A_33 = arith.constant 0 : i32
          %dma_start3A_34 = tpu.memref_slice %arg8[%dma_start3A_32, %dma_start3A_33] : memref<10112x128xf32, #tpu.memory_space<vmem_shared>> -> memref<10112x128xf32, #tpu.memory_space<vmem_shared>>
          tpu.enqueue_indirect_dma source(%arg7 : memref<128x128xf32, #tpu.memory_space<vmem>>) target(%dma_start3A_34 : memref<10112x128xf32, #tpu.memory_space<vmem_shared>>) offsets(%arg6 : memref<128xi32, #tpu.memory_space<vmem>>) semaphore(%run_scoped3A : memref<!tpu.dma_semaphore, #tpu.memory_space<semaphore_mem>>) {add = true}
          %dma_wait3A_35 = arith.constant 0 : i32
          %dma_wait3A_36 = arith.constant 0 : i32
          %dma_wait3A_37 = tpu.memref_slice %arg8[%dma_wait3A_35, %dma_wait3A_36] : memref<10112x128xf32, #tpu.memory_space<vmem_shared>> -> memref<10112x128xf32, #tpu.memory_space<vmem_shared>>
          tpu.wait_indirect_dma semaphore(%run_scoped3A : memref<!tpu.dma_semaphore, #tpu.memory_space<semaphore_mem>>) src(%arg7 : memref<128x128xf32, #tpu.memory_space<vmem>>) dst(%dma_wait3A_37 : memref<10112x128xf32, #tpu.memory_space<vmem_shared>>)
          tpu.yield
        }) : () -> ()
      } else {
      }
    }
    %scan3A_6 = arith.constant 20 : i32
    %barrier3A_7 = arith.constant 0 : index
    tpu.barrier barrier_id(%barrier3A_7)
    %mul3A_8 = arith.constant 632 : i32
    %mul3A_9 = arith.muli %arg1, %mul3A_8 : i32
    %mul3A_10 = arith.constant 632 : i32
    %mul3A_11 = arith.muli %arg1, %mul3A_10 : i32
    "tpu.region"() ({
      %run_scoped3A = tpu.sem_alloc : memref<!tpu.dma_semaphore, #tpu.memory_space<semaphore_mem>>
      %dma_start3A = arith.constant 0 : i32
      %dma_start3A_12 = tpu.memref_slice %arg5[%arg0, %mul3A_11, %dma_start3A] : memref<2x10112x128xf32, #tpu.memory_space<hbm>> -> memref<1x632x128xf32, #tpu.memory_space<hbm>>
      %dma_start3A_13 = tpu.memref_squeeze %dma_start3A_12 : memref<1x632x128xf32, #tpu.memory_space<hbm>> -> memref<632x128xf32, #tpu.memory_space<hbm>>
      %dma_start3A_14 = arith.constant 0 : i32
      %dma_start3A_15 = tpu.memref_slice %arg8[%mul3A_9, %dma_start3A_14] : memref<10112x128xf32, #tpu.memory_space<vmem_shared>> -> memref<632x128xf32, #tpu.memory_space<vmem_shared>>
      tpu.enqueue_dma source(%dma_start3A_15 : memref<632x128xf32, #tpu.memory_space<vmem_shared>>) target(%dma_start3A_13 : memref<632x128xf32, #tpu.memory_space<hbm>>) target_semaphore(%run_scoped3A : memref<!tpu.dma_semaphore, #tpu.memory_space<semaphore_mem>>)
      %dma_wait3A = arith.constant 0 : i32
      %dma_wait3A_16 = tpu.memref_slice %arg5[%arg0, %mul3A_11, %dma_wait3A] : memref<2x10112x128xf32, #tpu.memory_space<hbm>> -> memref<1x632x128xf32, #tpu.memory_space<hbm>>
      %dma_wait3A_17 = tpu.memref_squeeze %dma_wait3A_16 : memref<1x632x128xf32, #tpu.memory_space<hbm>> -> memref<632x128xf32, #tpu.memory_space<hbm>>
      %dma_wait3A_18 = arith.constant 0 : i32
      %dma_wait3A_19 = tpu.memref_slice %arg8[%mul3A_9, %dma_wait3A_18] : memref<10112x128xf32, #tpu.memory_space<vmem_shared>> -> memref<632x128xf32, #tpu.memory_space<vmem_shared>>
      tpu.wait_dma2 semaphore(%run_scoped3A : memref<!tpu.dma_semaphore, #tpu.memory_space<semaphore_mem>>) src(%dma_wait3A_19 : memref<632x128xf32, #tpu.memory_space<vmem_shared>>) dst(%dma_wait3A_17 : memref<632x128xf32, #tpu.memory_space<hbm>>)
      tpu.yield
    }) : () -> ()
    return
  }
}

#map = affine_map<(d0, d1) -> (0, 0)>
#map1 = affine_map<(d0, d1) -> (0)>
#map2 = affine_map<(d0, d1) -> (0, 0, 0)>
module attributes {stable_mosaic.version = 14 : i64} {
  func.func @body(%arg0: i32, %arg1: i32, %arg2: memref<80000x128xf32, #tpu.memory_space<hbm>>, %arg3: memref<160000xi32, #tpu.memory_space<hbm>>, %arg4: memref<632x128xf32, #tpu.memory_space<hbm>>, %arg5: memref<2x10112x128xf32, #tpu.memory_space<hbm>>, %arg6: memref<128xi32, #tpu.memory_space<vmem>>, %arg7: memref<128x128xf32, #tpu.memory_space<vmem>>, %arg8: memref<10112x128xf32, #tpu.memory_space<vmem_shared>>, %arg9: memref<!tpu.dma_semaphore, #tpu.memory_space<semaphore_mem>>) attributes {dimension_semantics = [#tpu.dimension_semantics<core_parallel>, #tpu.dimension_semantics<subcore_parallel>], iteration_bounds = array<i64: 2, 16>, scalar_prefetch = 0 : i64, scratch_operands = 4 : i64, tpu.core_type = #tpu.core_type<sc_vector_subcore>, window_params = [{transform_indices = #map}, {transform_indices = #map1}, {transform_indices = #map}, {transform_indices = #map2}]} {
    %mul3A = arith.constant 2 : i32
    %mul3A_0 = arith.muli %arg1, %mul3A : i32
    %add3A = arith.addi %mul3A_0, %arg0 : i32
    %mul3A_1 = arith.constant 632 : i32
    %mul3A_2 = arith.muli %arg1, %mul3A_1 : i32
    "tpu.region"() ({
      %run_scoped3A = tpu.sem_alloc : memref<!tpu.dma_semaphore, #tpu.memory_space<semaphore_mem>>
      %dma_start3A = arith.constant 0 : i32
      %dma_start3A_12 = tpu.memref_slice %arg8[%mul3A_2, %dma_start3A] : memref<10112x128xf32, #tpu.memory_space<vmem_shared>> -> memref<632x128xf32, #tpu.memory_space<vmem_shared>>
      tpu.enqueue_dma source(%arg4 : memref<632x128xf32, #tpu.memory_space<hbm>>) target(%dma_start3A_12 : memref<632x128xf32, #tpu.memory_space<vmem_shared>>) target_semaphore(%run_scoped3A : memref<!tpu.dma_semaphore, #tpu.memory_space<semaphore_mem>>)
      %dma_wait3A = arith.constant 0 : i32
      %dma_wait3A_13 = tpu.memref_slice %arg8[%mul3A_2, %dma_wait3A] : memref<10112x128xf32, #tpu.memory_space<vmem_shared>> -> memref<632x128xf32, #tpu.memory_space<vmem_shared>>
      tpu.wait_dma2 semaphore(%run_scoped3A : memref<!tpu.dma_semaphore, #tpu.memory_space<semaphore_mem>>) src(%arg4 : memref<632x128xf32, #tpu.memory_space<hbm>>) dst(%dma_wait3A_13 : memref<632x128xf32, #tpu.memory_space<vmem_shared>>)
      tpu.yield
    }) : () -> ()
    %barrier3A = arith.constant 0 : index
    tpu.barrier barrier_id(%barrier3A)
    %scan3A = arith.constant 0 : i32
    %scan3A_3 = arith.constant 20 : i32
    %scan3A_4 = arith.addi %scan3A, %scan3A_3 : i32
    %scan3A_5 = arith.constant 1 : i32
    scf.for %scan3A_12 = %scan3A to %scan3A_4 step %scan3A_5  : i32 {
      %mul3A_13 = arith.constant 32 : i32
      %mul3A_14 = arith.muli %scan3A_12, %mul3A_13 : i32
      %add3A_15 = arith.addi %mul3A_14, %add3A : i32
      %lt3A = arith.constant 625 : i32
      %lt3A_16 = arith.cmpi slt, %add3A_15, %lt3A : i32
      %convert_element_type3A = arith.extui %lt3A_16 : i1 to i32
      %cond3A = arith.constant 0 : i32
      %cond3A_17 = arith.cmpi ne, %convert_element_type3A, %cond3A : i32
      scf.if %cond3A_17 {
        %mul3A_18 = arith.constant 128 : i32
        %mul3A_19 = arith.muli %add3A_15, %mul3A_18 : i32
        %add3A_20 = arith.constant 0 : i32
        %add3A_21 = arith.addi %add3A_20, %mul3A_19 : i32
        %dma_start3A = tpu.memref_slice %arg3[%add3A_21] : memref<160000xi32, #tpu.memory_space<hbm>> -> memref<128xi32, #tpu.memory_space<hbm>>
        %dma_start3A_22 = tpu.memref_slice %arg3[%add3A_21] : memref<160000xi32, #tpu.memory_space<hbm>> -> memref<128xi32, #tpu.memory_space<hbm>>
        tpu.enqueue_dma source(%dma_start3A_22 : memref<128xi32, #tpu.memory_space<hbm>>) target(%arg6 : memref<128xi32, #tpu.memory_space<vmem>>) target_semaphore(%arg9 : memref<!tpu.dma_semaphore, #tpu.memory_space<semaphore_mem>>)
        %dma_start3A_23 = arith.constant 0 : i32
        %dma_start3A_24 = tpu.memref_slice %arg2[%mul3A_19, %dma_start3A_23] : memref<80000x128xf32, #tpu.memory_space<hbm>> -> memref<128x128xf32, #tpu.memory_space<hbm>>
        %dma_start3A_25 = arith.constant 0 : i32
        %dma_start3A_26 = tpu.memref_slice %arg2[%mul3A_19, %dma_start3A_25] : memref<80000x128xf32, #tpu.memory_space<hbm>> -> memref<128x128xf32, #tpu.memory_space<hbm>>
        tpu.enqueue_dma source(%dma_start3A_26 : memref<128x128xf32, #tpu.memory_space<hbm>>) target(%arg7 : memref<128x128xf32, #tpu.memory_space<vmem>>) target_semaphore(%arg9 : memref<!tpu.dma_semaphore, #tpu.memory_space<semaphore_mem>>)
        %dma_wait3A = tpu.memref_slice %arg3[%add3A_21] : memref<160000xi32, #tpu.memory_space<hbm>> -> memref<128xi32, #tpu.memory_space<hbm>>
        %dma_wait3A_27 = tpu.memref_slice %arg3[%add3A_21] : memref<160000xi32, #tpu.memory_space<hbm>> -> memref<128xi32, #tpu.memory_space<hbm>>
        tpu.wait_dma2 semaphore(%arg9 : memref<!tpu.dma_semaphore, #tpu.memory_space<semaphore_mem>>) src(%dma_wait3A_27 : memref<128xi32, #tpu.memory_space<hbm>>) dst(%arg6 : memref<128xi32, #tpu.memory_space<vmem>>)
        %dma_wait3A_28 = arith.constant 0 : i32
        %dma_wait3A_29 = tpu.memref_slice %arg2[%mul3A_19, %dma_wait3A_28] : memref<80000x128xf32, #tpu.memory_space<hbm>> -> memref<128x128xf32, #tpu.memory_space<hbm>>
        %dma_wait3A_30 = arith.constant 0 : i32
        %dma_wait3A_31 = tpu.memref_slice %arg2[%mul3A_19, %dma_wait3A_30] : memref<80000x128xf32, #tpu.memory_space<hbm>> -> memref<128x128xf32, #tpu.memory_space<hbm>>
        tpu.wait_dma2 semaphore(%arg9 : memref<!tpu.dma_semaphore, #tpu.memory_space<semaphore_mem>>) src(%dma_wait3A_31 : memref<128x128xf32, #tpu.memory_space<hbm>>) dst(%arg7 : memref<128x128xf32, #tpu.memory_space<vmem>>)
        "tpu.region"() ({
          %run_scoped3A = tpu.sem_alloc : memref<!tpu.dma_semaphore, #tpu.memory_space<semaphore_mem>>
          %dma_start3A_32 = arith.constant 0 : i32
          %dma_start3A_33 = arith.constant 0 : i32
          %dma_start3A_34 = tpu.memref_slice %arg8[%dma_start3A_32, %dma_start3A_33] : memref<10112x128xf32, #tpu.memory_space<vmem_shared>> -> memref<10112x128xf32, #tpu.memory_space<vmem_shared>>
          tpu.enqueue_indirect_dma source(%arg7 : memref<128x128xf32, #tpu.memory_space<vmem>>) target(%dma_start3A_34 : memref<10112x128xf32, #tpu.memory_space<vmem_shared>>) offsets(%arg6 : memref<128xi32, #tpu.memory_space<vmem>>) semaphore(%run_scoped3A : memref<!tpu.dma_semaphore, #tpu.memory_space<semaphore_mem>>) {add = true}
          %dma_wait3A_35 = arith.constant 0 : i32
          %dma_wait3A_36 = arith.constant 0 : i32
          %dma_wait3A_37 = tpu.memref_slice %arg8[%dma_wait3A_35, %dma_wait3A_36] : memref<10112x128xf32, #tpu.memory_space<vmem_shared>> -> memref<10112x128xf32, #tpu.memory_space<vmem_shared>>
          tpu.wait_indirect_dma semaphore(%run_scoped3A : memref<!tpu.dma_semaphore, #tpu.memory_space<semaphore_mem>>) src(%arg7 : memref<128x128xf32, #tpu.memory_space<vmem>>) dst(%dma_wait3A_37 : memref<10112x128xf32, #tpu.memory_space<vmem_shared>>)
          tpu.yield
        }) : () -> ()
      } else {
      }
    }
    %scan3A_6 = arith.constant 20 : i32
    %barrier3A_7 = arith.constant 0 : index
    tpu.barrier barrier_id(%barrier3A_7)
    %mul3A_8 = arith.constant 632 : i32
    %mul3A_9 = arith.muli %arg1, %mul3A_8 : i32
    %mul3A_10 = arith.constant 632 : i32
    %mul3A_11 = arith.muli %arg1, %mul3A_10 : i32
    "tpu.region"() ({
      %run_scoped3A = tpu.sem_alloc : memref<!tpu.dma_semaphore, #tpu.memory_space<semaphore_mem>>
      %dma_start3A = arith.constant 0 : i32
      %dma_start3A_12 = tpu.memref_slice %arg5[%arg0, %mul3A_11, %dma_start3A] : memref<2x10112x128xf32, #tpu.memory_space<hbm>> -> memref<1x632x128xf32, #tpu.memory_space<hbm>>
      %dma_start3A_13 = tpu.memref_squeeze %dma_start3A_12 : memref<1x632x128xf32, #tpu.memory_space<hbm>> -> memref<632x128xf32, #tpu.memory_space<hbm>>
      %dma_start3A_14 = arith.constant 0 : i32
      %dma_start3A_15 = tpu.memref_slice %arg8[%mul3A_9, %dma_start3A_14] : memref<10112x128xf32, #tpu.memory_space<vmem_shared>> -> memref<632x128xf32, #tpu.memory_space<vmem_shared>>
      tpu.enqueue_dma source(%dma_start3A_15 : memref<632x128xf32, #tpu.memory_space<vmem_shared>>) target(%dma_start3A_13 : memref<632x128xf32, #tpu.memory_space<hbm>>) target_semaphore(%run_scoped3A : memref<!tpu.dma_semaphore, #tpu.memory_space<semaphore_mem>>)
      %dma_wait3A = arith.constant 0 : i32
      %dma_wait3A_16 = tpu.memref_slice %arg5[%arg0, %mul3A_11, %dma_wait3A] : memref<2x10112x128xf32, #tpu.memory_space<hbm>> -> memref<1x632x128xf32, #tpu.memory_space<hbm>>
      %dma_wait3A_17 = tpu.memref_squeeze %dma_wait3A_16 : memref<1x632x128xf32, #tpu.memory_space<hbm>> -> memref<632x128xf32, #tpu.memory_space<hbm>>
      %dma_wait3A_18 = arith.constant 0 : i32
      %dma_wait3A_19 = tpu.memref_slice %arg8[%mul3A_9, %dma_wait3A_18] : memref<10112x128xf32, #tpu.memory_space<vmem_shared>> -> memref<632x128xf32, #tpu.memory_space<vmem_shared>>
      tpu.wait_dma2 semaphore(%run_scoped3A : memref<!tpu.dma_semaphore, #tpu.memory_space<semaphore_mem>>) src(%dma_wait3A_19 : memref<632x128xf32, #tpu.memory_space<vmem_shared>>) dst(%dma_wait3A_17 : memref<632x128xf32, #tpu.memory_space<hbm>>)
      tpu.yield
    }) : () -> ()
    return
  }
}

module attributes {stable_mosaic.version = 14 : i64} {
  func.func @body(%arg0: i32, %arg1: memref<3200x128xf32, #tpu.memory_space<vmem>>, %arg2: memref<3200x128xf32, #tpu.memory_space<vmem>>, %arg3: memref<3200x16xf32, #tpu.memory_space<vmem>>, %arg4: memref<3200x16xf32, #tpu.memory_space<vmem>>, %arg5: memref<3200x16xf32, #tpu.memory_space<vmem>>, %arg6: memref<3200x128xf32, #tpu.memory_space<vmem>>, %arg7: memref<1x1x3200xi32, #tpu.memory_space<vmem>>, %arg8: memref<272x256xbf16, #tpu.memory_space<vmem>>, %arg9: memref<1x256xf32, #tpu.memory_space<vmem>>, %arg10: memref<256x128xbf16, #tpu.memory_space<vmem>>, %arg11: memref<1x128xf32, #tpu.memory_space<vmem>>, %arg12: memref<128x64xbf16, #tpu.memory_space<vmem>>, %arg13: memref<1x64xf32, #tpu.memory_space<vmem>>, %arg14: memref<64x32xbf16, #tpu.memory_space<vmem>>, %arg15: memref<1x32xf32, #tpu.memory_space<vmem>>, %arg16: memref<32x128xbf16, #tpu.memory_space<vmem>>, %arg17: memref<1x128xf32, #tpu.memory_space<vmem>>, %arg18: memref<16x256xbf16, #tpu.memory_space<vmem>>, %arg19: memref<16x256xbf16, #tpu.memory_space<vmem>>, %arg20: memref<128x256xbf16, #tpu.memory_space<vmem>>, %arg21: memref<1x256xf32, #tpu.memory_space<vmem>>, %arg22: memref<256x128xbf16, #tpu.memory_space<vmem>>, %arg23: memref<1x128xf32, #tpu.memory_space<vmem>>, %arg24: memref<128x64xbf16, #tpu.memory_space<vmem>>, %arg25: memref<1x64xf32, #tpu.memory_space<vmem>>, %arg26: memref<64x32xbf16, #tpu.memory_space<vmem>>, %arg27: memref<1x32xf32, #tpu.memory_space<vmem>>, %arg28: memref<32x32xbf16, #tpu.memory_space<vmem>>, %arg29: memref<1x32xf32, #tpu.memory_space<vmem>>, %arg30: memref<3200x128xf32, #tpu.memory_space<vmem>>, %arg31: memref<3200x128xf32, #tpu.memory_space<vmem>>) attributes {dimension_semantics = [#tpu.dimension_semantics<arbitrary>], iteration_bounds = array<i64: 25>, scalar_prefetch = 0 : i64, scratch_operands = 0 : i64, tpu.core_type = #tpu.core_type<tc>, window_params = [{transform_indices = @transform_0, window_bounds = array<i64: 3200, 128>}, {transform_indices = @transform_1, window_bounds = array<i64: 3200, 128>}, {transform_indices = @transform_2, window_bounds = array<i64: 3200, 16>}, {transform_indices = @transform_3, window_bounds = array<i64: 3200, 16>}, {transform_indices = @transform_4, window_bounds = array<i64: 3200, 16>}, {transform_indices = @transform_5, window_bounds = array<i64: 3200, 128>}, {transform_indices = @transform_6, window_bounds = array<i64: 1, 1, 3200>}, {pipeline_mode = #tpu.pipeline_mode<synchronous>, transform_indices = @transform_7, window_bounds = array<i64: 272, 256>}, {pipeline_mode = #tpu.pipeline_mode<synchronous>, transform_indices = @transform_8, window_bounds = array<i64: 1, 256>}, {pipeline_mode = #tpu.pipeline_mode<synchronous>, transform_indices = @transform_9, window_bounds = array<i64: 256, 128>}, {pipeline_mode = #tpu.pipeline_mode<synchronous>, transform_indices = @transform_10, window_bounds = array<i64: 1, 128>}, {pipeline_mode = #tpu.pipeline_mode<synchronous>, transform_indices = @transform_11, window_bounds = array<i64: 128, 64>}, {pipeline_mode = #tpu.pipeline_mode<synchronous>, transform_indices = @transform_12, window_bounds = array<i64: 1, 64>}, {pipeline_mode = #tpu.pipeline_mode<synchronous>, transform_indices = @transform_13, window_bounds = array<i64: 64, 32>}, {pipeline_mode = #tpu.pipeline_mode<synchronous>, transform_indices = @transform_14, window_bounds = array<i64: 1, 32>}, {pipeline_mode = #tpu.pipeline_mode<synchronous>, transform_indices = @transform_15, window_bounds = array<i64: 32, 128>}, {pipeline_mode = #tpu.pipeline_mode<synchronous>, transform_indices = @transform_16, window_bounds = array<i64: 1, 128>}, {pipeline_mode = #tpu.pipeline_mode<synchronous>, transform_indices = @transform_17, window_bounds = array<i64: 16, 256>}, {pipeline_mode = #tpu.pipeline_mode<synchronous>, transform_indices = @transform_18, window_bounds = array<i64: 16, 256>}, {pipeline_mode = #tpu.pipeline_mode<synchronous>, transform_indices = @transform_19, window_bounds = array<i64: 128, 256>}, {pipeline_mode = #tpu.pipeline_mode<synchronous>, transform_indices = @transform_20, window_bounds = array<i64: 1, 256>}, {pipeline_mode = #tpu.pipeline_mode<synchronous>, transform_indices = @transform_21, window_bounds = array<i64: 256, 128>}, {pipeline_mode = #tpu.pipeline_mode<synchronous>, transform_indices = @transform_22, window_bounds = array<i64: 1, 128>}, {pipeline_mode = #tpu.pipeline_mode<synchronous>, transform_indices = @transform_23, window_bounds = array<i64: 128, 64>}, {pipeline_mode = #tpu.pipeline_mode<synchronous>, transform_indices = @transform_24, window_bounds = array<i64: 1, 64>}, {pipeline_mode = #tpu.pipeline_mode<synchronous>, transform_indices = @transform_25, window_bounds = array<i64: 64, 32>}, {pipeline_mode = #tpu.pipeline_mode<synchronous>, transform_indices = @transform_26, window_bounds = array<i64: 1, 32>}, {pipeline_mode = #tpu.pipeline_mode<synchronous>, transform_indices = @transform_27, window_bounds = array<i64: 32, 32>}, {pipeline_mode = #tpu.pipeline_mode<synchronous>, transform_indices = @transform_28, window_bounds = array<i64: 1, 32>}, {transform_indices = @transform_29, window_bounds = array<i64: 3200, 128>}, {transform_indices = @transform_30, window_bounds = array<i64: 3200, 128>}]} {
    %get3A = arith.constant 0 : index
    %get3A_0 = arith.constant 0 : index
    %get3A_1 = vector.load %arg1[%get3A, %get3A_0] : memref<3200x128xf32, #tpu.memory_space<vmem>>, vector<3200x128xf32>
    %convert_element_type3A = arith.truncf %get3A_1 : vector<3200x128xf32> to vector<3200x128xbf16>
    %get3A_2 = arith.constant 0 : index
    %get3A_3 = arith.constant 0 : index
    %get3A_4 = vector.load %arg8[%get3A_2, %get3A_3] : memref<272x256xbf16, #tpu.memory_space<vmem>>, vector<128x256xbf16>
    %dot_general3A = arith.constant dense<0.000000e+00> : vector<3200x256xf32>
    %dot_general3A_5 = tpu.matmul %convert_element_type3A, %get3A_4, %dot_general3A {dimension_numbers = #tpu.dot_dimension_numbers<[1], [0], [0], [1], [0, 0, 1, 1], [], []>, transpose_lhs_hint = false} : vector<3200x128xbf16>, vector<128x256xbf16>, vector<3200x256xf32> -> vector<3200x256xf32>
    %get3A_6 = arith.constant 0 : index
    %get3A_7 = arith.constant 0 : index
    %get3A_8 = vector.load %arg2[%get3A_6, %get3A_7] : memref<3200x128xf32, #tpu.memory_space<vmem>>, vector<3200x128xf32>
    %convert_element_type3A_9 = arith.truncf %get3A_8 : vector<3200x128xf32> to vector<3200x128xbf16>
    %get3A_10 = arith.constant 128 : index
    %get3A_11 = arith.constant 0 : index
    %get3A_12 = vector.load %arg8[%get3A_10, %get3A_11] : memref<272x256xbf16, #tpu.memory_space<vmem>>, vector<128x256xbf16>
    %dot_general3A_13 = arith.constant dense<0.000000e+00> : vector<3200x256xf32>
    %dot_general3A_14 = tpu.matmul %convert_element_type3A_9, %get3A_12, %dot_general3A_13 {dimension_numbers = #tpu.dot_dimension_numbers<[1], [0], [0], [1], [0, 0, 1, 1], [], []>, transpose_lhs_hint = false} : vector<3200x128xbf16>, vector<128x256xbf16>, vector<3200x256xf32> -> vector<3200x256xf32>
    %add3A = arith.addf %dot_general3A_5, %dot_general3A_14 : vector<3200x256xf32>
    %get3A_15 = arith.constant 0 : index
    %get3A_16 = arith.constant 0 : index
    %get3A_17 = vector.load %arg3[%get3A_15, %get3A_16] : memref<3200x16xf32, #tpu.memory_space<vmem>>, vector<3200x16xf32>
    %convert_element_type3A_18 = arith.truncf %get3A_17 : vector<3200x16xf32> to vector<3200x16xbf16>
    %get3A_19 = arith.constant 256 : index
    %get3A_20 = arith.constant 0 : index
    %get3A_21 = vector.load %arg8[%get3A_19, %get3A_20] : memref<272x256xbf16, #tpu.memory_space<vmem>>, vector<16x256xbf16>
    %dot_general3A_22 = arith.constant dense<0.000000e+00> : vector<3200x256xf32>
    %dot_general3A_23 = tpu.matmul %convert_element_type3A_18, %get3A_21, %dot_general3A_22 {dimension_numbers = #tpu.dot_dimension_numbers<[1], [0], [0], [1], [0, 0, 1, 1], [], []>, transpose_lhs_hint = false} : vector<3200x16xbf16>, vector<16x256xbf16>, vector<3200x256xf32> -> vector<3200x256xf32>
    %add3A_24 = arith.addf %add3A, %dot_general3A_23 : vector<3200x256xf32>
    %get3A_25 = arith.constant 0 : index
    %get3A_26 = arith.constant 0 : index
    %get3A_27 = vector.load %arg9[%get3A_25, %get3A_26] : memref<1x256xf32, #tpu.memory_space<vmem>>, vector<1x256xf32>
    %add3A_28 = vector.broadcast %get3A_27 : vector<1x256xf32> to vector<3200x256xf32>
    %add3A_29 = arith.addf %add3A_24, %add3A_28 : vector<3200x256xf32>
    %max3A = arith.constant 0.000000e+00 : f32
    %max3A_30 = vector.broadcast %max3A : f32 to vector<3200x256xf32>
    %max3A_31 = arith.maximumf %add3A_29, %max3A_30 : vector<3200x256xf32>
    %convert_element_type3A_32 = arith.truncf %max3A_31 : vector<3200x256xf32> to vector<3200x256xbf16>
    %get3A_33 = arith.constant 0 : index
    %get3A_34 = arith.constant 0 : index
    %get3A_35 = vector.load %arg10[%get3A_33, %get3A_34] : memref<256x128xbf16, #tpu.memory_space<vmem>>, vector<256x128xbf16>
    %dot_general3A_36 = arith.constant dense<0.000000e+00> : vector<3200x128xf32>
    %dot_general3A_37 = tpu.matmul %convert_element_type3A_32, %get3A_35, %dot_general3A_36 {dimension_numbers = #tpu.dot_dimension_numbers<[1], [0], [0], [1], [0, 0, 1, 1], [], []>, transpose_lhs_hint = false} : vector<3200x256xbf16>, vector<256x128xbf16>, vector<3200x128xf32> -> vector<3200x128xf32>
    %get3A_38 = arith.constant 0 : index
    %get3A_39 = arith.constant 0 : index
    %get3A_40 = vector.load %arg11[%get3A_38, %get3A_39] : memref<1x128xf32, #tpu.memory_space<vmem>>, vector<1x128xf32>
    %add3A_41 = vector.broadcast %get3A_40 : vector<1x128xf32> to vector<3200x128xf32>
    %add3A_42 = arith.addf %dot_general3A_37, %add3A_41 : vector<3200x128xf32>
    %max3A_43 = arith.constant 0.000000e+00 : f32
    %max3A_44 = vector.broadcast %max3A_43 : f32 to vector<3200x128xf32>
    %max3A_45 = arith.maximumf %add3A_42, %max3A_44 : vector<3200x128xf32>
    %convert_element_type3A_46 = arith.truncf %max3A_45 : vector<3200x128xf32> to vector<3200x128xbf16>
    %get3A_47 = arith.constant 0 : index
    %get3A_48 = arith.constant 0 : index
    %get3A_49 = vector.load %arg12[%get3A_47, %get3A_48] : memref<128x64xbf16, #tpu.memory_space<vmem>>, vector<128x64xbf16>
    %dot_general3A_50 = arith.constant dense<0.000000e+00> : vector<3200x64xf32>
    %dot_general3A_51 = tpu.matmul %convert_element_type3A_46, %get3A_49, %dot_general3A_50 {dimension_numbers = #tpu.dot_dimension_numbers<[1], [0], [0], [1], [0, 0, 1, 1], [], []>, transpose_lhs_hint = false} : vector<3200x128xbf16>, vector<128x64xbf16>, vector<3200x64xf32> -> vector<3200x64xf32>
    %get3A_52 = arith.constant 0 : index
    %get3A_53 = arith.constant 0 : index
    %get3A_54 = vector.load %arg13[%get3A_52, %get3A_53] : memref<1x64xf32, #tpu.memory_space<vmem>>, vector<1x64xf32>
    %add3A_55 = vector.broadcast %get3A_54 : vector<1x64xf32> to vector<3200x64xf32>
    %add3A_56 = arith.addf %dot_general3A_51, %add3A_55 : vector<3200x64xf32>
    %max3A_57 = arith.constant 0.000000e+00 : f32
    %max3A_58 = vector.broadcast %max3A_57 : f32 to vector<3200x64xf32>
    %max3A_59 = arith.maximumf %add3A_56, %max3A_58 : vector<3200x64xf32>
    %convert_element_type3A_60 = arith.truncf %max3A_59 : vector<3200x64xf32> to vector<3200x64xbf16>
    %get3A_61 = arith.constant 0 : index
    %get3A_62 = arith.constant 0 : index
    %get3A_63 = vector.load %arg14[%get3A_61, %get3A_62] : memref<64x32xbf16, #tpu.memory_space<vmem>>, vector<64x32xbf16>
    %dot_general3A_64 = arith.constant dense<0.000000e+00> : vector<3200x32xf32>
    %dot_general3A_65 = tpu.matmul %convert_element_type3A_60, %get3A_63, %dot_general3A_64 {dimension_numbers = #tpu.dot_dimension_numbers<[1], [0], [0], [1], [0, 0, 1, 1], [], []>, transpose_lhs_hint = false} : vector<3200x64xbf16>, vector<64x32xbf16>, vector<3200x32xf32> -> vector<3200x32xf32>
    %get3A_66 = arith.constant 0 : index
    %get3A_67 = arith.constant 0 : index
    %get3A_68 = vector.load %arg15[%get3A_66, %get3A_67] : memref<1x32xf32, #tpu.memory_space<vmem>>, vector<1x32xf32>
    %add3A_69 = vector.broadcast %get3A_68 : vector<1x32xf32> to vector<3200x32xf32>
    %add3A_70 = arith.addf %dot_general3A_65, %add3A_69 : vector<3200x32xf32>
    %max3A_71 = arith.constant 0.000000e+00 : f32
    %max3A_72 = vector.broadcast %max3A_71 : f32 to vector<3200x32xf32>
    %max3A_73 = arith.maximumf %add3A_70, %max3A_72 : vector<3200x32xf32>
    %convert_element_type3A_74 = arith.truncf %max3A_73 : vector<3200x32xf32> to vector<3200x32xbf16>
    %get3A_75 = arith.constant 0 : index
    %get3A_76 = arith.constant 0 : index
    %get3A_77 = vector.load %arg16[%get3A_75, %get3A_76] : memref<32x128xbf16, #tpu.memory_space<vmem>>, vector<32x128xbf16>
    %dot_general3A_78 = arith.constant dense<0.000000e+00> : vector<3200x128xf32>
    %dot_general3A_79 = tpu.matmul %convert_element_type3A_74, %get3A_77, %dot_general3A_78 {dimension_numbers = #tpu.dot_dimension_numbers<[1], [0], [0], [1], [0, 0, 1, 1], [], []>, transpose_lhs_hint = false} : vector<3200x32xbf16>, vector<32x128xbf16>, vector<3200x128xf32> -> vector<3200x128xf32>
    %get3A_80 = arith.constant 0 : index
    %get3A_81 = arith.constant 0 : index
    %get3A_82 = vector.load %arg17[%get3A_80, %get3A_81] : memref<1x128xf32, #tpu.memory_space<vmem>>, vector<1x128xf32>
    %add3A_83 = vector.broadcast %get3A_82 : vector<1x128xf32> to vector<3200x128xf32>
    %add3A_84 = arith.addf %dot_general3A_79, %add3A_83 : vector<3200x128xf32>
    %swap3A = arith.constant 0 : index
    %swap3A_85 = arith.constant 0 : index
    %swap3A_86 = vector.load %arg30[%swap3A, %swap3A_85] : memref<3200x128xf32, #tpu.memory_space<vmem>>, vector<3200x128xf32>
    tpu.vector_store %arg30[%swap3A, %swap3A_85], %add3A_84 {strides = array<i32>} : memref<3200x128xf32, #tpu.memory_space<vmem>>, vector<3200x128xf32>,
    %get3A_87 = arith.constant 0 : index
    %get3A_88 = arith.constant 0 : index
    %get3A_89 = vector.load %arg4[%get3A_87, %get3A_88] : memref<3200x16xf32, #tpu.memory_space<vmem>>, vector<3200x16xf32>
    %convert_element_type3A_90 = arith.truncf %get3A_89 : vector<3200x16xf32> to vector<3200x16xbf16>
    %get3A_91 = arith.constant 0 : index
    %get3A_92 = arith.constant 0 : index
    %get3A_93 = vector.load %arg18[%get3A_91, %get3A_92] : memref<16x256xbf16, #tpu.memory_space<vmem>>, vector<16x256xbf16>
    %dot_general3A_94 = arith.constant dense<0.000000e+00> : vector<3200x256xf32>
    %dot_general3A_95 = tpu.matmul %convert_element_type3A_90, %get3A_93, %dot_general3A_94 {dimension_numbers = #tpu.dot_dimension_numbers<[1], [0], [0], [1], [0, 0, 1, 1], [], []>, transpose_lhs_hint = false} : vector<3200x16xbf16>, vector<16x256xbf16>, vector<3200x256xf32> -> vector<3200x256xf32>
    %get3A_96 = arith.constant 0 : index
    %get3A_97 = arith.constant 0 : index
    %get3A_98 = vector.load %arg5[%get3A_96, %get3A_97] : memref<3200x16xf32, #tpu.memory_space<vmem>>, vector<3200x16xf32>
    %convert_element_type3A_99 = arith.truncf %get3A_98 : vector<3200x16xf32> to vector<3200x16xbf16>
    %get3A_100 = arith.constant 0 : index
    %get3A_101 = arith.constant 0 : index
    %get3A_102 = vector.load %arg19[%get3A_100, %get3A_101] : memref<16x256xbf16, #tpu.memory_space<vmem>>, vector<16x256xbf16>
    %dot_general3A_103 = arith.constant dense<0.000000e+00> : vector<3200x256xf32>
    %dot_general3A_104 = tpu.matmul %convert_element_type3A_99, %get3A_102, %dot_general3A_103 {dimension_numbers = #tpu.dot_dimension_numbers<[1], [0], [0], [1], [0, 0, 1, 1], [], []>, transpose_lhs_hint = false} : vector<3200x16xbf16>, vector<16x256xbf16>, vector<3200x256xf32> -> vector<3200x256xf32>
    %add3A_105 = arith.addf %dot_general3A_95, %dot_general3A_104 : vector<3200x256xf32>
    %get3A_106 = arith.constant 0 : index
    %get3A_107 = arith.constant 0 : index
    %get3A_108 = vector.load %arg6[%get3A_106, %get3A_107] : memref<3200x128xf32, #tpu.memory_space<vmem>>, vector<3200x128xf32>
    %convert_element_type3A_109 = arith.truncf %get3A_108 : vector<3200x128xf32> to vector<3200x128xbf16>
    %get3A_110 = arith.constant 0 : index
    %get3A_111 = arith.constant 0 : index
    %get3A_112 = vector.load %arg20[%get3A_110, %get3A_111] : memref<128x256xbf16, #tpu.memory_space<vmem>>, vector<128x256xbf16>
    %dot_general3A_113 = arith.constant dense<0.000000e+00> : vector<3200x256xf32>
    %dot_general3A_114 = tpu.matmul %convert_element_type3A_109, %get3A_112, %dot_general3A_113 {dimension_numbers = #tpu.dot_dimension_numbers<[1], [0], [0], [1], [0, 0, 1, 1], [], []>, transpose_lhs_hint = false} : vector<3200x128xbf16>, vector<128x256xbf16>, vector<3200x256xf32> -> vector<3200x256xf32>
    %add3A_115 = arith.addf %add3A_105, %dot_general3A_114 : vector<3200x256xf32>
    %get3A_116 = arith.constant 0 : index
    %get3A_117 = arith.constant 0 : index
    %get3A_118 = vector.load %arg21[%get3A_116, %get3A_117] : memref<1x256xf32, #tpu.memory_space<vmem>>, vector<1x256xf32>
    %add3A_119 = vector.broadcast %get3A_118 : vector<1x256xf32> to vector<3200x256xf32>
    %add3A_120 = arith.addf %add3A_115, %add3A_119 : vector<3200x256xf32>
    %max3A_121 = arith.constant 0.000000e+00 : f32
    %max3A_122 = vector.broadcast %max3A_121 : f32 to vector<3200x256xf32>
    %max3A_123 = arith.maximumf %add3A_120, %max3A_122 : vector<3200x256xf32>
    %convert_element_type3A_124 = arith.truncf %max3A_123 : vector<3200x256xf32> to vector<3200x256xbf16>
    %get3A_125 = arith.constant 0 : index
    %get3A_126 = arith.constant 0 : index
    %get3A_127 = vector.load %arg22[%get3A_125, %get3A_126] : memref<256x128xbf16, #tpu.memory_space<vmem>>, vector<256x128xbf16>
    %dot_general3A_128 = arith.constant dense<0.000000e+00> : vector<3200x128xf32>
    %dot_general3A_129 = tpu.matmul %convert_element_type3A_124, %get3A_127, %dot_general3A_128 {dimension_numbers = #tpu.dot_dimension_numbers<[1], [0], [0], [1], [0, 0, 1, 1], [], []>, transpose_lhs_hint = false} : vector<3200x256xbf16>, vector<256x128xbf16>, vector<3200x128xf32> -> vector<3200x128xf32>
    %get3A_130 = arith.constant 0 : index
    %get3A_131 = arith.constant 0 : index
    %get3A_132 = vector.load %arg23[%get3A_130, %get3A_131] : memref<1x128xf32, #tpu.memory_space<vmem>>, vector<1x128xf32>
    %add3A_133 = vector.broadcast %get3A_132 : vector<1x128xf32> to vector<3200x128xf32>
    %add3A_134 = arith.addf %dot_general3A_129, %add3A_133 : vector<3200x128xf32>
    %max3A_135 = arith.constant 0.000000e+00 : f32
    %max3A_136 = vector.broadcast %max3A_135 : f32 to vector<3200x128xf32>
    %max3A_137 = arith.maximumf %add3A_134, %max3A_136 : vector<3200x128xf32>
    %convert_element_type3A_138 = arith.truncf %max3A_137 : vector<3200x128xf32> to vector<3200x128xbf16>
    %get3A_139 = arith.constant 0 : index
    %get3A_140 = arith.constant 0 : index
    %get3A_141 = vector.load %arg24[%get3A_139, %get3A_140] : memref<128x64xbf16, #tpu.memory_space<vmem>>, vector<128x64xbf16>
    %dot_general3A_142 = arith.constant dense<0.000000e+00> : vector<3200x64xf32>
    %dot_general3A_143 = tpu.matmul %convert_element_type3A_138, %get3A_141, %dot_general3A_142 {dimension_numbers = #tpu.dot_dimension_numbers<[1], [0], [0], [1], [0, 0, 1, 1], [], []>, transpose_lhs_hint = false} : vector<3200x128xbf16>, vector<128x64xbf16>, vector<3200x64xf32> -> vector<3200x64xf32>
    %get3A_144 = arith.constant 0 : index
    %get3A_145 = arith.constant 0 : index
    %get3A_146 = vector.load %arg25[%get3A_144, %get3A_145] : memref<1x64xf32, #tpu.memory_space<vmem>>, vector<1x64xf32>
    %add3A_147 = vector.broadcast %get3A_146 : vector<1x64xf32> to vector<3200x64xf32>
    %add3A_148 = arith.addf %dot_general3A_143, %add3A_147 : vector<3200x64xf32>
    %max3A_149 = arith.constant 0.000000e+00 : f32
    %max3A_150 = vector.broadcast %max3A_149 : f32 to vector<3200x64xf32>
    %max3A_151 = arith.maximumf %add3A_148, %max3A_150 : vector<3200x64xf32>
    %convert_element_type3A_152 = arith.truncf %max3A_151 : vector<3200x64xf32> to vector<3200x64xbf16>
    %get3A_153 = arith.constant 0 : index
    %get3A_154 = arith.constant 0 : index
    %get3A_155 = vector.load %arg26[%get3A_153, %get3A_154] : memref<64x32xbf16, #tpu.memory_space<vmem>>, vector<64x32xbf16>
    %dot_general3A_156 = arith.constant dense<0.000000e+00> : vector<3200x32xf32>
    %dot_general3A_157 = tpu.matmul %convert_element_type3A_152, %get3A_155, %dot_general3A_156 {dimension_numbers = #tpu.dot_dimension_numbers<[1], [0], [0], [1], [0, 0, 1, 1], [], []>, transpose_lhs_hint = false} : vector<3200x64xbf16>, vector<64x32xbf16>, vector<3200x32xf32> -> vector<3200x32xf32>
    %get3A_158 = arith.constant 0 : index
    %get3A_159 = arith.constant 0 : index
    %get3A_160 = vector.load %arg27[%get3A_158, %get3A_159] : memref<1x32xf32, #tpu.memory_space<vmem>>, vector<1x32xf32>
    %add3A_161 = vector.broadcast %get3A_160 : vector<1x32xf32> to vector<3200x32xf32>
    %add3A_162 = arith.addf %dot_general3A_157, %add3A_161 : vector<3200x32xf32>
    %max3A_163 = arith.constant 0.000000e+00 : f32
    %max3A_164 = vector.broadcast %max3A_163 : f32 to vector<3200x32xf32>
    %max3A_165 = arith.maximumf %add3A_162, %max3A_164 : vector<3200x32xf32>
    %convert_element_type3A_166 = arith.truncf %max3A_165 : vector<3200x32xf32> to vector<3200x32xbf16>
    %get3A_167 = arith.constant 0 : index
    %get3A_168 = arith.constant 0 : index
    %get3A_169 = vector.load %arg28[%get3A_167, %get3A_168] : memref<32x32xbf16, #tpu.memory_space<vmem>>, vector<32x32xbf16>
    %dot_general3A_170 = arith.constant dense<0.000000e+00> : vector<3200x32xf32>
    %dot_general3A_171 = tpu.matmul %convert_element_type3A_166, %get3A_169, %dot_general3A_170 {dimension_numbers = #tpu.dot_dimension_numbers<[1], [0], [0], [1], [0, 0, 1, 1], [], []>, transpose_lhs_hint = false} : vector<3200x32xbf16>, vector<32x32xbf16>, vector<3200x32xf32> -> vector<3200x32xf32>
    %get3A_172 = arith.constant 0 : index
    %get3A_173 = arith.constant 0 : index
    %get3A_174 = vector.load %arg29[%get3A_172, %get3A_173] : memref<1x32xf32, #tpu.memory_space<vmem>>, vector<1x32xf32>
    %add3A_175 = vector.broadcast %get3A_174 : vector<1x32xf32> to vector<3200x32xf32>
    %add3A_176 = arith.addf %dot_general3A_171, %add3A_175 : vector<3200x32xf32>
    %get3A_177 = arith.constant 0 : index
    %get3A_178 = arith.constant 0 : index
    %get3A_179 = arith.constant 0 : index
    %get3A_180 = vector.load %arg7[%get3A_177, %get3A_178, %get3A_179] : memref<1x1x3200xi32, #tpu.memory_space<vmem>>, vector<1x1x3200xi32>
    %get3A_181 = vector.shape_cast %get3A_180 : vector<1x1x3200xi32> to vector<3200xi32>
    %jit3A = arith.constant 4 : i32
    %eq3A = arith.constant 0 : i32
    %eq3A_182 = arith.cmpi eq, %jit3A, %eq3A : i32
    %jit3A_183 = arith.constant 1 : i32
    %select_n3A = arith.select %eq3A_182, %jit3A_183, %jit3A : i32
    %rem3A = vector.broadcast %select_n3A : i32 to vector<3200xi32>
    %rem3A_184 = arith.remsi %get3A_181, %rem3A : vector<3200xi32>
    %ne3A = arith.constant 0 : i32
    %ne3A_185 = vector.broadcast %ne3A : i32 to vector<3200xi32>
    %ne3A_186 = arith.cmpi ne, %rem3A_184, %ne3A_185 : vector<3200xi32>
    %lt3A = arith.constant 0 : i32
    %lt3A_187 = vector.broadcast %lt3A : i32 to vector<3200xi32>
    %lt3A_188 = arith.cmpi slt, %rem3A_184, %lt3A_187 : vector<3200xi32>
    %lt3A_189 = arith.constant 0 : i32
    %lt3A_190 = arith.cmpi slt, %select_n3A, %lt3A_189 : i32
    %ne3A_191 = vector.broadcast %lt3A_190 : i1 to vector<3200xi1>
    %ne3A_192 = vector.broadcast %ne3A_191 : vector<3200xi1> to vector<3200xi1>
    %ne3A_193 = arith.xori %lt3A_188, %ne3A_192 : vector<3200xi1>
    %and3A = arith.andi %ne3A_193, %ne3A_186 : vector<3200xi1>
    %add3A_194 = vector.broadcast %select_n3A : i32 to vector<3200xi32>
    %add3A_195 = arith.addi %rem3A_184, %add3A_194 : vector<3200xi32>
    %select_n3A_196 = arith.select %and3A, %add3A_195, %rem3A_184 : vector<3200xi1>, vector<3200xi32>
    %broadcast_in_dim3A = vector.shape_cast %select_n3A_196 : vector<3200xi32> to vector<3200x1xi32>
    %iota3A = tpu.iota {dimensions = array<i32: 1>} : vector<3200x128xi32>
    %jit3A_197 = arith.constant 32 : i32
    %div3A = vector.broadcast %jit3A_197 : i32 to vector<3200x128xi32>
    %div3A_198 = arith.divsi %iota3A, %div3A : vector<3200x128xi32>
    %sign3A = arith.constant 0 : i32
    %sign3A_199 = vector.broadcast %sign3A : i32 to vector<3200x128xi32>
    %sign3A_200 = arith.cmpi sgt, %iota3A, %sign3A_199 : vector<3200x128xi32>
    %sign3A_201 = arith.extui %sign3A_200 : vector<3200x128xi1> to vector<3200x128xi32>
    %sign3A_202 = arith.constant 0 : i32
    %sign3A_203 = vector.broadcast %sign3A_202 : i32 to vector<3200x128xi32>
    %sign3A_204 = arith.cmpi slt, %iota3A, %sign3A_203 : vector<3200x128xi32>
    %sign3A_205 = arith.extui %sign3A_204 : vector<3200x128xi1> to vector<3200x128xi32>
    %sign3A_206 = arith.subi %sign3A_201, %sign3A_205 : vector<3200x128xi32>
    %sign3A_207 = arith.constant 0 : i32
    %sign3A_208 = arith.cmpi sgt, %jit3A_197, %sign3A_207 : i32
    %sign3A_209 = arith.extui %sign3A_208 : i1 to i32
    %sign3A_210 = arith.constant 0 : i32
    %sign3A_211 = arith.cmpi slt, %jit3A_197, %sign3A_210 : i32
    %sign3A_212 = arith.extui %sign3A_211 : i1 to i32
    %sign3A_213 = arith.subi %sign3A_209, %sign3A_212 : i32
    %ne3A_214 = vector.broadcast %sign3A_213 : i32 to vector<3200x128xi32>
    %ne3A_215 = arith.cmpi ne, %sign3A_206, %ne3A_214 : vector<3200x128xi32>
    %rem3A_216 = vector.broadcast %jit3A_197 : i32 to vector<3200x128xi32>
    %rem3A_217 = arith.remsi %iota3A, %rem3A_216 : vector<3200x128xi32>
    %ne3A_218 = arith.constant 0 : i32
    %ne3A_219 = vector.broadcast %ne3A_218 : i32 to vector<3200x128xi32>
    %ne3A_220 = arith.cmpi ne, %rem3A_217, %ne3A_219 : vector<3200x128xi32>
    %and3A_221 = arith.andi %ne3A_215, %ne3A_220 : vector<3200x128xi1>
    %sub3A = arith.constant 1 : i32
    %sub3A_222 = vector.broadcast %sub3A : i32 to vector<3200x128xi32>
    %sub3A_223 = arith.subi %div3A_198, %sub3A_222 : vector<3200x128xi32>
    %select_n3A_224 = arith.select %and3A_221, %sub3A_223, %div3A_198 : vector<3200x128xi1>, vector<3200x128xi32>
    %concatenate3A = tpu.concatenate %add3A_176, %add3A_176, %add3A_176, %add3A_176 in 1 : vector<3200x32xf32>, vector<3200x32xf32>, vector<3200x32xf32>, vector<3200x32xf32> -> vector<3200x128xf32>
    %eq3A_225 = vector.broadcast %broadcast_in_dim3A : vector<3200x1xi32> to vector<3200x128xi32>
    %eq3A_226 = arith.cmpi eq, %select_n3A_224, %eq3A_225 : vector<3200x128xi32>
    %jit3A_227 = arith.constant 0.000000e+00 : f32
    %broadcast_in_dim3A_228 = vector.broadcast %jit3A_227 : f32 to vector<3200x128xf32>
    %select_n3A_229 = arith.select %eq3A_226, %concatenate3A, %broadcast_in_dim3A_228 : vector<3200x128xi1>, vector<3200x128xf32>
    %swap3A_230 = arith.constant 0 : index
    %swap3A_231 = arith.constant 0 : index
    %swap3A_232 = vector.load %arg31[%swap3A_230, %swap3A_231] : memref<3200x128xf32, #tpu.memory_space<vmem>>, vector<3200x128xf32>
    tpu.vector_store %arg31[%swap3A_230, %swap3A_231], %select_n3A_229 {strides = array<i32>} : memref<3200x128xf32, #tpu.memory_space<vmem>>, vector<3200x128xf32>,
    return
  }
  func.func @transform_0(%arg0: i32) -> (i32, i32) {
    %c0_i32 = arith.constant 0 : i32
    %c0_i32_0 = arith.constant 0 : i32
    return %arg0, %c0_i32 : i32, i32
  }
  func.func @transform_1(%arg0: i32) -> (i32, i32) {
    %c0_i32 = arith.constant 0 : i32
    %c0_i32_0 = arith.constant 0 : i32
    return %arg0, %c0_i32 : i32, i32
  }
  func.func @transform_2(%arg0: i32) -> (i32, i32) {
    %c0_i32 = arith.constant 0 : i32
    %c0_i32_0 = arith.constant 0 : i32
    return %arg0, %c0_i32 : i32, i32
  }
  func.func @transform_3(%arg0: i32) -> (i32, i32) {
    %c0_i32 = arith.constant 0 : i32
    %c0_i32_0 = arith.constant 0 : i32
    return %arg0, %c0_i32 : i32, i32
  }
  func.func @transform_4(%arg0: i32) -> (i32, i32) {
    %c0_i32 = arith.constant 0 : i32
    %c0_i32_0 = arith.constant 0 : i32
    return %arg0, %c0_i32 : i32, i32
  }
  func.func @transform_5(%arg0: i32) -> (i32, i32) {
    %c0_i32 = arith.constant 0 : i32
    %c0_i32_0 = arith.constant 0 : i32
    return %arg0, %c0_i32 : i32, i32
  }
  func.func @transform_6(%arg0: i32) -> (i32, i32, i32) {
    %c0_i32 = arith.constant 0 : i32
    %c0_i32_0 = arith.constant 0 : i32
    %c0_i32_1 = arith.constant 0 : i32
    return %arg0, %c0_i32, %c0_i32_0 : i32, i32, i32
  }
  func.func @transform_7(%arg0: i32) -> (i32, i32) {
    %c0_i32 = arith.constant 0 : i32
    %c0_i32_0 = arith.constant 0 : i32
    %c0_i32_1 = arith.constant 0 : i32
    return %c0_i32, %c0_i32_0 : i32, i32
  }
  func.func @transform_8(%arg0: i32) -> (i32, i32) {
    %c0_i32 = arith.constant 0 : i32
    %c0_i32_0 = arith.constant 0 : i32
    %c0_i32_1 = arith.constant 0 : i32
    return %c0_i32, %c0_i32_0 : i32, i32
  }
  func.func @transform_9(%arg0: i32) -> (i32, i32) {
    %c0_i32 = arith.constant 0 : i32
    %c0_i32_0 = arith.constant 0 : i32
    %c0_i32_1 = arith.constant 0 : i32
    return %c0_i32, %c0_i32_0 : i32, i32
  }
  func.func @transform_10(%arg0: i32) -> (i32, i32) {
    %c0_i32 = arith.constant 0 : i32
    %c0_i32_0 = arith.constant 0 : i32
    %c0_i32_1 = arith.constant 0 : i32
    return %c0_i32, %c0_i32_0 : i32, i32
  }
  func.func @transform_11(%arg0: i32) -> (i32, i32) {
    %c0_i32 = arith.constant 0 : i32
    %c0_i32_0 = arith.constant 0 : i32
    %c0_i32_1 = arith.constant 0 : i32
    return %c0_i32, %c0_i32_0 : i32, i32
  }
  func.func @transform_12(%arg0: i32) -> (i32, i32) {
    %c0_i32 = arith.constant 0 : i32
    %c0_i32_0 = arith.constant 0 : i32
    %c0_i32_1 = arith.constant 0 : i32
    return %c0_i32, %c0_i32_0 : i32, i32
  }
  func.func @transform_13(%arg0: i32) -> (i32, i32) {
    %c0_i32 = arith.constant 0 : i32
    %c0_i32_0 = arith.constant 0 : i32
    %c0_i32_1 = arith.constant 0 : i32
    return %c0_i32, %c0_i32_0 : i32, i32
  }
  func.func @transform_14(%arg0: i32) -> (i32, i32) {
    %c0_i32 = arith.constant 0 : i32
    %c0_i32_0 = arith.constant 0 : i32
    %c0_i32_1 = arith.constant 0 : i32
    return %c0_i32, %c0_i32_0 : i32, i32
  }
  func.func @transform_15(%arg0: i32) -> (i32, i32) {
    %c0_i32 = arith.constant 0 : i32
    %c0_i32_0 = arith.constant 0 : i32
    %c0_i32_1 = arith.constant 0 : i32
    return %c0_i32, %c0_i32_0 : i32, i32
  }
  func.func @transform_16(%arg0: i32) -> (i32, i32) {
    %c0_i32 = arith.constant 0 : i32
    %c0_i32_0 = arith.constant 0 : i32
    %c0_i32_1 = arith.constant 0 : i32
    return %c0_i32, %c0_i32_0 : i32, i32
  }
  func.func @transform_17(%arg0: i32) -> (i32, i32) {
    %c0_i32 = arith.constant 0 : i32
    %c0_i32_0 = arith.constant 0 : i32
    %c0_i32_1 = arith.constant 0 : i32
    return %c0_i32, %c0_i32_0 : i32, i32
  }
  func.func @transform_18(%arg0: i32) -> (i32, i32) {
    %c0_i32 = arith.constant 0 : i32
    %c0_i32_0 = arith.constant 0 : i32
    %c0_i32_1 = arith.constant 0 : i32
    return %c0_i32, %c0_i32_0 : i32, i32
  }
  func.func @transform_19(%arg0: i32) -> (i32, i32) {
    %c0_i32 = arith.constant 0 : i32
    %c0_i32_0 = arith.constant 0 : i32
    %c0_i32_1 = arith.constant 0 : i32
    return %c0_i32, %c0_i32_0 : i32, i32
  }
  func.func @transform_20(%arg0: i32) -> (i32, i32) {
    %c0_i32 = arith.constant 0 : i32
    %c0_i32_0 = arith.constant 0 : i32
    %c0_i32_1 = arith.constant 0 : i32
    return %c0_i32, %c0_i32_0 : i32, i32
  }
  func.func @transform_21(%arg0: i32) -> (i32, i32) {
    %c0_i32 = arith.constant 0 : i32
    %c0_i32_0 = arith.constant 0 : i32
    %c0_i32_1 = arith.constant 0 : i32
    return %c0_i32, %c0_i32_0 : i32, i32
  }
  func.func @transform_22(%arg0: i32) -> (i32, i32) {
    %c0_i32 = arith.constant 0 : i32
    %c0_i32_0 = arith.constant 0 : i32
    %c0_i32_1 = arith.constant 0 : i32
    return %c0_i32, %c0_i32_0 : i32, i32
  }
  func.func @transform_23(%arg0: i32) -> (i32, i32) {
    %c0_i32 = arith.constant 0 : i32
    %c0_i32_0 = arith.constant 0 : i32
    %c0_i32_1 = arith.constant 0 : i32
    return %c0_i32, %c0_i32_0 : i32, i32
  }
  func.func @transform_24(%arg0: i32) -> (i32, i32) {
    %c0_i32 = arith.constant 0 : i32
    %c0_i32_0 = arith.constant 0 : i32
    %c0_i32_1 = arith.constant 0 : i32
    return %c0_i32, %c0_i32_0 : i32, i32
  }
  func.func @transform_25(%arg0: i32) -> (i32, i32) {
    %c0_i32 = arith.constant 0 : i32
    %c0_i32_0 = arith.constant 0 : i32
    %c0_i32_1 = arith.constant 0 : i32
    return %c0_i32, %c0_i32_0 : i32, i32
  }
  func.func @transform_26(%arg0: i32) -> (i32, i32) {
    %c0_i32 = arith.constant 0 : i32
    %c0_i32_0 = arith.constant 0 : i32
    %c0_i32_1 = arith.constant 0 : i32
    return %c0_i32, %c0_i32_0 : i32, i32
  }
  func.func @transform_27(%arg0: i32) -> (i32, i32) {
    %c0_i32 = arith.constant 0 : i32
    %c0_i32_0 = arith.constant 0 : i32
    %c0_i32_1 = arith.constant 0 : i32
    return %c0_i32, %c0_i32_0 : i32, i32
  }
  func.func @transform_28(%arg0: i32) -> (i32, i32) {
    %c0_i32 = arith.constant 0 : i32
    %c0_i32_0 = arith.constant 0 : i32
    %c0_i32_1 = arith.constant 0 : i32
    return %c0_i32, %c0_i32_0 : i32, i32
  }
  func.func @transform_29(%arg0: i32) -> (i32, i32) {
    %c0_i32 = arith.constant 0 : i32
    %c0_i32_0 = arith.constant 0 : i32
    return %arg0, %c0_i32 : i32, i32
  }
  func.func @transform_30(%arg0: i32) -> (i32, i32) {
    %c0_i32 = arith.constant 0 : i32
    %c0_i32_0 = arith.constant 0 : i32
    return %arg0, %c0_i32 : i32, i32
  }
}

module attributes {stable_mosaic.version = 14 : i64} {
  func.func @body(%arg0: i32, %arg1: memref<2000x64xbf16, #tpu.memory_space<vmem>>, %arg2: memref<1x2000x128xf32, #tpu.memory_space<vmem>>, %arg3: memref<1x2000x128xf32, #tpu.memory_space<vmem>>, %arg4: memref<64x1024xbf16, #tpu.memory_space<vmem>>, %arg5: memref<128x1024xbf16, #tpu.memory_space<vmem>>, %arg6: memref<1x1024xf32, #tpu.memory_space<vmem>>, %arg7: memref<1024x512xbf16, #tpu.memory_space<vmem>>, %arg8: memref<1x512xf32, #tpu.memory_space<vmem>>, %arg9: memref<512x256xbf16, #tpu.memory_space<vmem>>, %arg10: memref<1x256xf32, #tpu.memory_space<vmem>>, %arg11: memref<256x128xbf16, #tpu.memory_space<vmem>>, %arg12: memref<1x128xf32, #tpu.memory_space<vmem>>, %arg13: memref<128x64xbf16, #tpu.memory_space<vmem>>, %arg14: memref<1x64xf32, #tpu.memory_space<vmem>>, %arg15: memref<2000x64xf32, #tpu.memory_space<vmem>>) attributes {dimension_semantics = [#tpu.dimension_semantics<arbitrary>], iteration_bounds = array<i64: 20>, scalar_prefetch = 0 : i64, scratch_operands = 0 : i64, tpu.core_type = #tpu.core_type<tc>, window_params = [{transform_indices = @transform_0, window_bounds = array<i64: 2000, 64>}, {transform_indices = @transform_1, window_bounds = array<i64: 1, 2000, 128>}, {transform_indices = @transform_2, window_bounds = array<i64: 1, 2000, 128>}, {pipeline_mode = #tpu.pipeline_mode<synchronous>, transform_indices = @transform_3, window_bounds = array<i64: 64, 1024>}, {pipeline_mode = #tpu.pipeline_mode<synchronous>, transform_indices = @transform_4, window_bounds = array<i64: 128, 1024>}, {pipeline_mode = #tpu.pipeline_mode<synchronous>, transform_indices = @transform_5, window_bounds = array<i64: 1, 1024>}, {pipeline_mode = #tpu.pipeline_mode<synchronous>, transform_indices = @transform_6, window_bounds = array<i64: 1024, 512>}, {pipeline_mode = #tpu.pipeline_mode<synchronous>, transform_indices = @transform_7, window_bounds = array<i64: 1, 512>}, {pipeline_mode = #tpu.pipeline_mode<synchronous>, transform_indices = @transform_8, window_bounds = array<i64: 512, 256>}, {pipeline_mode = #tpu.pipeline_mode<synchronous>, transform_indices = @transform_9, window_bounds = array<i64: 1, 256>}, {pipeline_mode = #tpu.pipeline_mode<synchronous>, transform_indices = @transform_10, window_bounds = array<i64: 256, 128>}, {pipeline_mode = #tpu.pipeline_mode<synchronous>, transform_indices = @transform_11, window_bounds = array<i64: 1, 128>}, {pipeline_mode = #tpu.pipeline_mode<synchronous>, transform_indices = @transform_12, window_bounds = array<i64: 128, 64>}, {pipeline_mode = #tpu.pipeline_mode<synchronous>, transform_indices = @transform_13, window_bounds = array<i64: 1, 64>}, {transform_indices = @transform_14, window_bounds = array<i64: 2000, 64>}]} {
    %get3A = arith.constant 0 : index
    %get3A_0 = arith.constant 0 : index
    %get3A_1 = arith.constant 0 : index
    %get3A_2 = vector.load %arg2[%get3A, %get3A_0, %get3A_1] : memref<1x2000x128xf32, #tpu.memory_space<vmem>>, vector<1x2000x128xf32>
    %get3A_3 = vector.shape_cast %get3A_2 : vector<1x2000x128xf32> to vector<2000x128xf32>
    %get3A_4 = arith.constant 0 : index
    %get3A_5 = arith.constant 0 : index
    %get3A_6 = arith.constant 0 : index
    %get3A_7 = vector.load %arg3[%get3A_4, %get3A_5, %get3A_6] : memref<1x2000x128xf32, #tpu.memory_space<vmem>>, vector<1x2000x128xf32>
    %get3A_8 = vector.shape_cast %get3A_7 : vector<1x2000x128xf32> to vector<2000x128xf32>
    %add3A = arith.addf %get3A_3, %get3A_8 : vector<2000x128xf32>
    %get3A_9 = arith.constant 0 : index
    %get3A_10 = arith.constant 0 : index
    %get3A_11 = vector.load %arg1[%get3A_9, %get3A_10] : memref<2000x64xbf16, #tpu.memory_space<vmem>>, vector<2000x64xbf16>
    %get3A_12 = arith.constant 0 : index
    %get3A_13 = arith.constant 0 : index
    %get3A_14 = vector.load %arg4[%get3A_12, %get3A_13] : memref<64x1024xbf16, #tpu.memory_space<vmem>>, vector<64x1024xbf16>
    %dot_general3A = arith.constant dense<0.000000e+00> : vector<2000x1024xf32>
    %dot_general3A_15 = tpu.matmul %get3A_11, %get3A_14, %dot_general3A {dimension_numbers = #tpu.dot_dimension_numbers<[1], [0], [0], [1], [0, 0, 1, 1], [], []>, transpose_lhs_hint = false} : vector<2000x64xbf16>, vector<64x1024xbf16>, vector<2000x1024xf32> -> vector<2000x1024xf32>
    %convert_element_type3A = arith.truncf %add3A : vector<2000x128xf32> to vector<2000x128xbf16>
    %get3A_16 = arith.constant 0 : index
    %get3A_17 = arith.constant 0 : index
    %get3A_18 = vector.load %arg5[%get3A_16, %get3A_17] : memref<128x1024xbf16, #tpu.memory_space<vmem>>, vector<128x1024xbf16>
    %dot_general3A_19 = arith.constant dense<0.000000e+00> : vector<2000x1024xf32>
    %dot_general3A_20 = tpu.matmul %convert_element_type3A, %get3A_18, %dot_general3A_19 {dimension_numbers = #tpu.dot_dimension_numbers<[1], [0], [0], [1], [0, 0, 1, 1], [], []>, transpose_lhs_hint = false} : vector<2000x128xbf16>, vector<128x1024xbf16>, vector<2000x1024xf32> -> vector<2000x1024xf32>
    %add3A_21 = arith.addf %dot_general3A_15, %dot_general3A_20 : vector<2000x1024xf32>
    %get3A_22 = arith.constant 0 : index
    %get3A_23 = arith.constant 0 : index
    %get3A_24 = vector.load %arg6[%get3A_22, %get3A_23] : memref<1x1024xf32, #tpu.memory_space<vmem>>, vector<1x1024xf32>
    %add3A_25 = vector.broadcast %get3A_24 : vector<1x1024xf32> to vector<2000x1024xf32>
    %add3A_26 = arith.addf %add3A_21, %add3A_25 : vector<2000x1024xf32>
    %max3A = arith.constant 0.000000e+00 : f32
    %max3A_27 = vector.broadcast %max3A : f32 to vector<2000x1024xf32>
    %max3A_28 = arith.maximumf %add3A_26, %max3A_27 : vector<2000x1024xf32>
    %convert_element_type3A_29 = arith.truncf %max3A_28 : vector<2000x1024xf32> to vector<2000x1024xbf16>
    %get3A_30 = arith.constant 0 : index
    %get3A_31 = arith.constant 0 : index
    %get3A_32 = vector.load %arg7[%get3A_30, %get3A_31] : memref<1024x512xbf16, #tpu.memory_space<vmem>>, vector<1024x512xbf16>
    %dot_general3A_33 = arith.constant dense<0.000000e+00> : vector<2000x512xf32>
    %dot_general3A_34 = tpu.matmul %convert_element_type3A_29, %get3A_32, %dot_general3A_33 {dimension_numbers = #tpu.dot_dimension_numbers<[1], [0], [0], [1], [0, 0, 1, 1], [], []>, transpose_lhs_hint = false} : vector<2000x1024xbf16>, vector<1024x512xbf16>, vector<2000x512xf32> -> vector<2000x512xf32>
    %get3A_35 = arith.constant 0 : index
    %get3A_36 = arith.constant 0 : index
    %get3A_37 = vector.load %arg8[%get3A_35, %get3A_36] : memref<1x512xf32, #tpu.memory_space<vmem>>, vector<1x512xf32>
    %add3A_38 = vector.broadcast %get3A_37 : vector<1x512xf32> to vector<2000x512xf32>
    %add3A_39 = arith.addf %dot_general3A_34, %add3A_38 : vector<2000x512xf32>
    %max3A_40 = arith.constant 0.000000e+00 : f32
    %max3A_41 = vector.broadcast %max3A_40 : f32 to vector<2000x512xf32>
    %max3A_42 = arith.maximumf %add3A_39, %max3A_41 : vector<2000x512xf32>
    %convert_element_type3A_43 = arith.truncf %max3A_42 : vector<2000x512xf32> to vector<2000x512xbf16>
    %get3A_44 = arith.constant 0 : index
    %get3A_45 = arith.constant 0 : index
    %get3A_46 = vector.load %arg9[%get3A_44, %get3A_45] : memref<512x256xbf16, #tpu.memory_space<vmem>>, vector<512x256xbf16>
    %dot_general3A_47 = arith.constant dense<0.000000e+00> : vector<2000x256xf32>
    %dot_general3A_48 = tpu.matmul %convert_element_type3A_43, %get3A_46, %dot_general3A_47 {dimension_numbers = #tpu.dot_dimension_numbers<[1], [0], [0], [1], [0, 0, 1, 1], [], []>, transpose_lhs_hint = false} : vector<2000x512xbf16>, vector<512x256xbf16>, vector<2000x256xf32> -> vector<2000x256xf32>
    %get3A_49 = arith.constant 0 : index
    %get3A_50 = arith.constant 0 : index
    %get3A_51 = vector.load %arg10[%get3A_49, %get3A_50] : memref<1x256xf32, #tpu.memory_space<vmem>>, vector<1x256xf32>
    %add3A_52 = vector.broadcast %get3A_51 : vector<1x256xf32> to vector<2000x256xf32>
    %add3A_53 = arith.addf %dot_general3A_48, %add3A_52 : vector<2000x256xf32>
    %max3A_54 = arith.constant 0.000000e+00 : f32
    %max3A_55 = vector.broadcast %max3A_54 : f32 to vector<2000x256xf32>
    %max3A_56 = arith.maximumf %add3A_53, %max3A_55 : vector<2000x256xf32>
    %convert_element_type3A_57 = arith.truncf %max3A_56 : vector<2000x256xf32> to vector<2000x256xbf16>
    %get3A_58 = arith.constant 0 : index
    %get3A_59 = arith.constant 0 : index
    %get3A_60 = vector.load %arg11[%get3A_58, %get3A_59] : memref<256x128xbf16, #tpu.memory_space<vmem>>, vector<256x128xbf16>
    %dot_general3A_61 = arith.constant dense<0.000000e+00> : vector<2000x128xf32>
    %dot_general3A_62 = tpu.matmul %convert_element_type3A_57, %get3A_60, %dot_general3A_61 {dimension_numbers = #tpu.dot_dimension_numbers<[1], [0], [0], [1], [0, 0, 1, 1], [], []>, transpose_lhs_hint = false} : vector<2000x256xbf16>, vector<256x128xbf16>, vector<2000x128xf32> -> vector<2000x128xf32>
    %get3A_63 = arith.constant 0 : index
    %get3A_64 = arith.constant 0 : index
    %get3A_65 = vector.load %arg12[%get3A_63, %get3A_64] : memref<1x128xf32, #tpu.memory_space<vmem>>, vector<1x128xf32>
    %add3A_66 = vector.broadcast %get3A_65 : vector<1x128xf32> to vector<2000x128xf32>
    %add3A_67 = arith.addf %dot_general3A_62, %add3A_66 : vector<2000x128xf32>
    %max3A_68 = arith.constant 0.000000e+00 : f32
    %max3A_69 = vector.broadcast %max3A_68 : f32 to vector<2000x128xf32>
    %max3A_70 = arith.maximumf %add3A_67, %max3A_69 : vector<2000x128xf32>
    %convert_element_type3A_71 = arith.truncf %max3A_70 : vector<2000x128xf32> to vector<2000x128xbf16>
    %get3A_72 = arith.constant 0 : index
    %get3A_73 = arith.constant 0 : index
    %get3A_74 = vector.load %arg13[%get3A_72, %get3A_73] : memref<128x64xbf16, #tpu.memory_space<vmem>>, vector<128x64xbf16>
    %dot_general3A_75 = arith.constant dense<0.000000e+00> : vector<2000x64xf32>
    %dot_general3A_76 = tpu.matmul %convert_element_type3A_71, %get3A_74, %dot_general3A_75 {dimension_numbers = #tpu.dot_dimension_numbers<[1], [0], [0], [1], [0, 0, 1, 1], [], []>, transpose_lhs_hint = false} : vector<2000x128xbf16>, vector<128x64xbf16>, vector<2000x64xf32> -> vector<2000x64xf32>
    %get3A_77 = arith.constant 0 : index
    %get3A_78 = arith.constant 0 : index
    %get3A_79 = vector.load %arg14[%get3A_77, %get3A_78] : memref<1x64xf32, #tpu.memory_space<vmem>>, vector<1x64xf32>
    %add3A_80 = vector.broadcast %get3A_79 : vector<1x64xf32> to vector<2000x64xf32>
    %add3A_81 = arith.addf %dot_general3A_76, %add3A_80 : vector<2000x64xf32>
    %swap3A = arith.constant 0 : index
    %swap3A_82 = arith.constant 0 : index
    %swap3A_83 = vector.load %arg15[%swap3A, %swap3A_82] : memref<2000x64xf32, #tpu.memory_space<vmem>>, vector<2000x64xf32>
    tpu.vector_store %arg15[%swap3A, %swap3A_82], %add3A_81 {strides = array<i32>} : memref<2000x64xf32, #tpu.memory_space<vmem>>, vector<2000x64xf32>,
    return
  }
  func.func @transform_0(%arg0: i32) -> (i32, i32) {
    %c0_i32 = arith.constant 0 : i32
    %c0_i32_0 = arith.constant 0 : i32
    return %arg0, %c0_i32 : i32, i32
  }
  func.func @transform_1(%arg0: i32) -> (i32, i32, i32) {
    %jit3A = arith.constant 5 : i32
    %div3A = arith.divsi %arg0, %jit3A : i32
    %sign3A = arith.constant 0 : i32
    %sign3A_0 = arith.cmpi sgt, %arg0, %sign3A : i32
    %sign3A_1 = arith.extui %sign3A_0 : i1 to i32
    %sign3A_2 = arith.constant 0 : i32
    %sign3A_3 = arith.cmpi slt, %arg0, %sign3A_2 : i32
    %sign3A_4 = arith.extui %sign3A_3 : i1 to i32
    %sign3A_5 = arith.subi %sign3A_1, %sign3A_4 : i32
    %sign3A_6 = arith.constant 0 : i32
    %sign3A_7 = arith.cmpi sgt, %jit3A, %sign3A_6 : i32
    %sign3A_8 = arith.extui %sign3A_7 : i1 to i32
    %sign3A_9 = arith.constant 0 : i32
    %sign3A_10 = arith.cmpi slt, %jit3A, %sign3A_9 : i32
    %sign3A_11 = arith.extui %sign3A_10 : i1 to i32
    %sign3A_12 = arith.subi %sign3A_8, %sign3A_11 : i32
    %ne3A = arith.cmpi ne, %sign3A_5, %sign3A_12 : i32
    %rem3A = arith.remsi %arg0, %jit3A : i32
    %ne3A_13 = arith.constant 0 : i32
    %ne3A_14 = arith.cmpi ne, %rem3A, %ne3A_13 : i32
    %and3A = arith.andi %ne3A, %ne3A_14 : i1
    %sub3A = arith.constant 1 : i32
    %sub3A_15 = arith.subi %div3A, %sub3A : i32
    %select_n3A = arith.select %and3A, %sub3A_15, %div3A : i32
    %jit3A_16 = arith.constant 5 : i32
    %eq3A = arith.constant 0 : i32
    %eq3A_17 = arith.cmpi eq, %jit3A_16, %eq3A : i32
    %jit3A_18 = arith.constant 1 : i32
    %select_n3A_19 = arith.select %eq3A_17, %jit3A_18, %jit3A_16 : i32
    %rem3A_20 = arith.remsi %arg0, %select_n3A_19 : i32
    %ne3A_21 = arith.constant 0 : i32
    %ne3A_22 = arith.cmpi ne, %rem3A_20, %ne3A_21 : i32
    %lt3A = arith.constant 0 : i32
    %lt3A_23 = arith.cmpi slt, %rem3A_20, %lt3A : i32
    %lt3A_24 = arith.constant 0 : i32
    %lt3A_25 = arith.cmpi slt, %select_n3A_19, %lt3A_24 : i32
    %ne3A_26 = arith.xori %lt3A_23, %lt3A_25 : i1
    %and3A_27 = arith.andi %ne3A_26, %ne3A_22 : i1
    %add3A = arith.addi %rem3A_20, %select_n3A_19 : i32
    %select_n3A_28 = arith.select %and3A_27, %add3A, %rem3A_20 : i32
    %c0_i32 = arith.constant 0 : i32
    %c0_i32_29 = arith.constant 0 : i32
    return %select_n3A, %select_n3A_28, %c0_i32 : i32, i32, i32
  }
  func.func @transform_2(%arg0: i32) -> (i32, i32, i32) {
    %jit3A = arith.constant 5 : i32
    %div3A = arith.divsi %arg0, %jit3A : i32
    %sign3A = arith.constant 0 : i32
    %sign3A_0 = arith.cmpi sgt, %arg0, %sign3A : i32
    %sign3A_1 = arith.extui %sign3A_0 : i1 to i32
    %sign3A_2 = arith.constant 0 : i32
    %sign3A_3 = arith.cmpi slt, %arg0, %sign3A_2 : i32
    %sign3A_4 = arith.extui %sign3A_3 : i1 to i32
    %sign3A_5 = arith.subi %sign3A_1, %sign3A_4 : i32
    %sign3A_6 = arith.constant 0 : i32
    %sign3A_7 = arith.cmpi sgt, %jit3A, %sign3A_6 : i32
    %sign3A_8 = arith.extui %sign3A_7 : i1 to i32
    %sign3A_9 = arith.constant 0 : i32
    %sign3A_10 = arith.cmpi slt, %jit3A, %sign3A_9 : i32
    %sign3A_11 = arith.extui %sign3A_10 : i1 to i32
    %sign3A_12 = arith.subi %sign3A_8, %sign3A_11 : i32
    %ne3A = arith.cmpi ne, %sign3A_5, %sign3A_12 : i32
    %rem3A = arith.remsi %arg0, %jit3A : i32
    %ne3A_13 = arith.constant 0 : i32
    %ne3A_14 = arith.cmpi ne, %rem3A, %ne3A_13 : i32
    %and3A = arith.andi %ne3A, %ne3A_14 : i1
    %sub3A = arith.constant 1 : i32
    %sub3A_15 = arith.subi %div3A, %sub3A : i32
    %select_n3A = arith.select %and3A, %sub3A_15, %div3A : i32
    %jit3A_16 = arith.constant 5 : i32
    %eq3A = arith.constant 0 : i32
    %eq3A_17 = arith.cmpi eq, %jit3A_16, %eq3A : i32
    %jit3A_18 = arith.constant 1 : i32
    %select_n3A_19 = arith.select %eq3A_17, %jit3A_18, %jit3A_16 : i32
    %rem3A_20 = arith.remsi %arg0, %select_n3A_19 : i32
    %ne3A_21 = arith.constant 0 : i32
    %ne3A_22 = arith.cmpi ne, %rem3A_20, %ne3A_21 : i32
    %lt3A = arith.constant 0 : i32
    %lt3A_23 = arith.cmpi slt, %rem3A_20, %lt3A : i32
    %lt3A_24 = arith.constant 0 : i32
    %lt3A_25 = arith.cmpi slt, %select_n3A_19, %lt3A_24 : i32
    %ne3A_26 = arith.xori %lt3A_23, %lt3A_25 : i1
    %and3A_27 = arith.andi %ne3A_26, %ne3A_22 : i1
    %add3A = arith.addi %rem3A_20, %select_n3A_19 : i32
    %select_n3A_28 = arith.select %and3A_27, %add3A, %rem3A_20 : i32
    %c0_i32 = arith.constant 0 : i32
    %c0_i32_29 = arith.constant 0 : i32
    return %select_n3A, %select_n3A_28, %c0_i32 : i32, i32, i32
  }
  func.func @transform_3(%arg0: i32) -> (i32, i32) {
    %c0_i32 = arith.constant 0 : i32
    %c0_i32_0 = arith.constant 0 : i32
    %c0_i32_1 = arith.constant 0 : i32
    return %c0_i32, %c0_i32_0 : i32, i32
  }
  func.func @transform_4(%arg0: i32) -> (i32, i32) {
    %c0_i32 = arith.constant 0 : i32
    %c0_i32_0 = arith.constant 0 : i32
    %c0_i32_1 = arith.constant 0 : i32
    return %c0_i32, %c0_i32_0 : i32, i32
  }
  func.func @transform_5(%arg0: i32) -> (i32, i32) {
    %c0_i32 = arith.constant 0 : i32
    %c0_i32_0 = arith.constant 0 : i32
    %c0_i32_1 = arith.constant 0 : i32
    return %c0_i32, %c0_i32_0 : i32, i32
  }
  func.func @transform_6(%arg0: i32) -> (i32, i32) {
    %c0_i32 = arith.constant 0 : i32
    %c0_i32_0 = arith.constant 0 : i32
    %c0_i32_1 = arith.constant 0 : i32
    return %c0_i32, %c0_i32_0 : i32, i32
  }
  func.func @transform_7(%arg0: i32) -> (i32, i32) {
    %c0_i32 = arith.constant 0 : i32
    %c0_i32_0 = arith.constant 0 : i32
    %c0_i32_1 = arith.constant 0 : i32
    return %c0_i32, %c0_i32_0 : i32, i32
  }
  func.func @transform_8(%arg0: i32) -> (i32, i32) {
    %c0_i32 = arith.constant 0 : i32
    %c0_i32_0 = arith.constant 0 : i32
    %c0_i32_1 = arith.constant 0 : i32
    return %c0_i32, %c0_i32_0 : i32, i32
  }
  func.func @transform_9(%arg0: i32) -> (i32, i32) {
    %c0_i32 = arith.constant 0 : i32
    %c0_i32_0 = arith.constant 0 : i32
    %c0_i32_1 = arith.constant 0 : i32
    return %c0_i32, %c0_i32_0 : i32, i32
  }
  func.func @transform_10(%arg0: i32) -> (i32, i32) {
    %c0_i32 = arith.constant 0 : i32
    %c0_i32_0 = arith.constant 0 : i32
    %c0_i32_1 = arith.constant 0 : i32
    return %c0_i32, %c0_i32_0 : i32, i32
  }
  func.func @transform_11(%arg0: i32) -> (i32, i32) {
    %c0_i32 = arith.constant 0 : i32
    %c0_i32_0 = arith.constant 0 : i32
    %c0_i32_1 = arith.constant 0 : i32
    return %c0_i32, %c0_i32_0 : i32, i32
  }
  func.func @transform_12(%arg0: i32) -> (i32, i32) {
    %c0_i32 = arith.constant 0 : i32
    %c0_i32_0 = arith.constant 0 : i32
    %c0_i32_1 = arith.constant 0 : i32
    return %c0_i32, %c0_i32_0 : i32, i32
  }
  func.func @transform_13(%arg0: i32) -> (i32, i32) {
    %c0_i32 = arith.constant 0 : i32
    %c0_i32_0 = arith.constant 0 : i32
    %c0_i32_1 = arith.constant 0 : i32
    return %c0_i32, %c0_i32_0 : i32, i32
  }
  func.func @transform_14(%arg0: i32) -> (i32, i32) {
    %c0_i32 = arith.constant 0 : i32
    %c0_i32_0 = arith.constant 0 : i32
    return %arg0, %c0_i32 : i32, i32
  }
}

module attributes {stable_mosaic.version = 14 : i64} {
  func.func @body(%arg0: i32, %arg1: memref<1000x128xf32, #tpu.memory_space<vmem>>, %arg2: memref<2x1000x128xf32, #tpu.memory_space<vmem>>, %arg3: memref<2x1000x128xf32, #tpu.memory_space<vmem>>, %arg4: memref<256x256xbf16, #tpu.memory_space<vmem>>, %arg5: memref<1x256xf32, #tpu.memory_space<vmem>>, %arg6: memref<256x128xbf16, #tpu.memory_space<vmem>>, %arg7: memref<1x128xf32, #tpu.memory_space<vmem>>, %arg8: memref<128x64xbf16, #tpu.memory_space<vmem>>, %arg9: memref<1x64xf32, #tpu.memory_space<vmem>>, %arg10: memref<64x32xbf16, #tpu.memory_space<vmem>>, %arg11: memref<1x32xf32, #tpu.memory_space<vmem>>, %arg12: memref<32x128xbf16, #tpu.memory_space<vmem>>, %arg13: memref<1x128xf32, #tpu.memory_space<vmem>>, %arg14: memref<1000x128xf32, #tpu.memory_space<vmem>>) attributes {dimension_semantics = [#tpu.dimension_semantics<arbitrary>], iteration_bounds = array<i64: 10>, scalar_prefetch = 0 : i64, scratch_operands = 0 : i64, tpu.core_type = #tpu.core_type<tc>, window_params = [{transform_indices = @transform_0, window_bounds = array<i64: 1000, 128>}, {transform_indices = @transform_1, window_bounds = array<i64: 2, 1000, 128>}, {transform_indices = @transform_2, window_bounds = array<i64: 2, 1000, 128>}, {pipeline_mode = #tpu.pipeline_mode<synchronous>, transform_indices = @transform_3, window_bounds = array<i64: 256, 256>}, {pipeline_mode = #tpu.pipeline_mode<synchronous>, transform_indices = @transform_4, window_bounds = array<i64: 1, 256>}, {pipeline_mode = #tpu.pipeline_mode<synchronous>, transform_indices = @transform_5, window_bounds = array<i64: 256, 128>}, {pipeline_mode = #tpu.pipeline_mode<synchronous>, transform_indices = @transform_6, window_bounds = array<i64: 1, 128>}, {pipeline_mode = #tpu.pipeline_mode<synchronous>, transform_indices = @transform_7, window_bounds = array<i64: 128, 64>}, {pipeline_mode = #tpu.pipeline_mode<synchronous>, transform_indices = @transform_8, window_bounds = array<i64: 1, 64>}, {pipeline_mode = #tpu.pipeline_mode<synchronous>, transform_indices = @transform_9, window_bounds = array<i64: 64, 32>}, {pipeline_mode = #tpu.pipeline_mode<synchronous>, transform_indices = @transform_10, window_bounds = array<i64: 1, 32>}, {pipeline_mode = #tpu.pipeline_mode<synchronous>, transform_indices = @transform_11, window_bounds = array<i64: 32, 128>}, {pipeline_mode = #tpu.pipeline_mode<synchronous>, transform_indices = @transform_12, window_bounds = array<i64: 1, 128>}, {transform_indices = @transform_13, window_bounds = array<i64: 1000, 128>}]} {
    %get3A = arith.constant 0 : index
    %get3A_0 = arith.constant 0 : index
    %get3A_1 = arith.constant 0 : index
    %get3A_2 = vector.load %arg2[%get3A, %get3A_0, %get3A_1] : memref<2x1000x128xf32, #tpu.memory_space<vmem>>, vector<1x1000x128xf32>
    %get3A_3 = vector.shape_cast %get3A_2 : vector<1x1000x128xf32> to vector<1000x128xf32>
    %get3A_4 = arith.constant 1 : index
    %get3A_5 = arith.constant 0 : index
    %get3A_6 = arith.constant 0 : index
    %get3A_7 = vector.load %arg2[%get3A_4, %get3A_5, %get3A_6] : memref<2x1000x128xf32, #tpu.memory_space<vmem>>, vector<1x1000x128xf32>
    %get3A_8 = vector.shape_cast %get3A_7 : vector<1x1000x128xf32> to vector<1000x128xf32>
    %add3A = arith.addf %get3A_3, %get3A_8 : vector<1000x128xf32>
    %get3A_9 = arith.constant 0 : index
    %get3A_10 = arith.constant 0 : index
    %get3A_11 = arith.constant 0 : index
    %get3A_12 = vector.load %arg3[%get3A_9, %get3A_10, %get3A_11] : memref<2x1000x128xf32, #tpu.memory_space<vmem>>, vector<1x1000x128xf32>
    %get3A_13 = vector.shape_cast %get3A_12 : vector<1x1000x128xf32> to vector<1000x128xf32>
    %add3A_14 = arith.addf %add3A, %get3A_13 : vector<1000x128xf32>
    %get3A_15 = arith.constant 1 : index
    %get3A_16 = arith.constant 0 : index
    %get3A_17 = arith.constant 0 : index
    %get3A_18 = vector.load %arg3[%get3A_15, %get3A_16, %get3A_17] : memref<2x1000x128xf32, #tpu.memory_space<vmem>>, vector<1x1000x128xf32>
    %get3A_19 = vector.shape_cast %get3A_18 : vector<1x1000x128xf32> to vector<1000x128xf32>
    %add3A_20 = arith.addf %add3A_14, %get3A_19 : vector<1000x128xf32>
    %get3A_21 = arith.constant 0 : index
    %get3A_22 = arith.constant 0 : index
    %get3A_23 = vector.load %arg1[%get3A_21, %get3A_22] : memref<1000x128xf32, #tpu.memory_space<vmem>>, vector<1000x128xf32>
    %convert_element_type3A = arith.truncf %get3A_23 : vector<1000x128xf32> to vector<1000x128xbf16>
    %get3A_24 = arith.constant 0 : index
    %get3A_25 = arith.constant 0 : index
    %get3A_26 = vector.load %arg4[%get3A_24, %get3A_25] : memref<256x256xbf16, #tpu.memory_space<vmem>>, vector<128x256xbf16>
    %dot_general3A = arith.constant dense<0.000000e+00> : vector<1000x256xf32>
    %dot_general3A_27 = tpu.matmul %convert_element_type3A, %get3A_26, %dot_general3A {dimension_numbers = #tpu.dot_dimension_numbers<[1], [0], [0], [1], [0, 0, 1, 1], [], []>, transpose_lhs_hint = false} : vector<1000x128xbf16>, vector<128x256xbf16>, vector<1000x256xf32> -> vector<1000x256xf32>
    %convert_element_type3A_28 = arith.truncf %add3A_20 : vector<1000x128xf32> to vector<1000x128xbf16>
    %get3A_29 = arith.constant 128 : index
    %get3A_30 = arith.constant 0 : index
    %get3A_31 = vector.load %arg4[%get3A_29, %get3A_30] : memref<256x256xbf16, #tpu.memory_space<vmem>>, vector<128x256xbf16>
    %dot_general3A_32 = arith.constant dense<0.000000e+00> : vector<1000x256xf32>
    %dot_general3A_33 = tpu.matmul %convert_element_type3A_28, %get3A_31, %dot_general3A_32 {dimension_numbers = #tpu.dot_dimension_numbers<[1], [0], [0], [1], [0, 0, 1, 1], [], []>, transpose_lhs_hint = false} : vector<1000x128xbf16>, vector<128x256xbf16>, vector<1000x256xf32> -> vector<1000x256xf32>
    %add3A_34 = arith.addf %dot_general3A_27, %dot_general3A_33 : vector<1000x256xf32>
    %get3A_35 = arith.constant 0 : index
    %get3A_36 = arith.constant 0 : index
    %get3A_37 = vector.load %arg5[%get3A_35, %get3A_36] : memref<1x256xf32, #tpu.memory_space<vmem>>, vector<1x256xf32>
    %add3A_38 = vector.broadcast %get3A_37 : vector<1x256xf32> to vector<1000x256xf32>
    %add3A_39 = arith.addf %add3A_34, %add3A_38 : vector<1000x256xf32>
    %max3A = arith.constant 0.000000e+00 : f32
    %max3A_40 = vector.broadcast %max3A : f32 to vector<1000x256xf32>
    %max3A_41 = arith.maximumf %add3A_39, %max3A_40 : vector<1000x256xf32>
    %convert_element_type3A_42 = arith.truncf %max3A_41 : vector<1000x256xf32> to vector<1000x256xbf16>
    %get3A_43 = arith.constant 0 : index
    %get3A_44 = arith.constant 0 : index
    %get3A_45 = vector.load %arg6[%get3A_43, %get3A_44] : memref<256x128xbf16, #tpu.memory_space<vmem>>, vector<256x128xbf16>
    %dot_general3A_46 = arith.constant dense<0.000000e+00> : vector<1000x128xf32>
    %dot_general3A_47 = tpu.matmul %convert_element_type3A_42, %get3A_45, %dot_general3A_46 {dimension_numbers = #tpu.dot_dimension_numbers<[1], [0], [0], [1], [0, 0, 1, 1], [], []>, transpose_lhs_hint = false} : vector<1000x256xbf16>, vector<256x128xbf16>, vector<1000x128xf32> -> vector<1000x128xf32>
    %get3A_48 = arith.constant 0 : index
    %get3A_49 = arith.constant 0 : index
    %get3A_50 = vector.load %arg7[%get3A_48, %get3A_49] : memref<1x128xf32, #tpu.memory_space<vmem>>, vector<1x128xf32>
    %add3A_51 = vector.broadcast %get3A_50 : vector<1x128xf32> to vector<1000x128xf32>
    %add3A_52 = arith.addf %dot_general3A_47, %add3A_51 : vector<1000x128xf32>
    %max3A_53 = arith.constant 0.000000e+00 : f32
    %max3A_54 = vector.broadcast %max3A_53 : f32 to vector<1000x128xf32>
    %max3A_55 = arith.maximumf %add3A_52, %max3A_54 : vector<1000x128xf32>
    %convert_element_type3A_56 = arith.truncf %max3A_55 : vector<1000x128xf32> to vector<1000x128xbf16>
    %get3A_57 = arith.constant 0 : index
    %get3A_58 = arith.constant 0 : index
    %get3A_59 = vector.load %arg8[%get3A_57, %get3A_58] : memref<128x64xbf16, #tpu.memory_space<vmem>>, vector<128x64xbf16>
    %dot_general3A_60 = arith.constant dense<0.000000e+00> : vector<1000x64xf32>
    %dot_general3A_61 = tpu.matmul %convert_element_type3A_56, %get3A_59, %dot_general3A_60 {dimension_numbers = #tpu.dot_dimension_numbers<[1], [0], [0], [1], [0, 0, 1, 1], [], []>, transpose_lhs_hint = false} : vector<1000x128xbf16>, vector<128x64xbf16>, vector<1000x64xf32> -> vector<1000x64xf32>
    %get3A_62 = arith.constant 0 : index
    %get3A_63 = arith.constant 0 : index
    %get3A_64 = vector.load %arg9[%get3A_62, %get3A_63] : memref<1x64xf32, #tpu.memory_space<vmem>>, vector<1x64xf32>
    %add3A_65 = vector.broadcast %get3A_64 : vector<1x64xf32> to vector<1000x64xf32>
    %add3A_66 = arith.addf %dot_general3A_61, %add3A_65 : vector<1000x64xf32>
    %max3A_67 = arith.constant 0.000000e+00 : f32
    %max3A_68 = vector.broadcast %max3A_67 : f32 to vector<1000x64xf32>
    %max3A_69 = arith.maximumf %add3A_66, %max3A_68 : vector<1000x64xf32>
    %convert_element_type3A_70 = arith.truncf %max3A_69 : vector<1000x64xf32> to vector<1000x64xbf16>
    %get3A_71 = arith.constant 0 : index
    %get3A_72 = arith.constant 0 : index
    %get3A_73 = vector.load %arg10[%get3A_71, %get3A_72] : memref<64x32xbf16, #tpu.memory_space<vmem>>, vector<64x32xbf16>
    %dot_general3A_74 = arith.constant dense<0.000000e+00> : vector<1000x32xf32>
    %dot_general3A_75 = tpu.matmul %convert_element_type3A_70, %get3A_73, %dot_general3A_74 {dimension_numbers = #tpu.dot_dimension_numbers<[1], [0], [0], [1], [0, 0, 1, 1], [], []>, transpose_lhs_hint = false} : vector<1000x64xbf16>, vector<64x32xbf16>, vector<1000x32xf32> -> vector<1000x32xf32>
    %get3A_76 = arith.constant 0 : index
    %get3A_77 = arith.constant 0 : index
    %get3A_78 = vector.load %arg11[%get3A_76, %get3A_77] : memref<1x32xf32, #tpu.memory_space<vmem>>, vector<1x32xf32>
    %add3A_79 = vector.broadcast %get3A_78 : vector<1x32xf32> to vector<1000x32xf32>
    %add3A_80 = arith.addf %dot_general3A_75, %add3A_79 : vector<1000x32xf32>
    %max3A_81 = arith.constant 0.000000e+00 : f32
    %max3A_82 = vector.broadcast %max3A_81 : f32 to vector<1000x32xf32>
    %max3A_83 = arith.maximumf %add3A_80, %max3A_82 : vector<1000x32xf32>
    %convert_element_type3A_84 = arith.truncf %max3A_83 : vector<1000x32xf32> to vector<1000x32xbf16>
    %get3A_85 = arith.constant 0 : index
    %get3A_86 = arith.constant 0 : index
    %get3A_87 = vector.load %arg12[%get3A_85, %get3A_86] : memref<32x128xbf16, #tpu.memory_space<vmem>>, vector<32x128xbf16>
    %dot_general3A_88 = arith.constant dense<0.000000e+00> : vector<1000x128xf32>
    %dot_general3A_89 = tpu.matmul %convert_element_type3A_84, %get3A_87, %dot_general3A_88 {dimension_numbers = #tpu.dot_dimension_numbers<[1], [0], [0], [1], [0, 0, 1, 1], [], []>, transpose_lhs_hint = false} : vector<1000x32xbf16>, vector<32x128xbf16>, vector<1000x128xf32> -> vector<1000x128xf32>
    %get3A_90 = arith.constant 0 : index
    %get3A_91 = arith.constant 0 : index
    %get3A_92 = vector.load %arg13[%get3A_90, %get3A_91] : memref<1x128xf32, #tpu.memory_space<vmem>>, vector<1x128xf32>
    %add3A_93 = vector.broadcast %get3A_92 : vector<1x128xf32> to vector<1000x128xf32>
    %add3A_94 = arith.addf %dot_general3A_89, %add3A_93 : vector<1000x128xf32>
    %swap3A = arith.constant 0 : index
    %swap3A_95 = arith.constant 0 : index
    %swap3A_96 = vector.load %arg14[%swap3A, %swap3A_95] : memref<1000x128xf32, #tpu.memory_space<vmem>>, vector<1000x128xf32>
    tpu.vector_store %arg14[%swap3A, %swap3A_95], %add3A_94 {strides = array<i32>} : memref<1000x128xf32, #tpu.memory_space<vmem>>, vector<1000x128xf32>,
    return
  }
  func.func @transform_0(%arg0: i32) -> (i32, i32) {
    %c0_i32 = arith.constant 0 : i32
    %c0_i32_0 = arith.constant 0 : i32
    return %arg0, %c0_i32 : i32, i32
  }
  func.func @transform_1(%arg0: i32) -> (i32, i32, i32) {
    %c0_i32 = arith.constant 0 : i32
    %c0_i32_0 = arith.constant 0 : i32
    %c0_i32_1 = arith.constant 0 : i32
    return %c0_i32, %arg0, %c0_i32_0 : i32, i32, i32
  }
  func.func @transform_2(%arg0: i32) -> (i32, i32, i32) {
    %c0_i32 = arith.constant 0 : i32
    %c0_i32_0 = arith.constant 0 : i32
    %c0_i32_1 = arith.constant 0 : i32
    return %c0_i32, %arg0, %c0_i32_0 : i32, i32, i32
  }
  func.func @transform_3(%arg0: i32) -> (i32, i32) {
    %c0_i32 = arith.constant 0 : i32
    %c0_i32_0 = arith.constant 0 : i32
    %c0_i32_1 = arith.constant 0 : i32
    return %c0_i32, %c0_i32_0 : i32, i32
  }
  func.func @transform_4(%arg0: i32) -> (i32, i32) {
    %c0_i32 = arith.constant 0 : i32
    %c0_i32_0 = arith.constant 0 : i32
    %c0_i32_1 = arith.constant 0 : i32
    return %c0_i32, %c0_i32_0 : i32, i32
  }
  func.func @transform_5(%arg0: i32) -> (i32, i32) {
    %c0_i32 = arith.constant 0 : i32
    %c0_i32_0 = arith.constant 0 : i32
    %c0_i32_1 = arith.constant 0 : i32
    return %c0_i32, %c0_i32_0 : i32, i32
  }
  func.func @transform_6(%arg0: i32) -> (i32, i32) {
    %c0_i32 = arith.constant 0 : i32
    %c0_i32_0 = arith.constant 0 : i32
    %c0_i32_1 = arith.constant 0 : i32
    return %c0_i32, %c0_i32_0 : i32, i32
  }
  func.func @transform_7(%arg0: i32) -> (i32, i32) {
    %c0_i32 = arith.constant 0 : i32
    %c0_i32_0 = arith.constant 0 : i32
    %c0_i32_1 = arith.constant 0 : i32
    return %c0_i32, %c0_i32_0 : i32, i32
  }
  func.func @transform_8(%arg0: i32) -> (i32, i32) {
    %c0_i32 = arith.constant 0 : i32
    %c0_i32_0 = arith.constant 0 : i32
    %c0_i32_1 = arith.constant 0 : i32
    return %c0_i32, %c0_i32_0 : i32, i32
  }
  func.func @transform_9(%arg0: i32) -> (i32, i32) {
    %c0_i32 = arith.constant 0 : i32
    %c0_i32_0 = arith.constant 0 : i32
    %c0_i32_1 = arith.constant 0 : i32
    return %c0_i32, %c0_i32_0 : i32, i32
  }
  func.func @transform_10(%arg0: i32) -> (i32, i32) {
    %c0_i32 = arith.constant 0 : i32
    %c0_i32_0 = arith.constant 0 : i32
    %c0_i32_1 = arith.constant 0 : i32
    return %c0_i32, %c0_i32_0 : i32, i32
  }
  func.func @transform_11(%arg0: i32) -> (i32, i32) {
    %c0_i32 = arith.constant 0 : i32
    %c0_i32_0 = arith.constant 0 : i32
    %c0_i32_1 = arith.constant 0 : i32
    return %c0_i32, %c0_i32_0 : i32, i32
  }
  func.func @transform_12(%arg0: i32) -> (i32, i32) {
    %c0_i32 = arith.constant 0 : i32
    %c0_i32_0 = arith.constant 0 : i32
    %c0_i32_1 = arith.constant 0 : i32
    return %c0_i32, %c0_i32_0 : i32, i32
  }
  func.func @transform_13(%arg0: i32) -> (i32, i32) {
    %c0_i32 = arith.constant 0 : i32
    %c0_i32_0 = arith.constant 0 : i32
    return %arg0, %c0_i32 : i32, i32
  }
}

</mosaic_0001>

<sc_bundles>
// kernel: kernel.12.cloned.1.call-start
scs
__scs_entry_jumppad:
0x0: {  	(pc) =	sbr.rel $0x88, $3  }
0x1: {  	(tag) =	ssettag $0x0;
	lr =	simm.s32 $0x1  }
0x2: {  	[smem:$0x3F74] =	sst lr;
	_ =	strace $0xD0000000  }
0x3: {  	_ = 	snop  }
0x4: {  	_ = 	snop  }
0x5: {  	_ = 	snop  }
0x6: {  	_ = 	snop  }
0x7: {  	_ = 	snop  }
__scs_overlays_trampoline_lowered:
0x8: {  	[smem:$0x3F83] =	sst s0  }
0x9: {  	[smem:$0x3F84] =	sst s1  }
0xa: {  	[smem:$0x3F85] =	sst s2  }
0xb: {  	[smem:$0x3F86] =	sst s3  }
0xc: {  	[smem:$0x3F87] =	sst s4  }
0xd: {  	[smem:$0x3F88] =	sst s5  }
0xe: {  	[smem:$0x3F89] =	sst s6  }
0xf: {  	[smem:$0x3F8A] =	sst s7  }
0x10: {  	[smem:$0x3F8B] =	sst s8  }
0x11: {  	[smem:$0x3F8C] =	sst s9;
	s0 =	simm.s32 @!p0 $0x0  }
0x12: {  	s1 =	sld [smem:$0x3F72];
	s0 =	simm.s32 @p0 $0x1  }
0x13: {  	[smem:$0x3F8D] =	sst s0;
	s0 =	simm.s32 @!p1 $0x0  }
0x14: {  	s2 =	sld [smem:$0x3F71];
	s0 =	simm.s32 @p1 $0x1  }
0x15: {  	[smem:$0x3F8E] =	sst s0;
	s0 =	simm.s32 @!p2 $0x0  }
0x16: {  	s3 =	sld [smem:$0x3FDB];
	s0 =	simm.s32 @p2 $0x1  }
0x17: {  	s4 =	simm.s32 $0x1BF5;
	[smem:$0x3F90] =	sst s0  }
0x18: {  	s0 =	sld [smem:$0x3F73];
	_ =	swait.ge [sflag:s4], $0x0  }
0x19: {  	s7 =	sld [smem:$0x3F74]  }
0x1a: {  	s8 =	sadd.s32 $0xFFFFE003, lr  }
0x1b: {  	s9 =	sadd.s32 $0xFFFFFEF7, lr;
	s5 =	simm.s32 $0xFFFFFFFF;
	p2 =	slt.u32 s8, $0xFFFFF086  }
0x1c: {  	p1 =	slt.u32 s9, $0xF7A;
	s5 =	simm.s32 @!p2 $0x0  }
0x1d: {  	s5 =	simm.s32 @p1 $0x1;
	p0 =	seq.s32 s7, s2  }
0x1e: {  	s7 =	smul.u32 @!p0 $0xF7A, s2;
	p2 =	seq.s32 @!p0 s5, $0x0  }
0x1f: {  	s9 =	smul.u32 $0xF7A, s1;
	s8 =	simm.s32 @!p0 $0x1BF5;
	p2 =	por !p2, p0  }
0x20: {  	[sflag:s8] =	ssyncset.s32 @!p0 $0xFFFFF086;
	s6 =	sadd.s32 @!p0 s3, s7;
	s7 =	simm.s32 @!p0 $0x108  }
0x21: {  	s3 =	sadd.s32 s3, s9;
	s6 =	sadd.s32 @!p0 $0x88, s6;
	s7 =	simm.s32 @p2 $0x1082  }
0x22: {  	[simem:s7], [sflag:s8] =	dma.local @!p0 [hbm:s6], $0xF7A  }
0x23: {  	s9 =	sor.u32 $0xD0000000, s2;
	s6 =	simm.s32 $0x108;
	_ =	swait.ge @!p0 [sflag:s8], $0x0  }
0x24: {  	s3 =	sadd.s32 $0x88, s3;
	s6 =	simm.s32 @!p1 $0x1082;
	[sflag:s4] =	ssyncset.s32 $0xFFFFF086  }
0x25: {  	[simem:s6], [sflag:s4] =	dma.local [hbm:s3], $0xF7A  }
0x26: {  	[smem:$0x3F74] =	sst s1;
	(tag) =	ssettag s2;
	_ =	strace s9  }
0x27: {  	s1 =	sld [smem:$0x3F84]  }
0x28: {  	s2 =	sld [smem:$0x3F85]  }
0x29: {  	s4 =	sld [smem:$0x3F87]  }
0x2a: {  	p0 =	seq.s32 s5, $0x0;
	s5 =	sld [smem:$0x3F88]  }
0x2b: {  	s6 =	sld [smem:$0x3F89]  }
0x2c: {  	s7 =	sld [smem:$0x3F8A]  }
0x2d: {  	s3 =	simm.s32 $0x108;
	s8 =	sld [smem:$0x3F8B]  }
0x2e: {  	s3 =	simm.s32 @!p0 $0x1082;
	s9 =	sld [smem:$0x3F8C]  }
0x2f: {  	lr =	sadd.s32 s0, s3;
	s0 =	sld [smem:$0x3F83]  }
0x30: {  	s3 =	sld [smem:$0x3F86]  }
0x31: {  	[smem:$0x3F8F] =	sst s10  }
0x32: {  	s10 =	sld [smem:$0x3F8D];
	_ =	sdelay $0x3  }
0x33: {  	p0 =	seq.s32 s10, $0x1;
	s10 =	sld [smem:$0x3F8F];
	_ =	sdelay $0x3  }
0x34: {  	[smem:$0x3F8F] =	sst s10  }
0x35: {  	s10 =	sld [smem:$0x3F8E];
	_ =	sdelay $0x3  }
0x36: {  	p1 =	seq.s32 s10, $0x1;
	s10 =	sld [smem:$0x3F8F];
	_ =	sdelay $0x3  }
0x37: {  	[smem:$0x3F8F] =	sst s10  }
0x38: {  	s10 =	sld [smem:$0x3F90]  }
0x39: {  	_ = 	snop;
	(pc) =	sbr.ind lr, $3  }
0x3a: {  	_ = 	snop  }
0x3b: {  	_ = 	snop  }
0x3c: {  	p2 =	seq.s32 s10, $0x1;
	s10 =	sld [smem:$0x3F8F]  }
0x3d: {  	_ =	shalt  }
0x3e: {  	_ =	shalt  }
0x3f: {  	_ =	shalt  }
0x40: {  	_ =	shalt  }
0x41: {  	_ =	shalt  }
0x42: {  	_ =	shalt  }
0x43: {  	_ =	shalt  }
0x44: {  	_ =	shalt  }
0x45: {  	_ =	shalt  }
0x46: {  	_ =	shalt  }
0x47: {  	_ =	shalt  }
0x48: {  	_ =	shalt  }
0x49: {  	_ =	shalt  }
0x4a: {  	_ =	shalt  }
0x4b: {  	_ =	shalt  }
0x4c: {  	_ =	shalt  }
0x4d: {  	_ =	shalt  }
0x4e: {  	_ =	shalt  }
0x4f: {  	_ =	shalt  }
0x50: {  	_ =	shalt  }
0x51: {  	_ =	shalt  }
0x52: {  	_ =	shalt  }
0x53: {  	_ =	shalt  }
0x54: {  	_ =	shalt  }
0x55: {  	_ =	shalt  }
0x56: {  	_ =	shalt  }
0x57: {  	_ =	shalt  }
0x58: {  	_ =	shalt  }
0x59: {  	_ =	shalt  }
0x5a: {  	_ =	shalt  }
0x5b: {  	_ =	shalt  }
0x5c: {  	_ =	shalt  }
0x5d: {  	_ =	shalt  }
0x5e: {  	_ =	shalt  }
0x5f: {  	_ =	shalt  }
0x60: {  	_ =	shalt  }
0x61: {  	_ =	shalt  }
0x62: {  	_ =	shalt  }
0x63: {  	_ =	shalt  }
0x64: {  	_ =	shalt  }
0x65: {  	_ =	shalt  }
0x66: {  	_ =	shalt  }
0x67: {  	_ =	shalt  }
0x68: {  	_ =	shalt  }
0x69: {  	_ =	shalt  }
0x6a: {  	_ =	shalt  }
0x6b: {  	_ =	shalt  }
0x6c: {  	_ =	shalt  }
0x6d: {  	_ =	shalt  }
0x6e: {  	_ =	shalt  }
0x6f: {  	_ =	shalt  }
0x70: {  	_ =	shalt  }
0x71: {  	_ =	shalt  }
0x72: {  	_ =	shalt  }
0x73: {  	_ =	shalt  }
0x74: {  	_ =	shalt  }
0x75: {  	_ =	shalt  }
0x76: {  	_ =	shalt  }
0x77: {  	_ =	shalt  }
0x78: {  	_ =	shalt  }
0x79: {  	_ =	shalt  }
0x7a: {  	_ =	shalt  }
0x7b: {  	_ =	shalt  }
0x7c: {  	_ =	shalt  }
0x7d: {  	_ =	shalt  }
0x7e: {  	_ =	shalt  }
0x7f: {  	_ =	shalt  }
0x80: {  	_ =	shalt  }
0x81: {  	_ =	shalt  }
0x82: {  	_ =	shalt  }
0x83: {  	_ =	shalt  }
0x84: {  	_ =	shalt  }
0x85: {  	_ =	shalt  }
0x86: {  	_ =	shalt  }
0x87: {  	_ =	shalt  }
.Lfunc_end0:
.L_simem_size_0:
called_computation_lowered:
.L_overlay_start_0:
0x88: {  	s2 =	sld [smem:$0x3FD9]  }
0x89: {  	s3 =	sld [smem:$0x3FFE];
	_ =	sdelay $0x1  }
0x8a: {  	s1 =	srdreg.scid  }
0x8b: {  	s0 =	sand.u32 $0x1, s1  }
0x8c: {  	s15 =	sshll.u32 s0, $0xA;
	s2 =	sadd.s32 s3, s2  }
0x8d: {  	s2 =	sadd.s32 s2, s15  }
0x8e: {  	[smem:$0x3F9B] =	sst s2  }
0x8f: {  	_ = 	snop  }
0x90: {  	s4 =	sld [smem:$0x3FD0];
	_ =	sdelay $0x1  }
0x91: {  	s16 =	sld [smem:$0x3FC9]  }
0x92: {  	s6 =	simm.s32 $0xD;
	s5 =	simm.s32 $0x10;
	s2 =	sld [smem:$0x3FC5]  }
0x93: {  	[smem:s5], [sflag:s6] =	dma.local [hbm:s4], $0x1  }
0x94: {  	_ =	swait.eq [sflag:s6], $0x1  }
0x95: {  	[sflag:s6] =	ssyncset.done $0x0  }
0x96: {  	s17 =	sld [smem:$0x10];
	[sflag:s6] =	ssyncadd.s32 $0xFFFFFFFF  }
0x97: {  	s18 =	sld [smem:$0x11];
	(tm) =	ssettm $0x1  }
0x98: {  	s19 =	sld [smem:$0x3FFB];
	_ =	sdelay $0x3  }
0x99: {  	_ =	strace s19  }
0x9a: {  	s4 =	sld [smem:$0x3FFC];
	_ =	sdelay $0x3  }
0x9b: {  	_ =	strace s4  }
0x9c: {  	s4 =	sld [smem:$0x3FFD];
	_ =	sdelay $0x3  }
0x9d: {  	_ =	strace s4  }
0x9e: {  	_ =	strace $0x8FFFFFFF  }
0x9f: {  	s20 =	sld [smem:$0x3FDB];
	_ =	sdelay $0x1  }
0xa0: {  	s7 =	simm.s32 $_scs_section_size  }
0xa1: {  	s8 =	simm.s32 $_size__tile_overlayer_lowered;
	s9 =	simm.s32 $_tile_overlayer_lowered  }
0xa2: {  	s10 =	simm.s32 $0x1BFF;
	s21 =	sshll.u32 s9, $0x1;
	s7 =	sadd.s32 s7, s20  }
0xa3: {  	s22 =	simm.s32 $0x0;
	s8 =	sshll.u32 s8, $0x1;
	s9 =	sadd.s32 s21, s7  }
0xa4: {  	[timem:s22], [sflag:s10] =	dma.local [hbm:s9], s8  }
0xa5: {  	_ =	swait.ge [sflag:s10], s8  }
0xa6: {  	s8 =	ssub.s32 $0x0, s8;
	[sflag:s10] =	ssyncset.done $0x0  }
0xa7: {  	[sflag:s10] =	ssyncadd.s32 s8;
	_ =	sdelay $0x1  }
0xa8: {  	s23 =	simm.s32 $0x1B8B  }
0xa9: {  	_ =	swait.ge [sflag:s23], $0x1  }
0xaa: {  	[sflag:s23] =	ssyncset.done $0x0  }
0xab: {  	[sflag:s23] =	ssyncadd.s32 $0xFFFFFFFF  }
0xac: {  	s8 =	sld [smem:$0x0]  }
0xad: {  	s9 =	sand.u32 $0xFFFFFFFE, s1  }
0xae: {  	p0 =	sne.s32 s1, s9  }
0xaf: {  	s9 =	sshll.u32 @p0 s9, $0xE  }
0xb0: {  	s9 =	sadd.s32 @p0 $0x11B8D, s9;
	s10 =	sshll.u32 @p0 s8, $0x11  }
0xb1: {  	s9 =	sor.u32 @p0 s10, s9  }
0xb2: {  	[sflag:s9] =	ssyncadd.remote.s32 @p0 $0x1;
	_ =	sdelay $0x1  }
0xb3: {  	s9 =	simm.s32 @p0 $0x1B8D  }
0xb4: {  	_ =	swait.eq @p0 [sflag:s9], $0x1  }
0xb5: {  	[sflag:s9] =	ssyncadd.s32 @p0 $0xFFFFFFFF  }
0xb6: {  	s10 =	sshll.u32 @!p0 s1, $0xE  }
0xb7: {  	s10 =	sor.u32 @!p0 $0x4000, s10;
	s9 =	simm.s32 @!p0 $0x1B8D  }
0xb8: {  	s8 =	sshll.u32 @!p0 s8, $0x11;
	s10 =	sadd.s32 @!p0 $0x11B8D, s10;
	_ =	swait.eq @!p0 [sflag:s9], $0x1  }
0xb9: {  	s8 =	sor.u32 @!p0 s8, s10;
	[sflag:s9] =	ssyncadd.s32 @!p0 $0xFFFFFFFF  }
0xba: {  	s25 =	simm.s32 $0x1B8E;
	s24 =	sld [smem:$0x3FFE];
	[sflag:s8] =	ssyncadd.remote.s32 @!p0 $0x1  }
0xbb: {  	s26 =	simm.s32 $execute0_lowered;
	[smem:$0x3FD2] =	sst s25  }
0xbc: {  	s9 =	sshll.u32 s26, $0x1;
	_ =	strace $0x80000049;
	[dreg:$0x1] =	wrdreg $0xFFFFFFFF  }
0xbd: {  	s28 =	simm.s32 $_size_execute0_lowered;
	s7 =	sadd.s32 s7, s9;
	[dreg:$0x0] =	wrdreg $0x0  }
0xbe: {  	s9 =	sshll.u32 s28, $0x1;
	[dreg:$0x2] =	wrdreg s7  }
0xbf: {  	[dreg:$0x3] =	wrdreg s9  }
0xc0: {  	[dreg:$0x4] =	wrdreg $0xC0  }
0xc1: {  	_ =	task [dreg:s22], $0x5FFFF  }
0xc2: {  	[dreg:$0x1] =	wrdreg $0xFFFFFFFF  }
0xc3: {  	[dreg:$0x0] =	wrdreg $0x60  }
0xc4: {  	[dreg:$0x2] =	wrdreg s16  }
0xc5: {  	[dreg:$0x3] =	wrdreg s24  }
0xc6: {  	[dreg:$0x4] =	wrdreg s2  }
0xc7: {  	[dreg:$0x5] =	wrdreg s18  }
0xc8: {  	[dreg:$0x6] =	wrdreg s17  }
0xc9: {  	[dreg:$0x7] =	wrdreg $0xA  }
0xca: {  	_ =	task.clear_ibuf [dreg:s22], $0x8FFFF;
	_ =	strace $0x90000049  }
0xcb: {  	s29 =	simm.s32 $0xA;
	_ =	strace $0x8000004B  }
0xcc: {  	_ =	swait.ge [sflag:s29], $0x1  }
0xcd: {  	[sflag:s29] =	ssyncadd.s32 $0xFFFFFFFF  }
0xce: {  	_ =	strace $0x9000004B  }
0xcf: {  	_ =	sfence  }
0xd0: {  	s30 =	sld [smem:$0x0];
	_ =	sdelay $0x2  }
0xd1: {  	s31 =	sshll.u32 s1, $0xD;
	s1 =	sshrl.u32 s1, $0x2  }
0xd2: {  	s3 =	sand.u32 $0x4000, s31;
	s1 =	sadd.s32 s1, s30  }
0xd3: {  	s0 =	sor.u32 s3, s0;
	s1 =	sshll.u32 s1, $0x11  }
0xd4: {  	s0 =	sor.u32 s1, s0  }
0xd5: {  	s0 =	sadd.s32 $0x8F2B, s0  }
0xd6: {  	[sflag:s0] =	ssyncadd.remote.s32 $0x1  }
0xd7: {  	_ =	sfence.sel $0xFFFF  }
0xd8: {  	[dreg:$0x0] =	wrdreg $0xFFFFFFFF;
	(pc) =	sbr.abs _section_cstart, $3  }
0xd9: {  	[dreg:$0x1] =	wrdreg $0xFFFFFFFF  }
0xda: {  	_ =	task.clear_ibuf [dreg:s22], $0x2FFFF;
	_ =	strace $0x9FFFFFFF  }
0xdb: {  	(tm) =	ssettm $0x7FFFFFFF  }
tec
execute0_lowered:
.L_overlay_start_1:
0x0: {  	(tag) =	ssettag $0x1  }
0x1: {  	s1 =	rddreg [dreg:$0x0]  }
0x2: {  	s0 =	rddreg [dreg:$0x1]  }
0x3: {  	s4 =	rddreg [dreg:$0x4];
	s5 =	simm.s32 $0x0  }
0x4: {  	s2 =	srdreg.scid;
	s3 =	stileid.u32;
	s18 =	simm.s32 $0x80  }
0x5: {  	s19 =	simm.s32 $0x100;
	s20 =	simm.s32 $0x180;
	s21 =	simm.s32 $0x200  }
0x6: {  	s22 =	simm.s32 $0x1;
	s23 =	simm.s32 $0x280;
	s24 =	simm.s32 $0x4280  }
0x7: {  	s25 =	simm.s32 $0x8280;
	s28 =	simm.s32 $0x10280;
	s29 =	simm.s32 $0x14280  }
0x8: {  	s30 =	simm.s32 $0x18280;
	s31 =	simm.s32 $0x0;
	[smem:$0x7FF] =	sst s5  }
0x9: {  	s6 =	sadd.s32 $0x288000, s0;
	s7 =	sadd.s32 $0x27E000, s0;
	s9 =	sand.u32 $0x1, s2  }
.Ltmp0:
0xa: {  	s8 =	sadd.s32 $0x283000, s0;
	s2 =	ssub.s32 $0x2, s9;
	(pc) =	sbr.rel .LBB2_1-.Ltmp0, $4  }
0xb: {  	s10 =	sadd.s32 $0xB13800, s0;
	s11 =	sadd.s32 $0xC4C000, s0;
	s12 =	sshrl.u32 s2, $0x1  }
0xc: {  	s13 =	sadd.s32 $0xD84800, s0;
	s14 =	sadd.s32 $0xEBD000, s0;
	s26 =	ssub.s32 s2, s12  }
0xd: {  	s15 =	sadd.s32 $0xFF5800, s0;
	s16 =	sshll.u32 s3, $0x1;
	s0 =	smax.u32 s26, $0x1  }
0xe: {  	_ =	strace $0x8000004A;
	s26 =	simm.s32 $0xC280;
	[dreg:$0x6] =	wrdreg s0  }
.LBB2_7:
0xf: {  	s31 =	sadd.s32 $0x1, s31;
	s0 =	rddreg [dreg:$0x6]  }
0x10: {  	p0 =	sne.s32 s31, s0  }
.Ltmp1:
0x11: {  	_ = 	snop;
	(pc) =	sbr.rel @!p0 .LBB2_8-.Ltmp1, $1  }
0x12: {  	_ =	sdelay $0x3  }
.LBB2_1:
.Ltmp2:
0x13: {  	(pc) =	sbr.rel .LBB2_2-.Ltmp2, $2  }
0x14: {  	_ =	sdelay $0x2  }
0x15: {  	s0 =	simm.s32 $0x0  }
.LBB2_6:
0x16: {  	s0 =	sadd.s32 $0x1, s0  }
0x17: {  	p0 =	sne.s32 s0, $0x14  }
.Ltmp3:
0x18: {  	_ = 	snop;
	(pc) =	sbr.rel @!p0 .LBB2_7-.Ltmp3, $1  }
0x19: {  	_ =	sdelay $0x3  }
.LBB2_2:
0x1a: {  	s2 =	sshll.u32 s0, $0x5  }
0x1b: {  	s2 =	sor.u32 s2, s16  }
0x1c: {  	s12 =	sor.u32 s9, s2  }
0x1d: {  	p0 =	sgt.u32 s12, $0x270  }
.Ltmp4:
0x1e: {  	_ = 	snop;
	(pc) =	sbr.rel @p0 .LBB2_6-.Ltmp4, $1  }
0x1f: {  	_ =	sdelay $0x3  }
0x20: {  	s2 =	sshll.u32 s12, $0x4  }
0x21: {  	s3 =	simm.s32 $0x0;
	s17 =	sadd.s32 s7, s2  }
0x22: {  	[tilespmem:s3], [sflag:$0x1] =	stream.linear.gather [hbm4b:s17+s3], $0x80, $0x38;
	[tilespmem:$0x1C280] =	vst v63  }
0x23: {  	s17 =	sadd.s32 s8, s2  }
0x24: {  	[tilespmem:s18], [sflag:$0x1] =	stream.linear.gather [hbm4b:s17+s3], $0x80, $0x38;
	[tilespmem:$0x1C280] =	vst v63  }
0x25: {  	s17 =	rddreg [dreg:$0x2]  }
0x26: {  	s17 =	sadd.s32 s17, s2  }
0x27: {  	[tilespmem:s19], [sflag:$0x1] =	stream.linear.gather [hbm4b:s17+s3], $0x80, $0x38;
	[tilespmem:$0x1C280] =	vst v63  }
0x28: {  	s17 =	rddreg [dreg:$0x3]  }
0x29: {  	s17 =	sadd.s32 s17, s2  }
0x2a: {  	[tilespmem:s20], [sflag:$0x1] =	stream.linear.gather [hbm4b:s17+s3], $0x80, $0x38;
	[tilespmem:$0x1C280] =	vst v63  }
0x2b: {  	s2 =	sadd.s32 s4, s2  }
0x2c: {  	[tilespmem:s21], [sflag:$0x1] =	stream.linear.gather [hbm4b:s2+s3], $0x80, $0x38;
	[tilespmem:$0x1C280] =	vst v63  }
0x2d: {  	_ =	swait.ge [sflag:s22], $0x80  }
0x2e: {  	[sflag:s22] =	ssyncset.done $0x0  }
0x2f: {  	[sflag:s22] =	ssyncadd.s32 $0xFFFFFF80  }
0x30: {  	_ =	swait.ge [sflag:s22], $0x80  }
0x31: {  	[sflag:s22] =	ssyncset.done $0x0  }
0x32: {  	[sflag:s22] =	ssyncadd.s32 $0xFFFFFF80  }
0x33: {  	_ =	swait.ge [sflag:s22], $0x80  }
0x34: {  	[sflag:s22] =	ssyncset.done $0x0  }
0x35: {  	[sflag:s22] =	ssyncadd.s32 $0xFFFFFF80  }
0x36: {  	_ =	swait.ge [sflag:s22], $0x80  }
0x37: {  	[sflag:s22] =	ssyncset.done $0x0  }
0x38: {  	[sflag:s22] =	ssyncadd.s32 $0xFFFFFF80  }
0x39: {  	_ =	swait.ge [sflag:s22], $0x80  }
0x3a: {  	[sflag:s22] =	ssyncset.done $0x0  }
0x3b: {  	[sflag:s22] =	ssyncadd.s32 $0xFFFFFF80  }
0x3c: {  	[tilespmem:s23], [sflag:$0x1] =	stream.indirect.gather [hbm4b:s1+s18], $0x80, s3, s18, $0xb8;
	[tilespmem:$0x1C280] =	vst v63  }
0x3d: {  	_ = 	snop  }
0x3e: {  	[tilespmem:s24], [sflag:$0x1] =	stream.indirect.gather [hbm4b:s1+s18], $0x80, s18, s18, $0xb8;
	[tilespmem:$0x1C280] =	vst v63  }
0x3f: {  	_ = 	snop  }
0x40: {  	[tilespmem:s25], [sflag:$0x1] =	stream.indirect.gather [hbm4b:s1+s18], $0x80, s19, s18, $0xb8;
	[tilespmem:$0x1C280] =	vst v63  }
0x41: {  	_ = 	snop  }
0x42: {  	[tilespmem:s26], [sflag:$0x1] =	stream.indirect.gather [hbm4b:s6+s18], $0x80, s20, s18, $0xb8;
	[tilespmem:$0x1C280] =	vst v63  }
0x43: {  	_ = 	snop  }
0x44: {  	[tilespmem:s28], [sflag:$0x1] =	stream.indirect.gather [hbm4b:s6+s18], $0x80, s21, s18, $0xb8;
	[tilespmem:$0x1C280] =	vst v63  }
0x45: {  	_ =	swait.ge [sflag:s22], $0x4000  }
0x46: {  	[sflag:s22] =	ssyncset.done $0x0  }
0x47: {  	[sflag:s22] =	ssyncadd.s32 $0xFFFFC000  }
0x48: {  	_ =	swait.ge [sflag:s22], $0x4000  }
0x49: {  	[sflag:s22] =	ssyncset.done $0x0  }
0x4a: {  	[sflag:s22] =	ssyncadd.s32 $0xFFFFC000  }
0x4b: {  	_ =	swait.ge [sflag:s22], $0x4000  }
0x4c: {  	[sflag:s22] =	ssyncset.done $0x0  }
0x4d: {  	[sflag:s22] =	ssyncadd.s32 $0xFFFFC000  }
0x4e: {  	_ =	swait.ge [sflag:s22], $0x4000  }
0x4f: {  	[sflag:s22] =	ssyncset.done $0x0  }
0x50: {  	[sflag:s22] =	ssyncadd.s32 $0xFFFFC000  }
0x51: {  	_ =	swait.ge [sflag:s22], $0x4000  }
0x52: {  	[sflag:s22] =	ssyncset.done $0x0  }
0x53: {  	s17 =	simm.s32 $0x0;
	[sflag:s22] =	ssyncadd.s32 $0xFFFFC000  }
0x54: {  	v0 =	vld [tilespmem:s17+$0x10280]  }
0x55: {  	s2 =	simm.s32 $0x200;
	v1 =	vld [tilespmem:s17+$0xC280]  }
.LBB2_4:
0x56: {  	p0 =	sne.s32 s2, $0xFE00  }
.Ltmp5:
0x57: {  	_ = 	snop;
	(pc) =	sbr.rel @p0 .LBB2_4-.Ltmp5, $4  }
0x58: {  	_ = 	snop  }
0x59: {  	s3 =	sshra.s32 s2, $0x2;
	s2 =	sadd.s32 $0x200, s2;
	[tilespmem:s17+$0x18280] =	vst v0  }
0x5a: {  	v0 =	vld [tilespmem:s3+$0x10280];
	[tilespmem:s17+$0x14280] =	vst v1;
	s17 =	smov.u32 s3  }
0x5b: {  	v1 =	vld [tilespmem:s17+$0xC280]  }
0x5c: {  	_ =	sdelay $0x2  }
0x5d: {  	s2 =	sshll.u32 s12, $0xB;
	[tilespmem:s17+$0x18280] =	vst v0  }
0x5e: {  	s3 =	sadd.s32 s10, s2;
	[tilespmem:s17+$0x14280] =	vst v1  }
0x5f: {  	[hbm4b:s3+s5] =	stream.linear.scatter [tilespmem:s23], [sflag:$0x1], $0x4000, $0x38;
	[tilespmem:$0x1C280] =	vst v63  }
0x60: {  	s17 =	sadd.s32 s11, s2  }
0x61: {  	[hbm4b:s17+s5] =	stream.linear.scatter [tilespmem:s24], [sflag:$0x1], $0x4000, $0x38;
	[tilespmem:$0x1C280] =	vst v63  }
0x62: {  	s12 =	sadd.s32 s13, s2  }
0x63: {  	[hbm4b:s12+s5] =	stream.linear.scatter [tilespmem:s25], [sflag:$0x1], $0x4000, $0x38;
	[tilespmem:$0x1C280] =	vst v63  }
0x64: {  	s17 =	sadd.s32 s14, s2  }
0x65: {  	[hbm4b:s17+s5] =	stream.linear.scatter [tilespmem:s29], [sflag:$0x1], $0x4000, $0x38;
	[tilespmem:$0x1C280] =	vst v63  }
0x66: {  	s2 =	sadd.s32 s15, s2  }
0x67: {  	[hbm4b:s2+s5] =	stream.linear.scatter [tilespmem:s30], [sflag:$0x1], $0x4000, $0x38;
	[tilespmem:$0x1C280] =	vst v63  }
0x68: {  	_ =	swait.ge [sflag:s22], $0x4000  }
0x69: {  	[sflag:s22] =	ssyncset.done $0x0  }
0x6a: {  	[sflag:s22] =	ssyncadd.s32 $0xFFFFC000  }
0x6b: {  	_ =	swait.ge [sflag:s22], $0x4000  }
0x6c: {  	[sflag:s22] =	ssyncset.done $0x0  }
0x6d: {  	[sflag:s22] =	ssyncadd.s32 $0xFFFFC000  }
0x6e: {  	_ =	swait.ge [sflag:s22], $0x4000  }
0x6f: {  	[sflag:s22] =	ssyncset.done $0x0  }
0x70: {  	[sflag:s22] =	ssyncadd.s32 $0xFFFFC000  }
0x71: {  	_ =	swait.ge [sflag:s22], $0x4000  }
.Ltmp6:
0x72: {  	[sflag:s22] =	ssyncset.done $0x0;
	(pc) =	sbr.rel .LBB2_6-.Ltmp6, $4  }
0x73: {  	[sflag:s22] =	ssyncadd.s32 $0xFFFFC000  }
0x74: {  	_ =	swait.ge [sflag:s22], $0x4000  }
0x75: {  	[sflag:s22] =	ssyncset.done $0x0  }
0x76: {  	[sflag:s22] =	ssyncadd.s32 $0xFFFFC000  }
.LBB2_8:
0x77: {  	_ =	sfence.sel $0x180000  }
0x78: {  	[bflag:$0x0] =	sbarrier.arrive $0xFFFF  }
0x79: {  	_ =	strace $0x9000004A  }
0x7a: {  	s0 =	stileid.u32;
	[bflag:$0x2] =	sbarrier.arrive $0xFFFF  }
0x7b: {  	p0 =	sne.s32 s0, $0x0;
	s0 =	rddreg [dreg:$0x5]  }
0x7c: {  	s0 =	sadd.s32 @!p0 $0x100000, s0  }
0x7d: {  	[sflag:s0] =	ssyncadd.tile.s32 @!p0 $0x1;
	_ =	shalt  }
.Lfunc_end2:
_tile_overlayer_lowered:
.L_overlay_start_2:
0x7e: {  	(tag) =	ssettag $0x2  }
0x7f: {  	s0 =	rddreg [dreg:$0x0];
	s2 =	stileid.u32  }
0x80: {  	s1 =	rddreg [dreg:$0x1];
	p0 =	sne.s32 s2, $0x0  }
0x81: {  	s3 =	rddreg [dreg:$0x2];
	[bflag:$0x3] =	sbarrier.arrive $0xFFFF;
	s2 =	simm.s32 @!p0 $0x1C02  }
0x82: {  	[timem:s3], [sflag:s2] =	dma.local @!p0 [hbm:s0], s1  }
0x83: {  	s0 =	simm.s32 @!p0 $0x2  }
0x84: {  	_ =	swait.ge @!p0 [sflag:s0], s1  }
0x85: {  	s1 =	ssub.s32 @!p0 $0x0, s1;
	[sflag:s0] =	ssyncset.done @!p0 $0x0  }
0x86: {  	[sflag:s0] =	ssyncadd.s32 @!p0 s1  }
0x87: {  	[bflag:$0x3] =	sbarrier.arrive $0xFFFF  }
0x88: {  	_ =	shalt  }

// kernel: kernel.15.cloned.1.call-start
scs
__scs_entry_jumppad:
0x0: {  	(pc) =	sbr.rel $0x88, $3  }
0x1: {  	(tag) =	ssettag $0x0;
	lr =	simm.s32 $0x1  }
0x2: {  	[smem:$0x3F74] =	sst lr;
	_ =	strace $0xD0000000  }
0x3: {  	_ = 	snop  }
0x4: {  	_ = 	snop  }
0x5: {  	_ = 	snop  }
0x6: {  	_ = 	snop  }
0x7: {  	_ = 	snop  }
__scs_overlays_trampoline_lowered:
0x8: {  	[smem:$0x3F83] =	sst s0  }
0x9: {  	[smem:$0x3F84] =	sst s1  }
0xa: {  	[smem:$0x3F85] =	sst s2  }
0xb: {  	[smem:$0x3F86] =	sst s3  }
0xc: {  	[smem:$0x3F87] =	sst s4  }
0xd: {  	[smem:$0x3F88] =	sst s5  }
0xe: {  	[smem:$0x3F89] =	sst s6  }
0xf: {  	[smem:$0x3F8A] =	sst s7  }
0x10: {  	[smem:$0x3F8B] =	sst s8  }
0x11: {  	[smem:$0x3F8C] =	sst s9;
	s0 =	simm.s32 @!p0 $0x0  }
0x12: {  	s1 =	sld [smem:$0x3F72];
	s0 =	simm.s32 @p0 $0x1  }
0x13: {  	[smem:$0x3F8D] =	sst s0;
	s0 =	simm.s32 @!p1 $0x0  }
0x14: {  	s2 =	sld [smem:$0x3F71];
	s0 =	simm.s32 @p1 $0x1  }
0x15: {  	[smem:$0x3F8E] =	sst s0;
	s0 =	simm.s32 @!p2 $0x0  }
0x16: {  	s3 =	sld [smem:$0x3FDB];
	s0 =	simm.s32 @p2 $0x1  }
0x17: {  	s4 =	simm.s32 $0x1BF5;
	[smem:$0x3F90] =	sst s0  }
0x18: {  	s0 =	sld [smem:$0x3F73];
	_ =	swait.ge [sflag:s4], $0x0  }
0x19: {  	s7 =	sld [smem:$0x3F74]  }
0x1a: {  	s8 =	sadd.s32 $0xFFFFE003, lr  }
0x1b: {  	s9 =	sadd.s32 $0xFFFFFEF7, lr;
	s5 =	simm.s32 $0xFFFFFFFF;
	p2 =	slt.u32 s8, $0xFFFFF086  }
0x1c: {  	p1 =	slt.u32 s9, $0xF7A;
	s5 =	simm.s32 @!p2 $0x0  }
0x1d: {  	s5 =	simm.s32 @p1 $0x1;
	p0 =	seq.s32 s7, s2  }
0x1e: {  	s7 =	smul.u32 @!p0 $0xF7A, s2;
	p2 =	seq.s32 @!p0 s5, $0x0  }
0x1f: {  	s9 =	smul.u32 $0xF7A, s1;
	s8 =	simm.s32 @!p0 $0x1BF5;
	p2 =	por !p2, p0  }
0x20: {  	[sflag:s8] =	ssyncset.s32 @!p0 $0xFFFFF086;
	s6 =	sadd.s32 @!p0 s3, s7;
	s7 =	simm.s32 @!p0 $0x108  }
0x21: {  	s3 =	sadd.s32 s3, s9;
	s6 =	sadd.s32 @!p0 $0x88, s6;
	s7 =	simm.s32 @p2 $0x1082  }
0x22: {  	[simem:s7], [sflag:s8] =	dma.local @!p0 [hbm:s6], $0xF7A  }
0x23: {  	s9 =	sor.u32 $0xD0000000, s2;
	s6 =	simm.s32 $0x108;
	_ =	swait.ge @!p0 [sflag:s8], $0x0  }
0x24: {  	s3 =	sadd.s32 $0x88, s3;
	s6 =	simm.s32 @!p1 $0x1082;
	[sflag:s4] =	ssyncset.s32 $0xFFFFF086  }
0x25: {  	[simem:s6], [sflag:s4] =	dma.local [hbm:s3], $0xF7A  }
0x26: {  	[smem:$0x3F74] =	sst s1;
	(tag) =	ssettag s2;
	_ =	strace s9  }
0x27: {  	s1 =	sld [smem:$0x3F84]  }
0x28: {  	s2 =	sld [smem:$0x3F85]  }
0x29: {  	s4 =	sld [smem:$0x3F87]  }
0x2a: {  	p0 =	seq.s32 s5, $0x0;
	s5 =	sld [smem:$0x3F88]  }
0x2b: {  	s6 =	sld [smem:$0x3F89]  }
0x2c: {  	s7 =	sld [smem:$0x3F8A]  }
0x2d: {  	s3 =	simm.s32 $0x108;
	s8 =	sld [smem:$0x3F8B]  }
0x2e: {  	s3 =	simm.s32 @!p0 $0x1082;
	s9 =	sld [smem:$0x3F8C]  }
0x2f: {  	lr =	sadd.s32 s0, s3;
	s0 =	sld [smem:$0x3F83]  }
0x30: {  	s3 =	sld [smem:$0x3F86]  }
0x31: {  	[smem:$0x3F8F] =	sst s10  }
0x32: {  	s10 =	sld [smem:$0x3F8D];
	_ =	sdelay $0x3  }
0x33: {  	p0 =	seq.s32 s10, $0x1;
	s10 =	sld [smem:$0x3F8F];
	_ =	sdelay $0x3  }
0x34: {  	[smem:$0x3F8F] =	sst s10  }
0x35: {  	s10 =	sld [smem:$0x3F8E];
	_ =	sdelay $0x3  }
0x36: {  	p1 =	seq.s32 s10, $0x1;
	s10 =	sld [smem:$0x3F8F];
	_ =	sdelay $0x3  }
0x37: {  	[smem:$0x3F8F] =	sst s10  }
0x38: {  	s10 =	sld [smem:$0x3F90]  }
0x39: {  	_ = 	snop;
	(pc) =	sbr.ind lr, $3  }
0x3a: {  	_ = 	snop  }
0x3b: {  	_ = 	snop  }
0x3c: {  	p2 =	seq.s32 s10, $0x1;
	s10 =	sld [smem:$0x3F8F]  }
0x3d: {  	_ =	shalt  }
0x3e: {  	_ =	shalt  }
0x3f: {  	_ =	shalt  }
0x40: {  	_ =	shalt  }
0x41: {  	_ =	shalt  }
0x42: {  	_ =	shalt  }
0x43: {  	_ =	shalt  }
0x44: {  	_ =	shalt  }
0x45: {  	_ =	shalt  }
0x46: {  	_ =	shalt  }
0x47: {  	_ =	shalt  }
0x48: {  	_ =	shalt  }
0x49: {  	_ =	shalt  }
0x4a: {  	_ =	shalt  }
0x4b: {  	_ =	shalt  }
0x4c: {  	_ =	shalt  }
0x4d: {  	_ =	shalt  }
0x4e: {  	_ =	shalt  }
0x4f: {  	_ =	shalt  }
0x50: {  	_ =	shalt  }
0x51: {  	_ =	shalt  }
0x52: {  	_ =	shalt  }
0x53: {  	_ =	shalt  }
0x54: {  	_ =	shalt  }
0x55: {  	_ =	shalt  }
0x56: {  	_ =	shalt  }
0x57: {  	_ =	shalt  }
0x58: {  	_ =	shalt  }
0x59: {  	_ =	shalt  }
0x5a: {  	_ =	shalt  }
0x5b: {  	_ =	shalt  }
0x5c: {  	_ =	shalt  }
0x5d: {  	_ =	shalt  }
0x5e: {  	_ =	shalt  }
0x5f: {  	_ =	shalt  }
0x60: {  	_ =	shalt  }
0x61: {  	_ =	shalt  }
0x62: {  	_ =	shalt  }
0x63: {  	_ =	shalt  }
0x64: {  	_ =	shalt  }
0x65: {  	_ =	shalt  }
0x66: {  	_ =	shalt  }
0x67: {  	_ =	shalt  }
0x68: {  	_ =	shalt  }
0x69: {  	_ =	shalt  }
0x6a: {  	_ =	shalt  }
0x6b: {  	_ =	shalt  }
0x6c: {  	_ =	shalt  }
0x6d: {  	_ =	shalt  }
0x6e: {  	_ =	shalt  }
0x6f: {  	_ =	shalt  }
0x70: {  	_ =	shalt  }
0x71: {  	_ =	shalt  }
0x72: {  	_ =	shalt  }
0x73: {  	_ =	shalt  }
0x74: {  	_ =	shalt  }
0x75: {  	_ =	shalt  }
0x76: {  	_ =	shalt  }
0x77: {  	_ =	shalt  }
0x78: {  	_ =	shalt  }
0x79: {  	_ =	shalt  }
0x7a: {  	_ =	shalt  }
0x7b: {  	_ =	shalt  }
0x7c: {  	_ =	shalt  }
0x7d: {  	_ =	shalt  }
0x7e: {  	_ =	shalt  }
0x7f: {  	_ =	shalt  }
0x80: {  	_ =	shalt  }
0x81: {  	_ =	shalt  }
0x82: {  	_ =	shalt  }
0x83: {  	_ =	shalt  }
0x84: {  	_ =	shalt  }
0x85: {  	_ =	shalt  }
0x86: {  	_ =	shalt  }
0x87: {  	_ =	shalt  }
.Lfunc_end0:
.L_simem_size_0:
called_computation.1_lowered:
.L_overlay_start_0:
0x88: {  	s2 =	sld [smem:$0x3FD9]  }
0x89: {  	s3 =	sld [smem:$0x3FFE];
	_ =	sdelay $0x1  }
0x8a: {  	s1 =	srdreg.scid  }
0x8b: {  	s0 =	sand.u32 $0x1, s1  }
0x8c: {  	s14 =	sshll.u32 s0, $0xA;
	s2 =	sadd.s32 s3, s2  }
0x8d: {  	s2 =	sadd.s32 s2, s14  }
0x8e: {  	[smem:$0x3F9B] =	sst s2  }
0x8f: {  	_ = 	snop  }
0x90: {  	s2 =	sld [smem:$0x3FD0];
	_ =	sdelay $0x1  }
0x91: {  	s15 =	sld [smem:$0x3FC9]  }
0x92: {  	s5 =	simm.s32 $0xD;
	s6 =	simm.s32 $0x10;
	s4 =	sld [smem:$0x3FC5]  }
0x93: {  	[smem:s6], [sflag:s5] =	dma.local [hbm:s2], $0x1  }
0x94: {  	_ =	swait.eq [sflag:s5], $0x1  }
0x95: {  	[sflag:s5] =	ssyncset.done $0x0  }
0x96: {  	s16 =	sld [smem:$0x10];
	[sflag:s5] =	ssyncadd.s32 $0xFFFFFFFF  }
0x97: {  	s17 =	sld [smem:$0x11];
	(tm) =	ssettm $0x1  }
0x98: {  	s18 =	sld [smem:$0x3FFB];
	_ =	sdelay $0x3  }
0x99: {  	_ =	strace s18  }
0x9a: {  	s6 =	sld [smem:$0x3FFC];
	_ =	sdelay $0x3  }
0x9b: {  	_ =	strace s6  }
0x9c: {  	s6 =	sld [smem:$0x3FFD];
	_ =	sdelay $0x3  }
0x9d: {  	_ =	strace s6  }
0x9e: {  	_ =	strace $0x8FFFFFFF  }
0x9f: {  	s19 =	sld [smem:$0x3FDB];
	_ =	sdelay $0x1  }
0xa0: {  	s7 =	simm.s32 $_scs_section_size  }
0xa1: {  	s8 =	simm.s32 $_size__tile_overlayer_lowered;
	s9 =	simm.s32 $_tile_overlayer_lowered  }
0xa2: {  	s22 =	simm.s32 $0x1BFF;
	s21 =	sshll.u32 s9, $0x1;
	s6 =	sadd.s32 s7, s19  }
0xa3: {  	s10 =	simm.s32 $0x0;
	s20 =	sshll.u32 s8, $0x1;
	s8 =	sadd.s32 s21, s6  }
0xa4: {  	[timem:s10], [sflag:s22] =	dma.local [hbm:s8], s20  }
0xa5: {  	_ =	swait.ge [sflag:s22], s20  }
0xa6: {  	s7 =	ssub.s32 $0x0, s20;
	[sflag:s22] =	ssyncset.done $0x0  }
0xa7: {  	[sflag:s22] =	ssyncadd.s32 s7;
	_ =	sdelay $0x1  }
0xa8: {  	s23 =	simm.s32 $0x1B8B  }
0xa9: {  	_ =	swait.ge [sflag:s23], $0x1  }
0xaa: {  	[sflag:s23] =	ssyncset.done $0x0  }
0xab: {  	s25 =	simm.s32 $0x1B8E;
	s24 =	sld [smem:$0x3FFE];
	[sflag:s23] =	ssyncadd.s32 $0xFFFFFFFF  }
0xac: {  	s26 =	simm.s32 $execute0_lowered;
	[smem:$0x3FD2] =	sst s25  }
0xad: {  	s8 =	sshll.u32 s26, $0x1;
	_ =	strace $0x80000046;
	[dreg:$0x1] =	wrdreg $0xFFFFFFFF  }
0xae: {  	s28 =	simm.s32 $_size_execute0_lowered;
	s6 =	sadd.s32 s6, s8;
	[dreg:$0x0] =	wrdreg $0x0  }
0xaf: {  	s8 =	sshll.u32 s28, $0x1;
	[dreg:$0x2] =	wrdreg s6  }
0xb0: {  	[dreg:$0x3] =	wrdreg s8  }
0xb1: {  	[dreg:$0x4] =	wrdreg $0xC0  }
0xb2: {  	_ =	task [dreg:s10], $0x5FFFF  }
0xb3: {  	[dreg:$0x1] =	wrdreg $0xFFFFFFFF  }
0xb4: {  	[dreg:$0x0] =	wrdreg $0x60  }
0xb5: {  	[dreg:$0x2] =	wrdreg s15  }
0xb6: {  	[dreg:$0x3] =	wrdreg s24  }
0xb7: {  	[dreg:$0x4] =	wrdreg s4  }
0xb8: {  	[dreg:$0x5] =	wrdreg s17  }
0xb9: {  	[dreg:$0x6] =	wrdreg s16  }
0xba: {  	[dreg:$0x7] =	wrdreg $0x9  }
0xbb: {  	_ =	task.clear_ibuf [dreg:s10], $0x8FFFF;
	_ =	strace $0x90000046  }
0xbc: {  	s29 =	simm.s32 $0x9;
	_ =	strace $0x80000048  }
0xbd: {  	_ =	swait.ge [sflag:s29], $0x1  }
0xbe: {  	[sflag:s29] =	ssyncadd.s32 $0xFFFFFFFF  }
0xbf: {  	_ =	strace $0x90000048  }
0xc0: {  	_ =	sfence  }
0xc1: {  	s30 =	sld [smem:$0x0];
	_ =	sdelay $0x2  }
0xc2: {  	s31 =	sshll.u32 s1, $0xD;
	s1 =	sshrl.u32 s1, $0x2  }
0xc3: {  	s3 =	sand.u32 $0x4000, s31;
	s1 =	sadd.s32 s1, s30  }
0xc4: {  	s0 =	sor.u32 s3, s0;
	s1 =	sshll.u32 s1, $0x11  }
0xc5: {  	s0 =	sor.u32 s1, s0  }
0xc6: {  	s0 =	sadd.s32 $0x8F2B, s0  }
0xc7: {  	[sflag:s0] =	ssyncadd.remote.s32 $0x1  }
0xc8: {  	_ =	sfence.sel $0xFFFF  }
0xc9: {  	[dreg:$0x0] =	wrdreg $0xFFFFFFFF;
	(pc) =	sbr.abs _section_cstart, $3  }
0xca: {  	[dreg:$0x1] =	wrdreg $0xFFFFFFFF  }
0xcb: {  	_ =	task.clear_ibuf [dreg:s10], $0x2FFFF;
	_ =	strace $0x9FFFFFFF  }
0xcc: {  	(tm) =	ssettm $0x7FFFFFFF  }
0xcd: {  	_ =	shalt  }
tec
execute0_lowered:
.L_overlay_start_1:
0x0: {  	(tag) =	ssettag $0x1  }
0x1: {  	s1 =	rddreg [dreg:$0x0]  }
0x2: {  	s0 =	rddreg [dreg:$0x1]  }
0x3: {  	s4 =	rddreg [dreg:$0x4];
	s5 =	simm.s32 $0x0  }
0x4: {  	s2 =	srdreg.scid;
	s3 =	stileid.u32;
	s18 =	simm.s32 $0x80  }
0x5: {  	s19 =	simm.s32 $0x100;
	s20 =	simm.s32 $0x180;
	s21 =	simm.s32 $0x200  }
0x6: {  	s22 =	simm.s32 $0x1;
	s23 =	simm.s32 $0x280;
	s24 =	simm.s32 $0x4280  }
0x7: {  	s25 =	simm.s32 $0x8280;
	s28 =	simm.s32 $0x10280;
	s29 =	simm.s32 $0x14280  }
0x8: {  	s30 =	simm.s32 $0x18280;
	s31 =	simm.s32 $0x0;
	[smem:$0x7FF] =	sst s5  }
0x9: {  	s6 =	sadd.s32 $0x288000, s0;
	s7 =	sadd.s32 $0x27E000, s0;
	s9 =	sand.u32 $0x1, s2  }
.Ltmp0:
0xa: {  	s8 =	sadd.s32 $0x283000, s0;
	s2 =	ssub.s32 $0x2, s9;
	(pc) =	sbr.rel .LBB2_1-.Ltmp0, $4  }
0xb: {  	s10 =	sadd.s32 $0x4F9000, s0;
	s11 =	sadd.s32 $0x631800, s0;
	s12 =	sshrl.u32 s2, $0x1  }
0xc: {  	s13 =	sadd.s32 $0x76A000, s0;
	s14 =	sadd.s32 $0x8A2800, s0;
	s26 =	ssub.s32 s2, s12  }
0xd: {  	s15 =	sadd.s32 $0x9DB000, s0;
	s16 =	sshll.u32 s3, $0x1;
	s0 =	smax.u32 s26, $0x1  }
0xe: {  	_ =	strace $0x80000047;
	s26 =	simm.s32 $0xC280;
	[dreg:$0x6] =	wrdreg s0  }
.LBB2_7:
0xf: {  	s31 =	sadd.s32 $0x1, s31;
	s0 =	rddreg [dreg:$0x6]  }
0x10: {  	p0 =	sne.s32 s31, s0  }
.Ltmp1:
0x11: {  	_ = 	snop;
	(pc) =	sbr.rel @!p0 .LBB2_8-.Ltmp1, $1  }
0x12: {  	_ =	sdelay $0x3  }
.LBB2_1:
.Ltmp2:
0x13: {  	(pc) =	sbr.rel .LBB2_2-.Ltmp2, $2  }
0x14: {  	_ =	sdelay $0x2  }
0x15: {  	s0 =	simm.s32 $0x0  }
.LBB2_6:
0x16: {  	s0 =	sadd.s32 $0x1, s0  }
0x17: {  	p0 =	sne.s32 s0, $0x14  }
.Ltmp3:
0x18: {  	_ = 	snop;
	(pc) =	sbr.rel @!p0 .LBB2_7-.Ltmp3, $1  }
0x19: {  	_ =	sdelay $0x3  }
.LBB2_2:
0x1a: {  	s2 =	sshll.u32 s0, $0x5  }
0x1b: {  	s2 =	sor.u32 s2, s16  }
0x1c: {  	s12 =	sor.u32 s9, s2  }
0x1d: {  	p0 =	sgt.u32 s12, $0x270  }
.Ltmp4:
0x1e: {  	_ = 	snop;
	(pc) =	sbr.rel @p0 .LBB2_6-.Ltmp4, $1  }
0x1f: {  	_ =	sdelay $0x3  }
0x20: {  	s2 =	sshll.u32 s12, $0x4  }
0x21: {  	s2 =	sadd.s32 $0x2710, s2  }
0x22: {  	s3 =	simm.s32 $0x0;
	s17 =	sadd.s32 s7, s2  }
0x23: {  	[tilespmem:s3], [sflag:$0x1] =	stream.linear.gather [hbm4b:s17+s3], $0x80, $0x38;
	[tilespmem:$0x1C280] =	vst v63  }
0x24: {  	s17 =	sadd.s32 s8, s2  }
0x25: {  	[tilespmem:s18], [sflag:$0x1] =	stream.linear.gather [hbm4b:s17+s3], $0x80, $0x38;
	[tilespmem:$0x1C280] =	vst v63  }
0x26: {  	s17 =	rddreg [dreg:$0x2]  }
0x27: {  	s17 =	sadd.s32 s17, s2  }
0x28: {  	[tilespmem:s19], [sflag:$0x1] =	stream.linear.gather [hbm4b:s17+s3], $0x80, $0x38;
	[tilespmem:$0x1C280] =	vst v63  }
0x29: {  	s17 =	rddreg [dreg:$0x3]  }
0x2a: {  	s17 =	sadd.s32 s17, s2  }
0x2b: {  	[tilespmem:s20], [sflag:$0x1] =	stream.linear.gather [hbm4b:s17+s3], $0x80, $0x38;
	[tilespmem:$0x1C280] =	vst v63  }
0x2c: {  	s2 =	sadd.s32 s4, s2  }
0x2d: {  	[tilespmem:s21], [sflag:$0x1] =	stream.linear.gather [hbm4b:s2+s3], $0x80, $0x38;
	[tilespmem:$0x1C280] =	vst v63  }
0x2e: {  	_ =	swait.ge [sflag:s22], $0x80  }
0x2f: {  	[sflag:s22] =	ssyncset.done $0x0  }
0x30: {  	[sflag:s22] =	ssyncadd.s32 $0xFFFFFF80  }
0x31: {  	_ =	swait.ge [sflag:s22], $0x80  }
0x32: {  	[sflag:s22] =	ssyncset.done $0x0  }
0x33: {  	[sflag:s22] =	ssyncadd.s32 $0xFFFFFF80  }
0x34: {  	_ =	swait.ge [sflag:s22], $0x80  }
0x35: {  	[sflag:s22] =	ssyncset.done $0x0  }
0x36: {  	[sflag:s22] =	ssyncadd.s32 $0xFFFFFF80  }
0x37: {  	_ =	swait.ge [sflag:s22], $0x80  }
0x38: {  	[sflag:s22] =	ssyncset.done $0x0  }
0x39: {  	[sflag:s22] =	ssyncadd.s32 $0xFFFFFF80  }
0x3a: {  	_ =	swait.ge [sflag:s22], $0x80  }
0x3b: {  	[sflag:s22] =	ssyncset.done $0x0  }
0x3c: {  	[sflag:s22] =	ssyncadd.s32 $0xFFFFFF80  }
0x3d: {  	[tilespmem:s23], [sflag:$0x1] =	stream.indirect.gather [hbm4b:s1+s18], $0x80, s3, s18, $0xb8;
	[tilespmem:$0x1C280] =	vst v63  }
0x3e: {  	_ = 	snop  }
0x3f: {  	[tilespmem:s24], [sflag:$0x1] =	stream.indirect.gather [hbm4b:s1+s18], $0x80, s18, s18, $0xb8;
	[tilespmem:$0x1C280] =	vst v63  }
0x40: {  	_ = 	snop  }
0x41: {  	[tilespmem:s25], [sflag:$0x1] =	stream.indirect.gather [hbm4b:s1+s18], $0x80, s19, s18, $0xb8;
	[tilespmem:$0x1C280] =	vst v63  }
0x42: {  	_ = 	snop  }
0x43: {  	[tilespmem:s26], [sflag:$0x1] =	stream.indirect.gather [hbm4b:s6+s18], $0x80, s20, s18, $0xb8;
	[tilespmem:$0x1C280] =	vst v63  }
0x44: {  	_ = 	snop  }
0x45: {  	[tilespmem:s28], [sflag:$0x1] =	stream.indirect.gather [hbm4b:s6+s18], $0x80, s21, s18, $0xb8;
	[tilespmem:$0x1C280] =	vst v63  }
0x46: {  	_ =	swait.ge [sflag:s22], $0x4000  }
0x47: {  	[sflag:s22] =	ssyncset.done $0x0  }
0x48: {  	[sflag:s22] =	ssyncadd.s32 $0xFFFFC000  }
0x49: {  	_ =	swait.ge [sflag:s22], $0x4000  }
0x4a: {  	[sflag:s22] =	ssyncset.done $0x0  }
0x4b: {  	[sflag:s22] =	ssyncadd.s32 $0xFFFFC000  }
0x4c: {  	_ =	swait.ge [sflag:s22], $0x4000  }
0x4d: {  	[sflag:s22] =	ssyncset.done $0x0  }
0x4e: {  	[sflag:s22] =	ssyncadd.s32 $0xFFFFC000  }
0x4f: {  	_ =	swait.ge [sflag:s22], $0x4000  }
0x50: {  	[sflag:s22] =	ssyncset.done $0x0  }
0x51: {  	[sflag:s22] =	ssyncadd.s32 $0xFFFFC000  }
0x52: {  	_ =	swait.ge [sflag:s22], $0x4000  }
0x53: {  	[sflag:s22] =	ssyncset.done $0x0  }
0x54: {  	s17 =	simm.s32 $0x0;
	[sflag:s22] =	ssyncadd.s32 $0xFFFFC000  }
0x55: {  	v0 =	vld [tilespmem:s17+$0x10280]  }
0x56: {  	s2 =	simm.s32 $0x200;
	v1 =	vld [tilespmem:s17+$0xC280]  }
.LBB2_4:
0x57: {  	p0 =	sne.s32 s2, $0xFE00  }
.Ltmp5:
0x58: {  	_ = 	snop;
	(pc) =	sbr.rel @p0 .LBB2_4-.Ltmp5, $4  }
0x59: {  	_ = 	snop  }
0x5a: {  	s3 =	sshra.s32 s2, $0x2;
	s2 =	sadd.s32 $0x200, s2;
	[tilespmem:s17+$0x18280] =	vst v0  }
0x5b: {  	v0 =	vld [tilespmem:s3+$0x10280];
	[tilespmem:s17+$0x14280] =	vst v1;
	s17 =	smov.u32 s3  }
0x5c: {  	v1 =	vld [tilespmem:s17+$0xC280]  }
0x5d: {  	_ =	sdelay $0x2  }
0x5e: {  	s2 =	sshll.u32 s12, $0xB;
	[tilespmem:s17+$0x18280] =	vst v0  }
0x5f: {  	s3 =	sadd.s32 s10, s2;
	[tilespmem:s17+$0x14280] =	vst v1  }
0x60: {  	[hbm4b:s3+s5] =	stream.linear.scatter [tilespmem:s23], [sflag:$0x1], $0x4000, $0x38;
	[tilespmem:$0x1C280] =	vst v63  }
0x61: {  	s17 =	sadd.s32 s11, s2  }
0x62: {  	[hbm4b:s17+s5] =	stream.linear.scatter [tilespmem:s24], [sflag:$0x1], $0x4000, $0x38;
	[tilespmem:$0x1C280] =	vst v63  }
0x63: {  	s12 =	sadd.s32 s13, s2  }
0x64: {  	[hbm4b:s12+s5] =	stream.linear.scatter [tilespmem:s25], [sflag:$0x1], $0x4000, $0x38;
	[tilespmem:$0x1C280] =	vst v63  }
0x65: {  	s17 =	sadd.s32 s14, s2  }
0x66: {  	[hbm4b:s17+s5] =	stream.linear.scatter [tilespmem:s29], [sflag:$0x1], $0x4000, $0x38;
	[tilespmem:$0x1C280] =	vst v63  }
0x67: {  	s2 =	sadd.s32 s15, s2  }
0x68: {  	[hbm4b:s2+s5] =	stream.linear.scatter [tilespmem:s30], [sflag:$0x1], $0x4000, $0x38;
	[tilespmem:$0x1C280] =	vst v63  }
0x69: {  	_ =	swait.ge [sflag:s22], $0x4000  }
0x6a: {  	[sflag:s22] =	ssyncset.done $0x0  }
0x6b: {  	[sflag:s22] =	ssyncadd.s32 $0xFFFFC000  }
0x6c: {  	_ =	swait.ge [sflag:s22], $0x4000  }
0x6d: {  	[sflag:s22] =	ssyncset.done $0x0  }
0x6e: {  	[sflag:s22] =	ssyncadd.s32 $0xFFFFC000  }
0x6f: {  	_ =	swait.ge [sflag:s22], $0x4000  }
0x70: {  	[sflag:s22] =	ssyncset.done $0x0  }
0x71: {  	[sflag:s22] =	ssyncadd.s32 $0xFFFFC000  }
0x72: {  	_ =	swait.ge [sflag:s22], $0x4000  }
.Ltmp6:
0x73: {  	[sflag:s22] =	ssyncset.done $0x0;
	(pc) =	sbr.rel .LBB2_6-.Ltmp6, $4  }
0x74: {  	[sflag:s22] =	ssyncadd.s32 $0xFFFFC000  }
0x75: {  	_ =	swait.ge [sflag:s22], $0x4000  }
0x76: {  	[sflag:s22] =	ssyncset.done $0x0  }
0x77: {  	[sflag:s22] =	ssyncadd.s32 $0xFFFFC000  }
.LBB2_8:
0x78: {  	_ =	sfence.sel $0x180000  }
0x79: {  	[bflag:$0x0] =	sbarrier.arrive $0xFFFF  }
0x7a: {  	_ =	strace $0x90000047  }
0x7b: {  	s0 =	stileid.u32;
	[bflag:$0x2] =	sbarrier.arrive $0xFFFF  }
0x7c: {  	p0 =	sne.s32 s0, $0x0;
	s0 =	rddreg [dreg:$0x5]  }
0x7d: {  	s0 =	sadd.s32 @!p0 $0x100000, s0  }
0x7e: {  	[sflag:s0] =	ssyncadd.tile.s32 @!p0 $0x1;
	_ =	shalt  }
.Lfunc_end2:
_tile_overlayer_lowered:
.L_overlay_start_2:
0x7f: {  	(tag) =	ssettag $0x2  }
0x80: {  	s0 =	rddreg [dreg:$0x0];
	s2 =	stileid.u32  }
0x81: {  	s1 =	rddreg [dreg:$0x1];
	p0 =	sne.s32 s2, $0x0  }
0x82: {  	s3 =	rddreg [dreg:$0x2];
	[bflag:$0x3] =	sbarrier.arrive $0xFFFF;
	s2 =	simm.s32 @!p0 $0x1C02  }
0x83: {  	[timem:s3], [sflag:s2] =	dma.local @!p0 [hbm:s0], s1  }
0x84: {  	s0 =	simm.s32 @!p0 $0x2  }
0x85: {  	_ =	swait.ge @!p0 [sflag:s0], s1  }
0x86: {  	s1 =	ssub.s32 @!p0 $0x0, s1;
	[sflag:s0] =	ssyncset.done @!p0 $0x0  }
0x87: {  	[sflag:s0] =	ssyncadd.s32 @!p0 s1  }
0x88: {  	[bflag:$0x3] =	sbarrier.arrive $0xFFFF  }
0x89: {  	_ =	shalt  }

// kernel: kernel.18.cloned.1.call-start
scs
__scs_entry_jumppad:
0x0: {  	(pc) =	sbr.rel $0x88, $3  }
0x1: {  	(tag) =	ssettag $0x0;
	lr =	simm.s32 $0x1  }
0x2: {  	[smem:$0x3F74] =	sst lr;
	_ =	strace $0xD0000000  }
0x3: {  	_ = 	snop  }
0x4: {  	_ = 	snop  }
0x5: {  	_ = 	snop  }
0x6: {  	_ = 	snop  }
0x7: {  	_ = 	snop  }
__scs_overlays_trampoline_lowered:
0x8: {  	[smem:$0x3F83] =	sst s0  }
0x9: {  	[smem:$0x3F84] =	sst s1  }
0xa: {  	[smem:$0x3F85] =	sst s2  }
0xb: {  	[smem:$0x3F86] =	sst s3  }
0xc: {  	[smem:$0x3F87] =	sst s4  }
0xd: {  	[smem:$0x3F88] =	sst s5  }
0xe: {  	[smem:$0x3F89] =	sst s6  }
0xf: {  	[smem:$0x3F8A] =	sst s7  }
0x10: {  	[smem:$0x3F8B] =	sst s8  }
0x11: {  	[smem:$0x3F8C] =	sst s9;
	s0 =	simm.s32 @!p0 $0x0  }
0x12: {  	s1 =	sld [smem:$0x3F72];
	s0 =	simm.s32 @p0 $0x1  }
0x13: {  	[smem:$0x3F8D] =	sst s0;
	s0 =	simm.s32 @!p1 $0x0  }
0x14: {  	s2 =	sld [smem:$0x3F71];
	s0 =	simm.s32 @p1 $0x1  }
0x15: {  	[smem:$0x3F8E] =	sst s0;
	s0 =	simm.s32 @!p2 $0x0  }
0x16: {  	s3 =	sld [smem:$0x3FDB];
	s0 =	simm.s32 @p2 $0x1  }
0x17: {  	s4 =	simm.s32 $0x1BF5;
	[smem:$0x3F90] =	sst s0  }
0x18: {  	s0 =	sld [smem:$0x3F73];
	_ =	swait.ge [sflag:s4], $0x0  }
0x19: {  	s7 =	sld [smem:$0x3F74]  }
0x1a: {  	s8 =	sadd.s32 $0xFFFFE003, lr  }
0x1b: {  	s9 =	sadd.s32 $0xFFFFFEF7, lr;
	s5 =	simm.s32 $0xFFFFFFFF;
	p2 =	slt.u32 s8, $0xFFFFF086  }
0x1c: {  	p1 =	slt.u32 s9, $0xF7A;
	s5 =	simm.s32 @!p2 $0x0  }
0x1d: {  	s5 =	simm.s32 @p1 $0x1;
	p0 =	seq.s32 s7, s2  }
0x1e: {  	s7 =	smul.u32 @!p0 $0xF7A, s2;
	p2 =	seq.s32 @!p0 s5, $0x0  }
0x1f: {  	s9 =	smul.u32 $0xF7A, s1;
	s8 =	simm.s32 @!p0 $0x1BF5;
	p2 =	por !p2, p0  }
0x20: {  	[sflag:s8] =	ssyncset.s32 @!p0 $0xFFFFF086;
	s6 =	sadd.s32 @!p0 s3, s7;
	s7 =	simm.s32 @!p0 $0x108  }
0x21: {  	s3 =	sadd.s32 s3, s9;
	s6 =	sadd.s32 @!p0 $0x88, s6;
	s7 =	simm.s32 @p2 $0x1082  }
0x22: {  	[simem:s7], [sflag:s8] =	dma.local @!p0 [hbm:s6], $0xF7A  }
0x23: {  	s9 =	sor.u32 $0xD0000000, s2;
	s6 =	simm.s32 $0x108;
	_ =	swait.ge @!p0 [sflag:s8], $0x0  }
0x24: {  	s3 =	sadd.s32 $0x88, s3;
	s6 =	simm.s32 @!p1 $0x1082;
	[sflag:s4] =	ssyncset.s32 $0xFFFFF086  }
0x25: {  	[simem:s6], [sflag:s4] =	dma.local [hbm:s3], $0xF7A  }
0x26: {  	[smem:$0x3F74] =	sst s1;
	(tag) =	ssettag s2;
	_ =	strace s9  }
0x27: {  	s1 =	sld [smem:$0x3F84]  }
0x28: {  	s2 =	sld [smem:$0x3F85]  }
0x29: {  	s4 =	sld [smem:$0x3F87]  }
0x2a: {  	p0 =	seq.s32 s5, $0x0;
	s5 =	sld [smem:$0x3F88]  }
0x2b: {  	s6 =	sld [smem:$0x3F89]  }
0x2c: {  	s7 =	sld [smem:$0x3F8A]  }
0x2d: {  	s3 =	simm.s32 $0x108;
	s8 =	sld [smem:$0x3F8B]  }
0x2e: {  	s3 =	simm.s32 @!p0 $0x1082;
	s9 =	sld [smem:$0x3F8C]  }
0x2f: {  	lr =	sadd.s32 s0, s3;
	s0 =	sld [smem:$0x3F83]  }
0x30: {  	s3 =	sld [smem:$0x3F86]  }
0x31: {  	[smem:$0x3F8F] =	sst s10  }
0x32: {  	s10 =	sld [smem:$0x3F8D];
	_ =	sdelay $0x3  }
0x33: {  	p0 =	seq.s32 s10, $0x1;
	s10 =	sld [smem:$0x3F8F];
	_ =	sdelay $0x3  }
0x34: {  	[smem:$0x3F8F] =	sst s10  }
0x35: {  	s10 =	sld [smem:$0x3F8E];
	_ =	sdelay $0x3  }
0x36: {  	p1 =	seq.s32 s10, $0x1;
	s10 =	sld [smem:$0x3F8F];
	_ =	sdelay $0x3  }
0x37: {  	[smem:$0x3F8F] =	sst s10  }
0x38: {  	s10 =	sld [smem:$0x3F90]  }
0x39: {  	_ = 	snop;
	(pc) =	sbr.ind lr, $3  }
0x3a: {  	_ = 	snop  }
0x3b: {  	_ = 	snop  }
0x3c: {  	p2 =	seq.s32 s10, $0x1;
	s10 =	sld [smem:$0x3F8F]  }
0x3d: {  	_ =	shalt  }
0x3e: {  	_ =	shalt  }
0x3f: {  	_ =	shalt  }
0x40: {  	_ =	shalt  }
0x41: {  	_ =	shalt  }
0x42: {  	_ =	shalt  }
0x43: {  	_ =	shalt  }
0x44: {  	_ =	shalt  }
0x45: {  	_ =	shalt  }
0x46: {  	_ =	shalt  }
0x47: {  	_ =	shalt  }
0x48: {  	_ =	shalt  }
0x49: {  	_ =	shalt  }
0x4a: {  	_ =	shalt  }
0x4b: {  	_ =	shalt  }
0x4c: {  	_ =	shalt  }
0x4d: {  	_ =	shalt  }
0x4e: {  	_ =	shalt  }
0x4f: {  	_ =	shalt  }
0x50: {  	_ =	shalt  }
0x51: {  	_ =	shalt  }
0x52: {  	_ =	shalt  }
0x53: {  	_ =	shalt  }
0x54: {  	_ =	shalt  }
0x55: {  	_ =	shalt  }
0x56: {  	_ =	shalt  }
0x57: {  	_ =	shalt  }
0x58: {  	_ =	shalt  }
0x59: {  	_ =	shalt  }
0x5a: {  	_ =	shalt  }
0x5b: {  	_ =	shalt  }
0x5c: {  	_ =	shalt  }
0x5d: {  	_ =	shalt  }
0x5e: {  	_ =	shalt  }
0x5f: {  	_ =	shalt  }
0x60: {  	_ =	shalt  }
0x61: {  	_ =	shalt  }
0x62: {  	_ =	shalt  }
0x63: {  	_ =	shalt  }
0x64: {  	_ =	shalt  }
0x65: {  	_ =	shalt  }
0x66: {  	_ =	shalt  }
0x67: {  	_ =	shalt  }
0x68: {  	_ =	shalt  }
0x69: {  	_ =	shalt  }
0x6a: {  	_ =	shalt  }
0x6b: {  	_ =	shalt  }
0x6c: {  	_ =	shalt  }
0x6d: {  	_ =	shalt  }
0x6e: {  	_ =	shalt  }
0x6f: {  	_ =	shalt  }
0x70: {  	_ =	shalt  }
0x71: {  	_ =	shalt  }
0x72: {  	_ =	shalt  }
0x73: {  	_ =	shalt  }
0x74: {  	_ =	shalt  }
0x75: {  	_ =	shalt  }
0x76: {  	_ =	shalt  }
0x77: {  	_ =	shalt  }
0x78: {  	_ =	shalt  }
0x79: {  	_ =	shalt  }
0x7a: {  	_ =	shalt  }
0x7b: {  	_ =	shalt  }
0x7c: {  	_ =	shalt  }
0x7d: {  	_ =	shalt  }
0x7e: {  	_ =	shalt  }
0x7f: {  	_ =	shalt  }
0x80: {  	_ =	shalt  }
0x81: {  	_ =	shalt  }
0x82: {  	_ =	shalt  }
0x83: {  	_ =	shalt  }
0x84: {  	_ =	shalt  }
0x85: {  	_ =	shalt  }
0x86: {  	_ =	shalt  }
0x87: {  	_ =	shalt  }
.Lfunc_end0:
.L_simem_size_0:
called_computation.2_lowered:
.L_overlay_start_0:
0x88: {  	s2 =	sld [smem:$0x3FD9]  }
0x89: {  	s3 =	sld [smem:$0x3FFE];
	_ =	sdelay $0x1  }
0x8a: {  	s1 =	srdreg.scid  }
0x8b: {  	s0 =	sand.u32 $0x1, s1  }
0x8c: {  	s17 =	sshll.u32 s0, $0xA;
	s2 =	sadd.s32 s3, s2  }
0x8d: {  	s2 =	sadd.s32 s2, s17  }
0x8e: {  	[smem:$0x3F9B] =	sst s2  }
0x8f: {  	_ = 	snop  }
0x90: {  	(tm) =	ssettm $0x1  }
0x91: {  	s18 =	sld [smem:$0x3FFB];
	_ =	sdelay $0x3  }
0x92: {  	_ =	strace s18  }
0x93: {  	s2 =	sld [smem:$0x3FFC];
	_ =	sdelay $0x3  }
0x94: {  	_ =	strace s2  }
0x95: {  	s2 =	sld [smem:$0x3FFD];
	_ =	sdelay $0x3  }
0x96: {  	_ =	strace s2  }
0x97: {  	_ =	strace $0x8FFFFFFF  }
0x98: {  	s19 =	sld [smem:$0x3FDB];
	_ =	sdelay $0x1  }
0x99: {  	s20 =	simm.s32 $_scs_section_size  }
0x9a: {  	s4 =	simm.s32 $_size__tile_overlayer_lowered;
	s5 =	simm.s32 $_tile_overlayer_lowered  }
0x9b: {  	s6 =	simm.s32 $0x1BFF;
	s21 =	sshll.u32 s5, $0x1;
	s3 =	sadd.s32 s20, s19  }
0x9c: {  	s22 =	simm.s32 $0x0;
	s4 =	sshll.u32 s4, $0x1;
	s5 =	sadd.s32 s21, s3  }
0x9d: {  	[timem:s22], [sflag:s6] =	dma.local [hbm:s5], s4  }
0x9e: {  	_ =	swait.ge [sflag:s6], s4  }
0x9f: {  	s4 =	ssub.s32 $0x0, s4;
	[sflag:s6] =	ssyncset.done $0x0  }
0xa0: {  	[sflag:s6] =	ssyncadd.s32 s4;
	_ =	sdelay $0x1  }
0xa1: {  	s23 =	simm.s32 $0x1B8B  }
0xa2: {  	_ =	swait.ge [sflag:s23], $0x1  }
0xa3: {  	[sflag:s23] =	ssyncset.done $0x0  }
0xa4: {  	[sflag:s23] =	ssyncadd.s32 $0xFFFFFFFF  }
0xa5: {  	s4 =	sld [smem:$0x0]  }
0xa6: {  	s5 =	sand.u32 $0xFFFFFFFE, s1  }
0xa7: {  	p0 =	sne.s32 s1, s5  }
0xa8: {  	s5 =	sshll.u32 @p0 s5, $0xE  }
0xa9: {  	s5 =	sadd.s32 @p0 $0x11B8D, s5;
	s6 =	sshll.u32 @p0 s4, $0x11  }
0xaa: {  	s5 =	sor.u32 @p0 s6, s5  }
0xab: {  	[sflag:s5] =	ssyncadd.remote.s32 @p0 $0x1;
	_ =	sdelay $0x1  }
0xac: {  	s5 =	simm.s32 @p0 $0x1B8D  }
0xad: {  	_ =	swait.eq @p0 [sflag:s5], $0x1  }
0xae: {  	[sflag:s5] =	ssyncadd.s32 @p0 $0xFFFFFFFF  }
0xaf: {  	s6 =	sshll.u32 @!p0 s1, $0xE  }
0xb0: {  	s6 =	sor.u32 @!p0 $0x4000, s6;
	s5 =	simm.s32 @!p0 $0x1B8D  }
0xb1: {  	s4 =	sshll.u32 @!p0 s4, $0x11;
	s6 =	sadd.s32 @!p0 $0x11B8D, s6;
	_ =	swait.eq @!p0 [sflag:s5], $0x1  }
0xb2: {  	s4 =	sor.u32 @!p0 s4, s6;
	[sflag:s5] =	ssyncadd.s32 @!p0 $0xFFFFFFFF  }
0xb3: {  	s25 =	simm.s32 $0x1B8E;
	s24 =	sld [smem:$0x3FFE];
	[sflag:s4] =	ssyncadd.remote.s32 @!p0 $0x1  }
0xb4: {  	s26 =	simm.s32 $execute0_lowered;
	[smem:$0x3FD2] =	sst s25  }
0xb5: {  	s5 =	sshll.u32 s26, $0x1;
	_ =	strace $0x80000055;
	[dreg:$0x1] =	wrdreg $0xFFFFFFFF  }
0xb6: {  	s28 =	simm.s32 $_size_execute0_lowered;
	s3 =	sadd.s32 s3, s5;
	[dreg:$0x0] =	wrdreg $0x0  }
0xb7: {  	s5 =	sshll.u32 s28, $0x1;
	[dreg:$0x2] =	wrdreg s3  }
0xb8: {  	[dreg:$0x3] =	wrdreg s5  }
0xb9: {  	[dreg:$0x4] =	wrdreg $0xC0  }
0xba: {  	_ =	task [dreg:s22], $0x5FFFF  }
0xbb: {  	[dreg:$0x1] =	wrdreg $0xFFFFFFFF  }
0xbc: {  	[dreg:$0x0] =	wrdreg $0x60  }
0xbd: {  	[dreg:$0x2] =	wrdreg s24  }
0xbe: {  	[dreg:$0x3] =	wrdreg $0x40800  }
0xbf: {  	[dreg:$0x4] =	wrdreg $0xA  }
0xc0: {  	_ =	task.clear_ibuf [dreg:s22], $0x5FFFF;
	_ =	strace $0x90000055  }
0xc1: {  	s29 =	simm.s32 $0xA;
	_ =	strace $0x80000057  }
0xc2: {  	_ =	swait.ge [sflag:s29], $0x1  }
0xc3: {  	[sflag:s29] =	ssyncadd.s32 $0xFFFFFFFF  }
0xc4: {  	_ =	strace $0x90000057  }
0xc5: {  	_ =	sfence  }
0xc6: {  	s30 =	sld [smem:$0x0];
	_ =	sdelay $0x2  }
0xc7: {  	s31 =	sshll.u32 s1, $0xD;
	s1 =	sshrl.u32 s1, $0x2  }
0xc8: {  	s4 =	sand.u32 $0x4000, s31;
	s1 =	sadd.s32 s1, s30  }
0xc9: {  	s0 =	sor.u32 s4, s0;
	s1 =	sshll.u32 s1, $0x11  }
0xca: {  	s0 =	sor.u32 s1, s0  }
0xcb: {  	s0 =	sadd.s32 $0x8F2B, s0  }
0xcc: {  	[sflag:s0] =	ssyncadd.remote.s32 $0x1  }
0xcd: {  	_ =	sfence.sel $0xFFFF  }
0xce: {  	[dreg:$0x0] =	wrdreg $0xFFFFFFFF;
	(pc) =	sbr.abs _section_cstart, $3  }
0xcf: {  	[dreg:$0x1] =	wrdreg $0xFFFFFFFF  }
0xd0: {  	_ =	task.clear_ibuf [dreg:s22], $0x2FFFF;
	_ =	strace $0x9FFFFFFF  }
0xd1: {  	(tm) =	ssettm $0x7FFFFFFF  }
tec
execute0_lowered:
.L_overlay_start_1:
0x0: {  	(tag) =	ssettag $0x1  }
0x1: {  	s5 =	rddreg [dreg:$0x0]  }
0x2: {  	s1 =	rddreg [dreg:$0x1]  }
0x3: {  	s0 =	rddreg [dreg:$0x2];
	s3 =	simm.s32 $0x0;
	s2 =	srdreg.scid  }
0x4: {  	[smem:$0x7FF] =	sst s3;
	s10 =	sand.u32 $0x1, s2  }
0x5: {  	s2 =	stileid.u32;
	s4 =	smul.u32 $0x13C000, s10  }
0x6: {  	s6 =	sshll.u32 s2, $0xC;
	s7 =	sshll.u32 s2, $0x5;
	s8 =	smul.u32 $0x13C00, s2  }
0x7: {  	_ =	strace $0x80000056;
	s26 =	ssub.s32 $0x2, s10;
	s11 =	smul.u32 $0x4F000, s2  }
0x8: {  	s29 =	sshll.u32 s2, $0x1;
	s31 =	sshll.u32 s10, $0x4;
	s13 =	sshll.u32 s2, $0x6  }
0x9: {  	s15 =	sshll.u32 s10, $0xB;
	s9 =	sadd.s32 s6, s5;
	s24 =	sadd.s32 s7, s5  }
0xa: {  	s12 =	sshrl.u32 s26, $0x1;
	s10 =	sor.u32 s10, s29;
	s25 =	sadd.s32 s8, s4  }
0xb: {  	s4 =	sadd.s32 $0x279000, s5;
	s8 =	ssub.s32 s26, s12;
	s28 =	sshrl.u32 s11, $0x2  }
0xc: {  	s14 =	sadd.s32 s31, s24;
	s9 =	sadd.s32 s15, s9;
	s12 =	simm.s32 $0x2  }
0xd: {  	s7 =	sshrl.u32 s25, $0x3;
	s30 =	sadd.s32 s28, s1;
	s9 =	sadd.s32 $0x3C0800, s9  }
0xe: {  	s7 =	sadd.s32 s7, s5;
	s5 =	sor.u32 $0x1C02, s13;
	s11 =	sshrl.u32 s30, $0x3  }
0xf: {  	s6 =	sadd.s32 $0x5E6000, s7;
	s7 =	smax.u32 s8, $0x1;
	s8 =	sadd.s32 $0x283000, s14  }
.LBB2_1:
0x10: {  	[spmem:s11], [sflag:s5] =	dma.local [hbm:s4], $0x2780  }
0x11: {  	_ =	swait.ge [sflag:s12], $0x2780  }
0x12: {  	s13 =	sadd.s32 $0x0, s10;
	[sflag:s12] =	ssyncset.done $0x0  }
0x13: {  	p0 =	sgt.u32 s13, $0x270;
	[sflag:s12] =	ssyncadd.s32 $0xFFFFD880  }
0x14: {  	s13 =	simm.s32 @!p0 $0x0;
	p0 =	por p0, p0;
	[bflag:$0x0] =	sbarrier.arrive $0xFFFF  }
0x15: {  	[tilespmem:s13], [sflag:$0x1] =	stream.linear.gather @!p0 [hbm4b:s8+s13], $0x80, $0x38;
	[tilespmem:$0x17C80] =	vst v63  }
0x16: {  	s15 =	simm.s32 @!p0 $0x80;
	s16 =	simm.s32 @!p0 $0x1  }
0x17: {  	[tilespmem:s15], [sflag:$0x1] =	stream.linear.gather @!p0 [hbm4b:s9+s13], $0x4000, $0x38;
	[tilespmem:$0x17C80] =	vst v63  }
0x18: {  	_ =	swait.ge @!p0 [sflag:s16], $0x80  }
0x19: {  	[sflag:s16] =	ssyncset.done @!p0 $0x0  }
0x1a: {  	[sflag:s16] =	ssyncadd.s32 @!p0 $0xFFFFFF80  }
0x1b: {  	_ =	swait.ge @!p0 [sflag:s16], $0x4000  }
0x1c: {  	[sflag:s16] =	ssyncset.done @!p0 $0x0  }
0x1d: {  	s31 =	sadd.s32 $0x20, s10;
	[sflag:s16] =	ssyncadd.s32 @!p0 $0xFFFFC000;
	s16 =	simm.s32 @!p0 $0x2  }
0x1e: {  	[spmem:s1] =	stream.indirect.scatter.add.f32 @!p0 [tilespmem:s15], [sflag:$0x2], $0x80, s13, s15, $0xb8;
	[tilespmem:$0x17C80] =	vst v63  }
0x1f: {  	s14 =	simm.s32 $0x40;
	p2 =	sgt.u32 s31, $0x270;
	_ =	swait.ge @!p0 [sflag:s16], $0x4000  }
0x20: {  	s13 =	sadd.s32 $0x10000, s9;
	s15 =	sadd.s32 $0x200, s8;
	[sflag:s16] =	ssyncset.done @!p0 $0x0  }
.LBB2_2:
0x21: {  	s17 =	simm.s32 @!p2 $0x0;
	[sflag:s16] =	ssyncadd.s32 @!p0 $0xFFFFC000  }
0x22: {  	s18 =	smov.u32 s14;
	s14 =	sadd.s32 $0x20, s14;
	p0 =	por p2, p2  }
0x23: {  	[tilespmem:s17], [sflag:$0x1] =	stream.linear.gather @!p0 [hbm4b:s15+s17], $0x80, $0x38;
	[tilespmem:$0x17C80] =	vst v63  }
0x24: {  	p1 =	sne.s32 s14, $0x280;
	s19 =	simm.s32 @!p0 $0x80;
	s16 =	simm.s32 @!p0 $0x1  }
0x25: {  	[tilespmem:s19], [sflag:$0x1] =	stream.linear.gather @!p0 [hbm4b:s13+s17], $0x4000, $0x38;
	[tilespmem:$0x17C80] =	vst v63  }
0x26: {  	_ =	swait.ge @!p0 [sflag:s16], $0x80  }
0x27: {  	[sflag:s16] =	ssyncset.done @!p0 $0x0  }
0x28: {  	[sflag:s16] =	ssyncadd.s32 @!p0 $0xFFFFFF80  }
0x29: {  	_ =	swait.ge @!p0 [sflag:s16], $0x4000  }
.Ltmp0:
0x2a: {  	[sflag:s16] =	ssyncset.done @!p0 $0x0;
	(pc) =	sbr.rel @p1 .LBB2_2-.Ltmp0, $4  }
0x2b: {  	[sflag:s16] =	ssyncadd.s32 @!p0 $0xFFFFC000;
	s16 =	simm.s32 @!p0 $0x2  }
0x2c: {  	[spmem:s1] =	stream.indirect.scatter.add.f32 @!p0 [tilespmem:s19], [sflag:$0x2], $0x80, s17, s19, $0xb8;
	[tilespmem:$0x17C80] =	vst v63  }
0x2d: {  	s13 =	sadd.s32 $0x10000, s13;
	s17 =	sadd.s32 s18, s10;
	_ =	swait.ge @!p0 [sflag:s16], $0x4000  }
0x2e: {  	s15 =	sadd.s32 $0x200, s15;
	p2 =	sgt.u32 s17, $0x270;
	[sflag:s16] =	ssyncset.done @!p0 $0x0  }
0x2f: {  	s14 =	simm.s32 @!p2 $0x0;
	[sflag:s16] =	ssyncadd.s32 @!p0 $0xFFFFC000;
	p0 =	por p2, p2  }
0x30: {  	[tilespmem:s14], [sflag:$0x1] =	stream.linear.gather @!p0 [hbm4b:s15+s14], $0x80, $0x38;
	[tilespmem:$0x17C80] =	vst v63  }
0x31: {  	s15 =	simm.s32 @!p0 $0x80;
	s16 =	simm.s32 @!p0 $0x1  }
0x32: {  	[tilespmem:s15], [sflag:$0x1] =	stream.linear.gather @!p0 [hbm4b:s13+s14], $0x4000, $0x38;
	[tilespmem:$0x17C80] =	vst v63  }
0x33: {  	_ =	swait.ge @!p0 [sflag:s16], $0x80  }
0x34: {  	[sflag:s16] =	ssyncset.done @!p0 $0x0  }
0x35: {  	[sflag:s16] =	ssyncadd.s32 @!p0 $0xFFFFFF80  }
0x36: {  	_ =	swait.ge @!p0 [sflag:s16], $0x4000  }
0x37: {  	[sflag:s16] =	ssyncset.done @!p0 $0x0  }
0x38: {  	s13 =	simm.s32 @!p0 $0x2;
	[sflag:s16] =	ssyncadd.s32 @!p0 $0xFFFFC000  }
0x39: {  	[spmem:s1] =	stream.indirect.scatter.add.f32 @!p0 [tilespmem:s15], [sflag:$0x2], $0x80, s14, s15, $0xb8;
	[tilespmem:$0x17C80] =	vst v63  }
0x3a: {  	_ =	swait.ge @!p0 [sflag:s13], $0x4000  }
0x3b: {  	s3 =	sadd.s32 $0x1, s3;
	[sflag:s13] =	ssyncset.done @!p0 $0x0  }
0x3c: {  	[sflag:s13] =	ssyncadd.s32 @!p0 $0xFFFFC000;
	p0 =	sne.s32 s3, s7  }
.Ltmp1:
0x3d: {  	[bflag:$0x0] =	sbarrier.arrive $0xFFFF;
	(pc) =	sbr.rel @p0 .LBB2_1-.Ltmp1, $4  }
0x3e: {  	[hbm:s6], [sflag:s5] =	dma.local [spmem:s11], $0x2780  }
0x3f: {  	_ =	swait.ge [sflag:s12], $0x2780  }
0x40: {  	[sflag:s12] =	ssyncset.done $0x0  }
0x41: {  	[sflag:s12] =	ssyncadd.s32 $0xFFFFD880  }
0x42: {  	_ =	sfence.sel $0x180000  }
0x43: {  	[bflag:$0x0] =	sbarrier.arrive $0xFFFF  }
0x44: {  	p0 =	sne.s32 s2, $0x0;
	_ =	strace $0x90000056  }
0x45: {  	s0 =	sadd.s32 @!p0 $0x100000, s0;
	[bflag:$0x2] =	sbarrier.arrive $0xFFFF  }
0x46: {  	[sflag:s0] =	ssyncadd.tile.s32 @!p0 $0x1;
	_ =	shalt  }
.Lfunc_end2:
_tile_overlayer_lowered:
.L_overlay_start_2:
0x47: {  	(tag) =	ssettag $0x2  }
0x48: {  	s0 =	rddreg [dreg:$0x0];
	s2 =	stileid.u32  }
0x49: {  	s1 =	rddreg [dreg:$0x1];
	p0 =	sne.s32 s2, $0x0  }
0x4a: {  	s3 =	rddreg [dreg:$0x2];
	[bflag:$0x3] =	sbarrier.arrive $0xFFFF;
	s2 =	simm.s32 @!p0 $0x1C02  }
0x4b: {  	[timem:s3], [sflag:s2] =	dma.local @!p0 [hbm:s0], s1  }
0x4c: {  	s0 =	simm.s32 @!p0 $0x2  }
0x4d: {  	_ =	swait.ge @!p0 [sflag:s0], s1  }
0x4e: {  	s1 =	ssub.s32 @!p0 $0x0, s1;
	[sflag:s0] =	ssyncset.done @!p0 $0x0  }
0x4f: {  	[sflag:s0] =	ssyncadd.s32 @!p0 s1  }
0x50: {  	[bflag:$0x3] =	sbarrier.arrive $0xFFFF  }
0x51: {  	_ =	shalt  }

// kernel: kernel.21.cloned.1.call-start
scs
__scs_entry_jumppad:
0x0: {  	(pc) =	sbr.rel $0x88, $3  }
0x1: {  	(tag) =	ssettag $0x0;
	lr =	simm.s32 $0x1  }
0x2: {  	[smem:$0x3F74] =	sst lr;
	_ =	strace $0xD0000000  }
0x3: {  	_ = 	snop  }
0x4: {  	_ = 	snop  }
0x5: {  	_ = 	snop  }
0x6: {  	_ = 	snop  }
0x7: {  	_ = 	snop  }
__scs_overlays_trampoline_lowered:
0x8: {  	[smem:$0x3F83] =	sst s0  }
0x9: {  	[smem:$0x3F84] =	sst s1  }
0xa: {  	[smem:$0x3F85] =	sst s2  }
0xb: {  	[smem:$0x3F86] =	sst s3  }
0xc: {  	[smem:$0x3F87] =	sst s4  }
0xd: {  	[smem:$0x3F88] =	sst s5  }
0xe: {  	[smem:$0x3F89] =	sst s6  }
0xf: {  	[smem:$0x3F8A] =	sst s7  }
0x10: {  	[smem:$0x3F8B] =	sst s8  }
0x11: {  	[smem:$0x3F8C] =	sst s9;
	s0 =	simm.s32 @!p0 $0x0  }
0x12: {  	s1 =	sld [smem:$0x3F72];
	s0 =	simm.s32 @p0 $0x1  }
0x13: {  	[smem:$0x3F8D] =	sst s0;
	s0 =	simm.s32 @!p1 $0x0  }
0x14: {  	s2 =	sld [smem:$0x3F71];
	s0 =	simm.s32 @p1 $0x1  }
0x15: {  	[smem:$0x3F8E] =	sst s0;
	s0 =	simm.s32 @!p2 $0x0  }
0x16: {  	s3 =	sld [smem:$0x3FDB];
	s0 =	simm.s32 @p2 $0x1  }
0x17: {  	s4 =	simm.s32 $0x1BF5;
	[smem:$0x3F90] =	sst s0  }
0x18: {  	s0 =	sld [smem:$0x3F73];
	_ =	swait.ge [sflag:s4], $0x0  }
0x19: {  	s7 =	sld [smem:$0x3F74]  }
0x1a: {  	s8 =	sadd.s32 $0xFFFFE003, lr  }
0x1b: {  	s9 =	sadd.s32 $0xFFFFFEF7, lr;
	s5 =	simm.s32 $0xFFFFFFFF;
	p2 =	slt.u32 s8, $0xFFFFF086  }
0x1c: {  	p1 =	slt.u32 s9, $0xF7A;
	s5 =	simm.s32 @!p2 $0x0  }
0x1d: {  	s5 =	simm.s32 @p1 $0x1;
	p0 =	seq.s32 s7, s2  }
0x1e: {  	s7 =	smul.u32 @!p0 $0xF7A, s2;
	p2 =	seq.s32 @!p0 s5, $0x0  }
0x1f: {  	s9 =	smul.u32 $0xF7A, s1;
	s8 =	simm.s32 @!p0 $0x1BF5;
	p2 =	por !p2, p0  }
0x20: {  	[sflag:s8] =	ssyncset.s32 @!p0 $0xFFFFF086;
	s6 =	sadd.s32 @!p0 s3, s7;
	s7 =	simm.s32 @!p0 $0x108  }
0x21: {  	s3 =	sadd.s32 s3, s9;
	s6 =	sadd.s32 @!p0 $0x88, s6;
	s7 =	simm.s32 @p2 $0x1082  }
0x22: {  	[simem:s7], [sflag:s8] =	dma.local @!p0 [hbm:s6], $0xF7A  }
0x23: {  	s9 =	sor.u32 $0xD0000000, s2;
	s6 =	simm.s32 $0x108;
	_ =	swait.ge @!p0 [sflag:s8], $0x0  }
0x24: {  	s3 =	sadd.s32 $0x88, s3;
	s6 =	simm.s32 @!p1 $0x1082;
	[sflag:s4] =	ssyncset.s32 $0xFFFFF086  }
0x25: {  	[simem:s6], [sflag:s4] =	dma.local [hbm:s3], $0xF7A  }
0x26: {  	[smem:$0x3F74] =	sst s1;
	(tag) =	ssettag s2;
	_ =	strace s9  }
0x27: {  	s1 =	sld [smem:$0x3F84]  }
0x28: {  	s2 =	sld [smem:$0x3F85]  }
0x29: {  	s4 =	sld [smem:$0x3F87]  }
0x2a: {  	p0 =	seq.s32 s5, $0x0;
	s5 =	sld [smem:$0x3F88]  }
0x2b: {  	s6 =	sld [smem:$0x3F89]  }
0x2c: {  	s7 =	sld [smem:$0x3F8A]  }
0x2d: {  	s3 =	simm.s32 $0x108;
	s8 =	sld [smem:$0x3F8B]  }
0x2e: {  	s3 =	simm.s32 @!p0 $0x1082;
	s9 =	sld [smem:$0x3F8C]  }
0x2f: {  	lr =	sadd.s32 s0, s3;
	s0 =	sld [smem:$0x3F83]  }
0x30: {  	s3 =	sld [smem:$0x3F86]  }
0x31: {  	[smem:$0x3F8F] =	sst s10  }
0x32: {  	s10 =	sld [smem:$0x3F8D];
	_ =	sdelay $0x3  }
0x33: {  	p0 =	seq.s32 s10, $0x1;
	s10 =	sld [smem:$0x3F8F];
	_ =	sdelay $0x3  }
0x34: {  	[smem:$0x3F8F] =	sst s10  }
0x35: {  	s10 =	sld [smem:$0x3F8E];
	_ =	sdelay $0x3  }
0x36: {  	p1 =	seq.s32 s10, $0x1;
	s10 =	sld [smem:$0x3F8F];
	_ =	sdelay $0x3  }
0x37: {  	[smem:$0x3F8F] =	sst s10  }
0x38: {  	s10 =	sld [smem:$0x3F90]  }
0x39: {  	_ = 	snop;
	(pc) =	sbr.ind lr, $3  }
0x3a: {  	_ = 	snop  }
0x3b: {  	_ = 	snop  }
0x3c: {  	p2 =	seq.s32 s10, $0x1;
	s10 =	sld [smem:$0x3F8F]  }
0x3d: {  	_ =	shalt  }
0x3e: {  	_ =	shalt  }
0x3f: {  	_ =	shalt  }
0x40: {  	_ =	shalt  }
0x41: {  	_ =	shalt  }
0x42: {  	_ =	shalt  }
0x43: {  	_ =	shalt  }
0x44: {  	_ =	shalt  }
0x45: {  	_ =	shalt  }
0x46: {  	_ =	shalt  }
0x47: {  	_ =	shalt  }
0x48: {  	_ =	shalt  }
0x49: {  	_ =	shalt  }
0x4a: {  	_ =	shalt  }
0x4b: {  	_ =	shalt  }
0x4c: {  	_ =	shalt  }
0x4d: {  	_ =	shalt  }
0x4e: {  	_ =	shalt  }
0x4f: {  	_ =	shalt  }
0x50: {  	_ =	shalt  }
0x51: {  	_ =	shalt  }
0x52: {  	_ =	shalt  }
0x53: {  	_ =	shalt  }
0x54: {  	_ =	shalt  }
0x55: {  	_ =	shalt  }
0x56: {  	_ =	shalt  }
0x57: {  	_ =	shalt  }
0x58: {  	_ =	shalt  }
0x59: {  	_ =	shalt  }
0x5a: {  	_ =	shalt  }
0x5b: {  	_ =	shalt  }
0x5c: {  	_ =	shalt  }
0x5d: {  	_ =	shalt  }
0x5e: {  	_ =	shalt  }
0x5f: {  	_ =	shalt  }
0x60: {  	_ =	shalt  }
0x61: {  	_ =	shalt  }
0x62: {  	_ =	shalt  }
0x63: {  	_ =	shalt  }
0x64: {  	_ =	shalt  }
0x65: {  	_ =	shalt  }
0x66: {  	_ =	shalt  }
0x67: {  	_ =	shalt  }
0x68: {  	_ =	shalt  }
0x69: {  	_ =	shalt  }
0x6a: {  	_ =	shalt  }
0x6b: {  	_ =	shalt  }
0x6c: {  	_ =	shalt  }
0x6d: {  	_ =	shalt  }
0x6e: {  	_ =	shalt  }
0x6f: {  	_ =	shalt  }
0x70: {  	_ =	shalt  }
0x71: {  	_ =	shalt  }
0x72: {  	_ =	shalt  }
0x73: {  	_ =	shalt  }
0x74: {  	_ =	shalt  }
0x75: {  	_ =	shalt  }
0x76: {  	_ =	shalt  }
0x77: {  	_ =	shalt  }
0x78: {  	_ =	shalt  }
0x79: {  	_ =	shalt  }
0x7a: {  	_ =	shalt  }
0x7b: {  	_ =	shalt  }
0x7c: {  	_ =	shalt  }
0x7d: {  	_ =	shalt  }
0x7e: {  	_ =	shalt  }
0x7f: {  	_ =	shalt  }
0x80: {  	_ =	shalt  }
0x81: {  	_ =	shalt  }
0x82: {  	_ =	shalt  }
0x83: {  	_ =	shalt  }
0x84: {  	_ =	shalt  }
0x85: {  	_ =	shalt  }
0x86: {  	_ =	shalt  }
0x87: {  	_ =	shalt  }
.Lfunc_end0:
.L_simem_size_0:
called_computation.3_lowered:
.L_overlay_start_0:
0x88: {  	s2 =	sld [smem:$0x3FD9]  }
0x89: {  	s3 =	sld [smem:$0x3FFE];
	_ =	sdelay $0x1  }
0x8a: {  	s1 =	srdreg.scid  }
0x8b: {  	s0 =	sand.u32 $0x1, s1  }
0x8c: {  	s15 =	sshll.u32 s0, $0xA;
	s2 =	sadd.s32 s3, s2  }
0x8d: {  	s2 =	sadd.s32 s2, s15  }
0x8e: {  	[smem:$0x3F9B] =	sst s2  }
0x8f: {  	_ = 	snop  }
0x90: {  	s2 =	sld [smem:$0x3FD0];
	_ =	sdelay $0x2  }
0x91: {  	s16 =	simm.s32 $0xD;
	s4 =	simm.s32 $0x10  }
0x92: {  	[smem:s4], [sflag:s16] =	dma.local [hbm:s2], $0x1  }
0x93: {  	_ =	swait.eq [sflag:s16], $0x1  }
0x94: {  	[sflag:s16] =	ssyncset.done $0x0  }
0x95: {  	[sflag:s16] =	ssyncadd.s32 $0xFFFFFFFF  }
0x96: {  	s17 =	sld [smem:$0x11];
	(tm) =	ssettm $0x1  }
0x97: {  	s18 =	sld [smem:$0x3FFB];
	_ =	sdelay $0x3  }
0x98: {  	_ =	strace s18  }
0x99: {  	s2 =	sld [smem:$0x3FFC];
	_ =	sdelay $0x3  }
0x9a: {  	_ =	strace s2  }
0x9b: {  	s2 =	sld [smem:$0x3FFD];
	_ =	sdelay $0x3  }
0x9c: {  	_ =	strace s2  }
0x9d: {  	_ =	strace $0x8FFFFFFF  }
0x9e: {  	s19 =	sld [smem:$0x3FDB];
	_ =	sdelay $0x1  }
0x9f: {  	s20 =	simm.s32 $_scs_section_size  }
0xa0: {  	s5 =	simm.s32 $_size__tile_overlayer_lowered;
	s6 =	simm.s32 $_tile_overlayer_lowered  }
0xa1: {  	s7 =	simm.s32 $0x1BFF;
	s21 =	sshll.u32 s6, $0x1;
	s4 =	sadd.s32 s20, s19  }
0xa2: {  	s22 =	simm.s32 $0x0;
	s5 =	sshll.u32 s5, $0x1;
	s6 =	sadd.s32 s21, s4  }
0xa3: {  	[timem:s22], [sflag:s7] =	dma.local [hbm:s6], s5  }
0xa4: {  	_ =	swait.ge [sflag:s7], s5  }
0xa5: {  	s5 =	ssub.s32 $0x0, s5;
	[sflag:s7] =	ssyncset.done $0x0  }
0xa6: {  	[sflag:s7] =	ssyncadd.s32 s5;
	_ =	sdelay $0x1  }
0xa7: {  	s23 =	simm.s32 $0x1B8B  }
0xa8: {  	_ =	swait.ge [sflag:s23], $0x1  }
0xa9: {  	[sflag:s23] =	ssyncset.done $0x0  }
0xaa: {  	[sflag:s23] =	ssyncadd.s32 $0xFFFFFFFF  }
0xab: {  	s5 =	sld [smem:$0x0]  }
0xac: {  	s6 =	sand.u32 $0xFFFFFFFE, s1  }
0xad: {  	p0 =	sne.s32 s1, s6  }
0xae: {  	s6 =	sshll.u32 @p0 s6, $0xE  }
0xaf: {  	s6 =	sadd.s32 @p0 $0x11B8D, s6;
	s7 =	sshll.u32 @p0 s5, $0x11  }
0xb0: {  	s6 =	sor.u32 @p0 s7, s6  }
0xb1: {  	[sflag:s6] =	ssyncadd.remote.s32 @p0 $0x1;
	_ =	sdelay $0x1  }
0xb2: {  	s6 =	simm.s32 @p0 $0x1B8D  }
0xb3: {  	_ =	swait.eq @p0 [sflag:s6], $0x1  }
0xb4: {  	[sflag:s6] =	ssyncadd.s32 @p0 $0xFFFFFFFF  }
0xb5: {  	s7 =	sshll.u32 @!p0 s1, $0xE  }
0xb6: {  	s7 =	sor.u32 @!p0 $0x4000, s7;
	s6 =	simm.s32 @!p0 $0x1B8D  }
0xb7: {  	s5 =	sshll.u32 @!p0 s5, $0x11;
	s7 =	sadd.s32 @!p0 $0x11B8D, s7;
	_ =	swait.eq @!p0 [sflag:s6], $0x1  }
0xb8: {  	s5 =	sor.u32 @!p0 s5, s7;
	[sflag:s6] =	ssyncadd.s32 @!p0 $0xFFFFFFFF  }
0xb9: {  	s25 =	simm.s32 $0x1B8E;
	s24 =	sld [smem:$0x3FFE];
	[sflag:s5] =	ssyncadd.remote.s32 @!p0 $0x1  }
0xba: {  	s26 =	simm.s32 $execute0_lowered;
	[smem:$0x3FD2] =	sst s25  }
0xbb: {  	s6 =	sshll.u32 s26, $0x1;
	_ =	strace $0x8000004F;
	[dreg:$0x1] =	wrdreg $0xFFFFFFFF  }
0xbc: {  	s28 =	simm.s32 $_size_execute0_lowered;
	s4 =	sadd.s32 s4, s6;
	[dreg:$0x0] =	wrdreg $0x0  }
0xbd: {  	s6 =	sshll.u32 s28, $0x1;
	[dreg:$0x2] =	wrdreg s4  }
0xbe: {  	[dreg:$0x3] =	wrdreg s6  }
0xbf: {  	[dreg:$0x4] =	wrdreg $0xC0  }
0xc0: {  	_ =	task [dreg:s22], $0x5FFFF  }
0xc1: {  	[dreg:$0x1] =	wrdreg $0xFFFFFFFF  }
0xc2: {  	[dreg:$0x0] =	wrdreg $0x60  }
0xc3: {  	[dreg:$0x2] =	wrdreg s24  }
0xc4: {  	[dreg:$0x3] =	wrdreg s17  }
0xc5: {  	[dreg:$0x4] =	wrdreg $0x41000  }
0xc6: {  	[dreg:$0x5] =	wrdreg $0xB  }
0xc7: {  	_ =	task.clear_ibuf [dreg:s22], $0x6FFFF;
	_ =	strace $0x9000004F  }
0xc8: {  	s29 =	simm.s32 $0xB;
	_ =	strace $0x80000051  }
0xc9: {  	_ =	swait.ge [sflag:s29], $0x1  }
0xca: {  	[sflag:s29] =	ssyncadd.s32 $0xFFFFFFFF  }
0xcb: {  	_ =	strace $0x90000051  }
0xcc: {  	_ =	sfence  }
0xcd: {  	s30 =	sld [smem:$0x0];
	_ =	sdelay $0x2  }
0xce: {  	s31 =	sshll.u32 s1, $0xD;
	s1 =	sshrl.u32 s1, $0x2  }
0xcf: {  	s4 =	sand.u32 $0x4000, s31;
	s1 =	sadd.s32 s1, s30  }
0xd0: {  	s0 =	sor.u32 s4, s0;
	s1 =	sshll.u32 s1, $0x11  }
0xd1: {  	s0 =	sor.u32 s1, s0  }
0xd2: {  	s0 =	sadd.s32 $0x8F2B, s0  }
0xd3: {  	[sflag:s0] =	ssyncadd.remote.s32 $0x1  }
0xd4: {  	_ =	sfence.sel $0xFFFF  }
0xd5: {  	[dreg:$0x0] =	wrdreg $0xFFFFFFFF;
	(pc) =	sbr.abs _section_cstart, $3  }
0xd6: {  	[dreg:$0x1] =	wrdreg $0xFFFFFFFF  }
0xd7: {  	_ =	task.clear_ibuf [dreg:s22], $0x2FFFF;
	_ =	strace $0x9FFFFFFF  }
0xd8: {  	(tm) =	ssettm $0x7FFFFFFF  }
0xd9: {  	_ =	shalt  }
tec
execute0_lowered:
.L_overlay_start_1:
0x0: {  	(tag) =	ssettag $0x1  }
0x1: {  	s5 =	rddreg [dreg:$0x0]  }
0x2: {  	s9 =	rddreg [dreg:$0x1]  }
0x3: {  	s2 =	rddreg [dreg:$0x2]  }
0x4: {  	s0 =	rddreg [dreg:$0x3]  }
0x5: {  	s3 =	simm.s32 $0x0;
	s1 =	stileid.u32;
	s6 =	srdreg.scid  }
0x6: {  	[smem:$0x7FF] =	sst s3;
	s4 =	sshll.u32 s1, $0xB;
	s7 =	smul.u32 $0x4F000, s1  }
0x7: {  	s6 =	sand.u32 $0x1, s6;
	s11 =	smul.u32 $0x13C00, s1;
	s15 =	sadd.s32 $0x4F9000, s5  }
0x8: {  	s29 =	sshll.u32 s1, $0x6;
	s31 =	sshll.u32 s1, $0x4;
	_ =	strace $0x80000050  }
0x9: {  	s10 =	sadd.s32 s4, s5;
	s4 =	sadd.s32 $0x279000, s5;
	s13 =	smul.u32 $0x278000, s6  }
0xa: {  	s8 =	ssub.s32 $0x2, s6;
	s14 =	sshllo.u32 s6, $0x1;
	s22 =	smul.u32 $0x4E20, s6  }
0xb: {  	s9 =	sadd.s32 s31, s9;
	s12 =	sshrl.u32 s8, $0x1;
	s21 =	smul.u32 $0x13C000, s14  }
0xc: {  	s23 =	sshrl.u32 s7, $0x2;
	s14 =	smul.u32 $0x2710, s14;
	s7 =	sor.u32 $0x1C02, s29  }
0xd: {  	s10 =	sadd.s32 $0x288000, s10;
	s8 =	ssub.s32 s8, s12;
	s24 =	sadd.s32 s11, s13  }
0xe: {  	s25 =	sadd.s32 s23, s2;
	s12 =	simm.s32 $0x2;
	s28 =	sadd.s32 s11, s21  }
0xf: {  	s26 =	sshrl.u32 s24, $0x3;
	s8 =	smax.u32 s8, $0x1;
	s30 =	sshrl.u32 s28, $0x3  }
0x10: {  	v0 =	vmov s22;
	v1 =	vmov s14;
	s11 =	sshrl.u32 s25, $0x3;
	s5 =	sadd.s32 s15, s26;
	s6 =	sadd.s32 s15, s30  }
.LBB2_1:
0x11: {  	[spmem:s11], [sflag:s7] =	dma.local [hbm:s4], $0x2780  }
0x12: {  	_ =	swait.ge [sflag:s12], $0x2780  }
0x13: {  	s13 =	sadd.s32 $0x0, s1;
	[sflag:s12] =	ssyncset.done $0x0  }
0x14: {  	p0 =	sgt.u32 s13, $0x270;
	[sflag:s12] =	ssyncadd.s32 $0xFFFFD880  }
0x15: {  	s14 =	simm.s32 @!p0 $0x0;
	p0 =	por p0, p0;
	[bflag:$0x0] =	sbarrier.arrive $0xFFFF  }
0x16: {  	[tilespmem:s14], [sflag:$0x1] =	stream.linear.gather @!p0 [hbm4b:s9+s14], $0x80, $0x38;
	[tilespmem:$0x17D00] =	vst v63  }
0x17: {  	s13 =	simm.s32 @!p0 $0x100;
	s15 =	simm.s32 @!p0 $0x1  }
0x18: {  	[tilespmem:s13], [sflag:$0x1] =	stream.linear.gather @!p0 [hbm4b:s10+s14], $0x4000, $0x38;
	[tilespmem:$0x17D00] =	vst v63  }
0x19: {  	_ =	swait.ge @!p0 [sflag:s15], $0x80  }
0x1a: {  	[sflag:s15] =	ssyncset.done @!p0 $0x0  }
0x1b: {  	[sflag:s15] =	ssyncadd.s32 @!p0 $0xFFFFFF80  }
0x1c: {  	_ =	swait.ge @!p0 [sflag:s15], $0x4000  }
0x1d: {  	[sflag:s15] =	ssyncset.done @!p0 $0x0  }
0x1e: {  	[sflag:s15] =	ssyncadd.s32 @!p0 $0xFFFFC000  }
0x1f: {  	v2 =	vld @!p0 [tilespmem:$0x0]  }
0x20: {  	v3 =	vld @!p0 [tilespmem:$0x70]  }
0x21: {  	v4 =	vld @!p0 [tilespmem:$0x30]  }
0x22: {  	v5 =	vld @!p0 [tilespmem:$0x10];
	_ =	sdelay $0x1  }
0x23: {  	v6 =	vld @!p0 [tilespmem:$0x50]  }
0x24: {  	v7 =	vld @!p0 [tilespmem:$0x40];
	v2 =	vshrl.u32 @!p0 v2, $0x2;
	v3 =	vshrl.u32 @!p0 v3, $0x2  }
0x25: {  	v2 =	vsub.s32 @!p0 v2, v0;
	v3 =	vsub.s32 @!p0 v3, v0  }
0x26: {  	v9 =	vmin.u32 @!p0 v2, $0x2710;
	v2 =	vshrl.u32 @!p0 v4, $0x2;
	v4 =	vshrl.u32 @!p0 v5, $0x2  }
0x27: {  	v8 =	vld @!p0 [tilespmem:$0x20];
	vm0 =	vgt.u32 @!p0 v3, $0x270F;
	v4 =	vsub.s32 @!p0 v4, v0  }
0x28: {  	v3 =	vsel @!p0 vm0, $0x2717, v3;
	vm0 =	vgt.u32 @!p0 v4, $0x270F  }
0x29: {  	v5 =	vshrl.u32 @!p0 v6, $0x2;
	v6 =	vshrl.u32 @!p0 v7, $0x2;
	v7 =	vsel @!p0 vm0, $0x2711, v4;
	v4 =	vld @!p0 [tilespmem:$0x60]  }
0x2a: {  	[tilespmem:$0x80] =	vst @!p0 v9;
	v5 =	vsub.s32 @!p0 v5, v0  }
0x2b: {  	v2 =	vsub.s32 @!p0 v2, v0;
	[tilespmem:$0xF0] =	vst @!p0 v3;
	v3 =	vsub.s32 @!p0 v6, v0;
	vm1 =	vgt.u32 @!p0 v5, $0x270F  }
0x2c: {  	s16 =	smov.u32 s10;
	s14 =	simm.s32 $0x10;
	s15 =	smov.u32 s9;
	v6 =	vshrl.u32 @!p0 v8, $0x2;
	vm0 =	vgt.u32 @!p0 v3, $0x270F;
	v5 =	vsel @!p0 vm1, $0x2715, v5;
	[tilespmem:$0x90] =	vst @!p0 v7  }
.LBB2_2:
0x2d: {  	s15 =	sadd.s32 $0x100, s15  }
0x2e: {  	v6 =	vsub.s32 @!p0 v6, v0;
	vm1 =	vgt.u32 @!p0 v2, $0x270F;
	v4 =	vshrl.u32 @!p0 v4, $0x2;
	s16 =	sadd.s32 $0x8000, s16;
	s17 =	smov.u32 s14;
	s14 =	sadd.s32 $0x10, s14  }
0x2f: {  	p1 =	sne.s32 s14, $0x280;
	vm2 =	vgt.u32 @!p0 v6, $0x270F;
	v2 =	vsel @!p0 vm1, $0x2713, v2;
	[tilespmem:$0xD0] =	vst @!p0 v5;
	v4 =	vsub.s32 @!p0 v4, v0  }
0x30: {  	v5 =	vsel @!p0 vm2, $0x2712, v6;
	[tilespmem:$0xB0] =	vst @!p0 v2;
	v2 =	vsel @!p0 vm0, $0x2714, v3;
	vm0 =	vgt.u32 @!p0 v4, $0x270F  }
0x31: {  	[tilespmem:$0xA0] =	vst @!p0 v5;
	v3 =	vsel @!p0 vm0, $0x2716, v4  }
0x32: {  	[tilespmem:$0xE0] =	vst @!p0 v3  }
0x33: {  	s18 =	simm.s32 @!p0 $0x80;
	s19 =	simm.s32 @!p0 $0x2;
	[tilespmem:$0xC0] =	vst @!p0 v2  }
0x34: {  	[spmem:s2] =	stream.indirect.scatter.add.f32 @!p0 [tilespmem:s13], [sflag:$0x2], $0x80, s18, s18, $0xb8;
	[tilespmem:$0x17D00] =	vst v63  }
0x35: {  	s13 =	sadd.s32 s17, s1;
	_ =	swait.ge @!p0 [sflag:s19], $0x4000  }
0x36: {  	p2 =	sgt.u32 s13, $0x270;
	[sflag:s19] =	ssyncset.done @!p0 $0x0  }
0x37: {  	s17 =	simm.s32 @!p2 $0x0;
	[sflag:s19] =	ssyncadd.s32 @!p0 $0xFFFFC000;
	p0 =	por p2, p2  }
0x38: {  	[tilespmem:s17], [sflag:$0x1] =	stream.linear.gather @!p0 [hbm4b:s15+s17], $0x80, $0x38;
	[tilespmem:$0x17D00] =	vst v63  }
0x39: {  	s13 =	simm.s32 @!p0 $0x100;
	s18 =	simm.s32 @!p0 $0x1  }
0x3a: {  	[tilespmem:s13], [sflag:$0x1] =	stream.linear.gather @!p0 [hbm4b:s16+s17], $0x4000, $0x38;
	[tilespmem:$0x17D00] =	vst v63  }
0x3b: {  	_ =	swait.ge @!p0 [sflag:s18], $0x80  }
0x3c: {  	[sflag:s18] =	ssyncset.done @!p0 $0x0  }
0x3d: {  	[sflag:s18] =	ssyncadd.s32 @!p0 $0xFFFFFF80  }
0x3e: {  	_ =	swait.ge @!p0 [sflag:s18], $0x4000  }
0x3f: {  	[sflag:s18] =	ssyncset.done @!p0 $0x0  }
0x40: {  	[sflag:s18] =	ssyncadd.s32 @!p0 $0xFFFFC000  }
0x41: {  	v2 =	vld @!p0 [tilespmem:$0x0]  }
0x42: {  	v3 =	vld @!p0 [tilespmem:$0x70]  }
0x43: {  	v4 =	vld @!p0 [tilespmem:$0x30]  }
0x44: {  	v5 =	vld @!p0 [tilespmem:$0x10]  }
0x45: {  	v6 =	vld @!p0 [tilespmem:$0x50]  }
0x46: {  	v2 =	vshrl.u32 @!p0 v2, $0x2;
	v7 =	vld @!p0 [tilespmem:$0x40]  }
0x47: {  	v2 =	vsub.s32 @!p0 v2, v0;
	v8 =	vld @!p0 [tilespmem:$0x20];
	v3 =	vshrl.u32 @!p0 v3, $0x2  }
0x48: {  	v2 =	vmin.u32 @!p0 v2, $0x2710;
	v9 =	vshrl.u32 @!p0 v4, $0x2;
	v4 =	vld @!p0 [tilespmem:$0x60];
	v3 =	vsub.s32 @!p0 v3, v0  }
.Ltmp0:
0x49: {  	[tilespmem:$0x80] =	vst @!p0 v2;
	v5 =	vshrl.u32 @!p0 v5, $0x2;
	v2 =	vsub.s32 @!p0 v9, v0;
	vm0 =	vgt.u32 @!p0 v3, $0x270F;
	(pc) =	sbr.rel @p1 .LBB2_2-.Ltmp0, $4  }
0x4a: {  	v5 =	vsub.s32 @!p0 v5, v0;
	v6 =	vshrl.u32 @!p0 v6, $0x2;
	v3 =	vsel @!p0 vm0, $0x2717, v3  }
0x4b: {  	vm0 =	vgt.u32 @!p0 v5, $0x270F;
	v7 =	vshrl.u32 @!p0 v7, $0x2;
	v9 =	vsub.s32 @!p0 v6, v0;
	[tilespmem:$0xF0] =	vst @!p0 v3  }
0x4c: {  	v5 =	vsel @!p0 vm0, $0x2711, v5;
	v3 =	vsub.s32 @!p0 v7, v0;
	vm1 =	vgt.u32 @!p0 v9, $0x270F  }
0x4d: {  	v6 =	vshrl.u32 @!p0 v8, $0x2;
	[tilespmem:$0x90] =	vst @!p0 v5;
	vm0 =	vgt.u32 @!p0 v3, $0x270F;
	v5 =	vsel @!p0 vm1, $0x2715, v9  }
0x4e: {  	v6 =	vsub.s32 @!p0 v6, v0  }
0x4f: {  	vm1 =	vgt.u32 @!p0 v2, $0x270F;
	v4 =	vshrl.u32 @!p0 v4, $0x2;
	[tilespmem:$0xD0] =	vst @!p0 v5;
	v3 =	vsel @!p0 vm0, $0x2714, v3  }
0x50: {  	vm2 =	vgt.u32 @!p0 v6, $0x270F;
	v2 =	vsel @!p0 vm1, $0x2713, v2;
	v4 =	vsub.s32 @!p0 v4, v0;
	[tilespmem:$0xC0] =	vst @!p0 v3  }
0x51: {  	v5 =	vsel @!p0 vm2, $0x2712, v6;
	[tilespmem:$0xB0] =	vst @!p0 v2;
	vm1 =	vgt.u32 @!p0 v4, $0x270F  }
0x52: {  	[tilespmem:$0xA0] =	vst @!p0 v5;
	v2 =	vsel @!p0 vm1, $0x2716, v4  }
0x53: {  	s14 =	simm.s32 @!p0 $0x80;
	s15 =	simm.s32 @!p0 $0x2;
	[tilespmem:$0xE0] =	vst @!p0 v2  }
0x54: {  	[spmem:s2] =	stream.indirect.scatter.add.f32 @!p0 [tilespmem:s13], [sflag:$0x2], $0x80, s14, s14, $0xb8;
	[tilespmem:$0x17D00] =	vst v63  }
0x55: {  	_ =	swait.ge @!p0 [sflag:s15], $0x4000  }
0x56: {  	[sflag:s15] =	ssyncset.done @!p0 $0x0  }
0x57: {  	[sflag:s15] =	ssyncadd.s32 @!p0 $0xFFFFC000  }
0x58: {  	[bflag:$0x0] =	sbarrier.arrive $0xFFFF  }
0x59: {  	[hbm:s5], [sflag:s7] =	dma.local [spmem:s11], $0x2780  }
0x5a: {  	_ =	swait.ge [sflag:s12], $0x2780  }
0x5b: {  	[sflag:s12] =	ssyncset.done $0x0  }
0x5c: {  	[sflag:s12] =	ssyncadd.s32 $0xFFFFD880  }
0x5d: {  	[bflag:$0x0] =	sbarrier.arrive $0xFFFF  }
0x5e: {  	[spmem:s11], [sflag:s7] =	dma.local [hbm:s4], $0x2780  }
0x5f: {  	_ =	swait.ge [sflag:s12], $0x2780  }
0x60: {  	s31 =	sadd.s32 $0x0, s1;
	[sflag:s12] =	ssyncset.done $0x0  }
0x61: {  	p0 =	sgt.u32 s31, $0x270;
	[sflag:s12] =	ssyncadd.s32 $0xFFFFD880  }
0x62: {  	s14 =	simm.s32 @!p0 $0x0;
	p0 =	por p0, p0;
	[bflag:$0x0] =	sbarrier.arrive $0xFFFF  }
0x63: {  	[tilespmem:s14], [sflag:$0x1] =	stream.linear.gather @!p0 [hbm4b:s9+s14], $0x80, $0x38;
	[tilespmem:$0x17D00] =	vst v63  }
0x64: {  	s13 =	simm.s32 @!p0 $0x100;
	s15 =	simm.s32 @!p0 $0x1  }
0x65: {  	[tilespmem:s13], [sflag:$0x1] =	stream.linear.gather @!p0 [hbm4b:s10+s14], $0x4000, $0x38;
	[tilespmem:$0x17D00] =	vst v63  }
0x66: {  	_ =	swait.ge @!p0 [sflag:s15], $0x80  }
0x67: {  	[sflag:s15] =	ssyncset.done @!p0 $0x0  }
0x68: {  	[sflag:s15] =	ssyncadd.s32 @!p0 $0xFFFFFF80  }
0x69: {  	_ =	swait.ge @!p0 [sflag:s15], $0x4000  }
0x6a: {  	[sflag:s15] =	ssyncset.done @!p0 $0x0  }
0x6b: {  	[sflag:s15] =	ssyncadd.s32 @!p0 $0xFFFFC000  }
0x6c: {  	v2 =	vld @!p0 [tilespmem:$0x0]  }
0x6d: {  	v3 =	vld @!p0 [tilespmem:$0x70]  }
0x6e: {  	v4 =	vld @!p0 [tilespmem:$0x30]  }
0x6f: {  	v5 =	vld @!p0 [tilespmem:$0x10];
	_ =	sdelay $0x1  }
0x70: {  	v6 =	vld @!p0 [tilespmem:$0x50]  }
0x71: {  	v7 =	vld @!p0 [tilespmem:$0x40];
	v2 =	vshrl.u32 @!p0 v2, $0x2;
	v3 =	vshrl.u32 @!p0 v3, $0x2  }
0x72: {  	v2 =	vsub.s32 @!p0 v2, v1;
	v3 =	vsub.s32 @!p0 v3, v1  }
0x73: {  	v9 =	vmin.u32 @!p0 v2, $0x2710;
	v2 =	vshrl.u32 @!p0 v4, $0x2;
	v4 =	vshrl.u32 @!p0 v5, $0x2  }
0x74: {  	v8 =	vld @!p0 [tilespmem:$0x20];
	vm0 =	vgt.u32 @!p0 v3, $0x270F;
	v4 =	vsub.s32 @!p0 v4, v1  }
0x75: {  	v3 =	vsel @!p0 vm0, $0x2717, v3;
	vm0 =	vgt.u32 @!p0 v4, $0x270F  }
0x76: {  	v5 =	vshrl.u32 @!p0 v6, $0x2;
	v6 =	vshrl.u32 @!p0 v7, $0x2;
	v7 =	vsel @!p0 vm0, $0x2711, v4;
	v4 =	vld @!p0 [tilespmem:$0x60]  }
0x77: {  	[tilespmem:$0x80] =	vst @!p0 v9;
	v5 =	vsub.s32 @!p0 v5, v1  }
0x78: {  	v2 =	vsub.s32 @!p0 v2, v1;
	[tilespmem:$0xF0] =	vst @!p0 v3;
	v3 =	vsub.s32 @!p0 v6, v1;
	vm1 =	vgt.u32 @!p0 v5, $0x270F  }
0x79: {  	s16 =	smov.u32 s10;
	s14 =	simm.s32 $0x10;
	s15 =	smov.u32 s9;
	v6 =	vshrl.u32 @!p0 v8, $0x2;
	vm0 =	vgt.u32 @!p0 v3, $0x270F;
	v5 =	vsel @!p0 vm1, $0x2715, v5;
	[tilespmem:$0x90] =	vst @!p0 v7  }
.LBB2_4:
0x7a: {  	s15 =	sadd.s32 $0x100, s15  }
0x7b: {  	v6 =	vsub.s32 @!p0 v6, v1;
	vm1 =	vgt.u32 @!p0 v2, $0x270F;
	v4 =	vshrl.u32 @!p0 v4, $0x2;
	s16 =	sadd.s32 $0x8000, s16;
	s17 =	smov.u32 s14;
	s14 =	sadd.s32 $0x10, s14  }
0x7c: {  	p1 =	sne.s32 s14, $0x280;
	vm2 =	vgt.u32 @!p0 v6, $0x270F;
	v2 =	vsel @!p0 vm1, $0x2713, v2;
	[tilespmem:$0xD0] =	vst @!p0 v5;
	v4 =	vsub.s32 @!p0 v4, v1  }
0x7d: {  	v5 =	vsel @!p0 vm2, $0x2712, v6;
	[tilespmem:$0xB0] =	vst @!p0 v2;
	v2 =	vsel @!p0 vm0, $0x2714, v3;
	vm0 =	vgt.u32 @!p0 v4, $0x270F  }
0x7e: {  	[tilespmem:$0xA0] =	vst @!p0 v5;
	v3 =	vsel @!p0 vm0, $0x2716, v4  }
0x7f: {  	[tilespmem:$0xE0] =	vst @!p0 v3  }
0x80: {  	s18 =	simm.s32 @!p0 $0x80;
	s19 =	simm.s32 @!p0 $0x2;
	[tilespmem:$0xC0] =	vst @!p0 v2  }
0x81: {  	[spmem:s2] =	stream.indirect.scatter.add.f32 @!p0 [tilespmem:s13], [sflag:$0x2], $0x80, s18, s18, $0xb8;
	[tilespmem:$0x17D00] =	vst v63  }
0x82: {  	s13 =	sadd.s32 s17, s1;
	_ =	swait.ge @!p0 [sflag:s19], $0x4000  }
0x83: {  	p2 =	sgt.u32 s13, $0x270;
	[sflag:s19] =	ssyncset.done @!p0 $0x0  }
0x84: {  	s17 =	simm.s32 @!p2 $0x0;
	[sflag:s19] =	ssyncadd.s32 @!p0 $0xFFFFC000;
	p0 =	por p2, p2  }
0x85: {  	[tilespmem:s17], [sflag:$0x1] =	stream.linear.gather @!p0 [hbm4b:s15+s17], $0x80, $0x38;
	[tilespmem:$0x17D00] =	vst v63  }
0x86: {  	s13 =	simm.s32 @!p0 $0x100;
	s18 =	simm.s32 @!p0 $0x1  }
0x87: {  	[tilespmem:s13], [sflag:$0x1] =	stream.linear.gather @!p0 [hbm4b:s16+s17], $0x4000, $0x38;
	[tilespmem:$0x17D00] =	vst v63  }
0x88: {  	_ =	swait.ge @!p0 [sflag:s18], $0x80  }
0x89: {  	[sflag:s18] =	ssyncset.done @!p0 $0x0  }
0x8a: {  	[sflag:s18] =	ssyncadd.s32 @!p0 $0xFFFFFF80  }
0x8b: {  	_ =	swait.ge @!p0 [sflag:s18], $0x4000  }
0x8c: {  	[sflag:s18] =	ssyncset.done @!p0 $0x0  }
0x8d: {  	[sflag:s18] =	ssyncadd.s32 @!p0 $0xFFFFC000  }
0x8e: {  	v2 =	vld @!p0 [tilespmem:$0x0]  }
0x8f: {  	v3 =	vld @!p0 [tilespmem:$0x70]  }
0x90: {  	v4 =	vld @!p0 [tilespmem:$0x30]  }
0x91: {  	v5 =	vld @!p0 [tilespmem:$0x10]  }
0x92: {  	v6 =	vld @!p0 [tilespmem:$0x50]  }
0x93: {  	v2 =	vshrl.u32 @!p0 v2, $0x2;
	v7 =	vld @!p0 [tilespmem:$0x40]  }
0x94: {  	v2 =	vsub.s32 @!p0 v2, v1;
	v8 =	vld @!p0 [tilespmem:$0x20];
	v3 =	vshrl.u32 @!p0 v3, $0x2  }
0x95: {  	v2 =	vmin.u32 @!p0 v2, $0x2710;
	v9 =	vshrl.u32 @!p0 v4, $0x2;
	v4 =	vld @!p0 [tilespmem:$0x60];
	v3 =	vsub.s32 @!p0 v3, v1  }
.Ltmp1:
0x96: {  	[tilespmem:$0x80] =	vst @!p0 v2;
	v5 =	vshrl.u32 @!p0 v5, $0x2;
	v2 =	vsub.s32 @!p0 v9, v1;
	vm0 =	vgt.u32 @!p0 v3, $0x270F;
	(pc) =	sbr.rel @p1 .LBB2_4-.Ltmp1, $4  }
0x97: {  	v5 =	vsub.s32 @!p0 v5, v1;
	v6 =	vshrl.u32 @!p0 v6, $0x2;
	v3 =	vsel @!p0 vm0, $0x2717, v3  }
0x98: {  	vm0 =	vgt.u32 @!p0 v5, $0x270F;
	v7 =	vshrl.u32 @!p0 v7, $0x2;
	v9 =	vsub.s32 @!p0 v6, v1;
	[tilespmem:$0xF0] =	vst @!p0 v3  }
0x99: {  	v5 =	vsel @!p0 vm0, $0x2711, v5;
	v3 =	vsub.s32 @!p0 v7, v1;
	vm1 =	vgt.u32 @!p0 v9, $0x270F  }
0x9a: {  	v6 =	vshrl.u32 @!p0 v8, $0x2;
	[tilespmem:$0x90] =	vst @!p0 v5;
	vm0 =	vgt.u32 @!p0 v3, $0x270F;
	v5 =	vsel @!p0 vm1, $0x2715, v9  }
0x9b: {  	v6 =	vsub.s32 @!p0 v6, v1  }
0x9c: {  	vm1 =	vgt.u32 @!p0 v2, $0x270F;
	v4 =	vshrl.u32 @!p0 v4, $0x2;
	[tilespmem:$0xD0] =	vst @!p0 v5;
	v3 =	vsel @!p0 vm0, $0x2714, v3  }
0x9d: {  	vm2 =	vgt.u32 @!p0 v6, $0x270F;
	v2 =	vsel @!p0 vm1, $0x2713, v2;
	v4 =	vsub.s32 @!p0 v4, v1;
	[tilespmem:$0xC0] =	vst @!p0 v3  }
0x9e: {  	v5 =	vsel @!p0 vm2, $0x2712, v6;
	[tilespmem:$0xB0] =	vst @!p0 v2;
	vm1 =	vgt.u32 @!p0 v4, $0x270F  }
0x9f: {  	[tilespmem:$0xA0] =	vst @!p0 v5;
	v2 =	vsel @!p0 vm1, $0x2716, v4  }
0xa0: {  	s14 =	simm.s32 @!p0 $0x80;
	s15 =	simm.s32 @!p0 $0x2;
	[tilespmem:$0xE0] =	vst @!p0 v2  }
0xa1: {  	[spmem:s2] =	stream.indirect.scatter.add.f32 @!p0 [tilespmem:s13], [sflag:$0x2], $0x80, s14, s14, $0xb8;
	[tilespmem:$0x17D00] =	vst v63  }
0xa2: {  	_ =	swait.ge @!p0 [sflag:s15], $0x4000  }
0xa3: {  	[sflag:s15] =	ssyncset.done @!p0 $0x0  }
0xa4: {  	s3 =	sadd.s32 $0x1, s3;
	[sflag:s15] =	ssyncadd.s32 @!p0 $0xFFFFC000  }
0xa5: {  	p0 =	sne.s32 s3, s8;
	[bflag:$0x0] =	sbarrier.arrive $0xFFFF  }
0xa6: {  	[hbm:s6], [sflag:s7] =	dma.local [spmem:s11], $0x2780  }
.Ltmp2:
0xa7: {  	_ =	swait.ge [sflag:s12], $0x2780;
	(pc) =	sbr.rel @p0 .LBB2_1-.Ltmp2, $3  }
0xa8: {  	[sflag:s12] =	ssyncset.done $0x0  }
0xa9: {  	[sflag:s12] =	ssyncadd.s32 $0xFFFFD880  }
0xaa: {  	[bflag:$0x0] =	sbarrier.arrive $0xFFFF;
	_ =	sdelay $0x1  }
0xab: {  	_ =	sfence.sel $0x180000  }
0xac: {  	[bflag:$0x0] =	sbarrier.arrive $0xFFFF  }
0xad: {  	p0 =	sne.s32 s1, $0x0;
	_ =	strace $0x90000050  }
0xae: {  	s0 =	sadd.s32 @!p0 $0x100000, s0;
	[bflag:$0x2] =	sbarrier.arrive $0xFFFF  }
0xaf: {  	[sflag:s0] =	ssyncadd.tile.s32 @!p0 $0x1;
	_ =	shalt  }
.Lfunc_end2:
_tile_overlayer_lowered:
.L_overlay_start_2:
0xb0: {  	(tag) =	ssettag $0x2  }
0xb1: {  	s0 =	rddreg [dreg:$0x0];
	s2 =	stileid.u32  }
0xb2: {  	s1 =	rddreg [dreg:$0x1];
	p0 =	sne.s32 s2, $0x0  }
0xb3: {  	s3 =	rddreg [dreg:$0x2];
	[bflag:$0x3] =	sbarrier.arrive $0xFFFF;
	s2 =	simm.s32 @!p0 $0x1C02  }
0xb4: {  	[timem:s3], [sflag:s2] =	dma.local @!p0 [hbm:s0], s1  }
0xb5: {  	s0 =	simm.s32 @!p0 $0x2  }
0xb6: {  	_ =	swait.ge @!p0 [sflag:s0], s1  }
0xb7: {  	s1 =	ssub.s32 @!p0 $0x0, s1;
	[sflag:s0] =	ssyncset.done @!p0 $0x0  }
0xb8: {  	[sflag:s0] =	ssyncadd.s32 @!p0 s1  }
0xb9: {  	[bflag:$0x3] =	sbarrier.arrive $0xFFFF  }
0xba: {  	_ =	shalt  }

// kernel: kernel.24.cloned.1.call-start
scs
__scs_entry_jumppad:
0x0: {  	(pc) =	sbr.rel $0x88, $3  }
0x1: {  	(tag) =	ssettag $0x0;
	lr =	simm.s32 $0x1  }
0x2: {  	[smem:$0x3F74] =	sst lr;
	_ =	strace $0xD0000000  }
0x3: {  	_ = 	snop  }
0x4: {  	_ = 	snop  }
0x5: {  	_ = 	snop  }
0x6: {  	_ = 	snop  }
0x7: {  	_ = 	snop  }
__scs_overlays_trampoline_lowered:
0x8: {  	[smem:$0x3F83] =	sst s0  }
0x9: {  	[smem:$0x3F84] =	sst s1  }
0xa: {  	[smem:$0x3F85] =	sst s2  }
0xb: {  	[smem:$0x3F86] =	sst s3  }
0xc: {  	[smem:$0x3F87] =	sst s4  }
0xd: {  	[smem:$0x3F88] =	sst s5  }
0xe: {  	[smem:$0x3F89] =	sst s6  }
0xf: {  	[smem:$0x3F8A] =	sst s7  }
0x10: {  	[smem:$0x3F8B] =	sst s8  }
0x11: {  	[smem:$0x3F8C] =	sst s9;
	s0 =	simm.s32 @!p0 $0x0  }
0x12: {  	s1 =	sld [smem:$0x3F72];
	s0 =	simm.s32 @p0 $0x1  }
0x13: {  	[smem:$0x3F8D] =	sst s0;
	s0 =	simm.s32 @!p1 $0x0  }
0x14: {  	s2 =	sld [smem:$0x3F71];
	s0 =	simm.s32 @p1 $0x1  }
0x15: {  	[smem:$0x3F8E] =	sst s0;
	s0 =	simm.s32 @!p2 $0x0  }
0x16: {  	s3 =	sld [smem:$0x3FDB];
	s0 =	simm.s32 @p2 $0x1  }
0x17: {  	s4 =	simm.s32 $0x1BF5;
	[smem:$0x3F90] =	sst s0  }
0x18: {  	s0 =	sld [smem:$0x3F73];
	_ =	swait.ge [sflag:s4], $0x0  }
0x19: {  	s7 =	sld [smem:$0x3F74]  }
0x1a: {  	s8 =	sadd.s32 $0xFFFFE003, lr  }
0x1b: {  	s9 =	sadd.s32 $0xFFFFFEF7, lr;
	s5 =	simm.s32 $0xFFFFFFFF;
	p2 =	slt.u32 s8, $0xFFFFF086  }
0x1c: {  	p1 =	slt.u32 s9, $0xF7A;
	s5 =	simm.s32 @!p2 $0x0  }
0x1d: {  	s5 =	simm.s32 @p1 $0x1;
	p0 =	seq.s32 s7, s2  }
0x1e: {  	s7 =	smul.u32 @!p0 $0xF7A, s2;
	p2 =	seq.s32 @!p0 s5, $0x0  }
0x1f: {  	s9 =	smul.u32 $0xF7A, s1;
	s8 =	simm.s32 @!p0 $0x1BF5;
	p2 =	por !p2, p0  }
0x20: {  	[sflag:s8] =	ssyncset.s32 @!p0 $0xFFFFF086;
	s6 =	sadd.s32 @!p0 s3, s7;
	s7 =	simm.s32 @!p0 $0x108  }
0x21: {  	s3 =	sadd.s32 s3, s9;
	s6 =	sadd.s32 @!p0 $0x88, s6;
	s7 =	simm.s32 @p2 $0x1082  }
0x22: {  	[simem:s7], [sflag:s8] =	dma.local @!p0 [hbm:s6], $0xF7A  }
0x23: {  	s9 =	sor.u32 $0xD0000000, s2;
	s6 =	simm.s32 $0x108;
	_ =	swait.ge @!p0 [sflag:s8], $0x0  }
0x24: {  	s3 =	sadd.s32 $0x88, s3;
	s6 =	simm.s32 @!p1 $0x1082;
	[sflag:s4] =	ssyncset.s32 $0xFFFFF086  }
0x25: {  	[simem:s6], [sflag:s4] =	dma.local [hbm:s3], $0xF7A  }
0x26: {  	[smem:$0x3F74] =	sst s1;
	(tag) =	ssettag s2;
	_ =	strace s9  }
0x27: {  	s1 =	sld [smem:$0x3F84]  }
0x28: {  	s2 =	sld [smem:$0x3F85]  }
0x29: {  	s4 =	sld [smem:$0x3F87]  }
0x2a: {  	p0 =	seq.s32 s5, $0x0;
	s5 =	sld [smem:$0x3F88]  }
0x2b: {  	s6 =	sld [smem:$0x3F89]  }
0x2c: {  	s7 =	sld [smem:$0x3F8A]  }
0x2d: {  	s3 =	simm.s32 $0x108;
	s8 =	sld [smem:$0x3F8B]  }
0x2e: {  	s3 =	simm.s32 @!p0 $0x1082;
	s9 =	sld [smem:$0x3F8C]  }
0x2f: {  	lr =	sadd.s32 s0, s3;
	s0 =	sld [smem:$0x3F83]  }
0x30: {  	s3 =	sld [smem:$0x3F86]  }
0x31: {  	[smem:$0x3F8F] =	sst s10  }
0x32: {  	s10 =	sld [smem:$0x3F8D];
	_ =	sdelay $0x3  }
0x33: {  	p0 =	seq.s32 s10, $0x1;
	s10 =	sld [smem:$0x3F8F];
	_ =	sdelay $0x3  }
0x34: {  	[smem:$0x3F8F] =	sst s10  }
0x35: {  	s10 =	sld [smem:$0x3F8E];
	_ =	sdelay $0x3  }
0x36: {  	p1 =	seq.s32 s10, $0x1;
	s10 =	sld [smem:$0x3F8F];
	_ =	sdelay $0x3  }
0x37: {  	[smem:$0x3F8F] =	sst s10  }
0x38: {  	s10 =	sld [smem:$0x3F90]  }
0x39: {  	_ = 	snop;
	(pc) =	sbr.ind lr, $3  }
0x3a: {  	_ = 	snop  }
0x3b: {  	_ = 	snop  }
0x3c: {  	p2 =	seq.s32 s10, $0x1;
	s10 =	sld [smem:$0x3F8F]  }
0x3d: {  	_ =	shalt  }
0x3e: {  	_ =	shalt  }
0x3f: {  	_ =	shalt  }
0x40: {  	_ =	shalt  }
0x41: {  	_ =	shalt  }
0x42: {  	_ =	shalt  }
0x43: {  	_ =	shalt  }
0x44: {  	_ =	shalt  }
0x45: {  	_ =	shalt  }
0x46: {  	_ =	shalt  }
0x47: {  	_ =	shalt  }
0x48: {  	_ =	shalt  }
0x49: {  	_ =	shalt  }
0x4a: {  	_ =	shalt  }
0x4b: {  	_ =	shalt  }
0x4c: {  	_ =	shalt  }
0x4d: {  	_ =	shalt  }
0x4e: {  	_ =	shalt  }
0x4f: {  	_ =	shalt  }
0x50: {  	_ =	shalt  }
0x51: {  	_ =	shalt  }
0x52: {  	_ =	shalt  }
0x53: {  	_ =	shalt  }
0x54: {  	_ =	shalt  }
0x55: {  	_ =	shalt  }
0x56: {  	_ =	shalt  }
0x57: {  	_ =	shalt  }
0x58: {  	_ =	shalt  }
0x59: {  	_ =	shalt  }
0x5a: {  	_ =	shalt  }
0x5b: {  	_ =	shalt  }
0x5c: {  	_ =	shalt  }
0x5d: {  	_ =	shalt  }
0x5e: {  	_ =	shalt  }
0x5f: {  	_ =	shalt  }
0x60: {  	_ =	shalt  }
0x61: {  	_ =	shalt  }
0x62: {  	_ =	shalt  }
0x63: {  	_ =	shalt  }
0x64: {  	_ =	shalt  }
0x65: {  	_ =	shalt  }
0x66: {  	_ =	shalt  }
0x67: {  	_ =	shalt  }
0x68: {  	_ =	shalt  }
0x69: {  	_ =	shalt  }
0x6a: {  	_ =	shalt  }
0x6b: {  	_ =	shalt  }
0x6c: {  	_ =	shalt  }
0x6d: {  	_ =	shalt  }
0x6e: {  	_ =	shalt  }
0x6f: {  	_ =	shalt  }
0x70: {  	_ =	shalt  }
0x71: {  	_ =	shalt  }
0x72: {  	_ =	shalt  }
0x73: {  	_ =	shalt  }
0x74: {  	_ =	shalt  }
0x75: {  	_ =	shalt  }
0x76: {  	_ =	shalt  }
0x77: {  	_ =	shalt  }
0x78: {  	_ =	shalt  }
0x79: {  	_ =	shalt  }
0x7a: {  	_ =	shalt  }
0x7b: {  	_ =	shalt  }
0x7c: {  	_ =	shalt  }
0x7d: {  	_ =	shalt  }
0x7e: {  	_ =	shalt  }
0x7f: {  	_ =	shalt  }
0x80: {  	_ =	shalt  }
0x81: {  	_ =	shalt  }
0x82: {  	_ =	shalt  }
0x83: {  	_ =	shalt  }
0x84: {  	_ =	shalt  }
0x85: {  	_ =	shalt  }
0x86: {  	_ =	shalt  }
0x87: {  	_ =	shalt  }
.Lfunc_end0:
.L_simem_size_0:
called_computation.4_lowered:
.L_overlay_start_0:
0x88: {  	s2 =	sld [smem:$0x3FD9]  }
0x89: {  	s3 =	sld [smem:$0x3FFE];
	_ =	sdelay $0x1  }
0x8a: {  	s1 =	srdreg.scid  }
0x8b: {  	s0 =	sand.u32 $0x1, s1  }
0x8c: {  	s17 =	sshll.u32 s0, $0xA;
	s2 =	sadd.s32 s3, s2  }
0x8d: {  	s2 =	sadd.s32 s2, s17  }
0x8e: {  	[smem:$0x3F9B] =	sst s2  }
0x8f: {  	_ = 	snop  }
0x90: {  	(tm) =	ssettm $0x1  }
0x91: {  	s18 =	sld [smem:$0x3FFB];
	_ =	sdelay $0x3  }
0x92: {  	_ =	strace s18  }
0x93: {  	s2 =	sld [smem:$0x3FFC];
	_ =	sdelay $0x3  }
0x94: {  	_ =	strace s2  }
0x95: {  	s2 =	sld [smem:$0x3FFD];
	_ =	sdelay $0x3  }
0x96: {  	_ =	strace s2  }
0x97: {  	_ =	strace $0x8FFFFFFF  }
0x98: {  	s19 =	sld [smem:$0x3FDB];
	_ =	sdelay $0x1  }
0x99: {  	s20 =	simm.s32 $_scs_section_size  }
0x9a: {  	s4 =	simm.s32 $_size__tile_overlayer_lowered;
	s5 =	simm.s32 $_tile_overlayer_lowered  }
0x9b: {  	s6 =	simm.s32 $0x1BFF;
	s21 =	sshll.u32 s5, $0x1;
	s3 =	sadd.s32 s20, s19  }
0x9c: {  	s22 =	simm.s32 $0x0;
	s4 =	sshll.u32 s4, $0x1;
	s5 =	sadd.s32 s21, s3  }
0x9d: {  	[timem:s22], [sflag:s6] =	dma.local [hbm:s5], s4  }
0x9e: {  	_ =	swait.ge [sflag:s6], s4  }
0x9f: {  	s4 =	ssub.s32 $0x0, s4;
	[sflag:s6] =	ssyncset.done $0x0  }
0xa0: {  	[sflag:s6] =	ssyncadd.s32 s4;
	_ =	sdelay $0x1  }
0xa1: {  	s23 =	simm.s32 $0x1B8B  }
0xa2: {  	_ =	swait.ge [sflag:s23], $0x1  }
0xa3: {  	[sflag:s23] =	ssyncset.done $0x0  }
0xa4: {  	[sflag:s23] =	ssyncadd.s32 $0xFFFFFFFF  }
0xa5: {  	s4 =	sld [smem:$0x0]  }
0xa6: {  	s5 =	sand.u32 $0xFFFFFFFE, s1  }
0xa7: {  	p0 =	sne.s32 s1, s5  }
0xa8: {  	s5 =	sshll.u32 @p0 s5, $0xE  }
0xa9: {  	s5 =	sadd.s32 @p0 $0x11B8D, s5;
	s6 =	sshll.u32 @p0 s4, $0x11  }
0xaa: {  	s5 =	sor.u32 @p0 s6, s5  }
0xab: {  	[sflag:s5] =	ssyncadd.remote.s32 @p0 $0x1;
	_ =	sdelay $0x1  }
0xac: {  	s5 =	simm.s32 @p0 $0x1B8D  }
0xad: {  	_ =	swait.eq @p0 [sflag:s5], $0x1  }
0xae: {  	[sflag:s5] =	ssyncadd.s32 @p0 $0xFFFFFFFF  }
0xaf: {  	s6 =	sshll.u32 @!p0 s1, $0xE  }
0xb0: {  	s6 =	sor.u32 @!p0 $0x4000, s6;
	s5 =	simm.s32 @!p0 $0x1B8D  }
0xb1: {  	s4 =	sshll.u32 @!p0 s4, $0x11;
	s6 =	sadd.s32 @!p0 $0x11B8D, s6;
	_ =	swait.eq @!p0 [sflag:s5], $0x1  }
0xb2: {  	s4 =	sor.u32 @!p0 s4, s6;
	[sflag:s5] =	ssyncadd.s32 @!p0 $0xFFFFFFFF  }
0xb3: {  	s25 =	simm.s32 $0x1B8E;
	s24 =	sld [smem:$0x3FFE];
	[sflag:s4] =	ssyncadd.remote.s32 @!p0 $0x1  }
0xb4: {  	s26 =	simm.s32 $execute0_lowered;
	[smem:$0x3FD2] =	sst s25  }
0xb5: {  	s5 =	sshll.u32 s26, $0x1;
	_ =	strace $0x80000052;
	[dreg:$0x1] =	wrdreg $0xFFFFFFFF  }
0xb6: {  	s28 =	simm.s32 $_size_execute0_lowered;
	s3 =	sadd.s32 s3, s5;
	[dreg:$0x0] =	wrdreg $0x0  }
0xb7: {  	s5 =	sshll.u32 s28, $0x1;
	[dreg:$0x2] =	wrdreg s3  }
0xb8: {  	[dreg:$0x3] =	wrdreg s5  }
0xb9: {  	[dreg:$0x4] =	wrdreg $0xC0  }
0xba: {  	_ =	task [dreg:s22], $0x5FFFF  }
0xbb: {  	[dreg:$0x1] =	wrdreg $0xFFFFFFFF  }
0xbc: {  	[dreg:$0x0] =	wrdreg $0x60  }
0xbd: {  	[dreg:$0x2] =	wrdreg s24  }
0xbe: {  	[dreg:$0x3] =	wrdreg $0x40800  }
0xbf: {  	[dreg:$0x4] =	wrdreg $0xC  }
0xc0: {  	_ =	task.clear_ibuf [dreg:s22], $0x5FFFF;
	_ =	strace $0x90000052  }
0xc1: {  	s29 =	simm.s32 $0xC;
	_ =	strace $0x80000054  }
0xc2: {  	_ =	swait.ge [sflag:s29], $0x1  }
0xc3: {  	[sflag:s29] =	ssyncadd.s32 $0xFFFFFFFF  }
0xc4: {  	_ =	strace $0x90000054  }
0xc5: {  	_ =	sfence  }
0xc6: {  	s30 =	sld [smem:$0x0];
	_ =	sdelay $0x2  }
0xc7: {  	s31 =	sshll.u32 s1, $0xD;
	s1 =	sshrl.u32 s1, $0x2  }
0xc8: {  	s4 =	sand.u32 $0x4000, s31;
	s1 =	sadd.s32 s1, s30  }
0xc9: {  	s0 =	sor.u32 s4, s0;
	s1 =	sshll.u32 s1, $0x11  }
0xca: {  	s0 =	sor.u32 s1, s0  }
0xcb: {  	s0 =	sadd.s32 $0x8F2B, s0  }
0xcc: {  	[sflag:s0] =	ssyncadd.remote.s32 $0x1  }
0xcd: {  	_ =	sfence.sel $0xFFFF  }
0xce: {  	[dreg:$0x0] =	wrdreg $0xFFFFFFFF;
	(pc) =	sbr.abs _section_cstart, $3  }
0xcf: {  	[dreg:$0x1] =	wrdreg $0xFFFFFFFF  }
0xd0: {  	_ =	task.clear_ibuf [dreg:s22], $0x2FFFF;
	_ =	strace $0x9FFFFFFF  }
0xd1: {  	(tm) =	ssettm $0x7FFFFFFF  }
tec
execute0_lowered:
.L_overlay_start_1:
0x0: {  	(tag) =	ssettag $0x1  }
0x1: {  	s5 =	rddreg [dreg:$0x0]  }
0x2: {  	s1 =	rddreg [dreg:$0x1]  }
0x3: {  	s0 =	rddreg [dreg:$0x2];
	s3 =	simm.s32 $0x0;
	s2 =	srdreg.scid  }
0x4: {  	[smem:$0x7FF] =	sst s3;
	s10 =	sand.u32 $0x1, s2  }
0x5: {  	s2 =	stileid.u32;
	s4 =	smul.u32 $0x13C000, s10  }
0x6: {  	s6 =	sshll.u32 s2, $0xC;
	s7 =	sshll.u32 s2, $0x5;
	s8 =	smul.u32 $0x13C00, s2  }
0x7: {  	_ =	strace $0x80000053;
	s26 =	ssub.s32 $0x2, s10;
	s11 =	smul.u32 $0x4F000, s2  }
0x8: {  	s29 =	sshll.u32 s2, $0x1;
	s31 =	sshll.u32 s10, $0x4;
	s13 =	sshll.u32 s2, $0x6  }
0x9: {  	s15 =	sshll.u32 s10, $0xB;
	s9 =	sadd.s32 s6, s5;
	s24 =	sadd.s32 s7, s5  }
0xa: {  	s12 =	sshrl.u32 s26, $0x1;
	s10 =	sor.u32 s10, s29;
	s25 =	sadd.s32 s8, s4  }
0xb: {  	s4 =	sadd.s32 $0x279000, s5;
	s8 =	ssub.s32 s26, s12;
	s28 =	sshrl.u32 s11, $0x2  }
0xc: {  	s14 =	sadd.s32 s31, s24;
	s9 =	sadd.s32 s15, s9;
	s12 =	simm.s32 $0x2  }
0xd: {  	s7 =	sshrl.u32 s25, $0x3;
	s30 =	sadd.s32 s28, s1;
	s9 =	sadd.s32 $0x140800, s9  }
0xe: {  	s7 =	sadd.s32 s7, s5;
	s5 =	sor.u32 $0x1C02, s13;
	s11 =	sshrl.u32 s30, $0x3  }
0xf: {  	s6 =	sadd.s32 $0x597000, s7;
	s7 =	smax.u32 s8, $0x1;
	s8 =	sadd.s32 $0x285710, s14  }
.LBB2_1:
0x10: {  	[spmem:s11], [sflag:s5] =	dma.local [hbm:s4], $0x2780  }
0x11: {  	_ =	swait.ge [sflag:s12], $0x2780  }
0x12: {  	s13 =	sadd.s32 $0x0, s10;
	[sflag:s12] =	ssyncset.done $0x0  }
0x13: {  	p0 =	sgt.u32 s13, $0x270;
	[sflag:s12] =	ssyncadd.s32 $0xFFFFD880  }
0x14: {  	s13 =	simm.s32 @!p0 $0x0;
	p0 =	por p0, p0;
	[bflag:$0x0] =	sbarrier.arrive $0xFFFF  }
0x15: {  	[tilespmem:s13], [sflag:$0x1] =	stream.linear.gather @!p0 [hbm4b:s8+s13], $0x80, $0x38;
	[tilespmem:$0x17C80] =	vst v63  }
0x16: {  	s15 =	simm.s32 @!p0 $0x80;
	s16 =	simm.s32 @!p0 $0x1  }
0x17: {  	[tilespmem:s15], [sflag:$0x1] =	stream.linear.gather @!p0 [hbm4b:s9+s13], $0x4000, $0x38;
	[tilespmem:$0x17C80] =	vst v63  }
0x18: {  	_ =	swait.ge @!p0 [sflag:s16], $0x80  }
0x19: {  	[sflag:s16] =	ssyncset.done @!p0 $0x0  }
0x1a: {  	[sflag:s16] =	ssyncadd.s32 @!p0 $0xFFFFFF80  }
0x1b: {  	_ =	swait.ge @!p0 [sflag:s16], $0x4000  }
0x1c: {  	[sflag:s16] =	ssyncset.done @!p0 $0x0  }
0x1d: {  	s31 =	sadd.s32 $0x20, s10;
	[sflag:s16] =	ssyncadd.s32 @!p0 $0xFFFFC000;
	s16 =	simm.s32 @!p0 $0x2  }
0x1e: {  	[spmem:s1] =	stream.indirect.scatter.add.f32 @!p0 [tilespmem:s15], [sflag:$0x2], $0x80, s13, s15, $0xb8;
	[tilespmem:$0x17C80] =	vst v63  }
0x1f: {  	s14 =	simm.s32 $0x40;
	p2 =	sgt.u32 s31, $0x270;
	_ =	swait.ge @!p0 [sflag:s16], $0x4000  }
0x20: {  	s13 =	sadd.s32 $0x10000, s9;
	s15 =	sadd.s32 $0x200, s8;
	[sflag:s16] =	ssyncset.done @!p0 $0x0  }
.LBB2_2:
0x21: {  	s17 =	simm.s32 @!p2 $0x0;
	[sflag:s16] =	ssyncadd.s32 @!p0 $0xFFFFC000  }
0x22: {  	s18 =	smov.u32 s14;
	s14 =	sadd.s32 $0x20, s14;
	p0 =	por p2, p2  }
0x23: {  	[tilespmem:s17], [sflag:$0x1] =	stream.linear.gather @!p0 [hbm4b:s15+s17], $0x80, $0x38;
	[tilespmem:$0x17C80] =	vst v63  }
0x24: {  	p1 =	sne.s32 s14, $0x280;
	s19 =	simm.s32 @!p0 $0x80;
	s16 =	simm.s32 @!p0 $0x1  }
0x25: {  	[tilespmem:s19], [sflag:$0x1] =	stream.linear.gather @!p0 [hbm4b:s13+s17], $0x4000, $0x38;
	[tilespmem:$0x17C80] =	vst v63  }
0x26: {  	_ =	swait.ge @!p0 [sflag:s16], $0x80  }
0x27: {  	[sflag:s16] =	ssyncset.done @!p0 $0x0  }
0x28: {  	[sflag:s16] =	ssyncadd.s32 @!p0 $0xFFFFFF80  }
0x29: {  	_ =	swait.ge @!p0 [sflag:s16], $0x4000  }
.Ltmp0:
0x2a: {  	[sflag:s16] =	ssyncset.done @!p0 $0x0;
	(pc) =	sbr.rel @p1 .LBB2_2-.Ltmp0, $4  }
0x2b: {  	[sflag:s16] =	ssyncadd.s32 @!p0 $0xFFFFC000;
	s16 =	simm.s32 @!p0 $0x2  }
0x2c: {  	[spmem:s1] =	stream.indirect.scatter.add.f32 @!p0 [tilespmem:s19], [sflag:$0x2], $0x80, s17, s19, $0xb8;
	[tilespmem:$0x17C80] =	vst v63  }
0x2d: {  	s13 =	sadd.s32 $0x10000, s13;
	s17 =	sadd.s32 s18, s10;
	_ =	swait.ge @!p0 [sflag:s16], $0x4000  }
0x2e: {  	s15 =	sadd.s32 $0x200, s15;
	p2 =	sgt.u32 s17, $0x270;
	[sflag:s16] =	ssyncset.done @!p0 $0x0  }
0x2f: {  	s14 =	simm.s32 @!p2 $0x0;
	[sflag:s16] =	ssyncadd.s32 @!p0 $0xFFFFC000;
	p0 =	por p2, p2  }
0x30: {  	[tilespmem:s14], [sflag:$0x1] =	stream.linear.gather @!p0 [hbm4b:s15+s14], $0x80, $0x38;
	[tilespmem:$0x17C80] =	vst v63  }
0x31: {  	s15 =	simm.s32 @!p0 $0x80;
	s16 =	simm.s32 @!p0 $0x1  }
0x32: {  	[tilespmem:s15], [sflag:$0x1] =	stream.linear.gather @!p0 [hbm4b:s13+s14], $0x4000, $0x38;
	[tilespmem:$0x17C80] =	vst v63  }
0x33: {  	_ =	swait.ge @!p0 [sflag:s16], $0x80  }
0x34: {  	[sflag:s16] =	ssyncset.done @!p0 $0x0  }
0x35: {  	[sflag:s16] =	ssyncadd.s32 @!p0 $0xFFFFFF80  }
0x36: {  	_ =	swait.ge @!p0 [sflag:s16], $0x4000  }
0x37: {  	[sflag:s16] =	ssyncset.done @!p0 $0x0  }
0x38: {  	s13 =	simm.s32 @!p0 $0x2;
	[sflag:s16] =	ssyncadd.s32 @!p0 $0xFFFFC000  }
0x39: {  	[spmem:s1] =	stream.indirect.scatter.add.f32 @!p0 [tilespmem:s15], [sflag:$0x2], $0x80, s14, s15, $0xb8;
	[tilespmem:$0x17C80] =	vst v63  }
0x3a: {  	_ =	swait.ge @!p0 [sflag:s13], $0x4000  }
0x3b: {  	s3 =	sadd.s32 $0x1, s3;
	[sflag:s13] =	ssyncset.done @!p0 $0x0  }
0x3c: {  	[sflag:s13] =	ssyncadd.s32 @!p0 $0xFFFFC000;
	p0 =	sne.s32 s3, s7  }
.Ltmp1:
0x3d: {  	[bflag:$0x0] =	sbarrier.arrive $0xFFFF;
	(pc) =	sbr.rel @p0 .LBB2_1-.Ltmp1, $4  }
0x3e: {  	[hbm:s6], [sflag:s5] =	dma.local [spmem:s11], $0x2780  }
0x3f: {  	_ =	swait.ge [sflag:s12], $0x2780  }
0x40: {  	[sflag:s12] =	ssyncset.done $0x0  }
0x41: {  	[sflag:s12] =	ssyncadd.s32 $0xFFFFD880  }
0x42: {  	_ =	sfence.sel $0x180000  }
0x43: {  	[bflag:$0x0] =	sbarrier.arrive $0xFFFF  }
0x44: {  	p0 =	sne.s32 s2, $0x0;
	_ =	strace $0x90000053  }
0x45: {  	s0 =	sadd.s32 @!p0 $0x100000, s0;
	[bflag:$0x2] =	sbarrier.arrive $0xFFFF  }
0x46: {  	[sflag:s0] =	ssyncadd.tile.s32 @!p0 $0x1;
	_ =	shalt  }
.Lfunc_end2:
_tile_overlayer_lowered:
.L_overlay_start_2:
0x47: {  	(tag) =	ssettag $0x2  }
0x48: {  	s0 =	rddreg [dreg:$0x0];
	s2 =	stileid.u32  }
0x49: {  	s1 =	rddreg [dreg:$0x1];
	p0 =	sne.s32 s2, $0x0  }
0x4a: {  	s3 =	rddreg [dreg:$0x2];
	[bflag:$0x3] =	sbarrier.arrive $0xFFFF;
	s2 =	simm.s32 @!p0 $0x1C02  }
0x4b: {  	[timem:s3], [sflag:s2] =	dma.local @!p0 [hbm:s0], s1  }
0x4c: {  	s0 =	simm.s32 @!p0 $0x2  }
0x4d: {  	_ =	swait.ge @!p0 [sflag:s0], s1  }
0x4e: {  	s1 =	ssub.s32 @!p0 $0x0, s1;
	[sflag:s0] =	ssyncset.done @!p0 $0x0  }
0x4f: {  	[sflag:s0] =	ssyncadd.s32 @!p0 s1  }
0x50: {  	[bflag:$0x3] =	sbarrier.arrive $0xFFFF  }
0x51: {  	_ =	shalt  }

// kernel: kernel.27.cloned.1.call-start
scs
__scs_entry_jumppad:
0x0: {  	(pc) =	sbr.rel $0x88, $3  }
0x1: {  	(tag) =	ssettag $0x0;
	lr =	simm.s32 $0x1  }
0x2: {  	[smem:$0x3F74] =	sst lr;
	_ =	strace $0xD0000000  }
0x3: {  	_ = 	snop  }
0x4: {  	_ = 	snop  }
0x5: {  	_ = 	snop  }
0x6: {  	_ = 	snop  }
0x7: {  	_ = 	snop  }
__scs_overlays_trampoline_lowered:
0x8: {  	[smem:$0x3F83] =	sst s0  }
0x9: {  	[smem:$0x3F84] =	sst s1  }
0xa: {  	[smem:$0x3F85] =	sst s2  }
0xb: {  	[smem:$0x3F86] =	sst s3  }
0xc: {  	[smem:$0x3F87] =	sst s4  }
0xd: {  	[smem:$0x3F88] =	sst s5  }
0xe: {  	[smem:$0x3F89] =	sst s6  }
0xf: {  	[smem:$0x3F8A] =	sst s7  }
0x10: {  	[smem:$0x3F8B] =	sst s8  }
0x11: {  	[smem:$0x3F8C] =	sst s9;
	s0 =	simm.s32 @!p0 $0x0  }
0x12: {  	s1 =	sld [smem:$0x3F72];
	s0 =	simm.s32 @p0 $0x1  }
0x13: {  	[smem:$0x3F8D] =	sst s0;
	s0 =	simm.s32 @!p1 $0x0  }
0x14: {  	s2 =	sld [smem:$0x3F71];
	s0 =	simm.s32 @p1 $0x1  }
0x15: {  	[smem:$0x3F8E] =	sst s0;
	s0 =	simm.s32 @!p2 $0x0  }
0x16: {  	s3 =	sld [smem:$0x3FDB];
	s0 =	simm.s32 @p2 $0x1  }
0x17: {  	s4 =	simm.s32 $0x1BF5;
	[smem:$0x3F90] =	sst s0  }
0x18: {  	s0 =	sld [smem:$0x3F73];
	_ =	swait.ge [sflag:s4], $0x0  }
0x19: {  	s7 =	sld [smem:$0x3F74]  }
0x1a: {  	s8 =	sadd.s32 $0xFFFFE003, lr  }
0x1b: {  	s9 =	sadd.s32 $0xFFFFFEF7, lr;
	s5 =	simm.s32 $0xFFFFFFFF;
	p2 =	slt.u32 s8, $0xFFFFF086  }
0x1c: {  	p1 =	slt.u32 s9, $0xF7A;
	s5 =	simm.s32 @!p2 $0x0  }
0x1d: {  	s5 =	simm.s32 @p1 $0x1;
	p0 =	seq.s32 s7, s2  }
0x1e: {  	s7 =	smul.u32 @!p0 $0xF7A, s2;
	p2 =	seq.s32 @!p0 s5, $0x0  }
0x1f: {  	s9 =	smul.u32 $0xF7A, s1;
	s8 =	simm.s32 @!p0 $0x1BF5;
	p2 =	por !p2, p0  }
0x20: {  	[sflag:s8] =	ssyncset.s32 @!p0 $0xFFFFF086;
	s6 =	sadd.s32 @!p0 s3, s7;
	s7 =	simm.s32 @!p0 $0x108  }
0x21: {  	s3 =	sadd.s32 s3, s9;
	s6 =	sadd.s32 @!p0 $0x88, s6;
	s7 =	simm.s32 @p2 $0x1082  }
0x22: {  	[simem:s7], [sflag:s8] =	dma.local @!p0 [hbm:s6], $0xF7A  }
0x23: {  	s9 =	sor.u32 $0xD0000000, s2;
	s6 =	simm.s32 $0x108;
	_ =	swait.ge @!p0 [sflag:s8], $0x0  }
0x24: {  	s3 =	sadd.s32 $0x88, s3;
	s6 =	simm.s32 @!p1 $0x1082;
	[sflag:s4] =	ssyncset.s32 $0xFFFFF086  }
0x25: {  	[simem:s6], [sflag:s4] =	dma.local [hbm:s3], $0xF7A  }
0x26: {  	[smem:$0x3F74] =	sst s1;
	(tag) =	ssettag s2;
	_ =	strace s9  }
0x27: {  	s1 =	sld [smem:$0x3F84]  }
0x28: {  	s2 =	sld [smem:$0x3F85]  }
0x29: {  	s4 =	sld [smem:$0x3F87]  }
0x2a: {  	p0 =	seq.s32 s5, $0x0;
	s5 =	sld [smem:$0x3F88]  }
0x2b: {  	s6 =	sld [smem:$0x3F89]  }
0x2c: {  	s7 =	sld [smem:$0x3F8A]  }
0x2d: {  	s3 =	simm.s32 $0x108;
	s8 =	sld [smem:$0x3F8B]  }
0x2e: {  	s3 =	simm.s32 @!p0 $0x1082;
	s9 =	sld [smem:$0x3F8C]  }
0x2f: {  	lr =	sadd.s32 s0, s3;
	s0 =	sld [smem:$0x3F83]  }
0x30: {  	s3 =	sld [smem:$0x3F86]  }
0x31: {  	[smem:$0x3F8F] =	sst s10  }
0x32: {  	s10 =	sld [smem:$0x3F8D];
	_ =	sdelay $0x3  }
0x33: {  	p0 =	seq.s32 s10, $0x1;
	s10 =	sld [smem:$0x3F8F];
	_ =	sdelay $0x3  }
0x34: {  	[smem:$0x3F8F] =	sst s10  }
0x35: {  	s10 =	sld [smem:$0x3F8E];
	_ =	sdelay $0x3  }
0x36: {  	p1 =	seq.s32 s10, $0x1;
	s10 =	sld [smem:$0x3F8F];
	_ =	sdelay $0x3  }
0x37: {  	[smem:$0x3F8F] =	sst s10  }
0x38: {  	s10 =	sld [smem:$0x3F90]  }
0x39: {  	_ = 	snop;
	(pc) =	sbr.ind lr, $3  }
0x3a: {  	_ = 	snop  }
0x3b: {  	_ = 	snop  }
0x3c: {  	p2 =	seq.s32 s10, $0x1;
	s10 =	sld [smem:$0x3F8F]  }
0x3d: {  	_ =	shalt  }
0x3e: {  	_ =	shalt  }
0x3f: {  	_ =	shalt  }
0x40: {  	_ =	shalt  }
0x41: {  	_ =	shalt  }
0x42: {  	_ =	shalt  }
0x43: {  	_ =	shalt  }
0x44: {  	_ =	shalt  }
0x45: {  	_ =	shalt  }
0x46: {  	_ =	shalt  }
0x47: {  	_ =	shalt  }
0x48: {  	_ =	shalt  }
0x49: {  	_ =	shalt  }
0x4a: {  	_ =	shalt  }
0x4b: {  	_ =	shalt  }
0x4c: {  	_ =	shalt  }
0x4d: {  	_ =	shalt  }
0x4e: {  	_ =	shalt  }
0x4f: {  	_ =	shalt  }
0x50: {  	_ =	shalt  }
0x51: {  	_ =	shalt  }
0x52: {  	_ =	shalt  }
0x53: {  	_ =	shalt  }
0x54: {  	_ =	shalt  }
0x55: {  	_ =	shalt  }
0x56: {  	_ =	shalt  }
0x57: {  	_ =	shalt  }
0x58: {  	_ =	shalt  }
0x59: {  	_ =	shalt  }
0x5a: {  	_ =	shalt  }
0x5b: {  	_ =	shalt  }
0x5c: {  	_ =	shalt  }
0x5d: {  	_ =	shalt  }
0x5e: {  	_ =	shalt  }
0x5f: {  	_ =	shalt  }
0x60: {  	_ =	shalt  }
0x61: {  	_ =	shalt  }
0x62: {  	_ =	shalt  }
0x63: {  	_ =	shalt  }
0x64: {  	_ =	shalt  }
0x65: {  	_ =	shalt  }
0x66: {  	_ =	shalt  }
0x67: {  	_ =	shalt  }
0x68: {  	_ =	shalt  }
0x69: {  	_ =	shalt  }
0x6a: {  	_ =	shalt  }
0x6b: {  	_ =	shalt  }
0x6c: {  	_ =	shalt  }
0x6d: {  	_ =	shalt  }
0x6e: {  	_ =	shalt  }
0x6f: {  	_ =	shalt  }
0x70: {  	_ =	shalt  }
0x71: {  	_ =	shalt  }
0x72: {  	_ =	shalt  }
0x73: {  	_ =	shalt  }
0x74: {  	_ =	shalt  }
0x75: {  	_ =	shalt  }
0x76: {  	_ =	shalt  }
0x77: {  	_ =	shalt  }
0x78: {  	_ =	shalt  }
0x79: {  	_ =	shalt  }
0x7a: {  	_ =	shalt  }
0x7b: {  	_ =	shalt  }
0x7c: {  	_ =	shalt  }
0x7d: {  	_ =	shalt  }
0x7e: {  	_ =	shalt  }
0x7f: {  	_ =	shalt  }
0x80: {  	_ =	shalt  }
0x81: {  	_ =	shalt  }
0x82: {  	_ =	shalt  }
0x83: {  	_ =	shalt  }
0x84: {  	_ =	shalt  }
0x85: {  	_ =	shalt  }
0x86: {  	_ =	shalt  }
0x87: {  	_ =	shalt  }
.Lfunc_end0:
.L_simem_size_0:
called_computation.5_lowered:
.L_overlay_start_0:
0x88: {  	s2 =	sld [smem:$0x3FD9]  }
0x89: {  	s3 =	sld [smem:$0x3FFE];
	_ =	sdelay $0x1  }
0x8a: {  	s1 =	srdreg.scid  }
0x8b: {  	s0 =	sand.u32 $0x1, s1  }
0x8c: {  	s15 =	sshll.u32 s0, $0xA;
	s2 =	sadd.s32 s3, s2  }
0x8d: {  	s2 =	sadd.s32 s2, s15  }
0x8e: {  	[smem:$0x3F9B] =	sst s2  }
0x8f: {  	_ = 	snop  }
0x90: {  	s2 =	sld [smem:$0x3FD0];
	_ =	sdelay $0x2  }
0x91: {  	s16 =	simm.s32 $0xD;
	s4 =	simm.s32 $0x10  }
0x92: {  	[smem:s4], [sflag:s16] =	dma.local [hbm:s2], $0x1  }
0x93: {  	_ =	swait.eq [sflag:s16], $0x1  }
0x94: {  	[sflag:s16] =	ssyncset.done $0x0  }
0x95: {  	[sflag:s16] =	ssyncadd.s32 $0xFFFFFFFF  }
0x96: {  	s17 =	sld [smem:$0x11];
	(tm) =	ssettm $0x1  }
0x97: {  	s18 =	sld [smem:$0x3FFB];
	_ =	sdelay $0x3  }
0x98: {  	_ =	strace s18  }
0x99: {  	s2 =	sld [smem:$0x3FFC];
	_ =	sdelay $0x3  }
0x9a: {  	_ =	strace s2  }
0x9b: {  	s2 =	sld [smem:$0x3FFD];
	_ =	sdelay $0x3  }
0x9c: {  	_ =	strace s2  }
0x9d: {  	_ =	strace $0x8FFFFFFF  }
0x9e: {  	s19 =	sld [smem:$0x3FDB];
	_ =	sdelay $0x1  }
0x9f: {  	s20 =	simm.s32 $_scs_section_size  }
0xa0: {  	s5 =	simm.s32 $_size__tile_overlayer_lowered;
	s6 =	simm.s32 $_tile_overlayer_lowered  }
0xa1: {  	s7 =	simm.s32 $0x1BFF;
	s21 =	sshll.u32 s6, $0x1;
	s4 =	sadd.s32 s20, s19  }
0xa2: {  	s22 =	simm.s32 $0x0;
	s5 =	sshll.u32 s5, $0x1;
	s6 =	sadd.s32 s21, s4  }
0xa3: {  	[timem:s22], [sflag:s7] =	dma.local [hbm:s6], s5  }
0xa4: {  	_ =	swait.ge [sflag:s7], s5  }
0xa5: {  	s5 =	ssub.s32 $0x0, s5;
	[sflag:s7] =	ssyncset.done $0x0  }
0xa6: {  	[sflag:s7] =	ssyncadd.s32 s5;
	_ =	sdelay $0x1  }
0xa7: {  	s23 =	simm.s32 $0x1B8B  }
0xa8: {  	_ =	swait.ge [sflag:s23], $0x1  }
0xa9: {  	[sflag:s23] =	ssyncset.done $0x0  }
0xaa: {  	[sflag:s23] =	ssyncadd.s32 $0xFFFFFFFF  }
0xab: {  	s5 =	sld [smem:$0x0]  }
0xac: {  	s6 =	sand.u32 $0xFFFFFFFE, s1  }
0xad: {  	p0 =	sne.s32 s1, s6  }
0xae: {  	s6 =	sshll.u32 @p0 s6, $0xE  }
0xaf: {  	s6 =	sadd.s32 @p0 $0x11B8D, s6;
	s7 =	sshll.u32 @p0 s5, $0x11  }
0xb0: {  	s6 =	sor.u32 @p0 s7, s6  }
0xb1: {  	[sflag:s6] =	ssyncadd.remote.s32 @p0 $0x1;
	_ =	sdelay $0x1  }
0xb2: {  	s6 =	simm.s32 @p0 $0x1B8D  }
0xb3: {  	_ =	swait.eq @p0 [sflag:s6], $0x1  }
0xb4: {  	[sflag:s6] =	ssyncadd.s32 @p0 $0xFFFFFFFF  }
0xb5: {  	s7 =	sshll.u32 @!p0 s1, $0xE  }
0xb6: {  	s7 =	sor.u32 @!p0 $0x4000, s7;
	s6 =	simm.s32 @!p0 $0x1B8D  }
0xb7: {  	s5 =	sshll.u32 @!p0 s5, $0x11;
	s7 =	sadd.s32 @!p0 $0x11B8D, s7;
	_ =	swait.eq @!p0 [sflag:s6], $0x1  }
0xb8: {  	s5 =	sor.u32 @!p0 s5, s7;
	[sflag:s6] =	ssyncadd.s32 @!p0 $0xFFFFFFFF  }
0xb9: {  	s25 =	simm.s32 $0x1B8E;
	s24 =	sld [smem:$0x3FFE];
	[sflag:s5] =	ssyncadd.remote.s32 @!p0 $0x1  }
0xba: {  	s26 =	simm.s32 $execute0_lowered;
	[smem:$0x3FD2] =	sst s25  }
0xbb: {  	s6 =	sshll.u32 s26, $0x1;
	_ =	strace $0x8000004C;
	[dreg:$0x1] =	wrdreg $0xFFFFFFFF  }
0xbc: {  	s28 =	simm.s32 $_size_execute0_lowered;
	s4 =	sadd.s32 s4, s6;
	[dreg:$0x0] =	wrdreg $0x0  }
0xbd: {  	s6 =	sshll.u32 s28, $0x1;
	[dreg:$0x2] =	wrdreg s4  }
0xbe: {  	[dreg:$0x3] =	wrdreg s6  }
0xbf: {  	[dreg:$0x4] =	wrdreg $0xC0  }
0xc0: {  	_ =	task [dreg:s22], $0x5FFFF  }
0xc1: {  	[dreg:$0x1] =	wrdreg $0xFFFFFFFF  }
0xc2: {  	[dreg:$0x0] =	wrdreg $0x60  }
0xc3: {  	[dreg:$0x2] =	wrdreg s24  }
0xc4: {  	[dreg:$0x3] =	wrdreg s17  }
0xc5: {  	[dreg:$0x4] =	wrdreg $0x41000  }
0xc6: {  	[dreg:$0x5] =	wrdreg $0x9  }
0xc7: {  	_ =	task.clear_ibuf [dreg:s22], $0x6FFFF;
	_ =	strace $0x9000004C  }
0xc8: {  	s29 =	simm.s32 $0x9;
	_ =	strace $0x8000004E  }
0xc9: {  	_ =	swait.ge [sflag:s29], $0x1  }
0xca: {  	[sflag:s29] =	ssyncadd.s32 $0xFFFFFFFF  }
0xcb: {  	_ =	strace $0x9000004E  }
0xcc: {  	_ =	sfence  }
0xcd: {  	s30 =	sld [smem:$0x0];
	_ =	sdelay $0x2  }
0xce: {  	s31 =	sshll.u32 s1, $0xD;
	s1 =	sshrl.u32 s1, $0x2  }
0xcf: {  	s4 =	sand.u32 $0x4000, s31;
	s1 =	sadd.s32 s1, s30  }
0xd0: {  	s0 =	sor.u32 s4, s0;
	s1 =	sshll.u32 s1, $0x11  }
0xd1: {  	s0 =	sor.u32 s1, s0  }
0xd2: {  	s0 =	sadd.s32 $0x8F2B, s0  }
0xd3: {  	[sflag:s0] =	ssyncadd.remote.s32 $0x1  }
0xd4: {  	_ =	sfence.sel $0xFFFF  }
0xd5: {  	[dreg:$0x0] =	wrdreg $0xFFFFFFFF;
	(pc) =	sbr.abs _section_cstart, $3  }
0xd6: {  	[dreg:$0x1] =	wrdreg $0xFFFFFFFF  }
0xd7: {  	_ =	task.clear_ibuf [dreg:s22], $0x2FFFF;
	_ =	strace $0x9FFFFFFF  }
0xd8: {  	(tm) =	ssettm $0x7FFFFFFF  }
0xd9: {  	_ =	shalt  }
tec
execute0_lowered:
.L_overlay_start_1:
0x0: {  	(tag) =	ssettag $0x1  }
0x1: {  	s5 =	rddreg [dreg:$0x0]  }
0x2: {  	s6 =	rddreg [dreg:$0x1]  }
0x3: {  	s2 =	rddreg [dreg:$0x2]  }
0x4: {  	s0 =	rddreg [dreg:$0x3];
	s4 =	srdreg.scid  }
0x5: {  	s3 =	simm.s32 $0x0;
	s1 =	stileid.u32;
	s4 =	sand.u32 $0x1, s4  }
0x6: {  	[smem:$0x7FF] =	sst s3;
	s7 =	sshll.u32 s1, $0xB;
	s25 =	smul.u32 $0x13C00, s1  }
0x7: {  	s15 =	sadd.s32 $0x112E000, s5;
	s26 =	smul.u32 $0x4F000, s1;
	s28 =	sshll.u32 s1, $0x4  }
0x8: {  	s29 =	sshll.u32 s1, $0x6;
	s10 =	smul.u32 $0x4E20, s4;
	_ =	strace $0x8000004D  }
0x9: {  	s11 =	sadd.s32 s7, s5;
	s9 =	smul.u32 $0x278000, s4;
	s12 =	sshllo.u32 s4, $0x1  }
0xa: {  	s8 =	ssub.s32 $0x2, s4;
	s4 =	sadd.s32 $0x279000, s5;
	s14 =	smul.u32 $0x13C000, s12  }
0xb: {  	s13 =	sshrl.u32 s8, $0x1;
	s5 =	sshrl.u32 s26, $0x2;
	s12 =	smul.u32 $0x2710, s12  }
0xc: {  	s8 =	ssub.s32 s8, s13;
	s9 =	sadd.s32 s25, s9;
	s13 =	sadd.s32 s28, s6  }
0xd: {  	s30 =	sadd.s32 s5, s2;
	s5 =	sor.u32 $0x1C02, s29;
	v0 =	vmov s10;
	s10 =	sadd.s32 $0x8000, s11  }
0xe: {  	s7 =	sadd.s32 s25, s14;
	s31 =	sshrl.u32 s9, $0x3;
	s8 =	smax.u32 s8, $0x1  }
0xf: {  	s9 =	sadd.s32 $0x2710, s13;
	s11 =	sshrl.u32 s30, $0x3;
	s7 =	sshrl.u32 s7, $0x3  }
0x10: {  	v1 =	vmov s12;
	s12 =	simm.s32 $0x2;
	s6 =	sadd.s32 s15, s31;
	s7 =	sadd.s32 s15, s7  }
.LBB2_1:
0x11: {  	[spmem:s11], [sflag:s5] =	dma.local [hbm:s4], $0x2780  }
0x12: {  	_ =	swait.ge [sflag:s12], $0x2780  }
0x13: {  	s13 =	sadd.s32 $0x0, s1;
	[sflag:s12] =	ssyncset.done $0x0  }
0x14: {  	p0 =	sgt.u32 s13, $0x270;
	[sflag:s12] =	ssyncadd.s32 $0xFFFFD880  }
0x15: {  	s14 =	simm.s32 @!p0 $0x0;
	p0 =	por p0, p0;
	[bflag:$0x0] =	sbarrier.arrive $0xFFFF  }
0x16: {  	[tilespmem:s14], [sflag:$0x1] =	stream.linear.gather @!p0 [hbm4b:s9+s14], $0x80, $0x38;
	[tilespmem:$0x17D00] =	vst v63  }
0x17: {  	s13 =	simm.s32 @!p0 $0x100;
	s15 =	simm.s32 @!p0 $0x1  }
0x18: {  	[tilespmem:s13], [sflag:$0x1] =	stream.linear.gather @!p0 [hbm4b:s10+s14], $0x4000, $0x38;
	[tilespmem:$0x17D00] =	vst v63  }
0x19: {  	_ =	swait.ge @!p0 [sflag:s15], $0x80  }
0x1a: {  	[sflag:s15] =	ssyncset.done @!p0 $0x0  }
0x1b: {  	[sflag:s15] =	ssyncadd.s32 @!p0 $0xFFFFFF80  }
0x1c: {  	_ =	swait.ge @!p0 [sflag:s15], $0x4000  }
0x1d: {  	[sflag:s15] =	ssyncset.done @!p0 $0x0  }
0x1e: {  	[sflag:s15] =	ssyncadd.s32 @!p0 $0xFFFFC000  }
0x1f: {  	v2 =	vld @!p0 [tilespmem:$0x0]  }
0x20: {  	v3 =	vld @!p0 [tilespmem:$0x70]  }
0x21: {  	v4 =	vld @!p0 [tilespmem:$0x30]  }
0x22: {  	v5 =	vld @!p0 [tilespmem:$0x10];
	_ =	sdelay $0x1  }
0x23: {  	v6 =	vld @!p0 [tilespmem:$0x50]  }
0x24: {  	v7 =	vld @!p0 [tilespmem:$0x40];
	v2 =	vshrl.u32 @!p0 v2, $0x2;
	v3 =	vshrl.u32 @!p0 v3, $0x2  }
0x25: {  	v2 =	vsub.s32 @!p0 v2, v0;
	v3 =	vsub.s32 @!p0 v3, v0  }
0x26: {  	v9 =	vmin.u32 @!p0 v2, $0x2710;
	v2 =	vshrl.u32 @!p0 v4, $0x2;
	v4 =	vshrl.u32 @!p0 v5, $0x2  }
0x27: {  	v8 =	vld @!p0 [tilespmem:$0x20];
	vm0 =	vgt.u32 @!p0 v3, $0x270F;
	v4 =	vsub.s32 @!p0 v4, v0  }
0x28: {  	v3 =	vsel @!p0 vm0, $0x2717, v3;
	vm0 =	vgt.u32 @!p0 v4, $0x270F  }
0x29: {  	v5 =	vshrl.u32 @!p0 v6, $0x2;
	v6 =	vshrl.u32 @!p0 v7, $0x2;
	v7 =	vsel @!p0 vm0, $0x2711, v4;
	v4 =	vld @!p0 [tilespmem:$0x60]  }
0x2a: {  	[tilespmem:$0x80] =	vst @!p0 v9;
	v5 =	vsub.s32 @!p0 v5, v0  }
0x2b: {  	v2 =	vsub.s32 @!p0 v2, v0;
	[tilespmem:$0xF0] =	vst @!p0 v3;
	v3 =	vsub.s32 @!p0 v6, v0;
	vm1 =	vgt.u32 @!p0 v5, $0x270F  }
0x2c: {  	s16 =	smov.u32 s10;
	s14 =	simm.s32 $0x10;
	s15 =	smov.u32 s9;
	v6 =	vshrl.u32 @!p0 v8, $0x2;
	vm0 =	vgt.u32 @!p0 v3, $0x270F;
	v5 =	vsel @!p0 vm1, $0x2715, v5;
	[tilespmem:$0x90] =	vst @!p0 v7  }
.LBB2_2:
0x2d: {  	s15 =	sadd.s32 $0x100, s15  }
0x2e: {  	v6 =	vsub.s32 @!p0 v6, v0;
	vm1 =	vgt.u32 @!p0 v2, $0x270F;
	v4 =	vshrl.u32 @!p0 v4, $0x2;
	s16 =	sadd.s32 $0x8000, s16;
	s17 =	smov.u32 s14;
	s14 =	sadd.s32 $0x10, s14  }
0x2f: {  	p1 =	sne.s32 s14, $0x280;
	vm2 =	vgt.u32 @!p0 v6, $0x270F;
	v2 =	vsel @!p0 vm1, $0x2713, v2;
	[tilespmem:$0xD0] =	vst @!p0 v5;
	v4 =	vsub.s32 @!p0 v4, v0  }
0x30: {  	v5 =	vsel @!p0 vm2, $0x2712, v6;
	[tilespmem:$0xB0] =	vst @!p0 v2;
	v2 =	vsel @!p0 vm0, $0x2714, v3;
	vm0 =	vgt.u32 @!p0 v4, $0x270F  }
0x31: {  	[tilespmem:$0xA0] =	vst @!p0 v5;
	v3 =	vsel @!p0 vm0, $0x2716, v4  }
0x32: {  	[tilespmem:$0xE0] =	vst @!p0 v3  }
0x33: {  	s18 =	simm.s32 @!p0 $0x80;
	s19 =	simm.s32 @!p0 $0x2;
	[tilespmem:$0xC0] =	vst @!p0 v2  }
0x34: {  	[spmem:s2] =	stream.indirect.scatter.add.f32 @!p0 [tilespmem:s13], [sflag:$0x2], $0x80, s18, s18, $0xb8;
	[tilespmem:$0x17D00] =	vst v63  }
0x35: {  	s13 =	sadd.s32 s17, s1;
	_ =	swait.ge @!p0 [sflag:s19], $0x4000  }
0x36: {  	p2 =	sgt.u32 s13, $0x270;
	[sflag:s19] =	ssyncset.done @!p0 $0x0  }
0x37: {  	s17 =	simm.s32 @!p2 $0x0;
	[sflag:s19] =	ssyncadd.s32 @!p0 $0xFFFFC000;
	p0 =	por p2, p2  }
0x38: {  	[tilespmem:s17], [sflag:$0x1] =	stream.linear.gather @!p0 [hbm4b:s15+s17], $0x80, $0x38;
	[tilespmem:$0x17D00] =	vst v63  }
0x39: {  	s13 =	simm.s32 @!p0 $0x100;
	s18 =	simm.s32 @!p0 $0x1  }
0x3a: {  	[tilespmem:s13], [sflag:$0x1] =	stream.linear.gather @!p0 [hbm4b:s16+s17], $0x4000, $0x38;
	[tilespmem:$0x17D00] =	vst v63  }
0x3b: {  	_ =	swait.ge @!p0 [sflag:s18], $0x80  }
0x3c: {  	[sflag:s18] =	ssyncset.done @!p0 $0x0  }
0x3d: {  	[sflag:s18] =	ssyncadd.s32 @!p0 $0xFFFFFF80  }
0x3e: {  	_ =	swait.ge @!p0 [sflag:s18], $0x4000  }
0x3f: {  	[sflag:s18] =	ssyncset.done @!p0 $0x0  }
0x40: {  	[sflag:s18] =	ssyncadd.s32 @!p0 $0xFFFFC000  }
0x41: {  	v2 =	vld @!p0 [tilespmem:$0x0]  }
0x42: {  	v3 =	vld @!p0 [tilespmem:$0x70]  }
0x43: {  	v4 =	vld @!p0 [tilespmem:$0x30]  }
0x44: {  	v5 =	vld @!p0 [tilespmem:$0x10]  }
0x45: {  	v6 =	vld @!p0 [tilespmem:$0x50]  }
0x46: {  	v2 =	vshrl.u32 @!p0 v2, $0x2;
	v7 =	vld @!p0 [tilespmem:$0x40]  }
0x47: {  	v2 =	vsub.s32 @!p0 v2, v0;
	v8 =	vld @!p0 [tilespmem:$0x20];
	v3 =	vshrl.u32 @!p0 v3, $0x2  }
0x48: {  	v2 =	vmin.u32 @!p0 v2, $0x2710;
	v9 =	vshrl.u32 @!p0 v4, $0x2;
	v4 =	vld @!p0 [tilespmem:$0x60];
	v3 =	vsub.s32 @!p0 v3, v0  }
.Ltmp0:
0x49: {  	[tilespmem:$0x80] =	vst @!p0 v2;
	v5 =	vshrl.u32 @!p0 v5, $0x2;
	v2 =	vsub.s32 @!p0 v9, v0;
	vm0 =	vgt.u32 @!p0 v3, $0x270F;
	(pc) =	sbr.rel @p1 .LBB2_2-.Ltmp0, $4  }
0x4a: {  	v5 =	vsub.s32 @!p0 v5, v0;
	v6 =	vshrl.u32 @!p0 v6, $0x2;
	v3 =	vsel @!p0 vm0, $0x2717, v3  }
0x4b: {  	vm0 =	vgt.u32 @!p0 v5, $0x270F;
	v7 =	vshrl.u32 @!p0 v7, $0x2;
	v9 =	vsub.s32 @!p0 v6, v0;
	[tilespmem:$0xF0] =	vst @!p0 v3  }
0x4c: {  	v5 =	vsel @!p0 vm0, $0x2711, v5;
	v3 =	vsub.s32 @!p0 v7, v0;
	vm1 =	vgt.u32 @!p0 v9, $0x270F  }
0x4d: {  	v6 =	vshrl.u32 @!p0 v8, $0x2;
	[tilespmem:$0x90] =	vst @!p0 v5;
	vm0 =	vgt.u32 @!p0 v3, $0x270F;
	v5 =	vsel @!p0 vm1, $0x2715, v9  }
0x4e: {  	v6 =	vsub.s32 @!p0 v6, v0  }
0x4f: {  	vm1 =	vgt.u32 @!p0 v2, $0x270F;
	v4 =	vshrl.u32 @!p0 v4, $0x2;
	[tilespmem:$0xD0] =	vst @!p0 v5;
	v3 =	vsel @!p0 vm0, $0x2714, v3  }
0x50: {  	vm2 =	vgt.u32 @!p0 v6, $0x270F;
	v2 =	vsel @!p0 vm1, $0x2713, v2;
	v4 =	vsub.s32 @!p0 v4, v0;
	[tilespmem:$0xC0] =	vst @!p0 v3  }
0x51: {  	v5 =	vsel @!p0 vm2, $0x2712, v6;
	[tilespmem:$0xB0] =	vst @!p0 v2;
	vm1 =	vgt.u32 @!p0 v4, $0x270F  }
0x52: {  	[tilespmem:$0xA0] =	vst @!p0 v5;
	v2 =	vsel @!p0 vm1, $0x2716, v4  }
0x53: {  	s14 =	simm.s32 @!p0 $0x80;
	s15 =	simm.s32 @!p0 $0x2;
	[tilespmem:$0xE0] =	vst @!p0 v2  }
0x54: {  	[spmem:s2] =	stream.indirect.scatter.add.f32 @!p0 [tilespmem:s13], [sflag:$0x2], $0x80, s14, s14, $0xb8;
	[tilespmem:$0x17D00] =	vst v63  }
0x55: {  	_ =	swait.ge @!p0 [sflag:s15], $0x4000  }
0x56: {  	[sflag:s15] =	ssyncset.done @!p0 $0x0  }
0x57: {  	[sflag:s15] =	ssyncadd.s32 @!p0 $0xFFFFC000  }
0x58: {  	[bflag:$0x0] =	sbarrier.arrive $0xFFFF  }
0x59: {  	[hbm:s6], [sflag:s5] =	dma.local [spmem:s11], $0x2780  }
0x5a: {  	_ =	swait.ge [sflag:s12], $0x2780  }
0x5b: {  	[sflag:s12] =	ssyncset.done $0x0  }
0x5c: {  	[sflag:s12] =	ssyncadd.s32 $0xFFFFD880  }
0x5d: {  	[bflag:$0x0] =	sbarrier.arrive $0xFFFF  }
0x5e: {  	[spmem:s11], [sflag:s5] =	dma.local [hbm:s4], $0x2780  }
0x5f: {  	_ =	swait.ge [sflag:s12], $0x2780  }
0x60: {  	s31 =	sadd.s32 $0x0, s1;
	[sflag:s12] =	ssyncset.done $0x0  }
0x61: {  	p0 =	sgt.u32 s31, $0x270;
	[sflag:s12] =	ssyncadd.s32 $0xFFFFD880  }
0x62: {  	s14 =	simm.s32 @!p0 $0x0;
	p0 =	por p0, p0;
	[bflag:$0x0] =	sbarrier.arrive $0xFFFF  }
0x63: {  	[tilespmem:s14], [sflag:$0x1] =	stream.linear.gather @!p0 [hbm4b:s9+s14], $0x80, $0x38;
	[tilespmem:$0x17D00] =	vst v63  }
0x64: {  	s13 =	simm.s32 @!p0 $0x100;
	s15 =	simm.s32 @!p0 $0x1  }
0x65: {  	[tilespmem:s13], [sflag:$0x1] =	stream.linear.gather @!p0 [hbm4b:s10+s14], $0x4000, $0x38;
	[tilespmem:$0x17D00] =	vst v63  }
0x66: {  	_ =	swait.ge @!p0 [sflag:s15], $0x80  }
0x67: {  	[sflag:s15] =	ssyncset.done @!p0 $0x0  }
0x68: {  	[sflag:s15] =	ssyncadd.s32 @!p0 $0xFFFFFF80  }
0x69: {  	_ =	swait.ge @!p0 [sflag:s15], $0x4000  }
0x6a: {  	[sflag:s15] =	ssyncset.done @!p0 $0x0  }
0x6b: {  	[sflag:s15] =	ssyncadd.s32 @!p0 $0xFFFFC000  }
0x6c: {  	v2 =	vld @!p0 [tilespmem:$0x0]  }
0x6d: {  	v3 =	vld @!p0 [tilespmem:$0x70]  }
0x6e: {  	v4 =	vld @!p0 [tilespmem:$0x30]  }
0x6f: {  	v5 =	vld @!p0 [tilespmem:$0x10];
	_ =	sdelay $0x1  }
0x70: {  	v6 =	vld @!p0 [tilespmem:$0x50]  }
0x71: {  	v7 =	vld @!p0 [tilespmem:$0x40];
	v2 =	vshrl.u32 @!p0 v2, $0x2;
	v3 =	vshrl.u32 @!p0 v3, $0x2  }
0x72: {  	v2 =	vsub.s32 @!p0 v2, v1;
	v3 =	vsub.s32 @!p0 v3, v1  }
0x73: {  	v9 =	vmin.u32 @!p0 v2, $0x2710;
	v2 =	vshrl.u32 @!p0 v4, $0x2;
	v4 =	vshrl.u32 @!p0 v5, $0x2  }
0x74: {  	v8 =	vld @!p0 [tilespmem:$0x20];
	vm0 =	vgt.u32 @!p0 v3, $0x270F;
	v4 =	vsub.s32 @!p0 v4, v1  }
0x75: {  	v3 =	vsel @!p0 vm0, $0x2717, v3;
	vm0 =	vgt.u32 @!p0 v4, $0x270F  }
0x76: {  	v5 =	vshrl.u32 @!p0 v6, $0x2;
	v6 =	vshrl.u32 @!p0 v7, $0x2;
	v7 =	vsel @!p0 vm0, $0x2711, v4;
	v4 =	vld @!p0 [tilespmem:$0x60]  }
0x77: {  	[tilespmem:$0x80] =	vst @!p0 v9;
	v5 =	vsub.s32 @!p0 v5, v1  }
0x78: {  	v2 =	vsub.s32 @!p0 v2, v1;
	[tilespmem:$0xF0] =	vst @!p0 v3;
	v3 =	vsub.s32 @!p0 v6, v1;
	vm1 =	vgt.u32 @!p0 v5, $0x270F  }
0x79: {  	s16 =	smov.u32 s10;
	s14 =	simm.s32 $0x10;
	s15 =	smov.u32 s9;
	v6 =	vshrl.u32 @!p0 v8, $0x2;
	vm0 =	vgt.u32 @!p0 v3, $0x270F;
	v5 =	vsel @!p0 vm1, $0x2715, v5;
	[tilespmem:$0x90] =	vst @!p0 v7  }
.LBB2_4:
0x7a: {  	s15 =	sadd.s32 $0x100, s15  }
0x7b: {  	v6 =	vsub.s32 @!p0 v6, v1;
	vm1 =	vgt.u32 @!p0 v2, $0x270F;
	v4 =	vshrl.u32 @!p0 v4, $0x2;
	s16 =	sadd.s32 $0x8000, s16;
	s17 =	smov.u32 s14;
	s14 =	sadd.s32 $0x10, s14  }
0x7c: {  	p1 =	sne.s32 s14, $0x280;
	vm2 =	vgt.u32 @!p0 v6, $0x270F;
	v2 =	vsel @!p0 vm1, $0x2713, v2;
	[tilespmem:$0xD0] =	vst @!p0 v5;
	v4 =	vsub.s32 @!p0 v4, v1  }
0x7d: {  	v5 =	vsel @!p0 vm2, $0x2712, v6;
	[tilespmem:$0xB0] =	vst @!p0 v2;
	v2 =	vsel @!p0 vm0, $0x2714, v3;
	vm0 =	vgt.u32 @!p0 v4, $0x270F  }
0x7e: {  	[tilespmem:$0xA0] =	vst @!p0 v5;
	v3 =	vsel @!p0 vm0, $0x2716, v4  }
0x7f: {  	[tilespmem:$0xE0] =	vst @!p0 v3  }
0x80: {  	s18 =	simm.s32 @!p0 $0x80;
	s19 =	simm.s32 @!p0 $0x2;
	[tilespmem:$0xC0] =	vst @!p0 v2  }
0x81: {  	[spmem:s2] =	stream.indirect.scatter.add.f32 @!p0 [tilespmem:s13], [sflag:$0x2], $0x80, s18, s18, $0xb8;
	[tilespmem:$0x17D00] =	vst v63  }
0x82: {  	s13 =	sadd.s32 s17, s1;
	_ =	swait.ge @!p0 [sflag:s19], $0x4000  }
0x83: {  	p2 =	sgt.u32 s13, $0x270;
	[sflag:s19] =	ssyncset.done @!p0 $0x0  }
0x84: {  	s17 =	simm.s32 @!p2 $0x0;
	[sflag:s19] =	ssyncadd.s32 @!p0 $0xFFFFC000;
	p0 =	por p2, p2  }
0x85: {  	[tilespmem:s17], [sflag:$0x1] =	stream.linear.gather @!p0 [hbm4b:s15+s17], $0x80, $0x38;
	[tilespmem:$0x17D00] =	vst v63  }
0x86: {  	s13 =	simm.s32 @!p0 $0x100;
	s18 =	simm.s32 @!p0 $0x1  }
0x87: {  	[tilespmem:s13], [sflag:$0x1] =	stream.linear.gather @!p0 [hbm4b:s16+s17], $0x4000, $0x38;
	[tilespmem:$0x17D00] =	vst v63  }
0x88: {  	_ =	swait.ge @!p0 [sflag:s18], $0x80  }
0x89: {  	[sflag:s18] =	ssyncset.done @!p0 $0x0  }
0x8a: {  	[sflag:s18] =	ssyncadd.s32 @!p0 $0xFFFFFF80  }
0x8b: {  	_ =	swait.ge @!p0 [sflag:s18], $0x4000  }
0x8c: {  	[sflag:s18] =	ssyncset.done @!p0 $0x0  }
0x8d: {  	[sflag:s18] =	ssyncadd.s32 @!p0 $0xFFFFC000  }
0x8e: {  	v2 =	vld @!p0 [tilespmem:$0x0]  }
0x8f: {  	v3 =	vld @!p0 [tilespmem:$0x70]  }
0x90: {  	v4 =	vld @!p0 [tilespmem:$0x30]  }
0x91: {  	v5 =	vld @!p0 [tilespmem:$0x10]  }
0x92: {  	v6 =	vld @!p0 [tilespmem:$0x50]  }
0x93: {  	v2 =	vshrl.u32 @!p0 v2, $0x2;
	v7 =	vld @!p0 [tilespmem:$0x40]  }
0x94: {  	v2 =	vsub.s32 @!p0 v2, v1;
	v8 =	vld @!p0 [tilespmem:$0x20];
	v3 =	vshrl.u32 @!p0 v3, $0x2  }
0x95: {  	v2 =	vmin.u32 @!p0 v2, $0x2710;
	v9 =	vshrl.u32 @!p0 v4, $0x2;
	v4 =	vld @!p0 [tilespmem:$0x60];
	v3 =	vsub.s32 @!p0 v3, v1  }
.Ltmp1:
0x96: {  	[tilespmem:$0x80] =	vst @!p0 v2;
	v5 =	vshrl.u32 @!p0 v5, $0x2;
	v2 =	vsub.s32 @!p0 v9, v1;
	vm0 =	vgt.u32 @!p0 v3, $0x270F;
	(pc) =	sbr.rel @p1 .LBB2_4-.Ltmp1, $4  }
0x97: {  	v5 =	vsub.s32 @!p0 v5, v1;
	v6 =	vshrl.u32 @!p0 v6, $0x2;
	v3 =	vsel @!p0 vm0, $0x2717, v3  }
0x98: {  	vm0 =	vgt.u32 @!p0 v5, $0x270F;
	v7 =	vshrl.u32 @!p0 v7, $0x2;
	v9 =	vsub.s32 @!p0 v6, v1;
	[tilespmem:$0xF0] =	vst @!p0 v3  }
0x99: {  	v5 =	vsel @!p0 vm0, $0x2711, v5;
	v3 =	vsub.s32 @!p0 v7, v1;
	vm1 =	vgt.u32 @!p0 v9, $0x270F  }
0x9a: {  	v6 =	vshrl.u32 @!p0 v8, $0x2;
	[tilespmem:$0x90] =	vst @!p0 v5;
	vm0 =	vgt.u32 @!p0 v3, $0x270F;
	v5 =	vsel @!p0 vm1, $0x2715, v9  }
0x9b: {  	v6 =	vsub.s32 @!p0 v6, v1  }
0x9c: {  	vm1 =	vgt.u32 @!p0 v2, $0x270F;
	v4 =	vshrl.u32 @!p0 v4, $0x2;
	[tilespmem:$0xD0] =	vst @!p0 v5;
	v3 =	vsel @!p0 vm0, $0x2714, v3  }
0x9d: {  	vm2 =	vgt.u32 @!p0 v6, $0x270F;
	v2 =	vsel @!p0 vm1, $0x2713, v2;
	v4 =	vsub.s32 @!p0 v4, v1;
	[tilespmem:$0xC0] =	vst @!p0 v3  }
0x9e: {  	v5 =	vsel @!p0 vm2, $0x2712, v6;
	[tilespmem:$0xB0] =	vst @!p0 v2;
	vm1 =	vgt.u32 @!p0 v4, $0x270F  }
0x9f: {  	[tilespmem:$0xA0] =	vst @!p0 v5;
	v2 =	vsel @!p0 vm1, $0x2716, v4  }
0xa0: {  	s14 =	simm.s32 @!p0 $0x80;
	s15 =	simm.s32 @!p0 $0x2;
	[tilespmem:$0xE0] =	vst @!p0 v2  }
0xa1: {  	[spmem:s2] =	stream.indirect.scatter.add.f32 @!p0 [tilespmem:s13], [sflag:$0x2], $0x80, s14, s14, $0xb8;
	[tilespmem:$0x17D00] =	vst v63  }
0xa2: {  	_ =	swait.ge @!p0 [sflag:s15], $0x4000  }
0xa3: {  	[sflag:s15] =	ssyncset.done @!p0 $0x0  }
0xa4: {  	s3 =	sadd.s32 $0x1, s3;
	[sflag:s15] =	ssyncadd.s32 @!p0 $0xFFFFC000  }
0xa5: {  	p0 =	sne.s32 s3, s8;
	[bflag:$0x0] =	sbarrier.arrive $0xFFFF  }
0xa6: {  	[hbm:s7], [sflag:s5] =	dma.local [spmem:s11], $0x2780  }
.Ltmp2:
0xa7: {  	_ =	swait.ge [sflag:s12], $0x2780;
	(pc) =	sbr.rel @p0 .LBB2_1-.Ltmp2, $3  }
0xa8: {  	[sflag:s12] =	ssyncset.done $0x0  }
0xa9: {  	[sflag:s12] =	ssyncadd.s32 $0xFFFFD880  }
0xaa: {  	[bflag:$0x0] =	sbarrier.arrive $0xFFFF;
	_ =	sdelay $0x1  }
0xab: {  	_ =	sfence.sel $0x180000  }
0xac: {  	[bflag:$0x0] =	sbarrier.arrive $0xFFFF  }
0xad: {  	p0 =	sne.s32 s1, $0x0;
	_ =	strace $0x9000004D  }
0xae: {  	s0 =	sadd.s32 @!p0 $0x100000, s0;
	[bflag:$0x2] =	sbarrier.arrive $0xFFFF  }
0xaf: {  	[sflag:s0] =	ssyncadd.tile.s32 @!p0 $0x1;
	_ =	shalt  }
.Lfunc_end2:
_tile_overlayer_lowered:
.L_overlay_start_2:
0xb0: {  	(tag) =	ssettag $0x2  }
0xb1: {  	s0 =	rddreg [dreg:$0x0];
	s2 =	stileid.u32  }
0xb2: {  	s1 =	rddreg [dreg:$0x1];
	p0 =	sne.s32 s2, $0x0  }
0xb3: {  	s3 =	rddreg [dreg:$0x2];
	[bflag:$0x3] =	sbarrier.arrive $0xFFFF;
	s2 =	simm.s32 @!p0 $0x1C02  }
0xb4: {  	[timem:s3], [sflag:s2] =	dma.local @!p0 [hbm:s0], s1  }
0xb5: {  	s0 =	simm.s32 @!p0 $0x2  }
0xb6: {  	_ =	swait.ge @!p0 [sflag:s0], s1  }
0xb7: {  	s1 =	ssub.s32 @!p0 $0x0, s1;
	[sflag:s0] =	ssyncset.done @!p0 $0x0  }
0xb8: {  	[sflag:s0] =	ssyncadd.s32 @!p0 s1  }
0xb9: {  	[bflag:$0x3] =	sbarrier.arrive $0xFFFF  }
0xba: {  	_ =	shalt  }

</sc_bundles>
